<compile_context>
chip_gen: v7x
topology: tpu7x:2x2x1
jax: 0.10.2.dev20260603
libtpu: 0.0.44.dev20260713+nightly
codegen_flags: <defaults>
</compile_context>

<pallas_src>
import jax
import jax.numpy as jnp
from jax import lax
from jax.experimental import pallas as pl
from jax.experimental.pallas import tpu as pltpu
from jax.experimental.pallas import tpu_sc as plsc

_N, _H, _W = 32, 256, 256
_HW = _H * _W
_P = 8192
_CLS_W, _REG_W = 1.0, 1.2

_NC, _NS, _L = 2, 16, 16
_NWORK = _NC * _NS
_BPW = _P // _NWORK
_NCHUNK = _BPW // _L

_GRID = 2
_ROWS = _N * _H
_BLKR = _ROWS // _GRID


def _sc_body(pbi_hbm, pmi_hbm, boxes_hbm, gt_hbm, score_hbm, part_hbm,
             pbi_v, pmi_v, key_v, key4_v, pcol_v, scr_v, gt_v, acc_v,
             sem_a, sem_b):
    wid = lax.axis_index("s") * _NC + lax.axis_index("c")
    base = wid * _BPW
    d0 = pltpu.async_copy(pbi_hbm.at[pl.ds(base, _BPW)], pbi_v, sem_a)
    d1 = pltpu.async_copy(pmi_hbm.at[pl.ds(base, _BPW)], pmi_v, sem_a)
    d2 = pltpu.async_copy(gt_hbm, gt_v, sem_a)
    d0.wait()
    d1.wait()
    d2.wait()

    halves = []
    for half in range(2):
        sem = sem_a if half == 0 else sem_b
        for j in range(8 * half, 8 * half + 8):
            pb = pbi_v[pl.ds(j * _L, _L)]
            pm = pmi_v[pl.ds(j * _L, _L)]
            skey = (pb * _HW + ((pm >> 11) << 11) + ((pm >> 7) & 1) * 1024
                    + (((pm >> 8) & 7) << 7) + (pm & 127))
            key_v[half, pl.ds((j % 8) * _L, _L)] = skey
            bkey = pb * (_HW * 4) + ((pm >> 7) << 9) + (pm & 127)
            for c in range(4):
                key4_v[c, half, pl.ds((j % 8) * _L, _L)] = bkey + (c << 7)
        descs = [pltpu.async_copy(score_hbm.at[key_v.at[half]],
                                  scr_v.at[half], sem)]
        for c in range(4):
            descs.append(pltpu.async_copy(boxes_hbm.at[key4_v.at[c, half]],
                                          pcol_v.at[c, half], sem))
        halves.append(descs)

    accd = jnp.zeros((_L,), jnp.float32)
    accr = jnp.zeros((_L,), jnp.float32)
    cols = [jnp.full((_L,), c, jnp.int32) for c in range(4)]
    for half in range(2):
        for d in halves[half]:
            d.wait()
        for j in range(8 * half, 8 * half + 8):
            pb = pbi_v[pl.ds(j * _L, _L)]
            px1 = pcol_v[0, half, pl.ds((j % 8) * _L, _L)]
            py1 = pcol_v[1, half, pl.ds((j % 8) * _L, _L)]
            px2 = pcol_v[2, half, pl.ds((j % 8) * _L, _L)]
            py2 = pcol_v[3, half, pl.ds((j % 8) * _L, _L)]
            gx1 = plsc.load_gather(gt_v, [pb, cols[0]])
            gy1 = plsc.load_gather(gt_v, [pb, cols[1]])
            gx2 = plsc.load_gather(gt_v, [pb, cols[2]])
            gy2 = plsc.load_gather(gt_v, [pb, cols[3]])
            ww = jnp.maximum(jnp.minimum(gx2, px2) - jnp.maximum(gx1, px1),
                             0.0)
            hh = jnp.maximum(jnp.minimum(gy2, py2) - jnp.maximum(gy1, py1),
                             0.0)
            overlap = ww * hh
            a1 = (gx2 - gx1) * (gy2 - gy1)
            a2 = (px2 - px1) * (py2 - py1)
            union = jnp.maximum(a1 + a2 - overlap, 1e-6)
            iou = overlap / union
            sc = scr_v[half, pl.ds((j % 8) * _L, _L)]
            accd = accd + sc * iou
            accr = accr + (jnp.abs(px1 - gx1) + jnp.abs(py1 - gy1)
                           + jnp.abs(px2 - gx2) + jnp.abs(py2 - gy2))

    acc_v[pl.ds(0, _L)] = accd
    acc_v[pl.ds(_L, _L)] = accr
    pltpu.sync_copy(acc_v, part_hbm.at[wid])


def _make_sc_call():
    return pl.kernel(
        _sc_body,
        out_type=jax.ShapeDtypeStruct((_NWORK, 2 * _L), jnp.float32),
        mesh=plsc.VectorSubcoreMesh(core_axis_name="c", subcore_axis_name="s",
                                    num_cores=_NC, num_subcores=_NS),
        compiler_params=pltpu.CompilerParams(needs_layout_passes=False),
        scratch_types=[
            pltpu.VMEM((_BPW,), jnp.int32),
            pltpu.VMEM((_BPW,), jnp.int32),
            pltpu.VMEM((2, 128), jnp.int32),
            pltpu.VMEM((4, 2, 128), jnp.int32),
            pltpu.VMEM((4, 2, 128), jnp.float32),
            pltpu.VMEM((2, 128), jnp.float32),
            pltpu.VMEM((_N, 4), jnp.float32),
            pltpu.VMEM((2 * _L,), jnp.float32),
            pltpu.SemaphoreType.DMA,
            pltpu.SemaphoreType.DMA,
        ],
    )


def _tc_body(score_ref, fsum_ref, acc_ref):
    i = pl.program_id(0)

    @pl.when(i == 0)
    def _init():
        acc_ref[0, 0] = 0.0

    x = score_ref[...]
    f = jnp.maximum(x, 0.0) + jnp.log(1.0 + jnp.exp(-jnp.abs(x)))
    acc_ref[0, 0] += jnp.sum(f)

    @pl.when(i == _GRID - 1)
    def _fin():
        fsum_ref[0, 0] = acc_ref[0, 0]


_tc_call = pl.pallas_call(
    _tc_body,
    grid=(_GRID,),
    in_specs=[pl.BlockSpec((_BLKR, _W), lambda i: (i, 0))],
    out_specs=pl.BlockSpec(memory_space=pltpu.SMEM),
    out_shape=jax.ShapeDtypeStruct((1, 1), jnp.float32),
    scratch_shapes=[pltpu.SMEM((1, 1), jnp.float32)],
)


def _comb_body(np_ref, fsum_ref, part_ref, tot_ref, cls_ref, reg_ref):
    p = part_ref[...]
    dot = jnp.sum(p[:, :_L])
    regs = jnp.sum(p[:, _L:])
    npos = jnp.maximum(np_ref[0, 0], 1.0)
    cls = (fsum_ref[0, 0] - dot) / npos * _CLS_W
    reg = regs / npos * _REG_W
    tot_ref[0, 0] = cls + reg
    cls_ref[0, 0] = cls
    reg_ref[0, 0] = reg


_comb_call = pl.pallas_call(
    _comb_body,
    in_specs=[
        pl.BlockSpec(memory_space=pltpu.SMEM),
        pl.BlockSpec(memory_space=pltpu.SMEM),
        pl.BlockSpec((_NWORK, 2 * _L), lambda: (0, 0)),
    ],
    out_specs=[pl.BlockSpec(memory_space=pltpu.SMEM)] * 3,
    out_shape=[jax.ShapeDtypeStruct((1, 1), jnp.float32)] * 3,
)


def kernel(score_map, boxes, gt_boxes, num_positive_samples,
           positive_batch_idx, positive_map_idx):
    score_flat = (score_map.astype(jnp.float32)
                  .reshape(_N, _H // 8, 8, _W // 128, 128)
                  .transpose(0, 1, 3, 2, 4)
                  .reshape(-1))
    boxes_flat = (boxes.astype(jnp.float32)
                  .reshape(_N, _HW // 128, 128, 4)
                  .transpose(0, 1, 3, 2)
                  .reshape(-1))
    gt = gt_boxes.astype(jnp.float32)
    part = _make_sc_call()(positive_batch_idx, positive_map_idx, boxes_flat,
                           gt, score_flat)
    score2d = score_map.astype(jnp.float32).reshape(_ROWS, _W)
    np11 = jnp.reshape(num_positive_samples, (1, 1)).astype(jnp.float32)
    fsum = _tc_call(score2d)
    tot, cls, reg = _comb_call(np11, fsum, part)
    return (jnp.reshape(tot, ()), jnp.reshape(cls, ()), jnp.reshape(reg, ()))

# --- scband reference (transcript-rebuilt; emitter-appended) ---
"""Pipeline reference for scband-simple-criteria-79207786873203 (READ-ONLY COPY).

The authoritative reference and input builder live on the scoring server;
editing this copy changes nothing except your own understanding.
"""

import jax, jax.numpy as jnp
import numpy as np

N, H, W, P = 32, 256, 256, 8192
CLS_W, REG_W = 1.0, 1.2


def _make_boxes(key, n):
    k1, k2 = jax.random.split(key)
    xy1 = jax.random.uniform(k1, (n, 2), dtype=jnp.float32) * 0.5
    wh = jax.random.uniform(k2, (n, 2), dtype=jnp.float32) * 0.4 + 0.05
    return jnp.concatenate([xy1, xy1 + wh], axis=-1).astype(jnp.float32)


def setup_inputs(seed: int = 0):
    key = jax.random.key(seed)
    ks = jax.random.split(key, 6)
    score_map = jax.random.normal(ks[0], (N, H, W), dtype=jnp.float32)
    boxes = _make_boxes(ks[1], N * H * W).reshape(N, H * W, 4)
    gt_boxes = _make_boxes(ks[2], N)
    positive_batch_idx = jax.random.randint(ks[3], (P,), 0, N, dtype=jnp.int32)
    positive_map_idx = jax.random.randint(ks[4], (P,), 0, H * W, dtype=jnp.int32)
    num_positive_samples = jnp.asarray(float(P), dtype=jnp.float32)
    return {
        'score_map': score_map,
        'boxes': boxes,
        'gt_boxes': gt_boxes,
        'num_positive_samples': num_positive_samples,
        'positive_batch_idx': positive_batch_idx,
        'positive_map_idx': positive_map_idx,
    }


def _bbox_overlaps_aligned(b1, b2, eps=1e-6):
    lt = jnp.maximum(b1[:, :2], b2[:, :2])
    rb = jnp.minimum(b1[:, 2:], b2[:, 2:])
    wh = jnp.clip(rb - lt, 0.0, None)
    overlap = wh[:, 0] * wh[:, 1]
    area1 = (b1[:, 2] - b1[:, 0]) * (b1[:, 3] - b1[:, 1])
    area2 = (b2[:, 2] - b2[:, 0]) * (b2[:, 3] - b2[:, 1])
    union = jnp.maximum(area1 + area2 - overlap, eps)
    return overlap / union


def _bce_with_logits(x, t):
    return jnp.maximum(x, 0.0) - x * t + jnp.log1p(jnp.exp(-jnp.abs(x)))


def reference(score_map, boxes, gt_boxes, num_positive_samples, positive_batch_idx, positive_map_idx):
    # reduce_mean_ is a distributed all-reduce mean; identity on a single host.
    num_pos = jnp.maximum(jnp.reshape(num_positive_samples, ()), 1.0)
    n, h, w = score_map.shape
    score = score_map.astype(jnp.float32)
    pred = boxes.astype(jnp.float32).reshape(n, h * w, 4)
    pred_pos = pred[positive_batch_idx, positive_map_idx]
    gt_pos = gt_boxes.astype(jnp.float32)[positive_batch_idx]
    # iou_aware_classification_score=True: response map is stop-gradient IoU at positives (torch.no_grad)
    iou = jax.lax.stop_gradient(_bbox_overlaps_aligned(gt_pos, pred_pos))
    resp_map = jnp.zeros((n, h * w), dtype=jnp.float32).at[positive_batch_idx, positive_map_idx].set(iou)
    # cls_loss = BCEWithLogitsLoss(reduction='none')
    cls_loss = _bce_with_logits(score.reshape(n, -1), resp_map).sum() / num_pos
    # bbox_reg_loss = L1Loss(reduction='none')
    reg_loss = jnp.abs(pred_pos - gt_pos).sum() / num_pos
    cls_loss = cls_loss * CLS_W
    reg_loss = reg_loss * REG_W
    total = cls_loss + reg_loss
    return total, cls_loss, reg_loss

if __name__ == "__main__":
    import jax
    _d = setup_inputs()
    print(jax.jit(kernel)(*tuple(_d.values())))

</pallas_src>

<mosaic_0001>
#map = affine_map<(d0, d1) -> (0)>
#map1 = affine_map<(d0, d1) -> (0, 0)>
module attributes {stable_mosaic.version = 14 : i64} {
  func.func @_sc_body(%arg0: i32, %arg1: i32, %arg2: memref<8192xi32, #tpu.memory_space<hbm>>, %arg3: memref<8192xi32, #tpu.memory_space<hbm>>, %arg4: memref<8388608xf32, #tpu.memory_space<hbm>>, %arg5: memref<32x4xf32, #tpu.memory_space<hbm>>, %arg6: memref<2097152xf32, #tpu.memory_space<hbm>>, %arg7: memref<32x32xf32, #tpu.memory_space<hbm>>, %arg8: memref<256xi32, #tpu.memory_space<vmem>>, %arg9: memref<256xi32, #tpu.memory_space<vmem>>, %arg10: memref<2x128xi32, #tpu.memory_space<vmem>>, %arg11: memref<4x2x128xi32, #tpu.memory_space<vmem>>, %arg12: memref<4x2x128xf32, #tpu.memory_space<vmem>>, %arg13: memref<2x128xf32, #tpu.memory_space<vmem>>, %arg14: memref<32x4xf32, #tpu.memory_space<vmem>>, %arg15: memref<32xf32, #tpu.memory_space<vmem>>, %arg16: memref<!tpu.dma_semaphore, #tpu.memory_space<semaphore_mem>>, %arg17: memref<!tpu.dma_semaphore, #tpu.memory_space<semaphore_mem>>) attributes {dimension_semantics = [#tpu.dimension_semantics<core_parallel>, #tpu.dimension_semantics<subcore_parallel>], iteration_bounds = array<i64: 2, 16>, scalar_prefetch = 0 : i64, scratch_operands = 10 : i64, tpu.core_type = #tpu.core_type<sc_vector_subcore>, window_params = [{transform_indices = #map}, {transform_indices = #map}, {transform_indices = #map}, {transform_indices = #map1}, {transform_indices = #map}, {transform_indices = #map1}]} {
    %mul3A = arith.constant 2 : i32
    %mul3A_0 = arith.muli %arg1, %mul3A : i32
    %add3A = arith.addi %mul3A_0, %arg0 : i32
    %mul3A_1 = arith.constant 256 : i32
    %mul3A_2 = arith.muli %add3A, %mul3A_1 : i32
    %dma_start3A = tpu.memref_slice %arg2[%mul3A_2] : memref<8192xi32, #tpu.memory_space<hbm>> -> memref<256xi32, #tpu.memory_space<hbm>>
    %dma_start3A_3 = tpu.memref_slice %arg2[%mul3A_2] : memref<8192xi32, #tpu.memory_space<hbm>> -> memref<256xi32, #tpu.memory_space<hbm>>
    tpu.enqueue_dma source(%dma_start3A_3 : memref<256xi32, #tpu.memory_space<hbm>>) target(%arg8 : memref<256xi32, #tpu.memory_space<vmem>>) target_semaphore(%arg16 : memref<!tpu.dma_semaphore, #tpu.memory_space<semaphore_mem>>)
    %dma_start3A_4 = tpu.memref_slice %arg3[%mul3A_2] : memref<8192xi32, #tpu.memory_space<hbm>> -> memref<256xi32, #tpu.memory_space<hbm>>
    %dma_start3A_5 = tpu.memref_slice %arg3[%mul3A_2] : memref<8192xi32, #tpu.memory_space<hbm>> -> memref<256xi32, #tpu.memory_space<hbm>>
    tpu.enqueue_dma source(%dma_start3A_5 : memref<256xi32, #tpu.memory_space<hbm>>) target(%arg9 : memref<256xi32, #tpu.memory_space<vmem>>) target_semaphore(%arg16 : memref<!tpu.dma_semaphore, #tpu.memory_space<semaphore_mem>>)
    tpu.enqueue_dma source(%arg5 : memref<32x4xf32, #tpu.memory_space<hbm>>) target(%arg14 : memref<32x4xf32, #tpu.memory_space<vmem>>) target_semaphore(%arg16 : memref<!tpu.dma_semaphore, #tpu.memory_space<semaphore_mem>>)
    %dma_wait3A = tpu.memref_slice %arg2[%mul3A_2] : memref<8192xi32, #tpu.memory_space<hbm>> -> memref<256xi32, #tpu.memory_space<hbm>>
    %dma_wait3A_6 = tpu.memref_slice %arg2[%mul3A_2] : memref<8192xi32, #tpu.memory_space<hbm>> -> memref<256xi32, #tpu.memory_space<hbm>>
    tpu.wait_dma2 semaphore(%arg16 : memref<!tpu.dma_semaphore, #tpu.memory_space<semaphore_mem>>) src(%dma_wait3A_6 : memref<256xi32, #tpu.memory_space<hbm>>) dst(%arg8 : memref<256xi32, #tpu.memory_space<vmem>>)
    %dma_wait3A_7 = tpu.memref_slice %arg3[%mul3A_2] : memref<8192xi32, #tpu.memory_space<hbm>> -> memref<256xi32, #tpu.memory_space<hbm>>
    %dma_wait3A_8 = tpu.memref_slice %arg3[%mul3A_2] : memref<8192xi32, #tpu.memory_space<hbm>> -> memref<256xi32, #tpu.memory_space<hbm>>
    tpu.wait_dma2 semaphore(%arg16 : memref<!tpu.dma_semaphore, #tpu.memory_space<semaphore_mem>>) src(%dma_wait3A_8 : memref<256xi32, #tpu.memory_space<hbm>>) dst(%arg9 : memref<256xi32, #tpu.memory_space<vmem>>)
    tpu.wait_dma2 semaphore(%arg16 : memref<!tpu.dma_semaphore, #tpu.memory_space<semaphore_mem>>) src(%arg5 : memref<32x4xf32, #tpu.memory_space<hbm>>) dst(%arg14 : memref<32x4xf32, #tpu.memory_space<vmem>>)
    %get3A = arith.constant 0 : index
    %get3A_9 = tpu.vector_load %arg8[%get3A] {strides = array<i32>} : memref<256xi32, #tpu.memory_space<vmem>>, vector<16xi32>,
    %get3A_10 = arith.constant 0 : index
    %get3A_11 = tpu.vector_load %arg9[%get3A_10] {strides = array<i32>} : memref<256xi32, #tpu.memory_space<vmem>>, vector<16xi32>,
    %mul3A_12 = arith.constant 65536 : i32
    %mul3A_13 = vector.broadcast %mul3A_12 : i32 to vector<16xi32>
    %mul3A_14 = arith.muli %get3A_9, %mul3A_13 : vector<16xi32>
    %shift_right_arithmetic3A = arith.constant 11 : i32
    %shift_right_arithmetic3A_15 = vector.broadcast %shift_right_arithmetic3A : i32 to vector<16xi32>
    %shift_right_arithmetic3A_16 = arith.shrsi %get3A_11, %shift_right_arithmetic3A_15 : vector<16xi32>
    %shift_left3A = arith.constant 11 : i32
    %shift_left3A_17 = vector.broadcast %shift_left3A : i32 to vector<16xi32>
    %shift_left3A_18 = arith.shli %shift_right_arithmetic3A_16, %shift_left3A_17 : vector<16xi32>
    %add3A_19 = arith.addi %mul3A_14, %shift_left3A_18 : vector<16xi32>
    %shift_right_arithmetic3A_20 = arith.constant 7 : i32
    %shift_right_arithmetic3A_21 = vector.broadcast %shift_right_arithmetic3A_20 : i32 to vector<16xi32>
    %shift_right_arithmetic3A_22 = arith.shrsi %get3A_11, %shift_right_arithmetic3A_21 : vector<16xi32>
    %and3A = arith.constant 1 : i32
    %and3A_23 = vector.broadcast %and3A : i32 to vector<16xi32>
    %and3A_24 = arith.andi %shift_right_arithmetic3A_22, %and3A_23 : vector<16xi32>
    %mul3A_25 = arith.constant 1024 : i32
    %mul3A_26 = vector.broadcast %mul3A_25 : i32 to vector<16xi32>
    %mul3A_27 = arith.muli %and3A_24, %mul3A_26 : vector<16xi32>
    %add3A_28 = arith.addi %add3A_19, %mul3A_27 : vector<16xi32>
    %shift_right_arithmetic3A_29 = arith.constant 8 : i32
    %shift_right_arithmetic3A_30 = vector.broadcast %shift_right_arithmetic3A_29 : i32 to vector<16xi32>
    %shift_right_arithmetic3A_31 = arith.shrsi %get3A_11, %shift_right_arithmetic3A_30 : vector<16xi32>
    %and3A_32 = arith.constant 7 : i32
    %and3A_33 = vector.broadcast %and3A_32 : i32 to vector<16xi32>
    %and3A_34 = arith.andi %shift_right_arithmetic3A_31, %and3A_33 : vector<16xi32>
    %shift_left3A_35 = arith.constant 7 : i32
    %shift_left3A_36 = vector.broadcast %shift_left3A_35 : i32 to vector<16xi32>
    %shift_left3A_37 = arith.shli %and3A_34, %shift_left3A_36 : vector<16xi32>
    %add3A_38 = arith.addi %add3A_28, %shift_left3A_37 : vector<16xi32>
    %and3A_39 = arith.constant 127 : i32
    %and3A_40 = vector.broadcast %and3A_39 : i32 to vector<16xi32>
    %and3A_41 = arith.andi %get3A_11, %and3A_40 : vector<16xi32>
    %add3A_42 = arith.addi %add3A_38, %and3A_41 : vector<16xi32>
    %swap3A = arith.constant 0 : i32
    %swap3A_43 = arith.index_cast %swap3A : i32 to index
    %swap3A_44 = arith.constant 0 : index
    %swap3A_45 = tpu.vector_load %arg10[%swap3A_43, %swap3A_44] {strides = array<i32>} : memref<2x128xi32, #tpu.memory_space<vmem>>, vector<16xi32>,
    tpu.vector_store %arg10[%swap3A_43, %swap3A_44], %add3A_42 {strides = array<i32>} : memref<2x128xi32, #tpu.memory_space<vmem>>, vector<16xi32>,
    %mul3A_46 = arith.constant 262144 : i32
    %mul3A_47 = vector.broadcast %mul3A_46 : i32 to vector<16xi32>
    %mul3A_48 = arith.muli %get3A_9, %mul3A_47 : vector<16xi32>
    %shift_right_arithmetic3A_49 = arith.constant 7 : i32
    %shift_right_arithmetic3A_50 = vector.broadcast %shift_right_arithmetic3A_49 : i32 to vector<16xi32>
    %shift_right_arithmetic3A_51 = arith.shrsi %get3A_11, %shift_right_arithmetic3A_50 : vector<16xi32>
    %shift_left3A_52 = arith.constant 9 : i32
    %shift_left3A_53 = vector.broadcast %shift_left3A_52 : i32 to vector<16xi32>
    %shift_left3A_54 = arith.shli %shift_right_arithmetic3A_51, %shift_left3A_53 : vector<16xi32>
    %add3A_55 = arith.addi %mul3A_48, %shift_left3A_54 : vector<16xi32>
    %and3A_56 = arith.constant 127 : i32
    %and3A_57 = vector.broadcast %and3A_56 : i32 to vector<16xi32>
    %and3A_58 = arith.andi %get3A_11, %and3A_57 : vector<16xi32>
    %add3A_59 = arith.addi %add3A_55, %and3A_58 : vector<16xi32>
    %add3A_60 = arith.constant 0 : i32
    %add3A_61 = vector.broadcast %add3A_60 : i32 to vector<16xi32>
    %add3A_62 = arith.addi %add3A_59, %add3A_61 : vector<16xi32>
    %swap3A_63 = arith.constant 0 : i32
    %swap3A_64 = arith.constant 0 : i32
    %swap3A_65 = arith.index_cast %swap3A_63 : i32 to index
    %swap3A_66 = arith.index_cast %swap3A_64 : i32 to index
    %swap3A_67 = arith.constant 0 : index
    %swap3A_68 = tpu.vector_load %arg11[%swap3A_65, %swap3A_66, %swap3A_67] {strides = array<i32>} : memref<4x2x128xi32, #tpu.memory_space<vmem>>, vector<16xi32>,
    tpu.vector_store %arg11[%swap3A_65, %swap3A_66, %swap3A_67], %add3A_62 {strides = array<i32>} : memref<4x2x128xi32, #tpu.memory_space<vmem>>, vector<16xi32>,
    %add3A_69 = arith.constant 128 : i32
    %add3A_70 = vector.broadcast %add3A_69 : i32 to vector<16xi32>
    %add3A_71 = arith.addi %add3A_59, %add3A_70 : vector<16xi32>
    %swap3A_72 = arith.constant 1 : i32
    %swap3A_73 = arith.constant 0 : i32
    %swap3A_74 = arith.index_cast %swap3A_72 : i32 to index
    %swap3A_75 = arith.index_cast %swap3A_73 : i32 to index
    %swap3A_76 = arith.constant 0 : index
    %swap3A_77 = tpu.vector_load %arg11[%swap3A_74, %swap3A_75, %swap3A_76] {strides = array<i32>} : memref<4x2x128xi32, #tpu.memory_space<vmem>>, vector<16xi32>,
    tpu.vector_store %arg11[%swap3A_74, %swap3A_75, %swap3A_76], %add3A_71 {strides = array<i32>} : memref<4x2x128xi32, #tpu.memory_space<vmem>>, vector<16xi32>,
    %add3A_78 = arith.constant 256 : i32
    %add3A_79 = vector.broadcast %add3A_78 : i32 to vector<16xi32>
    %add3A_80 = arith.addi %add3A_59, %add3A_79 : vector<16xi32>
    %swap3A_81 = arith.constant 2 : i32
    %swap3A_82 = arith.constant 0 : i32
    %swap3A_83 = arith.index_cast %swap3A_81 : i32 to index
    %swap3A_84 = arith.index_cast %swap3A_82 : i32 to index
    %swap3A_85 = arith.constant 0 : index
    %swap3A_86 = tpu.vector_load %arg11[%swap3A_83, %swap3A_84, %swap3A_85] {strides = array<i32>} : memref<4x2x128xi32, #tpu.memory_space<vmem>>, vector<16xi32>,
    tpu.vector_store %arg11[%swap3A_83, %swap3A_84, %swap3A_85], %add3A_80 {strides = array<i32>} : memref<4x2x128xi32, #tpu.memory_space<vmem>>, vector<16xi32>,
    %add3A_87 = arith.constant 384 : i32
    %add3A_88 = vector.broadcast %add3A_87 : i32 to vector<16xi32>
    %add3A_89 = arith.addi %add3A_59, %add3A_88 : vector<16xi32>
    %swap3A_90 = arith.constant 3 : i32
    %swap3A_91 = arith.constant 0 : i32
    %swap3A_92 = arith.index_cast %swap3A_90 : i32 to index
    %swap3A_93 = arith.index_cast %swap3A_91 : i32 to index
    %swap3A_94 = arith.constant 0 : index
    %swap3A_95 = tpu.vector_load %arg11[%swap3A_92, %swap3A_93, %swap3A_94] {strides = array<i32>} : memref<4x2x128xi32, #tpu.memory_space<vmem>>, vector<16xi32>,
    tpu.vector_store %arg11[%swap3A_92, %swap3A_93, %swap3A_94], %add3A_89 {strides = array<i32>} : memref<4x2x128xi32, #tpu.memory_space<vmem>>, vector<16xi32>,
    %get3A_96 = arith.constant 16 : index
    %get3A_97 = tpu.vector_load %arg8[%get3A_96] {strides = array<i32>} : memref<256xi32, #tpu.memory_space<vmem>>, vector<16xi32>,
    %get3A_98 = arith.constant 16 : index
    %get3A_99 = tpu.vector_load %arg9[%get3A_98] {strides = array<i32>} : memref<256xi32, #tpu.memory_space<vmem>>, vector<16xi32>,
    %mul3A_100 = arith.constant 65536 : i32
    %mul3A_101 = vector.broadcast %mul3A_100 : i32 to vector<16xi32>
    %mul3A_102 = arith.muli %get3A_97, %mul3A_101 : vector<16xi32>
    %shift_right_arithmetic3A_103 = arith.constant 11 : i32
    %shift_right_arithmetic3A_104 = vector.broadcast %shift_right_arithmetic3A_103 : i32 to vector<16xi32>
    %shift_right_arithmetic3A_105 = arith.shrsi %get3A_99, %shift_right_arithmetic3A_104 : vector<16xi32>
    %shift_left3A_106 = arith.constant 11 : i32
    %shift_left3A_107 = vector.broadcast %shift_left3A_106 : i32 to vector<16xi32>
    %shift_left3A_108 = arith.shli %shift_right_arithmetic3A_105, %shift_left3A_107 : vector<16xi32>
    %add3A_109 = arith.addi %mul3A_102, %shift_left3A_108 : vector<16xi32>
    %shift_right_arithmetic3A_110 = arith.constant 7 : i32
    %shift_right_arithmetic3A_111 = vector.broadcast %shift_right_arithmetic3A_110 : i32 to vector<16xi32>
    %shift_right_arithmetic3A_112 = arith.shrsi %get3A_99, %shift_right_arithmetic3A_111 : vector<16xi32>
    %and3A_113 = arith.constant 1 : i32
    %and3A_114 = vector.broadcast %and3A_113 : i32 to vector<16xi32>
    %and3A_115 = arith.andi %shift_right_arithmetic3A_112, %and3A_114 : vector<16xi32>
    %mul3A_116 = arith.constant 1024 : i32
    %mul3A_117 = vector.broadcast %mul3A_116 : i32 to vector<16xi32>
    %mul3A_118 = arith.muli %and3A_115, %mul3A_117 : vector<16xi32>
    %add3A_119 = arith.addi %add3A_109, %mul3A_118 : vector<16xi32>
    %shift_right_arithmetic3A_120 = arith.constant 8 : i32
    %shift_right_arithmetic3A_121 = vector.broadcast %shift_right_arithmetic3A_120 : i32 to vector<16xi32>
    %shift_right_arithmetic3A_122 = arith.shrsi %get3A_99, %shift_right_arithmetic3A_121 : vector<16xi32>
    %and3A_123 = arith.constant 7 : i32
    %and3A_124 = vector.broadcast %and3A_123 : i32 to vector<16xi32>
    %and3A_125 = arith.andi %shift_right_arithmetic3A_122, %and3A_124 : vector<16xi32>
    %shift_left3A_126 = arith.constant 7 : i32
    %shift_left3A_127 = vector.broadcast %shift_left3A_126 : i32 to vector<16xi32>
    %shift_left3A_128 = arith.shli %and3A_125, %shift_left3A_127 : vector<16xi32>
    %add3A_129 = arith.addi %add3A_119, %shift_left3A_128 : vector<16xi32>
    %and3A_130 = arith.constant 127 : i32
    %and3A_131 = vector.broadcast %and3A_130 : i32 to vector<16xi32>
    %and3A_132 = arith.andi %get3A_99, %and3A_131 : vector<16xi32>
    %add3A_133 = arith.addi %add3A_129, %and3A_132 : vector<16xi32>
    %swap3A_134 = arith.constant 0 : i32
    %swap3A_135 = arith.index_cast %swap3A_134 : i32 to index
    %swap3A_136 = arith.constant 16 : index
    %swap3A_137 = tpu.vector_load %arg10[%swap3A_135, %swap3A_136] {strides = array<i32>} : memref<2x128xi32, #tpu.memory_space<vmem>>, vector<16xi32>,
    tpu.vector_store %arg10[%swap3A_135, %swap3A_136], %add3A_133 {strides = array<i32>} : memref<2x128xi32, #tpu.memory_space<vmem>>, vector<16xi32>,
    %mul3A_138 = arith.constant 262144 : i32
    %mul3A_139 = vector.broadcast %mul3A_138 : i32 to vector<16xi32>
    %mul3A_140 = arith.muli %get3A_97, %mul3A_139 : vector<16xi32>
    %shift_right_arithmetic3A_141 = arith.constant 7 : i32
    %shift_right_arithmetic3A_142 = vector.broadcast %shift_right_arithmetic3A_141 : i32 to vector<16xi32>
    %shift_right_arithmetic3A_143 = arith.shrsi %get3A_99, %shift_right_arithmetic3A_142 : vector<16xi32>
    %shift_left3A_144 = arith.constant 9 : i32
    %shift_left3A_145 = vector.broadcast %shift_left3A_144 : i32 to vector<16xi32>
    %shift_left3A_146 = arith.shli %shift_right_arithmetic3A_143, %shift_left3A_145 : vector<16xi32>
    %add3A_147 = arith.addi %mul3A_140, %shift_left3A_146 : vector<16xi32>
    %and3A_148 = arith.constant 127 : i32
    %and3A_149 = vector.broadcast %and3A_148 : i32 to vector<16xi32>
    %and3A_150 = arith.andi %get3A_99, %and3A_149 : vector<16xi32>
    %add3A_151 = arith.addi %add3A_147, %and3A_150 : vector<16xi32>
    %add3A_152 = arith.constant 0 : i32
    %add3A_153 = vector.broadcast %add3A_152 : i32 to vector<16xi32>
    %add3A_154 = arith.addi %add3A_151, %add3A_153 : vector<16xi32>
    %swap3A_155 = arith.constant 0 : i32
    %swap3A_156 = arith.constant 0 : i32
    %swap3A_157 = arith.index_cast %swap3A_155 : i32 to index
    %swap3A_158 = arith.index_cast %swap3A_156 : i32 to index
    %swap3A_159 = arith.constant 16 : index
    %swap3A_160 = tpu.vector_load %arg11[%swap3A_157, %swap3A_158, %swap3A_159] {strides = array<i32>} : memref<4x2x128xi32, #tpu.memory_space<vmem>>, vector<16xi32>,
    tpu.vector_store %arg11[%swap3A_157, %swap3A_158, %swap3A_159], %add3A_154 {strides = array<i32>} : memref<4x2x128xi32, #tpu.memory_space<vmem>>, vector<16xi32>,
    %add3A_161 = arith.constant 128 : i32
    %add3A_162 = vector.broadcast %add3A_161 : i32 to vector<16xi32>
    %add3A_163 = arith.addi %add3A_151, %add3A_162 : vector<16xi32>
    %swap3A_164 = arith.constant 1 : i32
    %swap3A_165 = arith.constant 0 : i32
    %swap3A_166 = arith.index_cast %swap3A_164 : i32 to index
    %swap3A_167 = arith.index_cast %swap3A_165 : i32 to index
    %swap3A_168 = arith.constant 16 : index
    %swap3A_169 = tpu.vector_load %arg11[%swap3A_166, %swap3A_167, %swap3A_168] {strides = array<i32>} : memref<4x2x128xi32, #tpu.memory_space<vmem>>, vector<16xi32>,
    tpu.vector_store %arg11[%swap3A_166, %swap3A_167, %swap3A_168], %add3A_163 {strides = array<i32>} : memref<4x2x128xi32, #tpu.memory_space<vmem>>, vector<16xi32>,
    %add3A_170 = arith.constant 256 : i32
    %add3A_171 = vector.broadcast %add3A_170 : i32 to vector<16xi32>
    %add3A_172 = arith.addi %add3A_151, %add3A_171 : vector<16xi32>
    %swap3A_173 = arith.constant 2 : i32
    %swap3A_174 = arith.constant 0 : i32
    %swap3A_175 = arith.index_cast %swap3A_173 : i32 to index
    %swap3A_176 = arith.index_cast %swap3A_174 : i32 to index
    %swap3A_177 = arith.constant 16 : index
    %swap3A_178 = tpu.vector_load %arg11[%swap3A_175, %swap3A_176, %swap3A_177] {strides = array<i32>} : memref<4x2x128xi32, #tpu.memory_space<vmem>>, vector<16xi32>,
    tpu.vector_store %arg11[%swap3A_175, %swap3A_176, %swap3A_177], %add3A_172 {strides = array<i32>} : memref<4x2x128xi32, #tpu.memory_space<vmem>>, vector<16xi32>,
    %add3A_179 = arith.constant 384 : i32
    %add3A_180 = vector.broadcast %add3A_179 : i32 to vector<16xi32>
    %add3A_181 = arith.addi %add3A_151, %add3A_180 : vector<16xi32>
    %swap3A_182 = arith.constant 3 : i32
    %swap3A_183 = arith.constant 0 : i32
    %swap3A_184 = arith.index_cast %swap3A_182 : i32 to index
    %swap3A_185 = arith.index_cast %swap3A_183 : i32 to index
    %swap3A_186 = arith.constant 16 : index
    %swap3A_187 = tpu.vector_load %arg11[%swap3A_184, %swap3A_185, %swap3A_186] {strides = array<i32>} : memref<4x2x128xi32, #tpu.memory_space<vmem>>, vector<16xi32>,
    tpu.vector_store %arg11[%swap3A_184, %swap3A_185, %swap3A_186], %add3A_181 {strides = array<i32>} : memref<4x2x128xi32, #tpu.memory_space<vmem>>, vector<16xi32>,
    %get3A_188 = arith.constant 32 : index
    %get3A_189 = tpu.vector_load %arg8[%get3A_188] {strides = array<i32>} : memref<256xi32, #tpu.memory_space<vmem>>, vector<16xi32>,
    %get3A_190 = arith.constant 32 : index
    %get3A_191 = tpu.vector_load %arg9[%get3A_190] {strides = array<i32>} : memref<256xi32, #tpu.memory_space<vmem>>, vector<16xi32>,
    %mul3A_192 = arith.constant 65536 : i32
    %mul3A_193 = vector.broadcast %mul3A_192 : i32 to vector<16xi32>
    %mul3A_194 = arith.muli %get3A_189, %mul3A_193 : vector<16xi32>
    %shift_right_arithmetic3A_195 = arith.constant 11 : i32
    %shift_right_arithmetic3A_196 = vector.broadcast %shift_right_arithmetic3A_195 : i32 to vector<16xi32>
    %shift_right_arithmetic3A_197 = arith.shrsi %get3A_191, %shift_right_arithmetic3A_196 : vector<16xi32>
    %shift_left3A_198 = arith.constant 11 : i32
    %shift_left3A_199 = vector.broadcast %shift_left3A_198 : i32 to vector<16xi32>
    %shift_left3A_200 = arith.shli %shift_right_arithmetic3A_197, %shift_left3A_199 : vector<16xi32>
    %add3A_201 = arith.addi %mul3A_194, %shift_left3A_200 : vector<16xi32>
    %shift_right_arithmetic3A_202 = arith.constant 7 : i32
    %shift_right_arithmetic3A_203 = vector.broadcast %shift_right_arithmetic3A_202 : i32 to vector<16xi32>
    %shift_right_arithmetic3A_204 = arith.shrsi %get3A_191, %shift_right_arithmetic3A_203 : vector<16xi32>
    %and3A_205 = arith.constant 1 : i32
    %and3A_206 = vector.broadcast %and3A_205 : i32 to vector<16xi32>
    %and3A_207 = arith.andi %shift_right_arithmetic3A_204, %and3A_206 : vector<16xi32>
    %mul3A_208 = arith.constant 1024 : i32
    %mul3A_209 = vector.broadcast %mul3A_208 : i32 to vector<16xi32>
    %mul3A_210 = arith.muli %and3A_207, %mul3A_209 : vector<16xi32>
    %add3A_211 = arith.addi %add3A_201, %mul3A_210 : vector<16xi32>
    %shift_right_arithmetic3A_212 = arith.constant 8 : i32
    %shift_right_arithmetic3A_213 = vector.broadcast %shift_right_arithmetic3A_212 : i32 to vector<16xi32>
    %shift_right_arithmetic3A_214 = arith.shrsi %get3A_191, %shift_right_arithmetic3A_213 : vector<16xi32>
    %and3A_215 = arith.constant 7 : i32
    %and3A_216 = vector.broadcast %and3A_215 : i32 to vector<16xi32>
    %and3A_217 = arith.andi %shift_right_arithmetic3A_214, %and3A_216 : vector<16xi32>
    %shift_left3A_218 = arith.constant 7 : i32
    %shift_left3A_219 = vector.broadcast %shift_left3A_218 : i32 to vector<16xi32>
    %shift_left3A_220 = arith.shli %and3A_217, %shift_left3A_219 : vector<16xi32>
    %add3A_221 = arith.addi %add3A_211, %shift_left3A_220 : vector<16xi32>
    %and3A_222 = arith.constant 127 : i32
    %and3A_223 = vector.broadcast %and3A_222 : i32 to vector<16xi32>
    %and3A_224 = arith.andi %get3A_191, %and3A_223 : vector<16xi32>
    %add3A_225 = arith.addi %add3A_221, %and3A_224 : vector<16xi32>
    %swap3A_226 = arith.constant 0 : i32
    %swap3A_227 = arith.index_cast %swap3A_226 : i32 to index
    %swap3A_228 = arith.constant 32 : index
    %swap3A_229 = tpu.vector_load %arg10[%swap3A_227, %swap3A_228] {strides = array<i32>} : memref<2x128xi32, #tpu.memory_space<vmem>>, vector<16xi32>,
    tpu.vector_store %arg10[%swap3A_227, %swap3A_228], %add3A_225 {strides = array<i32>} : memref<2x128xi32, #tpu.memory_space<vmem>>, vector<16xi32>,
    %mul3A_230 = arith.constant 262144 : i32
    %mul3A_231 = vector.broadcast %mul3A_230 : i32 to vector<16xi32>
    %mul3A_232 = arith.muli %get3A_189, %mul3A_231 : vector<16xi32>
    %shift_right_arithmetic3A_233 = arith.constant 7 : i32
    %shift_right_arithmetic3A_234 = vector.broadcast %shift_right_arithmetic3A_233 : i32 to vector<16xi32>
    %shift_right_arithmetic3A_235 = arith.shrsi %get3A_191, %shift_right_arithmetic3A_234 : vector<16xi32>
    %shift_left3A_236 = arith.constant 9 : i32
    %shift_left3A_237 = vector.broadcast %shift_left3A_236 : i32 to vector<16xi32>
    %shift_left3A_238 = arith.shli %shift_right_arithmetic3A_235, %shift_left3A_237 : vector<16xi32>
    %add3A_239 = arith.addi %mul3A_232, %shift_left3A_238 : vector<16xi32>
    %and3A_240 = arith.constant 127 : i32
    %and3A_241 = vector.broadcast %and3A_240 : i32 to vector<16xi32>
    %and3A_242 = arith.andi %get3A_191, %and3A_241 : vector<16xi32>
    %add3A_243 = arith.addi %add3A_239, %and3A_242 : vector<16xi32>
    %add3A_244 = arith.constant 0 : i32
    %add3A_245 = vector.broadcast %add3A_244 : i32 to vector<16xi32>
    %add3A_246 = arith.addi %add3A_243, %add3A_245 : vector<16xi32>
    %swap3A_247 = arith.constant 0 : i32
    %swap3A_248 = arith.constant 0 : i32
    %swap3A_249 = arith.index_cast %swap3A_247 : i32 to index
    %swap3A_250 = arith.index_cast %swap3A_248 : i32 to index
    %swap3A_251 = arith.constant 32 : index
    %swap3A_252 = tpu.vector_load %arg11[%swap3A_249, %swap3A_250, %swap3A_251] {strides = array<i32>} : memref<4x2x128xi32, #tpu.memory_space<vmem>>, vector<16xi32>,
    tpu.vector_store %arg11[%swap3A_249, %swap3A_250, %swap3A_251], %add3A_246 {strides = array<i32>} : memref<4x2x128xi32, #tpu.memory_space<vmem>>, vector<16xi32>,
    %add3A_253 = arith.constant 128 : i32
    %add3A_254 = vector.broadcast %add3A_253 : i32 to vector<16xi32>
    %add3A_255 = arith.addi %add3A_243, %add3A_254 : vector<16xi32>
    %swap3A_256 = arith.constant 1 : i32
    %swap3A_257 = arith.constant 0 : i32
    %swap3A_258 = arith.index_cast %swap3A_256 : i32 to index
    %swap3A_259 = arith.index_cast %swap3A_257 : i32 to index
    %swap3A_260 = arith.constant 32 : index
    %swap3A_261 = tpu.vector_load %arg11[%swap3A_258, %swap3A_259, %swap3A_260] {strides = array<i32>} : memref<4x2x128xi32, #tpu.memory_space<vmem>>, vector<16xi32>,
    tpu.vector_store %arg11[%swap3A_258, %swap3A_259, %swap3A_260], %add3A_255 {strides = array<i32>} : memref<4x2x128xi32, #tpu.memory_space<vmem>>, vector<16xi32>,
    %add3A_262 = arith.constant 256 : i32
    %add3A_263 = vector.broadcast %add3A_262 : i32 to vector<16xi32>
    %add3A_264 = arith.addi %add3A_243, %add3A_263 : vector<16xi32>
    %swap3A_265 = arith.constant 2 : i32
    %swap3A_266 = arith.constant 0 : i32
    %swap3A_267 = arith.index_cast %swap3A_265 : i32 to index
    %swap3A_268 = arith.index_cast %swap3A_266 : i32 to index
    %swap3A_269 = arith.constant 32 : index
    %swap3A_270 = tpu.vector_load %arg11[%swap3A_267, %swap3A_268, %swap3A_269] {strides = array<i32>} : memref<4x2x128xi32, #tpu.memory_space<vmem>>, vector<16xi32>,
    tpu.vector_store %arg11[%swap3A_267, %swap3A_268, %swap3A_269], %add3A_264 {strides = array<i32>} : memref<4x2x128xi32, #tpu.memory_space<vmem>>, vector<16xi32>,
    %add3A_271 = arith.constant 384 : i32
    %add3A_272 = vector.broadcast %add3A_271 : i32 to vector<16xi32>
    %add3A_273 = arith.addi %add3A_243, %add3A_272 : vector<16xi32>
    %swap3A_274 = arith.constant 3 : i32
    %swap3A_275 = arith.constant 0 : i32
    %swap3A_276 = arith.index_cast %swap3A_274 : i32 to index
    %swap3A_277 = arith.index_cast %swap3A_275 : i32 to index
    %swap3A_278 = arith.constant 32 : index
    %swap3A_279 = tpu.vector_load %arg11[%swap3A_276, %swap3A_277, %swap3A_278] {strides = array<i32>} : memref<4x2x128xi32, #tpu.memory_space<vmem>>, vector<16xi32>,
    tpu.vector_store %arg11[%swap3A_276, %swap3A_277, %swap3A_278], %add3A_273 {strides = array<i32>} : memref<4x2x128xi32, #tpu.memory_space<vmem>>, vector<16xi32>,
    %get3A_280 = arith.constant 48 : index
    %get3A_281 = tpu.vector_load %arg8[%get3A_280] {strides = array<i32>} : memref<256xi32, #tpu.memory_space<vmem>>, vector<16xi32>,
    %get3A_282 = arith.constant 48 : index
    %get3A_283 = tpu.vector_load %arg9[%get3A_282] {strides = array<i32>} : memref<256xi32, #tpu.memory_space<vmem>>, vector<16xi32>,
    %mul3A_284 = arith.constant 65536 : i32
    %mul3A_285 = vector.broadcast %mul3A_284 : i32 to vector<16xi32>
    %mul3A_286 = arith.muli %get3A_281, %mul3A_285 : vector<16xi32>
    %shift_right_arithmetic3A_287 = arith.constant 11 : i32
    %shift_right_arithmetic3A_288 = vector.broadcast %shift_right_arithmetic3A_287 : i32 to vector<16xi32>
    %shift_right_arithmetic3A_289 = arith.shrsi %get3A_283, %shift_right_arithmetic3A_288 : vector<16xi32>
    %shift_left3A_290 = arith.constant 11 : i32
    %shift_left3A_291 = vector.broadcast %shift_left3A_290 : i32 to vector<16xi32>
    %shift_left3A_292 = arith.shli %shift_right_arithmetic3A_289, %shift_left3A_291 : vector<16xi32>
    %add3A_293 = arith.addi %mul3A_286, %shift_left3A_292 : vector<16xi32>
    %shift_right_arithmetic3A_294 = arith.constant 7 : i32
    %shift_right_arithmetic3A_295 = vector.broadcast %shift_right_arithmetic3A_294 : i32 to vector<16xi32>
    %shift_right_arithmetic3A_296 = arith.shrsi %get3A_283, %shift_right_arithmetic3A_295 : vector<16xi32>
    %and3A_297 = arith.constant 1 : i32
    %and3A_298 = vector.broadcast %and3A_297 : i32 to vector<16xi32>
    %and3A_299 = arith.andi %shift_right_arithmetic3A_296, %and3A_298 : vector<16xi32>
    %mul3A_300 = arith.constant 1024 : i32
    %mul3A_301 = vector.broadcast %mul3A_300 : i32 to vector<16xi32>
    %mul3A_302 = arith.muli %and3A_299, %mul3A_301 : vector<16xi32>
    %add3A_303 = arith.addi %add3A_293, %mul3A_302 : vector<16xi32>
    %shift_right_arithmetic3A_304 = arith.constant 8 : i32
    %shift_right_arithmetic3A_305 = vector.broadcast %shift_right_arithmetic3A_304 : i32 to vector<16xi32>
    %shift_right_arithmetic3A_306 = arith.shrsi %get3A_283, %shift_right_arithmetic3A_305 : vector<16xi32>
    %and3A_307 = arith.constant 7 : i32
    %and3A_308 = vector.broadcast %and3A_307 : i32 to vector<16xi32>
    %and3A_309 = arith.andi %shift_right_arithmetic3A_306, %and3A_308 : vector<16xi32>
    %shift_left3A_310 = arith.constant 7 : i32
    %shift_left3A_311 = vector.broadcast %shift_left3A_310 : i32 to vector<16xi32>
    %shift_left3A_312 = arith.shli %and3A_309, %shift_left3A_311 : vector<16xi32>
    %add3A_313 = arith.addi %add3A_303, %shift_left3A_312 : vector<16xi32>
    %and3A_314 = arith.constant 127 : i32
    %and3A_315 = vector.broadcast %and3A_314 : i32 to vector<16xi32>
    %and3A_316 = arith.andi %get3A_283, %and3A_315 : vector<16xi32>
    %add3A_317 = arith.addi %add3A_313, %and3A_316 : vector<16xi32>
    %swap3A_318 = arith.constant 0 : i32
    %swap3A_319 = arith.index_cast %swap3A_318 : i32 to index
    %swap3A_320 = arith.constant 48 : index
    %swap3A_321 = tpu.vector_load %arg10[%swap3A_319, %swap3A_320] {strides = array<i32>} : memref<2x128xi32, #tpu.memory_space<vmem>>, vector<16xi32>,
    tpu.vector_store %arg10[%swap3A_319, %swap3A_320], %add3A_317 {strides = array<i32>} : memref<2x128xi32, #tpu.memory_space<vmem>>, vector<16xi32>,
    %mul3A_322 = arith.constant 262144 : i32
    %mul3A_323 = vector.broadcast %mul3A_322 : i32 to vector<16xi32>
    %mul3A_324 = arith.muli %get3A_281, %mul3A_323 : vector<16xi32>
    %shift_right_arithmetic3A_325 = arith.constant 7 : i32
    %shift_right_arithmetic3A_326 = vector.broadcast %shift_right_arithmetic3A_325 : i32 to vector<16xi32>
    %shift_right_arithmetic3A_327 = arith.shrsi %get3A_283, %shift_right_arithmetic3A_326 : vector<16xi32>
    %shift_left3A_328 = arith.constant 9 : i32
    %shift_left3A_329 = vector.broadcast %shift_left3A_328 : i32 to vector<16xi32>
    %shift_left3A_330 = arith.shli %shift_right_arithmetic3A_327, %shift_left3A_329 : vector<16xi32>
    %add3A_331 = arith.addi %mul3A_324, %shift_left3A_330 : vector<16xi32>
    %and3A_332 = arith.constant 127 : i32
    %and3A_333 = vector.broadcast %and3A_332 : i32 to vector<16xi32>
    %and3A_334 = arith.andi %get3A_283, %and3A_333 : vector<16xi32>
    %add3A_335 = arith.addi %add3A_331, %and3A_334 : vector<16xi32>
    %add3A_336 = arith.constant 0 : i32
    %add3A_337 = vector.broadcast %add3A_336 : i32 to vector<16xi32>
    %add3A_338 = arith.addi %add3A_335, %add3A_337 : vector<16xi32>
    %swap3A_339 = arith.constant 0 : i32
    %swap3A_340 = arith.constant 0 : i32
    %swap3A_341 = arith.index_cast %swap3A_339 : i32 to index
    %swap3A_342 = arith.index_cast %swap3A_340 : i32 to index
    %swap3A_343 = arith.constant 48 : index
    %swap3A_344 = tpu.vector_load %arg11[%swap3A_341, %swap3A_342, %swap3A_343] {strides = array<i32>} : memref<4x2x128xi32, #tpu.memory_space<vmem>>, vector<16xi32>,
    tpu.vector_store %arg11[%swap3A_341, %swap3A_342, %swap3A_343], %add3A_338 {strides = array<i32>} : memref<4x2x128xi32, #tpu.memory_space<vmem>>, vector<16xi32>,
    %add3A_345 = arith.constant 128 : i32
    %add3A_346 = vector.broadcast %add3A_345 : i32 to vector<16xi32>
    %add3A_347 = arith.addi %add3A_335, %add3A_346 : vector<16xi32>
    %swap3A_348 = arith.constant 1 : i32
    %swap3A_349 = arith.constant 0 : i32
    %swap3A_350 = arith.index_cast %swap3A_348 : i32 to index
    %swap3A_351 = arith.index_cast %swap3A_349 : i32 to index
    %swap3A_352 = arith.constant 48 : index
    %swap3A_353 = tpu.vector_load %arg11[%swap3A_350, %swap3A_351, %swap3A_352] {strides = array<i32>} : memref<4x2x128xi32, #tpu.memory_space<vmem>>, vector<16xi32>,
    tpu.vector_store %arg11[%swap3A_350, %swap3A_351, %swap3A_352], %add3A_347 {strides = array<i32>} : memref<4x2x128xi32, #tpu.memory_space<vmem>>, vector<16xi32>,
    %add3A_354 = arith.constant 256 : i32
    %add3A_355 = vector.broadcast %add3A_354 : i32 to vector<16xi32>
    %add3A_356 = arith.addi %add3A_335, %add3A_355 : vector<16xi32>
    %swap3A_357 = arith.constant 2 : i32
    %swap3A_358 = arith.constant 0 : i32
    %swap3A_359 = arith.index_cast %swap3A_357 : i32 to index
    %swap3A_360 = arith.index_cast %swap3A_358 : i32 to index
    %swap3A_361 = arith.constant 48 : index
    %swap3A_362 = tpu.vector_load %arg11[%swap3A_359, %swap3A_360, %swap3A_361] {strides = array<i32>} : memref<4x2x128xi32, #tpu.memory_space<vmem>>, vector<16xi32>,
    tpu.vector_store %arg11[%swap3A_359, %swap3A_360, %swap3A_361], %add3A_356 {strides = array<i32>} : memref<4x2x128xi32, #tpu.memory_space<vmem>>, vector<16xi32>,
    %add3A_363 = arith.constant 384 : i32
    %add3A_364 = vector.broadcast %add3A_363 : i32 to vector<16xi32>
    %add3A_365 = arith.addi %add3A_335, %add3A_364 : vector<16xi32>
    %swap3A_366 = arith.constant 3 : i32
    %swap3A_367 = arith.constant 0 : i32
    %swap3A_368 = arith.index_cast %swap3A_366 : i32 to index
    %swap3A_369 = arith.index_cast %swap3A_367 : i32 to index
    %swap3A_370 = arith.constant 48 : index
    %swap3A_371 = tpu.vector_load %arg11[%swap3A_368, %swap3A_369, %swap3A_370] {strides = array<i32>} : memref<4x2x128xi32, #tpu.memory_space<vmem>>, vector<16xi32>,
    tpu.vector_store %arg11[%swap3A_368, %swap3A_369, %swap3A_370], %add3A_365 {strides = array<i32>} : memref<4x2x128xi32, #tpu.memory_space<vmem>>, vector<16xi32>,
    %get3A_372 = arith.constant 64 : index
    %get3A_373 = tpu.vector_load %arg8[%get3A_372] {strides = array<i32>} : memref<256xi32, #tpu.memory_space<vmem>>, vector<16xi32>,
    %get3A_374 = arith.constant 64 : index
    %get3A_375 = tpu.vector_load %arg9[%get3A_374] {strides = array<i32>} : memref<256xi32, #tpu.memory_space<vmem>>, vector<16xi32>,
    %mul3A_376 = arith.constant 65536 : i32
    %mul3A_377 = vector.broadcast %mul3A_376 : i32 to vector<16xi32>
    %mul3A_378 = arith.muli %get3A_373, %mul3A_377 : vector<16xi32>
    %shift_right_arithmetic3A_379 = arith.constant 11 : i32
    %shift_right_arithmetic3A_380 = vector.broadcast %shift_right_arithmetic3A_379 : i32 to vector<16xi32>
    %shift_right_arithmetic3A_381 = arith.shrsi %get3A_375, %shift_right_arithmetic3A_380 : vector<16xi32>
    %shift_left3A_382 = arith.constant 11 : i32
    %shift_left3A_383 = vector.broadcast %shift_left3A_382 : i32 to vector<16xi32>
    %shift_left3A_384 = arith.shli %shift_right_arithmetic3A_381, %shift_left3A_383 : vector<16xi32>
    %add3A_385 = arith.addi %mul3A_378, %shift_left3A_384 : vector<16xi32>
    %shift_right_arithmetic3A_386 = arith.constant 7 : i32
    %shift_right_arithmetic3A_387 = vector.broadcast %shift_right_arithmetic3A_386 : i32 to vector<16xi32>
    %shift_right_arithmetic3A_388 = arith.shrsi %get3A_375, %shift_right_arithmetic3A_387 : vector<16xi32>
    %and3A_389 = arith.constant 1 : i32
    %and3A_390 = vector.broadcast %and3A_389 : i32 to vector<16xi32>
    %and3A_391 = arith.andi %shift_right_arithmetic3A_388, %and3A_390 : vector<16xi32>
    %mul3A_392 = arith.constant 1024 : i32
    %mul3A_393 = vector.broadcast %mul3A_392 : i32 to vector<16xi32>
    %mul3A_394 = arith.muli %and3A_391, %mul3A_393 : vector<16xi32>
    %add3A_395 = arith.addi %add3A_385, %mul3A_394 : vector<16xi32>
    %shift_right_arithmetic3A_396 = arith.constant 8 : i32
    %shift_right_arithmetic3A_397 = vector.broadcast %shift_right_arithmetic3A_396 : i32 to vector<16xi32>
    %shift_right_arithmetic3A_398 = arith.shrsi %get3A_375, %shift_right_arithmetic3A_397 : vector<16xi32>
    %and3A_399 = arith.constant 7 : i32
    %and3A_400 = vector.broadcast %and3A_399 : i32 to vector<16xi32>
    %and3A_401 = arith.andi %shift_right_arithmetic3A_398, %and3A_400 : vector<16xi32>
    %shift_left3A_402 = arith.constant 7 : i32
    %shift_left3A_403 = vector.broadcast %shift_left3A_402 : i32 to vector<16xi32>
    %shift_left3A_404 = arith.shli %and3A_401, %shift_left3A_403 : vector<16xi32>
    %add3A_405 = arith.addi %add3A_395, %shift_left3A_404 : vector<16xi32>
    %and3A_406 = arith.constant 127 : i32
    %and3A_407 = vector.broadcast %and3A_406 : i32 to vector<16xi32>
    %and3A_408 = arith.andi %get3A_375, %and3A_407 : vector<16xi32>
    %add3A_409 = arith.addi %add3A_405, %and3A_408 : vector<16xi32>
    %swap3A_410 = arith.constant 0 : i32
    %swap3A_411 = arith.index_cast %swap3A_410 : i32 to index
    %swap3A_412 = arith.constant 64 : index
    %swap3A_413 = tpu.vector_load %arg10[%swap3A_411, %swap3A_412] {strides = array<i32>} : memref<2x128xi32, #tpu.memory_space<vmem>>, vector<16xi32>,
    tpu.vector_store %arg10[%swap3A_411, %swap3A_412], %add3A_409 {strides = array<i32>} : memref<2x128xi32, #tpu.memory_space<vmem>>, vector<16xi32>,
    %mul3A_414 = arith.constant 262144 : i32
    %mul3A_415 = vector.broadcast %mul3A_414 : i32 to vector<16xi32>
    %mul3A_416 = arith.muli %get3A_373, %mul3A_415 : vector<16xi32>
    %shift_right_arithmetic3A_417 = arith.constant 7 : i32
    %shift_right_arithmetic3A_418 = vector.broadcast %shift_right_arithmetic3A_417 : i32 to vector<16xi32>
    %shift_right_arithmetic3A_419 = arith.shrsi %get3A_375, %shift_right_arithmetic3A_418 : vector<16xi32>
    %shift_left3A_420 = arith.constant 9 : i32
    %shift_left3A_421 = vector.broadcast %shift_left3A_420 : i32 to vector<16xi32>
    %shift_left3A_422 = arith.shli %shift_right_arithmetic3A_419, %shift_left3A_421 : vector<16xi32>
    %add3A_423 = arith.addi %mul3A_416, %shift_left3A_422 : vector<16xi32>
    %and3A_424 = arith.constant 127 : i32
    %and3A_425 = vector.broadcast %and3A_424 : i32 to vector<16xi32>
    %and3A_426 = arith.andi %get3A_375, %and3A_425 : vector<16xi32>
    %add3A_427 = arith.addi %add3A_423, %and3A_426 : vector<16xi32>
    %add3A_428 = arith.constant 0 : i32
    %add3A_429 = vector.broadcast %add3A_428 : i32 to vector<16xi32>
    %add3A_430 = arith.addi %add3A_427, %add3A_429 : vector<16xi32>
    %swap3A_431 = arith.constant 0 : i32
    %swap3A_432 = arith.constant 0 : i32
    %swap3A_433 = arith.index_cast %swap3A_431 : i32 to index
    %swap3A_434 = arith.index_cast %swap3A_432 : i32 to index
    %swap3A_435 = arith.constant 64 : index
    %swap3A_436 = tpu.vector_load %arg11[%swap3A_433, %swap3A_434, %swap3A_435] {strides = array<i32>} : memref<4x2x128xi32, #tpu.memory_space<vmem>>, vector<16xi32>,
    tpu.vector_store %arg11[%swap3A_433, %swap3A_434, %swap3A_435], %add3A_430 {strides = array<i32>} : memref<4x2x128xi32, #tpu.memory_space<vmem>>, vector<16xi32>,
    %add3A_437 = arith.constant 128 : i32
    %add3A_438 = vector.broadcast %add3A_437 : i32 to vector<16xi32>
    %add3A_439 = arith.addi %add3A_427, %add3A_438 : vector<16xi32>
    %swap3A_440 = arith.constant 1 : i32
    %swap3A_441 = arith.constant 0 : i32
    %swap3A_442 = arith.index_cast %swap3A_440 : i32 to index
    %swap3A_443 = arith.index_cast %swap3A_441 : i32 to index
    %swap3A_444 = arith.constant 64 : index
    %swap3A_445 = tpu.vector_load %arg11[%swap3A_442, %swap3A_443, %swap3A_444] {strides = array<i32>} : memref<4x2x128xi32, #tpu.memory_space<vmem>>, vector<16xi32>,
    tpu.vector_store %arg11[%swap3A_442, %swap3A_443, %swap3A_444], %add3A_439 {strides = array<i32>} : memref<4x2x128xi32, #tpu.memory_space<vmem>>, vector<16xi32>,
    %add3A_446 = arith.constant 256 : i32
    %add3A_447 = vector.broadcast %add3A_446 : i32 to vector<16xi32>
    %add3A_448 = arith.addi %add3A_427, %add3A_447 : vector<16xi32>
    %swap3A_449 = arith.constant 2 : i32
    %swap3A_450 = arith.constant 0 : i32
    %swap3A_451 = arith.index_cast %swap3A_449 : i32 to index
    %swap3A_452 = arith.index_cast %swap3A_450 : i32 to index
    %swap3A_453 = arith.constant 64 : index
    %swap3A_454 = tpu.vector_load %arg11[%swap3A_451, %swap3A_452, %swap3A_453] {strides = array<i32>} : memref<4x2x128xi32, #tpu.memory_space<vmem>>, vector<16xi32>,
    tpu.vector_store %arg11[%swap3A_451, %swap3A_452, %swap3A_453], %add3A_448 {strides = array<i32>} : memref<4x2x128xi32, #tpu.memory_space<vmem>>, vector<16xi32>,
    %add3A_455 = arith.constant 384 : i32
    %add3A_456 = vector.broadcast %add3A_455 : i32 to vector<16xi32>
    %add3A_457 = arith.addi %add3A_427, %add3A_456 : vector<16xi32>
    %swap3A_458 = arith.constant 3 : i32
    %swap3A_459 = arith.constant 0 : i32
    %swap3A_460 = arith.index_cast %swap3A_458 : i32 to index
    %swap3A_461 = arith.index_cast %swap3A_459 : i32 to index
    %swap3A_462 = arith.constant 64 : index
    %swap3A_463 = tpu.vector_load %arg11[%swap3A_460, %swap3A_461, %swap3A_462] {strides = array<i32>} : memref<4x2x128xi32, #tpu.memory_space<vmem>>, vector<16xi32>,
    tpu.vector_store %arg11[%swap3A_460, %swap3A_461, %swap3A_462], %add3A_457 {strides = array<i32>} : memref<4x2x128xi32, #tpu.memory_space<vmem>>, vector<16xi32>,
    %get3A_464 = arith.constant 80 : index
    %get3A_465 = tpu.vector_load %arg8[%get3A_464] {strides = array<i32>} : memref<256xi32, #tpu.memory_space<vmem>>, vector<16xi32>,
    %get3A_466 = arith.constant 80 : index
    %get3A_467 = tpu.vector_load %arg9[%get3A_466] {strides = array<i32>} : memref<256xi32, #tpu.memory_space<vmem>>, vector<16xi32>,
    %mul3A_468 = arith.constant 65536 : i32
    %mul3A_469 = vector.broadcast %mul3A_468 : i32 to vector<16xi32>
    %mul3A_470 = arith.muli %get3A_465, %mul3A_469 : vector<16xi32>
    %shift_right_arithmetic3A_471 = arith.constant 11 : i32
    %shift_right_arithmetic3A_472 = vector.broadcast %shift_right_arithmetic3A_471 : i32 to vector<16xi32>
    %shift_right_arithmetic3A_473 = arith.shrsi %get3A_467, %shift_right_arithmetic3A_472 : vector<16xi32>
    %shift_left3A_474 = arith.constant 11 : i32
    %shift_left3A_475 = vector.broadcast %shift_left3A_474 : i32 to vector<16xi32>
    %shift_left3A_476 = arith.shli %shift_right_arithmetic3A_473, %shift_left3A_475 : vector<16xi32>
    %add3A_477 = arith.addi %mul3A_470, %shift_left3A_476 : vector<16xi32>
    %shift_right_arithmetic3A_478 = arith.constant 7 : i32
    %shift_right_arithmetic3A_479 = vector.broadcast %shift_right_arithmetic3A_478 : i32 to vector<16xi32>
    %shift_right_arithmetic3A_480 = arith.shrsi %get3A_467, %shift_right_arithmetic3A_479 : vector<16xi32>
    %and3A_481 = arith.constant 1 : i32
    %and3A_482 = vector.broadcast %and3A_481 : i32 to vector<16xi32>
    %and3A_483 = arith.andi %shift_right_arithmetic3A_480, %and3A_482 : vector<16xi32>
    %mul3A_484 = arith.constant 1024 : i32
    %mul3A_485 = vector.broadcast %mul3A_484 : i32 to vector<16xi32>
    %mul3A_486 = arith.muli %and3A_483, %mul3A_485 : vector<16xi32>
    %add3A_487 = arith.addi %add3A_477, %mul3A_486 : vector<16xi32>
    %shift_right_arithmetic3A_488 = arith.constant 8 : i32
    %shift_right_arithmetic3A_489 = vector.broadcast %shift_right_arithmetic3A_488 : i32 to vector<16xi32>
    %shift_right_arithmetic3A_490 = arith.shrsi %get3A_467, %shift_right_arithmetic3A_489 : vector<16xi32>
    %and3A_491 = arith.constant 7 : i32
    %and3A_492 = vector.broadcast %and3A_491 : i32 to vector<16xi32>
    %and3A_493 = arith.andi %shift_right_arithmetic3A_490, %and3A_492 : vector<16xi32>
    %shift_left3A_494 = arith.constant 7 : i32
    %shift_left3A_495 = vector.broadcast %shift_left3A_494 : i32 to vector<16xi32>
    %shift_left3A_496 = arith.shli %and3A_493, %shift_left3A_495 : vector<16xi32>
    %add3A_497 = arith.addi %add3A_487, %shift_left3A_496 : vector<16xi32>
    %and3A_498 = arith.constant 127 : i32
    %and3A_499 = vector.broadcast %and3A_498 : i32 to vector<16xi32>
    %and3A_500 = arith.andi %get3A_467, %and3A_499 : vector<16xi32>
    %add3A_501 = arith.addi %add3A_497, %and3A_500 : vector<16xi32>
    %swap3A_502 = arith.constant 0 : i32
    %swap3A_503 = arith.index_cast %swap3A_502 : i32 to index
    %swap3A_504 = arith.constant 80 : index
    %swap3A_505 = tpu.vector_load %arg10[%swap3A_503, %swap3A_504] {strides = array<i32>} : memref<2x128xi32, #tpu.memory_space<vmem>>, vector<16xi32>,
    tpu.vector_store %arg10[%swap3A_503, %swap3A_504], %add3A_501 {strides = array<i32>} : memref<2x128xi32, #tpu.memory_space<vmem>>, vector<16xi32>,
    %mul3A_506 = arith.constant 262144 : i32
    %mul3A_507 = vector.broadcast %mul3A_506 : i32 to vector<16xi32>
    %mul3A_508 = arith.muli %get3A_465, %mul3A_507 : vector<16xi32>
    %shift_right_arithmetic3A_509 = arith.constant 7 : i32
    %shift_right_arithmetic3A_510 = vector.broadcast %shift_right_arithmetic3A_509 : i32 to vector<16xi32>
    %shift_right_arithmetic3A_511 = arith.shrsi %get3A_467, %shift_right_arithmetic3A_510 : vector<16xi32>
    %shift_left3A_512 = arith.constant 9 : i32
    %shift_left3A_513 = vector.broadcast %shift_left3A_512 : i32 to vector<16xi32>
    %shift_left3A_514 = arith.shli %shift_right_arithmetic3A_511, %shift_left3A_513 : vector<16xi32>
    %add3A_515 = arith.addi %mul3A_508, %shift_left3A_514 : vector<16xi32>
    %and3A_516 = arith.constant 127 : i32
    %and3A_517 = vector.broadcast %and3A_516 : i32 to vector<16xi32>
    %and3A_518 = arith.andi %get3A_467, %and3A_517 : vector<16xi32>
    %add3A_519 = arith.addi %add3A_515, %and3A_518 : vector<16xi32>
    %add3A_520 = arith.constant 0 : i32
    %add3A_521 = vector.broadcast %add3A_520 : i32 to vector<16xi32>
    %add3A_522 = arith.addi %add3A_519, %add3A_521 : vector<16xi32>
    %swap3A_523 = arith.constant 0 : i32
    %swap3A_524 = arith.constant 0 : i32
    %swap3A_525 = arith.index_cast %swap3A_523 : i32 to index
    %swap3A_526 = arith.index_cast %swap3A_524 : i32 to index
    %swap3A_527 = arith.constant 80 : index
    %swap3A_528 = tpu.vector_load %arg11[%swap3A_525, %swap3A_526, %swap3A_527] {strides = array<i32>} : memref<4x2x128xi32, #tpu.memory_space<vmem>>, vector<16xi32>,
    tpu.vector_store %arg11[%swap3A_525, %swap3A_526, %swap3A_527], %add3A_522 {strides = array<i32>} : memref<4x2x128xi32, #tpu.memory_space<vmem>>, vector<16xi32>,
    %add3A_529 = arith.constant 128 : i32
    %add3A_530 = vector.broadcast %add3A_529 : i32 to vector<16xi32>
    %add3A_531 = arith.addi %add3A_519, %add3A_530 : vector<16xi32>
    %swap3A_532 = arith.constant 1 : i32
    %swap3A_533 = arith.constant 0 : i32
    %swap3A_534 = arith.index_cast %swap3A_532 : i32 to index
    %swap3A_535 = arith.index_cast %swap3A_533 : i32 to index
    %swap3A_536 = arith.constant 80 : index
    %swap3A_537 = tpu.vector_load %arg11[%swap3A_534, %swap3A_535, %swap3A_536] {strides = array<i32>} : memref<4x2x128xi32, #tpu.memory_space<vmem>>, vector<16xi32>,
    tpu.vector_store %arg11[%swap3A_534, %swap3A_535, %swap3A_536], %add3A_531 {strides = array<i32>} : memref<4x2x128xi32, #tpu.memory_space<vmem>>, vector<16xi32>,
    %add3A_538 = arith.constant 256 : i32
    %add3A_539 = vector.broadcast %add3A_538 : i32 to vector<16xi32>
    %add3A_540 = arith.addi %add3A_519, %add3A_539 : vector<16xi32>
    %swap3A_541 = arith.constant 2 : i32
    %swap3A_542 = arith.constant 0 : i32
    %swap3A_543 = arith.index_cast %swap3A_541 : i32 to index
    %swap3A_544 = arith.index_cast %swap3A_542 : i32 to index
    %swap3A_545 = arith.constant 80 : index
    %swap3A_546 = tpu.vector_load %arg11[%swap3A_543, %swap3A_544, %swap3A_545] {strides = array<i32>} : memref<4x2x128xi32, #tpu.memory_space<vmem>>, vector<16xi32>,
    tpu.vector_store %arg11[%swap3A_543, %swap3A_544, %swap3A_545], %add3A_540 {strides = array<i32>} : memref<4x2x128xi32, #tpu.memory_space<vmem>>, vector<16xi32>,
    %add3A_547 = arith.constant 384 : i32
    %add3A_548 = vector.broadcast %add3A_547 : i32 to vector<16xi32>
    %add3A_549 = arith.addi %add3A_519, %add3A_548 : vector<16xi32>
    %swap3A_550 = arith.constant 3 : i32
    %swap3A_551 = arith.constant 0 : i32
    %swap3A_552 = arith.index_cast %swap3A_550 : i32 to index
    %swap3A_553 = arith.index_cast %swap3A_551 : i32 to index
    %swap3A_554 = arith.constant 80 : index
    %swap3A_555 = tpu.vector_load %arg11[%swap3A_552, %swap3A_553, %swap3A_554] {strides = array<i32>} : memref<4x2x128xi32, #tpu.memory_space<vmem>>, vector<16xi32>,
    tpu.vector_store %arg11[%swap3A_552, %swap3A_553, %swap3A_554], %add3A_549 {strides = array<i32>} : memref<4x2x128xi32, #tpu.memory_space<vmem>>, vector<16xi32>,
    %get3A_556 = arith.constant 96 : index
    %get3A_557 = tpu.vector_load %arg8[%get3A_556] {strides = array<i32>} : memref<256xi32, #tpu.memory_space<vmem>>, vector<16xi32>,
    %get3A_558 = arith.constant 96 : index
    %get3A_559 = tpu.vector_load %arg9[%get3A_558] {strides = array<i32>} : memref<256xi32, #tpu.memory_space<vmem>>, vector<16xi32>,
    %mul3A_560 = arith.constant 65536 : i32
    %mul3A_561 = vector.broadcast %mul3A_560 : i32 to vector<16xi32>
    %mul3A_562 = arith.muli %get3A_557, %mul3A_561 : vector<16xi32>
    %shift_right_arithmetic3A_563 = arith.constant 11 : i32
    %shift_right_arithmetic3A_564 = vector.broadcast %shift_right_arithmetic3A_563 : i32 to vector<16xi32>
    %shift_right_arithmetic3A_565 = arith.shrsi %get3A_559, %shift_right_arithmetic3A_564 : vector<16xi32>
    %shift_left3A_566 = arith.constant 11 : i32
    %shift_left3A_567 = vector.broadcast %shift_left3A_566 : i32 to vector<16xi32>
    %shift_left3A_568 = arith.shli %shift_right_arithmetic3A_565, %shift_left3A_567 : vector<16xi32>
    %add3A_569 = arith.addi %mul3A_562, %shift_left3A_568 : vector<16xi32>
    %shift_right_arithmetic3A_570 = arith.constant 7 : i32
    %shift_right_arithmetic3A_571 = vector.broadcast %shift_right_arithmetic3A_570 : i32 to vector<16xi32>
    %shift_right_arithmetic3A_572 = arith.shrsi %get3A_559, %shift_right_arithmetic3A_571 : vector<16xi32>
    %and3A_573 = arith.constant 1 : i32
    %and3A_574 = vector.broadcast %and3A_573 : i32 to vector<16xi32>
    %and3A_575 = arith.andi %shift_right_arithmetic3A_572, %and3A_574 : vector<16xi32>
    %mul3A_576 = arith.constant 1024 : i32
    %mul3A_577 = vector.broadcast %mul3A_576 : i32 to vector<16xi32>
    %mul3A_578 = arith.muli %and3A_575, %mul3A_577 : vector<16xi32>
    %add3A_579 = arith.addi %add3A_569, %mul3A_578 : vector<16xi32>
    %shift_right_arithmetic3A_580 = arith.constant 8 : i32
    %shift_right_arithmetic3A_581 = vector.broadcast %shift_right_arithmetic3A_580 : i32 to vector<16xi32>
    %shift_right_arithmetic3A_582 = arith.shrsi %get3A_559, %shift_right_arithmetic3A_581 : vector<16xi32>
    %and3A_583 = arith.constant 7 : i32
    %and3A_584 = vector.broadcast %and3A_583 : i32 to vector<16xi32>
    %and3A_585 = arith.andi %shift_right_arithmetic3A_582, %and3A_584 : vector<16xi32>
    %shift_left3A_586 = arith.constant 7 : i32
    %shift_left3A_587 = vector.broadcast %shift_left3A_586 : i32 to vector<16xi32>
    %shift_left3A_588 = arith.shli %and3A_585, %shift_left3A_587 : vector<16xi32>
    %add3A_589 = arith.addi %add3A_579, %shift_left3A_588 : vector<16xi32>
    %and3A_590 = arith.constant 127 : i32
    %and3A_591 = vector.broadcast %and3A_590 : i32 to vector<16xi32>
    %and3A_592 = arith.andi %get3A_559, %and3A_591 : vector<16xi32>
    %add3A_593 = arith.addi %add3A_589, %and3A_592 : vector<16xi32>
    %swap3A_594 = arith.constant 0 : i32
    %swap3A_595 = arith.index_cast %swap3A_594 : i32 to index
    %swap3A_596 = arith.constant 96 : index
    %swap3A_597 = tpu.vector_load %arg10[%swap3A_595, %swap3A_596] {strides = array<i32>} : memref<2x128xi32, #tpu.memory_space<vmem>>, vector<16xi32>,
    tpu.vector_store %arg10[%swap3A_595, %swap3A_596], %add3A_593 {strides = array<i32>} : memref<2x128xi32, #tpu.memory_space<vmem>>, vector<16xi32>,
    %mul3A_598 = arith.constant 262144 : i32
    %mul3A_599 = vector.broadcast %mul3A_598 : i32 to vector<16xi32>
    %mul3A_600 = arith.muli %get3A_557, %mul3A_599 : vector<16xi32>
    %shift_right_arithmetic3A_601 = arith.constant 7 : i32
    %shift_right_arithmetic3A_602 = vector.broadcast %shift_right_arithmetic3A_601 : i32 to vector<16xi32>
    %shift_right_arithmetic3A_603 = arith.shrsi %get3A_559, %shift_right_arithmetic3A_602 : vector<16xi32>
    %shift_left3A_604 = arith.constant 9 : i32
    %shift_left3A_605 = vector.broadcast %shift_left3A_604 : i32 to vector<16xi32>
    %shift_left3A_606 = arith.shli %shift_right_arithmetic3A_603, %shift_left3A_605 : vector<16xi32>
    %add3A_607 = arith.addi %mul3A_600, %shift_left3A_606 : vector<16xi32>
    %and3A_608 = arith.constant 127 : i32
    %and3A_609 = vector.broadcast %and3A_608 : i32 to vector<16xi32>
    %and3A_610 = arith.andi %get3A_559, %and3A_609 : vector<16xi32>
    %add3A_611 = arith.addi %add3A_607, %and3A_610 : vector<16xi32>
    %add3A_612 = arith.constant 0 : i32
    %add3A_613 = vector.broadcast %add3A_612 : i32 to vector<16xi32>
    %add3A_614 = arith.addi %add3A_611, %add3A_613 : vector<16xi32>
    %swap3A_615 = arith.constant 0 : i32
    %swap3A_616 = arith.constant 0 : i32
    %swap3A_617 = arith.index_cast %swap3A_615 : i32 to index
    %swap3A_618 = arith.index_cast %swap3A_616 : i32 to index
    %swap3A_619 = arith.constant 96 : index
    %swap3A_620 = tpu.vector_load %arg11[%swap3A_617, %swap3A_618, %swap3A_619] {strides = array<i32>} : memref<4x2x128xi32, #tpu.memory_space<vmem>>, vector<16xi32>,
    tpu.vector_store %arg11[%swap3A_617, %swap3A_618, %swap3A_619], %add3A_614 {strides = array<i32>} : memref<4x2x128xi32, #tpu.memory_space<vmem>>, vector<16xi32>,
    %add3A_621 = arith.constant 128 : i32
    %add3A_622 = vector.broadcast %add3A_621 : i32 to vector<16xi32>
    %add3A_623 = arith.addi %add3A_611, %add3A_622 : vector<16xi32>
    %swap3A_624 = arith.constant 1 : i32
    %swap3A_625 = arith.constant 0 : i32
    %swap3A_626 = arith.index_cast %swap3A_624 : i32 to index
    %swap3A_627 = arith.index_cast %swap3A_625 : i32 to index
    %swap3A_628 = arith.constant 96 : index
    %swap3A_629 = tpu.vector_load %arg11[%swap3A_626, %swap3A_627, %swap3A_628] {strides = array<i32>} : memref<4x2x128xi32, #tpu.memory_space<vmem>>, vector<16xi32>,
    tpu.vector_store %arg11[%swap3A_626, %swap3A_627, %swap3A_628], %add3A_623 {strides = array<i32>} : memref<4x2x128xi32, #tpu.memory_space<vmem>>, vector<16xi32>,
    %add3A_630 = arith.constant 256 : i32
    %add3A_631 = vector.broadcast %add3A_630 : i32 to vector<16xi32>
    %add3A_632 = arith.addi %add3A_611, %add3A_631 : vector<16xi32>
    %swap3A_633 = arith.constant 2 : i32
    %swap3A_634 = arith.constant 0 : i32
    %swap3A_635 = arith.index_cast %swap3A_633 : i32 to index
    %swap3A_636 = arith.index_cast %swap3A_634 : i32 to index
    %swap3A_637 = arith.constant 96 : index
    %swap3A_638 = tpu.vector_load %arg11[%swap3A_635, %swap3A_636, %swap3A_637] {strides = array<i32>} : memref<4x2x128xi32, #tpu.memory_space<vmem>>, vector<16xi32>,
    tpu.vector_store %arg11[%swap3A_635, %swap3A_636, %swap3A_637], %add3A_632 {strides = array<i32>} : memref<4x2x128xi32, #tpu.memory_space<vmem>>, vector<16xi32>,
    %add3A_639 = arith.constant 384 : i32
    %add3A_640 = vector.broadcast %add3A_639 : i32 to vector<16xi32>
    %add3A_641 = arith.addi %add3A_611, %add3A_640 : vector<16xi32>
    %swap3A_642 = arith.constant 3 : i32
    %swap3A_643 = arith.constant 0 : i32
    %swap3A_644 = arith.index_cast %swap3A_642 : i32 to index
    %swap3A_645 = arith.index_cast %swap3A_643 : i32 to index
    %swap3A_646 = arith.constant 96 : index
    %swap3A_647 = tpu.vector_load %arg11[%swap3A_644, %swap3A_645, %swap3A_646] {strides = array<i32>} : memref<4x2x128xi32, #tpu.memory_space<vmem>>, vector<16xi32>,
    tpu.vector_store %arg11[%swap3A_644, %swap3A_645, %swap3A_646], %add3A_641 {strides = array<i32>} : memref<4x2x128xi32, #tpu.memory_space<vmem>>, vector<16xi32>,
    %get3A_648 = arith.constant 112 : index
    %get3A_649 = tpu.vector_load %arg8[%get3A_648] {strides = array<i32>} : memref<256xi32, #tpu.memory_space<vmem>>, vector<16xi32>,
    %get3A_650 = arith.constant 112 : index
    %get3A_651 = tpu.vector_load %arg9[%get3A_650] {strides = array<i32>} : memref<256xi32, #tpu.memory_space<vmem>>, vector<16xi32>,
    %mul3A_652 = arith.constant 65536 : i32
    %mul3A_653 = vector.broadcast %mul3A_652 : i32 to vector<16xi32>
    %mul3A_654 = arith.muli %get3A_649, %mul3A_653 : vector<16xi32>
    %shift_right_arithmetic3A_655 = arith.constant 11 : i32
    %shift_right_arithmetic3A_656 = vector.broadcast %shift_right_arithmetic3A_655 : i32 to vector<16xi32>
    %shift_right_arithmetic3A_657 = arith.shrsi %get3A_651, %shift_right_arithmetic3A_656 : vector<16xi32>
    %shift_left3A_658 = arith.constant 11 : i32
    %shift_left3A_659 = vector.broadcast %shift_left3A_658 : i32 to vector<16xi32>
    %shift_left3A_660 = arith.shli %shift_right_arithmetic3A_657, %shift_left3A_659 : vector<16xi32>
    %add3A_661 = arith.addi %mul3A_654, %shift_left3A_660 : vector<16xi32>
    %shift_right_arithmetic3A_662 = arith.constant 7 : i32
    %shift_right_arithmetic3A_663 = vector.broadcast %shift_right_arithmetic3A_662 : i32 to vector<16xi32>
    %shift_right_arithmetic3A_664 = arith.shrsi %get3A_651, %shift_right_arithmetic3A_663 : vector<16xi32>
    %and3A_665 = arith.constant 1 : i32
    %and3A_666 = vector.broadcast %and3A_665 : i32 to vector<16xi32>
    %and3A_667 = arith.andi %shift_right_arithmetic3A_664, %and3A_666 : vector<16xi32>
    %mul3A_668 = arith.constant 1024 : i32
    %mul3A_669 = vector.broadcast %mul3A_668 : i32 to vector<16xi32>
    %mul3A_670 = arith.muli %and3A_667, %mul3A_669 : vector<16xi32>
    %add3A_671 = arith.addi %add3A_661, %mul3A_670 : vector<16xi32>
    %shift_right_arithmetic3A_672 = arith.constant 8 : i32
    %shift_right_arithmetic3A_673 = vector.broadcast %shift_right_arithmetic3A_672 : i32 to vector<16xi32>
    %shift_right_arithmetic3A_674 = arith.shrsi %get3A_651, %shift_right_arithmetic3A_673 : vector<16xi32>
    %and3A_675 = arith.constant 7 : i32
    %and3A_676 = vector.broadcast %and3A_675 : i32 to vector<16xi32>
    %and3A_677 = arith.andi %shift_right_arithmetic3A_674, %and3A_676 : vector<16xi32>
    %shift_left3A_678 = arith.constant 7 : i32
    %shift_left3A_679 = vector.broadcast %shift_left3A_678 : i32 to vector<16xi32>
    %shift_left3A_680 = arith.shli %and3A_677, %shift_left3A_679 : vector<16xi32>
    %add3A_681 = arith.addi %add3A_671, %shift_left3A_680 : vector<16xi32>
    %and3A_682 = arith.constant 127 : i32
    %and3A_683 = vector.broadcast %and3A_682 : i32 to vector<16xi32>
    %and3A_684 = arith.andi %get3A_651, %and3A_683 : vector<16xi32>
    %add3A_685 = arith.addi %add3A_681, %and3A_684 : vector<16xi32>
    %swap3A_686 = arith.constant 0 : i32
    %swap3A_687 = arith.index_cast %swap3A_686 : i32 to index
    %swap3A_688 = arith.constant 112 : index
    %swap3A_689 = tpu.vector_load %arg10[%swap3A_687, %swap3A_688] {strides = array<i32>} : memref<2x128xi32, #tpu.memory_space<vmem>>, vector<16xi32>,
    tpu.vector_store %arg10[%swap3A_687, %swap3A_688], %add3A_685 {strides = array<i32>} : memref<2x128xi32, #tpu.memory_space<vmem>>, vector<16xi32>,
    %mul3A_690 = arith.constant 262144 : i32
    %mul3A_691 = vector.broadcast %mul3A_690 : i32 to vector<16xi32>
    %mul3A_692 = arith.muli %get3A_649, %mul3A_691 : vector<16xi32>
    %shift_right_arithmetic3A_693 = arith.constant 7 : i32
    %shift_right_arithmetic3A_694 = vector.broadcast %shift_right_arithmetic3A_693 : i32 to vector<16xi32>
    %shift_right_arithmetic3A_695 = arith.shrsi %get3A_651, %shift_right_arithmetic3A_694 : vector<16xi32>
    %shift_left3A_696 = arith.constant 9 : i32
    %shift_left3A_697 = vector.broadcast %shift_left3A_696 : i32 to vector<16xi32>
    %shift_left3A_698 = arith.shli %shift_right_arithmetic3A_695, %shift_left3A_697 : vector<16xi32>
    %add3A_699 = arith.addi %mul3A_692, %shift_left3A_698 : vector<16xi32>
    %and3A_700 = arith.constant 127 : i32
    %and3A_701 = vector.broadcast %and3A_700 : i32 to vector<16xi32>
    %and3A_702 = arith.andi %get3A_651, %and3A_701 : vector<16xi32>
    %add3A_703 = arith.addi %add3A_699, %and3A_702 : vector<16xi32>
    %add3A_704 = arith.constant 0 : i32
    %add3A_705 = vector.broadcast %add3A_704 : i32 to vector<16xi32>
    %add3A_706 = arith.addi %add3A_703, %add3A_705 : vector<16xi32>
    %swap3A_707 = arith.constant 0 : i32
    %swap3A_708 = arith.constant 0 : i32
    %swap3A_709 = arith.index_cast %swap3A_707 : i32 to index
    %swap3A_710 = arith.index_cast %swap3A_708 : i32 to index
    %swap3A_711 = arith.constant 112 : index
    %swap3A_712 = tpu.vector_load %arg11[%swap3A_709, %swap3A_710, %swap3A_711] {strides = array<i32>} : memref<4x2x128xi32, #tpu.memory_space<vmem>>, vector<16xi32>,
    tpu.vector_store %arg11[%swap3A_709, %swap3A_710, %swap3A_711], %add3A_706 {strides = array<i32>} : memref<4x2x128xi32, #tpu.memory_space<vmem>>, vector<16xi32>,
    %add3A_713 = arith.constant 128 : i32
    %add3A_714 = vector.broadcast %add3A_713 : i32 to vector<16xi32>
    %add3A_715 = arith.addi %add3A_703, %add3A_714 : vector<16xi32>
    %swap3A_716 = arith.constant 1 : i32
    %swap3A_717 = arith.constant 0 : i32
    %swap3A_718 = arith.index_cast %swap3A_716 : i32 to index
    %swap3A_719 = arith.index_cast %swap3A_717 : i32 to index
    %swap3A_720 = arith.constant 112 : index
    %swap3A_721 = tpu.vector_load %arg11[%swap3A_718, %swap3A_719, %swap3A_720] {strides = array<i32>} : memref<4x2x128xi32, #tpu.memory_space<vmem>>, vector<16xi32>,
    tpu.vector_store %arg11[%swap3A_718, %swap3A_719, %swap3A_720], %add3A_715 {strides = array<i32>} : memref<4x2x128xi32, #tpu.memory_space<vmem>>, vector<16xi32>,
    %add3A_722 = arith.constant 256 : i32
    %add3A_723 = vector.broadcast %add3A_722 : i32 to vector<16xi32>
    %add3A_724 = arith.addi %add3A_703, %add3A_723 : vector<16xi32>
    %swap3A_725 = arith.constant 2 : i32
    %swap3A_726 = arith.constant 0 : i32
    %swap3A_727 = arith.index_cast %swap3A_725 : i32 to index
    %swap3A_728 = arith.index_cast %swap3A_726 : i32 to index
    %swap3A_729 = arith.constant 112 : index
    %swap3A_730 = tpu.vector_load %arg11[%swap3A_727, %swap3A_728, %swap3A_729] {strides = array<i32>} : memref<4x2x128xi32, #tpu.memory_space<vmem>>, vector<16xi32>,
    tpu.vector_store %arg11[%swap3A_727, %swap3A_728, %swap3A_729], %add3A_724 {strides = array<i32>} : memref<4x2x128xi32, #tpu.memory_space<vmem>>, vector<16xi32>,
    %add3A_731 = arith.constant 384 : i32
    %add3A_732 = vector.broadcast %add3A_731 : i32 to vector<16xi32>
    %add3A_733 = arith.addi %add3A_703, %add3A_732 : vector<16xi32>
    %swap3A_734 = arith.constant 3 : i32
    %swap3A_735 = arith.constant 0 : i32
    %swap3A_736 = arith.index_cast %swap3A_734 : i32 to index
    %swap3A_737 = arith.index_cast %swap3A_735 : i32 to index
    %swap3A_738 = arith.constant 112 : index
    %swap3A_739 = tpu.vector_load %arg11[%swap3A_736, %swap3A_737, %swap3A_738] {strides = array<i32>} : memref<4x2x128xi32, #tpu.memory_space<vmem>>, vector<16xi32>,
    tpu.vector_store %arg11[%swap3A_736, %swap3A_737, %swap3A_738], %add3A_733 {strides = array<i32>} : memref<4x2x128xi32, #tpu.memory_space<vmem>>, vector<16xi32>,
    %dma_start3A_740 = arith.constant 0 : i32
    %dma_start3A_741 = arith.constant 0 : i32
    %dma_start3A_742 = arith.constant 0 : i32
    %dma_start3A_743 = tpu.memref_slice %arg13[%dma_start3A_741, %dma_start3A_742] : memref<2x128xf32, #tpu.memory_space<vmem>> -> memref<1x128xf32, #tpu.memory_space<vmem>>
    %dma_start3A_744 = tpu.memref_squeeze %dma_start3A_743 : memref<1x128xf32, #tpu.memory_space<vmem>> -> memref<128xf32, #tpu.memory_space<vmem>>
    %dma_start3A_745 = arith.constant 0 : i32
    %dma_start3A_746 = tpu.memref_slice %arg10[%dma_start3A_740, %dma_start3A_745] : memref<2x128xi32, #tpu.memory_space<vmem>> -> memref<1x128xi32, #tpu.memory_space<vmem>>
    %dma_start3A_747 = tpu.memref_squeeze %dma_start3A_746 : memref<1x128xi32, #tpu.memory_space<vmem>> -> memref<128xi32, #tpu.memory_space<vmem>>
    %dma_start3A_748 = arith.constant 0 : i32
    %dma_start3A_749 = tpu.memref_slice %arg6[%dma_start3A_748] : memref<2097152xf32, #tpu.memory_space<hbm>> -> memref<2097152xf32, #tpu.memory_space<hbm>>
    tpu.enqueue_indirect_dma source(%dma_start3A_749 : memref<2097152xf32, #tpu.memory_space<hbm>>) target(%dma_start3A_744 : memref<128xf32, #tpu.memory_space<vmem>>) offsets(%dma_start3A_747 : memref<128xi32, #tpu.memory_space<vmem>>) semaphore(%arg16 : memref<!tpu.dma_semaphore, #tpu.memory_space<semaphore_mem>>)
    %dma_start3A_750 = arith.constant 0 : i32
    %dma_start3A_751 = arith.constant 0 : i32
    %dma_start3A_752 = arith.constant 0 : i32
    %dma_start3A_753 = arith.constant 0 : i32
    %dma_start3A_754 = arith.constant 0 : i32
    %dma_start3A_755 = tpu.memref_slice %arg12[%dma_start3A_752, %dma_start3A_753, %dma_start3A_754] : memref<4x2x128xf32, #tpu.memory_space<vmem>> -> memref<1x1x128xf32, #tpu.memory_space<vmem>>
    %dma_start3A_756 = tpu.memref_squeeze %dma_start3A_755 : memref<1x1x128xf32, #tpu.memory_space<vmem>> -> memref<128xf32, #tpu.memory_space<vmem>>
    %dma_start3A_757 = arith.constant 0 : i32
    %dma_start3A_758 = tpu.memref_slice %arg11[%dma_start3A_750, %dma_start3A_751, %dma_start3A_757] : memref<4x2x128xi32, #tpu.memory_space<vmem>> -> memref<1x1x128xi32, #tpu.memory_space<vmem>>
    %dma_start3A_759 = tpu.memref_squeeze %dma_start3A_758 : memref<1x1x128xi32, #tpu.memory_space<vmem>> -> memref<128xi32, #tpu.memory_space<vmem>>
    %dma_start3A_760 = arith.constant 0 : i32
    %dma_start3A_761 = tpu.memref_slice %arg4[%dma_start3A_760] : memref<8388608xf32, #tpu.memory_space<hbm>> -> memref<8388608xf32, #tpu.memory_space<hbm>>
    tpu.enqueue_indirect_dma source(%dma_start3A_761 : memref<8388608xf32, #tpu.memory_space<hbm>>) target(%dma_start3A_756 : memref<128xf32, #tpu.memory_space<vmem>>) offsets(%dma_start3A_759 : memref<128xi32, #tpu.memory_space<vmem>>) semaphore(%arg16 : memref<!tpu.dma_semaphore, #tpu.memory_space<semaphore_mem>>)
    %dma_start3A_762 = arith.constant 1 : i32
    %dma_start3A_763 = arith.constant 0 : i32
    %dma_start3A_764 = arith.constant 1 : i32
    %dma_start3A_765 = arith.constant 0 : i32
    %dma_start3A_766 = arith.constant 0 : i32
    %dma_start3A_767 = tpu.memref_slice %arg12[%dma_start3A_764, %dma_start3A_765, %dma_start3A_766] : memref<4x2x128xf32, #tpu.memory_space<vmem>> -> memref<1x1x128xf32, #tpu.memory_space<vmem>>
    %dma_start3A_768 = tpu.memref_squeeze %dma_start3A_767 : memref<1x1x128xf32, #tpu.memory_space<vmem>> -> memref<128xf32, #tpu.memory_space<vmem>>
    %dma_start3A_769 = arith.constant 0 : i32
    %dma_start3A_770 = tpu.memref_slice %arg11[%dma_start3A_762, %dma_start3A_763, %dma_start3A_769] : memref<4x2x128xi32, #tpu.memory_space<vmem>> -> memref<1x1x128xi32, #tpu.memory_space<vmem>>
    %dma_start3A_771 = tpu.memref_squeeze %dma_start3A_770 : memref<1x1x128xi32, #tpu.memory_space<vmem>> -> memref<128xi32, #tpu.memory_space<vmem>>
    %dma_start3A_772 = arith.constant 0 : i32
    %dma_start3A_773 = tpu.memref_slice %arg4[%dma_start3A_772] : memref<8388608xf32, #tpu.memory_space<hbm>> -> memref<8388608xf32, #tpu.memory_space<hbm>>
    tpu.enqueue_indirect_dma source(%dma_start3A_773 : memref<8388608xf32, #tpu.memory_space<hbm>>) target(%dma_start3A_768 : memref<128xf32, #tpu.memory_space<vmem>>) offsets(%dma_start3A_771 : memref<128xi32, #tpu.memory_space<vmem>>) semaphore(%arg16 : memref<!tpu.dma_semaphore, #tpu.memory_space<semaphore_mem>>)
    %dma_start3A_774 = arith.constant 2 : i32
    %dma_start3A_775 = arith.constant 0 : i32
    %dma_start3A_776 = arith.constant 2 : i32
    %dma_start3A_777 = arith.constant 0 : i32
    %dma_start3A_778 = arith.constant 0 : i32
    %dma_start3A_779 = tpu.memref_slice %arg12[%dma_start3A_776, %dma_start3A_777, %dma_start3A_778] : memref<4x2x128xf32, #tpu.memory_space<vmem>> -> memref<1x1x128xf32, #tpu.memory_space<vmem>>
    %dma_start3A_780 = tpu.memref_squeeze %dma_start3A_779 : memref<1x1x128xf32, #tpu.memory_space<vmem>> -> memref<128xf32, #tpu.memory_space<vmem>>
    %dma_start3A_781 = arith.constant 0 : i32
    %dma_start3A_782 = tpu.memref_slice %arg11[%dma_start3A_774, %dma_start3A_775, %dma_start3A_781] : memref<4x2x128xi32, #tpu.memory_space<vmem>> -> memref<1x1x128xi32, #tpu.memory_space<vmem>>
    %dma_start3A_783 = tpu.memref_squeeze %dma_start3A_782 : memref<1x1x128xi32, #tpu.memory_space<vmem>> -> memref<128xi32, #tpu.memory_space<vmem>>
    %dma_start3A_784 = arith.constant 0 : i32
    %dma_start3A_785 = tpu.memref_slice %arg4[%dma_start3A_784] : memref<8388608xf32, #tpu.memory_space<hbm>> -> memref<8388608xf32, #tpu.memory_space<hbm>>
    tpu.enqueue_indirect_dma source(%dma_start3A_785 : memref<8388608xf32, #tpu.memory_space<hbm>>) target(%dma_start3A_780 : memref<128xf32, #tpu.memory_space<vmem>>) offsets(%dma_start3A_783 : memref<128xi32, #tpu.memory_space<vmem>>) semaphore(%arg16 : memref<!tpu.dma_semaphore, #tpu.memory_space<semaphore_mem>>)
    %dma_start3A_786 = arith.constant 3 : i32
    %dma_start3A_787 = arith.constant 0 : i32
    %dma_start3A_788 = arith.constant 3 : i32
    %dma_start3A_789 = arith.constant 0 : i32
    %dma_start3A_790 = arith.constant 0 : i32
    %dma_start3A_791 = tpu.memref_slice %arg12[%dma_start3A_788, %dma_start3A_789, %dma_start3A_790] : memref<4x2x128xf32, #tpu.memory_space<vmem>> -> memref<1x1x128xf32, #tpu.memory_space<vmem>>
    %dma_start3A_792 = tpu.memref_squeeze %dma_start3A_791 : memref<1x1x128xf32, #tpu.memory_space<vmem>> -> memref<128xf32, #tpu.memory_space<vmem>>
    %dma_start3A_793 = arith.constant 0 : i32
    %dma_start3A_794 = tpu.memref_slice %arg11[%dma_start3A_786, %dma_start3A_787, %dma_start3A_793] : memref<4x2x128xi32, #tpu.memory_space<vmem>> -> memref<1x1x128xi32, #tpu.memory_space<vmem>>
    %dma_start3A_795 = tpu.memref_squeeze %dma_start3A_794 : memref<1x1x128xi32, #tpu.memory_space<vmem>> -> memref<128xi32, #tpu.memory_space<vmem>>
    %dma_start3A_796 = arith.constant 0 : i32
    %dma_start3A_797 = tpu.memref_slice %arg4[%dma_start3A_796] : memref<8388608xf32, #tpu.memory_space<hbm>> -> memref<8388608xf32, #tpu.memory_space<hbm>>
    tpu.enqueue_indirect_dma source(%dma_start3A_797 : memref<8388608xf32, #tpu.memory_space<hbm>>) target(%dma_start3A_792 : memref<128xf32, #tpu.memory_space<vmem>>) offsets(%dma_start3A_795 : memref<128xi32, #tpu.memory_space<vmem>>) semaphore(%arg16 : memref<!tpu.dma_semaphore, #tpu.memory_space<semaphore_mem>>)
    %get3A_798 = arith.constant 128 : index
    %get3A_799 = tpu.vector_load %arg8[%get3A_798] {strides = array<i32>} : memref<256xi32, #tpu.memory_space<vmem>>, vector<16xi32>,
    %get3A_800 = arith.constant 128 : index
    %get3A_801 = tpu.vector_load %arg9[%get3A_800] {strides = array<i32>} : memref<256xi32, #tpu.memory_space<vmem>>, vector<16xi32>,
    %mul3A_802 = arith.constant 65536 : i32
    %mul3A_803 = vector.broadcast %mul3A_802 : i32 to vector<16xi32>
    %mul3A_804 = arith.muli %get3A_799, %mul3A_803 : vector<16xi32>
    %shift_right_arithmetic3A_805 = arith.constant 11 : i32
    %shift_right_arithmetic3A_806 = vector.broadcast %shift_right_arithmetic3A_805 : i32 to vector<16xi32>
    %shift_right_arithmetic3A_807 = arith.shrsi %get3A_801, %shift_right_arithmetic3A_806 : vector<16xi32>
    %shift_left3A_808 = arith.constant 11 : i32
    %shift_left3A_809 = vector.broadcast %shift_left3A_808 : i32 to vector<16xi32>
    %shift_left3A_810 = arith.shli %shift_right_arithmetic3A_807, %shift_left3A_809 : vector<16xi32>
    %add3A_811 = arith.addi %mul3A_804, %shift_left3A_810 : vector<16xi32>
    %shift_right_arithmetic3A_812 = arith.constant 7 : i32
    %shift_right_arithmetic3A_813 = vector.broadcast %shift_right_arithmetic3A_812 : i32 to vector<16xi32>
    %shift_right_arithmetic3A_814 = arith.shrsi %get3A_801, %shift_right_arithmetic3A_813 : vector<16xi32>
    %and3A_815 = arith.constant 1 : i32
    %and3A_816 = vector.broadcast %and3A_815 : i32 to vector<16xi32>
    %and3A_817 = arith.andi %shift_right_arithmetic3A_814, %and3A_816 : vector<16xi32>
    %mul3A_818 = arith.constant 1024 : i32
    %mul3A_819 = vector.broadcast %mul3A_818 : i32 to vector<16xi32>
    %mul3A_820 = arith.muli %and3A_817, %mul3A_819 : vector<16xi32>
    %add3A_821 = arith.addi %add3A_811, %mul3A_820 : vector<16xi32>
    %shift_right_arithmetic3A_822 = arith.constant 8 : i32
    %shift_right_arithmetic3A_823 = vector.broadcast %shift_right_arithmetic3A_822 : i32 to vector<16xi32>
    %shift_right_arithmetic3A_824 = arith.shrsi %get3A_801, %shift_right_arithmetic3A_823 : vector<16xi32>
    %and3A_825 = arith.constant 7 : i32
    %and3A_826 = vector.broadcast %and3A_825 : i32 to vector<16xi32>
    %and3A_827 = arith.andi %shift_right_arithmetic3A_824, %and3A_826 : vector<16xi32>
    %shift_left3A_828 = arith.constant 7 : i32
    %shift_left3A_829 = vector.broadcast %shift_left3A_828 : i32 to vector<16xi32>
    %shift_left3A_830 = arith.shli %and3A_827, %shift_left3A_829 : vector<16xi32>
    %add3A_831 = arith.addi %add3A_821, %shift_left3A_830 : vector<16xi32>
    %and3A_832 = arith.constant 127 : i32
    %and3A_833 = vector.broadcast %and3A_832 : i32 to vector<16xi32>
    %and3A_834 = arith.andi %get3A_801, %and3A_833 : vector<16xi32>
    %add3A_835 = arith.addi %add3A_831, %and3A_834 : vector<16xi32>
    %swap3A_836 = arith.constant 1 : i32
    %swap3A_837 = arith.index_cast %swap3A_836 : i32 to index
    %swap3A_838 = arith.constant 0 : index
    %swap3A_839 = tpu.vector_load %arg10[%swap3A_837, %swap3A_838] {strides = array<i32>} : memref<2x128xi32, #tpu.memory_space<vmem>>, vector<16xi32>,
    tpu.vector_store %arg10[%swap3A_837, %swap3A_838], %add3A_835 {strides = array<i32>} : memref<2x128xi32, #tpu.memory_space<vmem>>, vector<16xi32>,
    %mul3A_840 = arith.constant 262144 : i32
    %mul3A_841 = vector.broadcast %mul3A_840 : i32 to vector<16xi32>
    %mul3A_842 = arith.muli %get3A_799, %mul3A_841 : vector<16xi32>
    %shift_right_arithmetic3A_843 = arith.constant 7 : i32
    %shift_right_arithmetic3A_844 = vector.broadcast %shift_right_arithmetic3A_843 : i32 to vector<16xi32>
    %shift_right_arithmetic3A_845 = arith.shrsi %get3A_801, %shift_right_arithmetic3A_844 : vector<16xi32>
    %shift_left3A_846 = arith.constant 9 : i32
    %shift_left3A_847 = vector.broadcast %shift_left3A_846 : i32 to vector<16xi32>
    %shift_left3A_848 = arith.shli %shift_right_arithmetic3A_845, %shift_left3A_847 : vector<16xi32>
    %add3A_849 = arith.addi %mul3A_842, %shift_left3A_848 : vector<16xi32>
    %and3A_850 = arith.constant 127 : i32
    %and3A_851 = vector.broadcast %and3A_850 : i32 to vector<16xi32>
    %and3A_852 = arith.andi %get3A_801, %and3A_851 : vector<16xi32>
    %add3A_853 = arith.addi %add3A_849, %and3A_852 : vector<16xi32>
    %add3A_854 = arith.constant 0 : i32
    %add3A_855 = vector.broadcast %add3A_854 : i32 to vector<16xi32>
    %add3A_856 = arith.addi %add3A_853, %add3A_855 : vector<16xi32>
    %swap3A_857 = arith.constant 0 : i32
    %swap3A_858 = arith.constant 1 : i32
    %swap3A_859 = arith.index_cast %swap3A_857 : i32 to index
    %swap3A_860 = arith.index_cast %swap3A_858 : i32 to index
    %swap3A_861 = arith.constant 0 : index
    %swap3A_862 = tpu.vector_load %arg11[%swap3A_859, %swap3A_860, %swap3A_861] {strides = array<i32>} : memref<4x2x128xi32, #tpu.memory_space<vmem>>, vector<16xi32>,
    tpu.vector_store %arg11[%swap3A_859, %swap3A_860, %swap3A_861], %add3A_856 {strides = array<i32>} : memref<4x2x128xi32, #tpu.memory_space<vmem>>, vector<16xi32>,
    %add3A_863 = arith.constant 128 : i32
    %add3A_864 = vector.broadcast %add3A_863 : i32 to vector<16xi32>
    %add3A_865 = arith.addi %add3A_853, %add3A_864 : vector<16xi32>
    %swap3A_866 = arith.constant 1 : i32
    %swap3A_867 = arith.constant 1 : i32
    %swap3A_868 = arith.index_cast %swap3A_866 : i32 to index
    %swap3A_869 = arith.index_cast %swap3A_867 : i32 to index
    %swap3A_870 = arith.constant 0 : index
    %swap3A_871 = tpu.vector_load %arg11[%swap3A_868, %swap3A_869, %swap3A_870] {strides = array<i32>} : memref<4x2x128xi32, #tpu.memory_space<vmem>>, vector<16xi32>,
    tpu.vector_store %arg11[%swap3A_868, %swap3A_869, %swap3A_870], %add3A_865 {strides = array<i32>} : memref<4x2x128xi32, #tpu.memory_space<vmem>>, vector<16xi32>,
    %add3A_872 = arith.constant 256 : i32
    %add3A_873 = vector.broadcast %add3A_872 : i32 to vector<16xi32>
    %add3A_874 = arith.addi %add3A_853, %add3A_873 : vector<16xi32>
    %swap3A_875 = arith.constant 2 : i32
    %swap3A_876 = arith.constant 1 : i32
    %swap3A_877 = arith.index_cast %swap3A_875 : i32 to index
    %swap3A_878 = arith.index_cast %swap3A_876 : i32 to index
    %swap3A_879 = arith.constant 0 : index
    %swap3A_880 = tpu.vector_load %arg11[%swap3A_877, %swap3A_878, %swap3A_879] {strides = array<i32>} : memref<4x2x128xi32, #tpu.memory_space<vmem>>, vector<16xi32>,
    tpu.vector_store %arg11[%swap3A_877, %swap3A_878, %swap3A_879], %add3A_874 {strides = array<i32>} : memref<4x2x128xi32, #tpu.memory_space<vmem>>, vector<16xi32>,
    %add3A_881 = arith.constant 384 : i32
    %add3A_882 = vector.broadcast %add3A_881 : i32 to vector<16xi32>
    %add3A_883 = arith.addi %add3A_853, %add3A_882 : vector<16xi32>
    %swap3A_884 = arith.constant 3 : i32
    %swap3A_885 = arith.constant 1 : i32
    %swap3A_886 = arith.index_cast %swap3A_884 : i32 to index
    %swap3A_887 = arith.index_cast %swap3A_885 : i32 to index
    %swap3A_888 = arith.constant 0 : index
    %swap3A_889 = tpu.vector_load %arg11[%swap3A_886, %swap3A_887, %swap3A_888] {strides = array<i32>} : memref<4x2x128xi32, #tpu.memory_space<vmem>>, vector<16xi32>,
    tpu.vector_store %arg11[%swap3A_886, %swap3A_887, %swap3A_888], %add3A_883 {strides = array<i32>} : memref<4x2x128xi32, #tpu.memory_space<vmem>>, vector<16xi32>,
    %get3A_890 = arith.constant 144 : index
    %get3A_891 = tpu.vector_load %arg8[%get3A_890] {strides = array<i32>} : memref<256xi32, #tpu.memory_space<vmem>>, vector<16xi32>,
    %get3A_892 = arith.constant 144 : index
    %get3A_893 = tpu.vector_load %arg9[%get3A_892] {strides = array<i32>} : memref<256xi32, #tpu.memory_space<vmem>>, vector<16xi32>,
    %mul3A_894 = arith.constant 65536 : i32
    %mul3A_895 = vector.broadcast %mul3A_894 : i32 to vector<16xi32>
    %mul3A_896 = arith.muli %get3A_891, %mul3A_895 : vector<16xi32>
    %shift_right_arithmetic3A_897 = arith.constant 11 : i32
    %shift_right_arithmetic3A_898 = vector.broadcast %shift_right_arithmetic3A_897 : i32 to vector<16xi32>
    %shift_right_arithmetic3A_899 = arith.shrsi %get3A_893, %shift_right_arithmetic3A_898 : vector<16xi32>
    %shift_left3A_900 = arith.constant 11 : i32
    %shift_left3A_901 = vector.broadcast %shift_left3A_900 : i32 to vector<16xi32>
    %shift_left3A_902 = arith.shli %shift_right_arithmetic3A_899, %shift_left3A_901 : vector<16xi32>
    %add3A_903 = arith.addi %mul3A_896, %shift_left3A_902 : vector<16xi32>
    %shift_right_arithmetic3A_904 = arith.constant 7 : i32
    %shift_right_arithmetic3A_905 = vector.broadcast %shift_right_arithmetic3A_904 : i32 to vector<16xi32>
    %shift_right_arithmetic3A_906 = arith.shrsi %get3A_893, %shift_right_arithmetic3A_905 : vector<16xi32>
    %and3A_907 = arith.constant 1 : i32
    %and3A_908 = vector.broadcast %and3A_907 : i32 to vector<16xi32>
    %and3A_909 = arith.andi %shift_right_arithmetic3A_906, %and3A_908 : vector<16xi32>
    %mul3A_910 = arith.constant 1024 : i32
    %mul3A_911 = vector.broadcast %mul3A_910 : i32 to vector<16xi32>
    %mul3A_912 = arith.muli %and3A_909, %mul3A_911 : vector<16xi32>
    %add3A_913 = arith.addi %add3A_903, %mul3A_912 : vector<16xi32>
    %shift_right_arithmetic3A_914 = arith.constant 8 : i32
    %shift_right_arithmetic3A_915 = vector.broadcast %shift_right_arithmetic3A_914 : i32 to vector<16xi32>
    %shift_right_arithmetic3A_916 = arith.shrsi %get3A_893, %shift_right_arithmetic3A_915 : vector<16xi32>
    %and3A_917 = arith.constant 7 : i32
    %and3A_918 = vector.broadcast %and3A_917 : i32 to vector<16xi32>
    %and3A_919 = arith.andi %shift_right_arithmetic3A_916, %and3A_918 : vector<16xi32>
    %shift_left3A_920 = arith.constant 7 : i32
    %shift_left3A_921 = vector.broadcast %shift_left3A_920 : i32 to vector<16xi32>
    %shift_left3A_922 = arith.shli %and3A_919, %shift_left3A_921 : vector<16xi32>
    %add3A_923 = arith.addi %add3A_913, %shift_left3A_922 : vector<16xi32>
    %and3A_924 = arith.constant 127 : i32
    %and3A_925 = vector.broadcast %and3A_924 : i32 to vector<16xi32>
    %and3A_926 = arith.andi %get3A_893, %and3A_925 : vector<16xi32>
    %add3A_927 = arith.addi %add3A_923, %and3A_926 : vector<16xi32>
    %swap3A_928 = arith.constant 1 : i32
    %swap3A_929 = arith.index_cast %swap3A_928 : i32 to index
    %swap3A_930 = arith.constant 16 : index
    %swap3A_931 = tpu.vector_load %arg10[%swap3A_929, %swap3A_930] {strides = array<i32>} : memref<2x128xi32, #tpu.memory_space<vmem>>, vector<16xi32>,
    tpu.vector_store %arg10[%swap3A_929, %swap3A_930], %add3A_927 {strides = array<i32>} : memref<2x128xi32, #tpu.memory_space<vmem>>, vector<16xi32>,
    %mul3A_932 = arith.constant 262144 : i32
    %mul3A_933 = vector.broadcast %mul3A_932 : i32 to vector<16xi32>
    %mul3A_934 = arith.muli %get3A_891, %mul3A_933 : vector<16xi32>
    %shift_right_arithmetic3A_935 = arith.constant 7 : i32
    %shift_right_arithmetic3A_936 = vector.broadcast %shift_right_arithmetic3A_935 : i32 to vector<16xi32>
    %shift_right_arithmetic3A_937 = arith.shrsi %get3A_893, %shift_right_arithmetic3A_936 : vector<16xi32>
    %shift_left3A_938 = arith.constant 9 : i32
    %shift_left3A_939 = vector.broadcast %shift_left3A_938 : i32 to vector<16xi32>
    %shift_left3A_940 = arith.shli %shift_right_arithmetic3A_937, %shift_left3A_939 : vector<16xi32>
    %add3A_941 = arith.addi %mul3A_934, %shift_left3A_940 : vector<16xi32>
    %and3A_942 = arith.constant 127 : i32
    %and3A_943 = vector.broadcast %and3A_942 : i32 to vector<16xi32>
    %and3A_944 = arith.andi %get3A_893, %and3A_943 : vector<16xi32>
    %add3A_945 = arith.addi %add3A_941, %and3A_944 : vector<16xi32>
    %add3A_946 = arith.constant 0 : i32
    %add3A_947 = vector.broadcast %add3A_946 : i32 to vector<16xi32>
    %add3A_948 = arith.addi %add3A_945, %add3A_947 : vector<16xi32>
    %swap3A_949 = arith.constant 0 : i32
    %swap3A_950 = arith.constant 1 : i32
    %swap3A_951 = arith.index_cast %swap3A_949 : i32 to index
    %swap3A_952 = arith.index_cast %swap3A_950 : i32 to index
    %swap3A_953 = arith.constant 16 : index
    %swap3A_954 = tpu.vector_load %arg11[%swap3A_951, %swap3A_952, %swap3A_953] {strides = array<i32>} : memref<4x2x128xi32, #tpu.memory_space<vmem>>, vector<16xi32>,
    tpu.vector_store %arg11[%swap3A_951, %swap3A_952, %swap3A_953], %add3A_948 {strides = array<i32>} : memref<4x2x128xi32, #tpu.memory_space<vmem>>, vector<16xi32>,
    %add3A_955 = arith.constant 128 : i32
    %add3A_956 = vector.broadcast %add3A_955 : i32 to vector<16xi32>
    %add3A_957 = arith.addi %add3A_945, %add3A_956 : vector<16xi32>
    %swap3A_958 = arith.constant 1 : i32
    %swap3A_959 = arith.constant 1 : i32
    %swap3A_960 = arith.index_cast %swap3A_958 : i32 to index
    %swap3A_961 = arith.index_cast %swap3A_959 : i32 to index
    %swap3A_962 = arith.constant 16 : index
    %swap3A_963 = tpu.vector_load %arg11[%swap3A_960, %swap3A_961, %swap3A_962] {strides = array<i32>} : memref<4x2x128xi32, #tpu.memory_space<vmem>>, vector<16xi32>,
    tpu.vector_store %arg11[%swap3A_960, %swap3A_961, %swap3A_962], %add3A_957 {strides = array<i32>} : memref<4x2x128xi32, #tpu.memory_space<vmem>>, vector<16xi32>,
    %add3A_964 = arith.constant 256 : i32
    %add3A_965 = vector.broadcast %add3A_964 : i32 to vector<16xi32>
    %add3A_966 = arith.addi %add3A_945, %add3A_965 : vector<16xi32>
    %swap3A_967 = arith.constant 2 : i32
    %swap3A_968 = arith.constant 1 : i32
    %swap3A_969 = arith.index_cast %swap3A_967 : i32 to index
    %swap3A_970 = arith.index_cast %swap3A_968 : i32 to index
    %swap3A_971 = arith.constant 16 : index
    %swap3A_972 = tpu.vector_load %arg11[%swap3A_969, %swap3A_970, %swap3A_971] {strides = array<i32>} : memref<4x2x128xi32, #tpu.memory_space<vmem>>, vector<16xi32>,
    tpu.vector_store %arg11[%swap3A_969, %swap3A_970, %swap3A_971], %add3A_966 {strides = array<i32>} : memref<4x2x128xi32, #tpu.memory_space<vmem>>, vector<16xi32>,
    %add3A_973 = arith.constant 384 : i32
    %add3A_974 = vector.broadcast %add3A_973 : i32 to vector<16xi32>
    %add3A_975 = arith.addi %add3A_945, %add3A_974 : vector<16xi32>
    %swap3A_976 = arith.constant 3 : i32
    %swap3A_977 = arith.constant 1 : i32
    %swap3A_978 = arith.index_cast %swap3A_976 : i32 to index
    %swap3A_979 = arith.index_cast %swap3A_977 : i32 to index
    %swap3A_980 = arith.constant 16 : index
    %swap3A_981 = tpu.vector_load %arg11[%swap3A_978, %swap3A_979, %swap3A_980] {strides = array<i32>} : memref<4x2x128xi32, #tpu.memory_space<vmem>>, vector<16xi32>,
    tpu.vector_store %arg11[%swap3A_978, %swap3A_979, %swap3A_980], %add3A_975 {strides = array<i32>} : memref<4x2x128xi32, #tpu.memory_space<vmem>>, vector<16xi32>,
    %get3A_982 = arith.constant 160 : index
    %get3A_983 = tpu.vector_load %arg8[%get3A_982] {strides = array<i32>} : memref<256xi32, #tpu.memory_space<vmem>>, vector<16xi32>,
    %get3A_984 = arith.constant 160 : index
    %get3A_985 = tpu.vector_load %arg9[%get3A_984] {strides = array<i32>} : memref<256xi32, #tpu.memory_space<vmem>>, vector<16xi32>,
    %mul3A_986 = arith.constant 65536 : i32
    %mul3A_987 = vector.broadcast %mul3A_986 : i32 to vector<16xi32>
    %mul3A_988 = arith.muli %get3A_983, %mul3A_987 : vector<16xi32>
    %shift_right_arithmetic3A_989 = arith.constant 11 : i32
    %shift_right_arithmetic3A_990 = vector.broadcast %shift_right_arithmetic3A_989 : i32 to vector<16xi32>
    %shift_right_arithmetic3A_991 = arith.shrsi %get3A_985, %shift_right_arithmetic3A_990 : vector<16xi32>
    %shift_left3A_992 = arith.constant 11 : i32
    %shift_left3A_993 = vector.broadcast %shift_left3A_992 : i32 to vector<16xi32>
    %shift_left3A_994 = arith.shli %shift_right_arithmetic3A_991, %shift_left3A_993 : vector<16xi32>
    %add3A_995 = arith.addi %mul3A_988, %shift_left3A_994 : vector<16xi32>
    %shift_right_arithmetic3A_996 = arith.constant 7 : i32
    %shift_right_arithmetic3A_997 = vector.broadcast %shift_right_arithmetic3A_996 : i32 to vector<16xi32>
    %shift_right_arithmetic3A_998 = arith.shrsi %get3A_985, %shift_right_arithmetic3A_997 : vector<16xi32>
    %and3A_999 = arith.constant 1 : i32
    %and3A_1000 = vector.broadcast %and3A_999 : i32 to vector<16xi32>
    %and3A_1001 = arith.andi %shift_right_arithmetic3A_998, %and3A_1000 : vector<16xi32>
    %mul3A_1002 = arith.constant 1024 : i32
    %mul3A_1003 = vector.broadcast %mul3A_1002 : i32 to vector<16xi32>
    %mul3A_1004 = arith.muli %and3A_1001, %mul3A_1003 : vector<16xi32>
    %add3A_1005 = arith.addi %add3A_995, %mul3A_1004 : vector<16xi32>
    %shift_right_arithmetic3A_1006 = arith.constant 8 : i32
    %shift_right_arithmetic3A_1007 = vector.broadcast %shift_right_arithmetic3A_1006 : i32 to vector<16xi32>
    %shift_right_arithmetic3A_1008 = arith.shrsi %get3A_985, %shift_right_arithmetic3A_1007 : vector<16xi32>
    %and3A_1009 = arith.constant 7 : i32
    %and3A_1010 = vector.broadcast %and3A_1009 : i32 to vector<16xi32>
    %and3A_1011 = arith.andi %shift_right_arithmetic3A_1008, %and3A_1010 : vector<16xi32>
    %shift_left3A_1012 = arith.constant 7 : i32
    %shift_left3A_1013 = vector.broadcast %shift_left3A_1012 : i32 to vector<16xi32>
    %shift_left3A_1014 = arith.shli %and3A_1011, %shift_left3A_1013 : vector<16xi32>
    %add3A_1015 = arith.addi %add3A_1005, %shift_left3A_1014 : vector<16xi32>
    %and3A_1016 = arith.constant 127 : i32
    %and3A_1017 = vector.broadcast %and3A_1016 : i32 to vector<16xi32>
    %and3A_1018 = arith.andi %get3A_985, %and3A_1017 : vector<16xi32>
    %add3A_1019 = arith.addi %add3A_1015, %and3A_1018 : vector<16xi32>
    %swap3A_1020 = arith.constant 1 : i32
    %swap3A_1021 = arith.index_cast %swap3A_1020 : i32 to index
    %swap3A_1022 = arith.constant 32 : index
    %swap3A_1023 = tpu.vector_load %arg10[%swap3A_1021, %swap3A_1022] {strides = array<i32>} : memref<2x128xi32, #tpu.memory_space<vmem>>, vector<16xi32>,
    tpu.vector_store %arg10[%swap3A_1021, %swap3A_1022], %add3A_1019 {strides = array<i32>} : memref<2x128xi32, #tpu.memory_space<vmem>>, vector<16xi32>,
    %mul3A_1024 = arith.constant 262144 : i32
    %mul3A_1025 = vector.broadcast %mul3A_1024 : i32 to vector<16xi32>
    %mul3A_1026 = arith.muli %get3A_983, %mul3A_1025 : vector<16xi32>
    %shift_right_arithmetic3A_1027 = arith.constant 7 : i32
    %shift_right_arithmetic3A_1028 = vector.broadcast %shift_right_arithmetic3A_1027 : i32 to vector<16xi32>
    %shift_right_arithmetic3A_1029 = arith.shrsi %get3A_985, %shift_right_arithmetic3A_1028 : vector<16xi32>
    %shift_left3A_1030 = arith.constant 9 : i32
    %shift_left3A_1031 = vector.broadcast %shift_left3A_1030 : i32 to vector<16xi32>
    %shift_left3A_1032 = arith.shli %shift_right_arithmetic3A_1029, %shift_left3A_1031 : vector<16xi32>
    %add3A_1033 = arith.addi %mul3A_1026, %shift_left3A_1032 : vector<16xi32>
    %and3A_1034 = arith.constant 127 : i32
    %and3A_1035 = vector.broadcast %and3A_1034 : i32 to vector<16xi32>
    %and3A_1036 = arith.andi %get3A_985, %and3A_1035 : vector<16xi32>
    %add3A_1037 = arith.addi %add3A_1033, %and3A_1036 : vector<16xi32>
    %add3A_1038 = arith.constant 0 : i32
    %add3A_1039 = vector.broadcast %add3A_1038 : i32 to vector<16xi32>
    %add3A_1040 = arith.addi %add3A_1037, %add3A_1039 : vector<16xi32>
    %swap3A_1041 = arith.constant 0 : i32
    %swap3A_1042 = arith.constant 1 : i32
    %swap3A_1043 = arith.index_cast %swap3A_1041 : i32 to index
    %swap3A_1044 = arith.index_cast %swap3A_1042 : i32 to index
    %swap3A_1045 = arith.constant 32 : index
    %swap3A_1046 = tpu.vector_load %arg11[%swap3A_1043, %swap3A_1044, %swap3A_1045] {strides = array<i32>} : memref<4x2x128xi32, #tpu.memory_space<vmem>>, vector<16xi32>,
    tpu.vector_store %arg11[%swap3A_1043, %swap3A_1044, %swap3A_1045], %add3A_1040 {strides = array<i32>} : memref<4x2x128xi32, #tpu.memory_space<vmem>>, vector<16xi32>,
    %add3A_1047 = arith.constant 128 : i32
    %add3A_1048 = vector.broadcast %add3A_1047 : i32 to vector<16xi32>
    %add3A_1049 = arith.addi %add3A_1037, %add3A_1048 : vector<16xi32>
    %swap3A_1050 = arith.constant 1 : i32
    %swap3A_1051 = arith.constant 1 : i32
    %swap3A_1052 = arith.index_cast %swap3A_1050 : i32 to index
    %swap3A_1053 = arith.index_cast %swap3A_1051 : i32 to index
    %swap3A_1054 = arith.constant 32 : index
    %swap3A_1055 = tpu.vector_load %arg11[%swap3A_1052, %swap3A_1053, %swap3A_1054] {strides = array<i32>} : memref<4x2x128xi32, #tpu.memory_space<vmem>>, vector<16xi32>,
    tpu.vector_store %arg11[%swap3A_1052, %swap3A_1053, %swap3A_1054], %add3A_1049 {strides = array<i32>} : memref<4x2x128xi32, #tpu.memory_space<vmem>>, vector<16xi32>,
    %add3A_1056 = arith.constant 256 : i32
    %add3A_1057 = vector.broadcast %add3A_1056 : i32 to vector<16xi32>
    %add3A_1058 = arith.addi %add3A_1037, %add3A_1057 : vector<16xi32>
    %swap3A_1059 = arith.constant 2 : i32
    %swap3A_1060 = arith.constant 1 : i32
    %swap3A_1061 = arith.index_cast %swap3A_1059 : i32 to index
    %swap3A_1062 = arith.index_cast %swap3A_1060 : i32 to index
    %swap3A_1063 = arith.constant 32 : index
    %swap3A_1064 = tpu.vector_load %arg11[%swap3A_1061, %swap3A_1062, %swap3A_1063] {strides = array<i32>} : memref<4x2x128xi32, #tpu.memory_space<vmem>>, vector<16xi32>,
    tpu.vector_store %arg11[%swap3A_1061, %swap3A_1062, %swap3A_1063], %add3A_1058 {strides = array<i32>} : memref<4x2x128xi32, #tpu.memory_space<vmem>>, vector<16xi32>,
    %add3A_1065 = arith.constant 384 : i32
    %add3A_1066 = vector.broadcast %add3A_1065 : i32 to vector<16xi32>
    %add3A_1067 = arith.addi %add3A_1037, %add3A_1066 : vector<16xi32>
    %swap3A_1068 = arith.constant 3 : i32
    %swap3A_1069 = arith.constant 1 : i32
    %swap3A_1070 = arith.index_cast %swap3A_1068 : i32 to index
    %swap3A_1071 = arith.index_cast %swap3A_1069 : i32 to index
    %swap3A_1072 = arith.constant 32 : index
    %swap3A_1073 = tpu.vector_load %arg11[%swap3A_1070, %swap3A_1071, %swap3A_1072] {strides = array<i32>} : memref<4x2x128xi32, #tpu.memory_space<vmem>>, vector<16xi32>,
    tpu.vector_store %arg11[%swap3A_1070, %swap3A_1071, %swap3A_1072], %add3A_1067 {strides = array<i32>} : memref<4x2x128xi32, #tpu.memory_space<vmem>>, vector<16xi32>,
    %get3A_1074 = arith.constant 176 : index
    %get3A_1075 = tpu.vector_load %arg8[%get3A_1074] {strides = array<i32>} : memref<256xi32, #tpu.memory_space<vmem>>, vector<16xi32>,
    %get3A_1076 = arith.constant 176 : index
    %get3A_1077 = tpu.vector_load %arg9[%get3A_1076] {strides = array<i32>} : memref<256xi32, #tpu.memory_space<vmem>>, vector<16xi32>,
    %mul3A_1078 = arith.constant 65536 : i32
    %mul3A_1079 = vector.broadcast %mul3A_1078 : i32 to vector<16xi32>
    %mul3A_1080 = arith.muli %get3A_1075, %mul3A_1079 : vector<16xi32>
    %shift_right_arithmetic3A_1081 = arith.constant 11 : i32
    %shift_right_arithmetic3A_1082 = vector.broadcast %shift_right_arithmetic3A_1081 : i32 to vector<16xi32>
    %shift_right_arithmetic3A_1083 = arith.shrsi %get3A_1077, %shift_right_arithmetic3A_1082 : vector<16xi32>
    %shift_left3A_1084 = arith.constant 11 : i32
    %shift_left3A_1085 = vector.broadcast %shift_left3A_1084 : i32 to vector<16xi32>
    %shift_left3A_1086 = arith.shli %shift_right_arithmetic3A_1083, %shift_left3A_1085 : vector<16xi32>
    %add3A_1087 = arith.addi %mul3A_1080, %shift_left3A_1086 : vector<16xi32>
    %shift_right_arithmetic3A_1088 = arith.constant 7 : i32
    %shift_right_arithmetic3A_1089 = vector.broadcast %shift_right_arithmetic3A_1088 : i32 to vector<16xi32>
    %shift_right_arithmetic3A_1090 = arith.shrsi %get3A_1077, %shift_right_arithmetic3A_1089 : vector<16xi32>
    %and3A_1091 = arith.constant 1 : i32
    %and3A_1092 = vector.broadcast %and3A_1091 : i32 to vector<16xi32>
    %and3A_1093 = arith.andi %shift_right_arithmetic3A_1090, %and3A_1092 : vector<16xi32>
    %mul3A_1094 = arith.constant 1024 : i32
    %mul3A_1095 = vector.broadcast %mul3A_1094 : i32 to vector<16xi32>
    %mul3A_1096 = arith.muli %and3A_1093, %mul3A_1095 : vector<16xi32>
    %add3A_1097 = arith.addi %add3A_1087, %mul3A_1096 : vector<16xi32>
    %shift_right_arithmetic3A_1098 = arith.constant 8 : i32
    %shift_right_arithmetic3A_1099 = vector.broadcast %shift_right_arithmetic3A_1098 : i32 to vector<16xi32>
    %shift_right_arithmetic3A_1100 = arith.shrsi %get3A_1077, %shift_right_arithmetic3A_1099 : vector<16xi32>
    %and3A_1101 = arith.constant 7 : i32
    %and3A_1102 = vector.broadcast %and3A_1101 : i32 to vector<16xi32>
    %and3A_1103 = arith.andi %shift_right_arithmetic3A_1100, %and3A_1102 : vector<16xi32>
    %shift_left3A_1104 = arith.constant 7 : i32
    %shift_left3A_1105 = vector.broadcast %shift_left3A_1104 : i32 to vector<16xi32>
    %shift_left3A_1106 = arith.shli %and3A_1103, %shift_left3A_1105 : vector<16xi32>
    %add3A_1107 = arith.addi %add3A_1097, %shift_left3A_1106 : vector<16xi32>
    %and3A_1108 = arith.constant 127 : i32
    %and3A_1109 = vector.broadcast %and3A_1108 : i32 to vector<16xi32>
    %and3A_1110 = arith.andi %get3A_1077, %and3A_1109 : vector<16xi32>
    %add3A_1111 = arith.addi %add3A_1107, %and3A_1110 : vector<16xi32>
    %swap3A_1112 = arith.constant 1 : i32
    %swap3A_1113 = arith.index_cast %swap3A_1112 : i32 to index
    %swap3A_1114 = arith.constant 48 : index
    %swap3A_1115 = tpu.vector_load %arg10[%swap3A_1113, %swap3A_1114] {strides = array<i32>} : memref<2x128xi32, #tpu.memory_space<vmem>>, vector<16xi32>,
    tpu.vector_store %arg10[%swap3A_1113, %swap3A_1114], %add3A_1111 {strides = array<i32>} : memref<2x128xi32, #tpu.memory_space<vmem>>, vector<16xi32>,
    %mul3A_1116 = arith.constant 262144 : i32
    %mul3A_1117 = vector.broadcast %mul3A_1116 : i32 to vector<16xi32>
    %mul3A_1118 = arith.muli %get3A_1075, %mul3A_1117 : vector<16xi32>
    %shift_right_arithmetic3A_1119 = arith.constant 7 : i32
    %shift_right_arithmetic3A_1120 = vector.broadcast %shift_right_arithmetic3A_1119 : i32 to vector<16xi32>
    %shift_right_arithmetic3A_1121 = arith.shrsi %get3A_1077, %shift_right_arithmetic3A_1120 : vector<16xi32>
    %shift_left3A_1122 = arith.constant 9 : i32
    %shift_left3A_1123 = vector.broadcast %shift_left3A_1122 : i32 to vector<16xi32>
    %shift_left3A_1124 = arith.shli %shift_right_arithmetic3A_1121, %shift_left3A_1123 : vector<16xi32>
    %add3A_1125 = arith.addi %mul3A_1118, %shift_left3A_1124 : vector<16xi32>
    %and3A_1126 = arith.constant 127 : i32
    %and3A_1127 = vector.broadcast %and3A_1126 : i32 to vector<16xi32>
    %and3A_1128 = arith.andi %get3A_1077, %and3A_1127 : vector<16xi32>
    %add3A_1129 = arith.addi %add3A_1125, %and3A_1128 : vector<16xi32>
    %add3A_1130 = arith.constant 0 : i32
    %add3A_1131 = vector.broadcast %add3A_1130 : i32 to vector<16xi32>
    %add3A_1132 = arith.addi %add3A_1129, %add3A_1131 : vector<16xi32>
    %swap3A_1133 = arith.constant 0 : i32
    %swap3A_1134 = arith.constant 1 : i32
    %swap3A_1135 = arith.index_cast %swap3A_1133 : i32 to index
    %swap3A_1136 = arith.index_cast %swap3A_1134 : i32 to index
    %swap3A_1137 = arith.constant 48 : index
    %swap3A_1138 = tpu.vector_load %arg11[%swap3A_1135, %swap3A_1136, %swap3A_1137] {strides = array<i32>} : memref<4x2x128xi32, #tpu.memory_space<vmem>>, vector<16xi32>,
    tpu.vector_store %arg11[%swap3A_1135, %swap3A_1136, %swap3A_1137], %add3A_1132 {strides = array<i32>} : memref<4x2x128xi32, #tpu.memory_space<vmem>>, vector<16xi32>,
    %add3A_1139 = arith.constant 128 : i32
    %add3A_1140 = vector.broadcast %add3A_1139 : i32 to vector<16xi32>
    %add3A_1141 = arith.addi %add3A_1129, %add3A_1140 : vector<16xi32>
    %swap3A_1142 = arith.constant 1 : i32
    %swap3A_1143 = arith.constant 1 : i32
    %swap3A_1144 = arith.index_cast %swap3A_1142 : i32 to index
    %swap3A_1145 = arith.index_cast %swap3A_1143 : i32 to index
    %swap3A_1146 = arith.constant 48 : index
    %swap3A_1147 = tpu.vector_load %arg11[%swap3A_1144, %swap3A_1145, %swap3A_1146] {strides = array<i32>} : memref<4x2x128xi32, #tpu.memory_space<vmem>>, vector<16xi32>,
    tpu.vector_store %arg11[%swap3A_1144, %swap3A_1145, %swap3A_1146], %add3A_1141 {strides = array<i32>} : memref<4x2x128xi32, #tpu.memory_space<vmem>>, vector<16xi32>,
    %add3A_1148 = arith.constant 256 : i32
    %add3A_1149 = vector.broadcast %add3A_1148 : i32 to vector<16xi32>
    %add3A_1150 = arith.addi %add3A_1129, %add3A_1149 : vector<16xi32>
    %swap3A_1151 = arith.constant 2 : i32
    %swap3A_1152 = arith.constant 1 : i32
    %swap3A_1153 = arith.index_cast %swap3A_1151 : i32 to index
    %swap3A_1154 = arith.index_cast %swap3A_1152 : i32 to index
    %swap3A_1155 = arith.constant 48 : index
    %swap3A_1156 = tpu.vector_load %arg11[%swap3A_1153, %swap3A_1154, %swap3A_1155] {strides = array<i32>} : memref<4x2x128xi32, #tpu.memory_space<vmem>>, vector<16xi32>,
    tpu.vector_store %arg11[%swap3A_1153, %swap3A_1154, %swap3A_1155], %add3A_1150 {strides = array<i32>} : memref<4x2x128xi32, #tpu.memory_space<vmem>>, vector<16xi32>,
    %add3A_1157 = arith.constant 384 : i32
    %add3A_1158 = vector.broadcast %add3A_1157 : i32 to vector<16xi32>
    %add3A_1159 = arith.addi %add3A_1129, %add3A_1158 : vector<16xi32>
    %swap3A_1160 = arith.constant 3 : i32
    %swap3A_1161 = arith.constant 1 : i32
    %swap3A_1162 = arith.index_cast %swap3A_1160 : i32 to index
    %swap3A_1163 = arith.index_cast %swap3A_1161 : i32 to index
    %swap3A_1164 = arith.constant 48 : index
    %swap3A_1165 = tpu.vector_load %arg11[%swap3A_1162, %swap3A_1163, %swap3A_1164] {strides = array<i32>} : memref<4x2x128xi32, #tpu.memory_space<vmem>>, vector<16xi32>,
    tpu.vector_store %arg11[%swap3A_1162, %swap3A_1163, %swap3A_1164], %add3A_1159 {strides = array<i32>} : memref<4x2x128xi32, #tpu.memory_space<vmem>>, vector<16xi32>,
    %get3A_1166 = arith.constant 192 : index
    %get3A_1167 = tpu.vector_load %arg8[%get3A_1166] {strides = array<i32>} : memref<256xi32, #tpu.memory_space<vmem>>, vector<16xi32>,
    %get3A_1168 = arith.constant 192 : index
    %get3A_1169 = tpu.vector_load %arg9[%get3A_1168] {strides = array<i32>} : memref<256xi32, #tpu.memory_space<vmem>>, vector<16xi32>,
    %mul3A_1170 = arith.constant 65536 : i32
    %mul3A_1171 = vector.broadcast %mul3A_1170 : i32 to vector<16xi32>
    %mul3A_1172 = arith.muli %get3A_1167, %mul3A_1171 : vector<16xi32>
    %shift_right_arithmetic3A_1173 = arith.constant 11 : i32
    %shift_right_arithmetic3A_1174 = vector.broadcast %shift_right_arithmetic3A_1173 : i32 to vector<16xi32>
    %shift_right_arithmetic3A_1175 = arith.shrsi %get3A_1169, %shift_right_arithmetic3A_1174 : vector<16xi32>
    %shift_left3A_1176 = arith.constant 11 : i32
    %shift_left3A_1177 = vector.broadcast %shift_left3A_1176 : i32 to vector<16xi32>
    %shift_left3A_1178 = arith.shli %shift_right_arithmetic3A_1175, %shift_left3A_1177 : vector<16xi32>
    %add3A_1179 = arith.addi %mul3A_1172, %shift_left3A_1178 : vector<16xi32>
    %shift_right_arithmetic3A_1180 = arith.constant 7 : i32
    %shift_right_arithmetic3A_1181 = vector.broadcast %shift_right_arithmetic3A_1180 : i32 to vector<16xi32>
    %shift_right_arithmetic3A_1182 = arith.shrsi %get3A_1169, %shift_right_arithmetic3A_1181 : vector<16xi32>
    %and3A_1183 = arith.constant 1 : i32
    %and3A_1184 = vector.broadcast %and3A_1183 : i32 to vector<16xi32>
    %and3A_1185 = arith.andi %shift_right_arithmetic3A_1182, %and3A_1184 : vector<16xi32>
    %mul3A_1186 = arith.constant 1024 : i32
    %mul3A_1187 = vector.broadcast %mul3A_1186 : i32 to vector<16xi32>
    %mul3A_1188 = arith.muli %and3A_1185, %mul3A_1187 : vector<16xi32>
    %add3A_1189 = arith.addi %add3A_1179, %mul3A_1188 : vector<16xi32>
    %shift_right_arithmetic3A_1190 = arith.constant 8 : i32
    %shift_right_arithmetic3A_1191 = vector.broadcast %shift_right_arithmetic3A_1190 : i32 to vector<16xi32>
    %shift_right_arithmetic3A_1192 = arith.shrsi %get3A_1169, %shift_right_arithmetic3A_1191 : vector<16xi32>
    %and3A_1193 = arith.constant 7 : i32
    %and3A_1194 = vector.broadcast %and3A_1193 : i32 to vector<16xi32>
    %and3A_1195 = arith.andi %shift_right_arithmetic3A_1192, %and3A_1194 : vector<16xi32>
    %shift_left3A_1196 = arith.constant 7 : i32
    %shift_left3A_1197 = vector.broadcast %shift_left3A_1196 : i32 to vector<16xi32>
    %shift_left3A_1198 = arith.shli %and3A_1195, %shift_left3A_1197 : vector<16xi32>
    %add3A_1199 = arith.addi %add3A_1189, %shift_left3A_1198 : vector<16xi32>
    %and3A_1200 = arith.constant 127 : i32
    %and3A_1201 = vector.broadcast %and3A_1200 : i32 to vector<16xi32>
    %and3A_1202 = arith.andi %get3A_1169, %and3A_1201 : vector<16xi32>
    %add3A_1203 = arith.addi %add3A_1199, %and3A_1202 : vector<16xi32>
    %swap3A_1204 = arith.constant 1 : i32
    %swap3A_1205 = arith.index_cast %swap3A_1204 : i32 to index
    %swap3A_1206 = arith.constant 64 : index
    %swap3A_1207 = tpu.vector_load %arg10[%swap3A_1205, %swap3A_1206] {strides = array<i32>} : memref<2x128xi32, #tpu.memory_space<vmem>>, vector<16xi32>,
    tpu.vector_store %arg10[%swap3A_1205, %swap3A_1206], %add3A_1203 {strides = array<i32>} : memref<2x128xi32, #tpu.memory_space<vmem>>, vector<16xi32>,
    %mul3A_1208 = arith.constant 262144 : i32
    %mul3A_1209 = vector.broadcast %mul3A_1208 : i32 to vector<16xi32>
    %mul3A_1210 = arith.muli %get3A_1167, %mul3A_1209 : vector<16xi32>
    %shift_right_arithmetic3A_1211 = arith.constant 7 : i32
    %shift_right_arithmetic3A_1212 = vector.broadcast %shift_right_arithmetic3A_1211 : i32 to vector<16xi32>
    %shift_right_arithmetic3A_1213 = arith.shrsi %get3A_1169, %shift_right_arithmetic3A_1212 : vector<16xi32>
    %shift_left3A_1214 = arith.constant 9 : i32
    %shift_left3A_1215 = vector.broadcast %shift_left3A_1214 : i32 to vector<16xi32>
    %shift_left3A_1216 = arith.shli %shift_right_arithmetic3A_1213, %shift_left3A_1215 : vector<16xi32>
    %add3A_1217 = arith.addi %mul3A_1210, %shift_left3A_1216 : vector<16xi32>
    %and3A_1218 = arith.constant 127 : i32
    %and3A_1219 = vector.broadcast %and3A_1218 : i32 to vector<16xi32>
    %and3A_1220 = arith.andi %get3A_1169, %and3A_1219 : vector<16xi32>
    %add3A_1221 = arith.addi %add3A_1217, %and3A_1220 : vector<16xi32>
    %add3A_1222 = arith.constant 0 : i32
    %add3A_1223 = vector.broadcast %add3A_1222 : i32 to vector<16xi32>
    %add3A_1224 = arith.addi %add3A_1221, %add3A_1223 : vector<16xi32>
    %swap3A_1225 = arith.constant 0 : i32
    %swap3A_1226 = arith.constant 1 : i32
    %swap3A_1227 = arith.index_cast %swap3A_1225 : i32 to index
    %swap3A_1228 = arith.index_cast %swap3A_1226 : i32 to index
    %swap3A_1229 = arith.constant 64 : index
    %swap3A_1230 = tpu.vector_load %arg11[%swap3A_1227, %swap3A_1228, %swap3A_1229] {strides = array<i32>} : memref<4x2x128xi32, #tpu.memory_space<vmem>>, vector<16xi32>,
    tpu.vector_store %arg11[%swap3A_1227, %swap3A_1228, %swap3A_1229], %add3A_1224 {strides = array<i32>} : memref<4x2x128xi32, #tpu.memory_space<vmem>>, vector<16xi32>,
    %add3A_1231 = arith.constant 128 : i32
    %add3A_1232 = vector.broadcast %add3A_1231 : i32 to vector<16xi32>
    %add3A_1233 = arith.addi %add3A_1221, %add3A_1232 : vector<16xi32>
    %swap3A_1234 = arith.constant 1 : i32
    %swap3A_1235 = arith.constant 1 : i32
    %swap3A_1236 = arith.index_cast %swap3A_1234 : i32 to index
    %swap3A_1237 = arith.index_cast %swap3A_1235 : i32 to index
    %swap3A_1238 = arith.constant 64 : index
    %swap3A_1239 = tpu.vector_load %arg11[%swap3A_1236, %swap3A_1237, %swap3A_1238] {strides = array<i32>} : memref<4x2x128xi32, #tpu.memory_space<vmem>>, vector<16xi32>,
    tpu.vector_store %arg11[%swap3A_1236, %swap3A_1237, %swap3A_1238], %add3A_1233 {strides = array<i32>} : memref<4x2x128xi32, #tpu.memory_space<vmem>>, vector<16xi32>,
    %add3A_1240 = arith.constant 256 : i32
    %add3A_1241 = vector.broadcast %add3A_1240 : i32 to vector<16xi32>
    %add3A_1242 = arith.addi %add3A_1221, %add3A_1241 : vector<16xi32>
    %swap3A_1243 = arith.constant 2 : i32
    %swap3A_1244 = arith.constant 1 : i32
    %swap3A_1245 = arith.index_cast %swap3A_1243 : i32 to index
    %swap3A_1246 = arith.index_cast %swap3A_1244 : i32 to index
    %swap3A_1247 = arith.constant 64 : index
    %swap3A_1248 = tpu.vector_load %arg11[%swap3A_1245, %swap3A_1246, %swap3A_1247] {strides = array<i32>} : memref<4x2x128xi32, #tpu.memory_space<vmem>>, vector<16xi32>,
    tpu.vector_store %arg11[%swap3A_1245, %swap3A_1246, %swap3A_1247], %add3A_1242 {strides = array<i32>} : memref<4x2x128xi32, #tpu.memory_space<vmem>>, vector<16xi32>,
    %add3A_1249 = arith.constant 384 : i32
    %add3A_1250 = vector.broadcast %add3A_1249 : i32 to vector<16xi32>
    %add3A_1251 = arith.addi %add3A_1221, %add3A_1250 : vector<16xi32>
    %swap3A_1252 = arith.constant 3 : i32
    %swap3A_1253 = arith.constant 1 : i32
    %swap3A_1254 = arith.index_cast %swap3A_1252 : i32 to index
    %swap3A_1255 = arith.index_cast %swap3A_1253 : i32 to index
    %swap3A_1256 = arith.constant 64 : index
    %swap3A_1257 = tpu.vector_load %arg11[%swap3A_1254, %swap3A_1255, %swap3A_1256] {strides = array<i32>} : memref<4x2x128xi32, #tpu.memory_space<vmem>>, vector<16xi32>,
    tpu.vector_store %arg11[%swap3A_1254, %swap3A_1255, %swap3A_1256], %add3A_1251 {strides = array<i32>} : memref<4x2x128xi32, #tpu.memory_space<vmem>>, vector<16xi32>,
    %get3A_1258 = arith.constant 208 : index
    %get3A_1259 = tpu.vector_load %arg8[%get3A_1258] {strides = array<i32>} : memref<256xi32, #tpu.memory_space<vmem>>, vector<16xi32>,
    %get3A_1260 = arith.constant 208 : index
    %get3A_1261 = tpu.vector_load %arg9[%get3A_1260] {strides = array<i32>} : memref<256xi32, #tpu.memory_space<vmem>>, vector<16xi32>,
    %mul3A_1262 = arith.constant 65536 : i32
    %mul3A_1263 = vector.broadcast %mul3A_1262 : i32 to vector<16xi32>
    %mul3A_1264 = arith.muli %get3A_1259, %mul3A_1263 : vector<16xi32>
    %shift_right_arithmetic3A_1265 = arith.constant 11 : i32
    %shift_right_arithmetic3A_1266 = vector.broadcast %shift_right_arithmetic3A_1265 : i32 to vector<16xi32>
    %shift_right_arithmetic3A_1267 = arith.shrsi %get3A_1261, %shift_right_arithmetic3A_1266 : vector<16xi32>
    %shift_left3A_1268 = arith.constant 11 : i32
    %shift_left3A_1269 = vector.broadcast %shift_left3A_1268 : i32 to vector<16xi32>
    %shift_left3A_1270 = arith.shli %shift_right_arithmetic3A_1267, %shift_left3A_1269 : vector<16xi32>
    %add3A_1271 = arith.addi %mul3A_1264, %shift_left3A_1270 : vector<16xi32>
    %shift_right_arithmetic3A_1272 = arith.constant 7 : i32
    %shift_right_arithmetic3A_1273 = vector.broadcast %shift_right_arithmetic3A_1272 : i32 to vector<16xi32>
    %shift_right_arithmetic3A_1274 = arith.shrsi %get3A_1261, %shift_right_arithmetic3A_1273 : vector<16xi32>
    %and3A_1275 = arith.constant 1 : i32
    %and3A_1276 = vector.broadcast %and3A_1275 : i32 to vector<16xi32>
    %and3A_1277 = arith.andi %shift_right_arithmetic3A_1274, %and3A_1276 : vector<16xi32>
    %mul3A_1278 = arith.constant 1024 : i32
    %mul3A_1279 = vector.broadcast %mul3A_1278 : i32 to vector<16xi32>
    %mul3A_1280 = arith.muli %and3A_1277, %mul3A_1279 : vector<16xi32>
    %add3A_1281 = arith.addi %add3A_1271, %mul3A_1280 : vector<16xi32>
    %shift_right_arithmetic3A_1282 = arith.constant 8 : i32
    %shift_right_arithmetic3A_1283 = vector.broadcast %shift_right_arithmetic3A_1282 : i32 to vector<16xi32>
    %shift_right_arithmetic3A_1284 = arith.shrsi %get3A_1261, %shift_right_arithmetic3A_1283 : vector<16xi32>
    %and3A_1285 = arith.constant 7 : i32
    %and3A_1286 = vector.broadcast %and3A_1285 : i32 to vector<16xi32>
    %and3A_1287 = arith.andi %shift_right_arithmetic3A_1284, %and3A_1286 : vector<16xi32>
    %shift_left3A_1288 = arith.constant 7 : i32
    %shift_left3A_1289 = vector.broadcast %shift_left3A_1288 : i32 to vector<16xi32>
    %shift_left3A_1290 = arith.shli %and3A_1287, %shift_left3A_1289 : vector<16xi32>
    %add3A_1291 = arith.addi %add3A_1281, %shift_left3A_1290 : vector<16xi32>
    %and3A_1292 = arith.constant 127 : i32
    %and3A_1293 = vector.broadcast %and3A_1292 : i32 to vector<16xi32>
    %and3A_1294 = arith.andi %get3A_1261, %and3A_1293 : vector<16xi32>
    %add3A_1295 = arith.addi %add3A_1291, %and3A_1294 : vector<16xi32>
    %swap3A_1296 = arith.constant 1 : i32
    %swap3A_1297 = arith.index_cast %swap3A_1296 : i32 to index
    %swap3A_1298 = arith.constant 80 : index
    %swap3A_1299 = tpu.vector_load %arg10[%swap3A_1297, %swap3A_1298] {strides = array<i32>} : memref<2x128xi32, #tpu.memory_space<vmem>>, vector<16xi32>,
    tpu.vector_store %arg10[%swap3A_1297, %swap3A_1298], %add3A_1295 {strides = array<i32>} : memref<2x128xi32, #tpu.memory_space<vmem>>, vector<16xi32>,
    %mul3A_1300 = arith.constant 262144 : i32
    %mul3A_1301 = vector.broadcast %mul3A_1300 : i32 to vector<16xi32>
    %mul3A_1302 = arith.muli %get3A_1259, %mul3A_1301 : vector<16xi32>
    %shift_right_arithmetic3A_1303 = arith.constant 7 : i32
    %shift_right_arithmetic3A_1304 = vector.broadcast %shift_right_arithmetic3A_1303 : i32 to vector<16xi32>
    %shift_right_arithmetic3A_1305 = arith.shrsi %get3A_1261, %shift_right_arithmetic3A_1304 : vector<16xi32>
    %shift_left3A_1306 = arith.constant 9 : i32
    %shift_left3A_1307 = vector.broadcast %shift_left3A_1306 : i32 to vector<16xi32>
    %shift_left3A_1308 = arith.shli %shift_right_arithmetic3A_1305, %shift_left3A_1307 : vector<16xi32>
    %add3A_1309 = arith.addi %mul3A_1302, %shift_left3A_1308 : vector<16xi32>
    %and3A_1310 = arith.constant 127 : i32
    %and3A_1311 = vector.broadcast %and3A_1310 : i32 to vector<16xi32>
    %and3A_1312 = arith.andi %get3A_1261, %and3A_1311 : vector<16xi32>
    %add3A_1313 = arith.addi %add3A_1309, %and3A_1312 : vector<16xi32>
    %add3A_1314 = arith.constant 0 : i32
    %add3A_1315 = vector.broadcast %add3A_1314 : i32 to vector<16xi32>
    %add3A_1316 = arith.addi %add3A_1313, %add3A_1315 : vector<16xi32>
    %swap3A_1317 = arith.constant 0 : i32
    %swap3A_1318 = arith.constant 1 : i32
    %swap3A_1319 = arith.index_cast %swap3A_1317 : i32 to index
    %swap3A_1320 = arith.index_cast %swap3A_1318 : i32 to index
    %swap3A_1321 = arith.constant 80 : index
    %swap3A_1322 = tpu.vector_load %arg11[%swap3A_1319, %swap3A_1320, %swap3A_1321] {strides = array<i32>} : memref<4x2x128xi32, #tpu.memory_space<vmem>>, vector<16xi32>,
    tpu.vector_store %arg11[%swap3A_1319, %swap3A_1320, %swap3A_1321], %add3A_1316 {strides = array<i32>} : memref<4x2x128xi32, #tpu.memory_space<vmem>>, vector<16xi32>,
    %add3A_1323 = arith.constant 128 : i32
    %add3A_1324 = vector.broadcast %add3A_1323 : i32 to vector<16xi32>
    %add3A_1325 = arith.addi %add3A_1313, %add3A_1324 : vector<16xi32>
    %swap3A_1326 = arith.constant 1 : i32
    %swap3A_1327 = arith.constant 1 : i32
    %swap3A_1328 = arith.index_cast %swap3A_1326 : i32 to index
    %swap3A_1329 = arith.index_cast %swap3A_1327 : i32 to index
    %swap3A_1330 = arith.constant 80 : index
    %swap3A_1331 = tpu.vector_load %arg11[%swap3A_1328, %swap3A_1329, %swap3A_1330] {strides = array<i32>} : memref<4x2x128xi32, #tpu.memory_space<vmem>>, vector<16xi32>,
    tpu.vector_store %arg11[%swap3A_1328, %swap3A_1329, %swap3A_1330], %add3A_1325 {strides = array<i32>} : memref<4x2x128xi32, #tpu.memory_space<vmem>>, vector<16xi32>,
    %add3A_1332 = arith.constant 256 : i32
    %add3A_1333 = vector.broadcast %add3A_1332 : i32 to vector<16xi32>
    %add3A_1334 = arith.addi %add3A_1313, %add3A_1333 : vector<16xi32>
    %swap3A_1335 = arith.constant 2 : i32
    %swap3A_1336 = arith.constant 1 : i32
    %swap3A_1337 = arith.index_cast %swap3A_1335 : i32 to index
    %swap3A_1338 = arith.index_cast %swap3A_1336 : i32 to index
    %swap3A_1339 = arith.constant 80 : index
    %swap3A_1340 = tpu.vector_load %arg11[%swap3A_1337, %swap3A_1338, %swap3A_1339] {strides = array<i32>} : memref<4x2x128xi32, #tpu.memory_space<vmem>>, vector<16xi32>,
    tpu.vector_store %arg11[%swap3A_1337, %swap3A_1338, %swap3A_1339], %add3A_1334 {strides = array<i32>} : memref<4x2x128xi32, #tpu.memory_space<vmem>>, vector<16xi32>,
    %add3A_1341 = arith.constant 384 : i32
    %add3A_1342 = vector.broadcast %add3A_1341 : i32 to vector<16xi32>
    %add3A_1343 = arith.addi %add3A_1313, %add3A_1342 : vector<16xi32>
    %swap3A_1344 = arith.constant 3 : i32
    %swap3A_1345 = arith.constant 1 : i32
    %swap3A_1346 = arith.index_cast %swap3A_1344 : i32 to index
    %swap3A_1347 = arith.index_cast %swap3A_1345 : i32 to index
    %swap3A_1348 = arith.constant 80 : index
    %swap3A_1349 = tpu.vector_load %arg11[%swap3A_1346, %swap3A_1347, %swap3A_1348] {strides = array<i32>} : memref<4x2x128xi32, #tpu.memory_space<vmem>>, vector<16xi32>,
    tpu.vector_store %arg11[%swap3A_1346, %swap3A_1347, %swap3A_1348], %add3A_1343 {strides = array<i32>} : memref<4x2x128xi32, #tpu.memory_space<vmem>>, vector<16xi32>,
    %get3A_1350 = arith.constant 224 : index
    %get3A_1351 = tpu.vector_load %arg8[%get3A_1350] {strides = array<i32>} : memref<256xi32, #tpu.memory_space<vmem>>, vector<16xi32>,
    %get3A_1352 = arith.constant 224 : index
    %get3A_1353 = tpu.vector_load %arg9[%get3A_1352] {strides = array<i32>} : memref<256xi32, #tpu.memory_space<vmem>>, vector<16xi32>,
    %mul3A_1354 = arith.constant 65536 : i32
    %mul3A_1355 = vector.broadcast %mul3A_1354 : i32 to vector<16xi32>
    %mul3A_1356 = arith.muli %get3A_1351, %mul3A_1355 : vector<16xi32>
    %shift_right_arithmetic3A_1357 = arith.constant 11 : i32
    %shift_right_arithmetic3A_1358 = vector.broadcast %shift_right_arithmetic3A_1357 : i32 to vector<16xi32>
    %shift_right_arithmetic3A_1359 = arith.shrsi %get3A_1353, %shift_right_arithmetic3A_1358 : vector<16xi32>
    %shift_left3A_1360 = arith.constant 11 : i32
    %shift_left3A_1361 = vector.broadcast %shift_left3A_1360 : i32 to vector<16xi32>
    %shift_left3A_1362 = arith.shli %shift_right_arithmetic3A_1359, %shift_left3A_1361 : vector<16xi32>
    %add3A_1363 = arith.addi %mul3A_1356, %shift_left3A_1362 : vector<16xi32>
    %shift_right_arithmetic3A_1364 = arith.constant 7 : i32
    %shift_right_arithmetic3A_1365 = vector.broadcast %shift_right_arithmetic3A_1364 : i32 to vector<16xi32>
    %shift_right_arithmetic3A_1366 = arith.shrsi %get3A_1353, %shift_right_arithmetic3A_1365 : vector<16xi32>
    %and3A_1367 = arith.constant 1 : i32
    %and3A_1368 = vector.broadcast %and3A_1367 : i32 to vector<16xi32>
    %and3A_1369 = arith.andi %shift_right_arithmetic3A_1366, %and3A_1368 : vector<16xi32>
    %mul3A_1370 = arith.constant 1024 : i32
    %mul3A_1371 = vector.broadcast %mul3A_1370 : i32 to vector<16xi32>
    %mul3A_1372 = arith.muli %and3A_1369, %mul3A_1371 : vector<16xi32>
    %add3A_1373 = arith.addi %add3A_1363, %mul3A_1372 : vector<16xi32>
    %shift_right_arithmetic3A_1374 = arith.constant 8 : i32
    %shift_right_arithmetic3A_1375 = vector.broadcast %shift_right_arithmetic3A_1374 : i32 to vector<16xi32>
    %shift_right_arithmetic3A_1376 = arith.shrsi %get3A_1353, %shift_right_arithmetic3A_1375 : vector<16xi32>
    %and3A_1377 = arith.constant 7 : i32
    %and3A_1378 = vector.broadcast %and3A_1377 : i32 to vector<16xi32>
    %and3A_1379 = arith.andi %shift_right_arithmetic3A_1376, %and3A_1378 : vector<16xi32>
    %shift_left3A_1380 = arith.constant 7 : i32
    %shift_left3A_1381 = vector.broadcast %shift_left3A_1380 : i32 to vector<16xi32>
    %shift_left3A_1382 = arith.shli %and3A_1379, %shift_left3A_1381 : vector<16xi32>
    %add3A_1383 = arith.addi %add3A_1373, %shift_left3A_1382 : vector<16xi32>
    %and3A_1384 = arith.constant 127 : i32
    %and3A_1385 = vector.broadcast %and3A_1384 : i32 to vector<16xi32>
    %and3A_1386 = arith.andi %get3A_1353, %and3A_1385 : vector<16xi32>
    %add3A_1387 = arith.addi %add3A_1383, %and3A_1386 : vector<16xi32>
    %swap3A_1388 = arith.constant 1 : i32
    %swap3A_1389 = arith.index_cast %swap3A_1388 : i32 to index
    %swap3A_1390 = arith.constant 96 : index
    %swap3A_1391 = tpu.vector_load %arg10[%swap3A_1389, %swap3A_1390] {strides = array<i32>} : memref<2x128xi32, #tpu.memory_space<vmem>>, vector<16xi32>,
    tpu.vector_store %arg10[%swap3A_1389, %swap3A_1390], %add3A_1387 {strides = array<i32>} : memref<2x128xi32, #tpu.memory_space<vmem>>, vector<16xi32>,
    %mul3A_1392 = arith.constant 262144 : i32
    %mul3A_1393 = vector.broadcast %mul3A_1392 : i32 to vector<16xi32>
    %mul3A_1394 = arith.muli %get3A_1351, %mul3A_1393 : vector<16xi32>
    %shift_right_arithmetic3A_1395 = arith.constant 7 : i32
    %shift_right_arithmetic3A_1396 = vector.broadcast %shift_right_arithmetic3A_1395 : i32 to vector<16xi32>
    %shift_right_arithmetic3A_1397 = arith.shrsi %get3A_1353, %shift_right_arithmetic3A_1396 : vector<16xi32>
    %shift_left3A_1398 = arith.constant 9 : i32
    %shift_left3A_1399 = vector.broadcast %shift_left3A_1398 : i32 to vector<16xi32>
    %shift_left3A_1400 = arith.shli %shift_right_arithmetic3A_1397, %shift_left3A_1399 : vector<16xi32>
    %add3A_1401 = arith.addi %mul3A_1394, %shift_left3A_1400 : vector<16xi32>
    %and3A_1402 = arith.constant 127 : i32
    %and3A_1403 = vector.broadcast %and3A_1402 : i32 to vector<16xi32>
    %and3A_1404 = arith.andi %get3A_1353, %and3A_1403 : vector<16xi32>
    %add3A_1405 = arith.addi %add3A_1401, %and3A_1404 : vector<16xi32>
    %add3A_1406 = arith.constant 0 : i32
    %add3A_1407 = vector.broadcast %add3A_1406 : i32 to vector<16xi32>
    %add3A_1408 = arith.addi %add3A_1405, %add3A_1407 : vector<16xi32>
    %swap3A_1409 = arith.constant 0 : i32
    %swap3A_1410 = arith.constant 1 : i32
    %swap3A_1411 = arith.index_cast %swap3A_1409 : i32 to index
    %swap3A_1412 = arith.index_cast %swap3A_1410 : i32 to index
    %swap3A_1413 = arith.constant 96 : index
    %swap3A_1414 = tpu.vector_load %arg11[%swap3A_1411, %swap3A_1412, %swap3A_1413] {strides = array<i32>} : memref<4x2x128xi32, #tpu.memory_space<vmem>>, vector<16xi32>,
    tpu.vector_store %arg11[%swap3A_1411, %swap3A_1412, %swap3A_1413], %add3A_1408 {strides = array<i32>} : memref<4x2x128xi32, #tpu.memory_space<vmem>>, vector<16xi32>,
    %add3A_1415 = arith.constant 128 : i32
    %add3A_1416 = vector.broadcast %add3A_1415 : i32 to vector<16xi32>
    %add3A_1417 = arith.addi %add3A_1405, %add3A_1416 : vector<16xi32>
    %swap3A_1418 = arith.constant 1 : i32
    %swap3A_1419 = arith.constant 1 : i32
    %swap3A_1420 = arith.index_cast %swap3A_1418 : i32 to index
    %swap3A_1421 = arith.index_cast %swap3A_1419 : i32 to index
    %swap3A_1422 = arith.constant 96 : index
    %swap3A_1423 = tpu.vector_load %arg11[%swap3A_1420, %swap3A_1421, %swap3A_1422] {strides = array<i32>} : memref<4x2x128xi32, #tpu.memory_space<vmem>>, vector<16xi32>,
    tpu.vector_store %arg11[%swap3A_1420, %swap3A_1421, %swap3A_1422], %add3A_1417 {strides = array<i32>} : memref<4x2x128xi32, #tpu.memory_space<vmem>>, vector<16xi32>,
    %add3A_1424 = arith.constant 256 : i32
    %add3A_1425 = vector.broadcast %add3A_1424 : i32 to vector<16xi32>
    %add3A_1426 = arith.addi %add3A_1405, %add3A_1425 : vector<16xi32>
    %swap3A_1427 = arith.constant 2 : i32
    %swap3A_1428 = arith.constant 1 : i32
    %swap3A_1429 = arith.index_cast %swap3A_1427 : i32 to index
    %swap3A_1430 = arith.index_cast %swap3A_1428 : i32 to index
    %swap3A_1431 = arith.constant 96 : index
    %swap3A_1432 = tpu.vector_load %arg11[%swap3A_1429, %swap3A_1430, %swap3A_1431] {strides = array<i32>} : memref<4x2x128xi32, #tpu.memory_space<vmem>>, vector<16xi32>,
    tpu.vector_store %arg11[%swap3A_1429, %swap3A_1430, %swap3A_1431], %add3A_1426 {strides = array<i32>} : memref<4x2x128xi32, #tpu.memory_space<vmem>>, vector<16xi32>,
    %add3A_1433 = arith.constant 384 : i32
    %add3A_1434 = vector.broadcast %add3A_1433 : i32 to vector<16xi32>
    %add3A_1435 = arith.addi %add3A_1405, %add3A_1434 : vector<16xi32>
    %swap3A_1436 = arith.constant 3 : i32
    %swap3A_1437 = arith.constant 1 : i32
    %swap3A_1438 = arith.index_cast %swap3A_1436 : i32 to index
    %swap3A_1439 = arith.index_cast %swap3A_1437 : i32 to index
    %swap3A_1440 = arith.constant 96 : index
    %swap3A_1441 = tpu.vector_load %arg11[%swap3A_1438, %swap3A_1439, %swap3A_1440] {strides = array<i32>} : memref<4x2x128xi32, #tpu.memory_space<vmem>>, vector<16xi32>,
    tpu.vector_store %arg11[%swap3A_1438, %swap3A_1439, %swap3A_1440], %add3A_1435 {strides = array<i32>} : memref<4x2x128xi32, #tpu.memory_space<vmem>>, vector<16xi32>,
    %get3A_1442 = arith.constant 240 : index
    %get3A_1443 = tpu.vector_load %arg8[%get3A_1442] {strides = array<i32>} : memref<256xi32, #tpu.memory_space<vmem>>, vector<16xi32>,
    %get3A_1444 = arith.constant 240 : index
    %get3A_1445 = tpu.vector_load %arg9[%get3A_1444] {strides = array<i32>} : memref<256xi32, #tpu.memory_space<vmem>>, vector<16xi32>,
    %mul3A_1446 = arith.constant 65536 : i32
    %mul3A_1447 = vector.broadcast %mul3A_1446 : i32 to vector<16xi32>
    %mul3A_1448 = arith.muli %get3A_1443, %mul3A_1447 : vector<16xi32>
    %shift_right_arithmetic3A_1449 = arith.constant 11 : i32
    %shift_right_arithmetic3A_1450 = vector.broadcast %shift_right_arithmetic3A_1449 : i32 to vector<16xi32>
    %shift_right_arithmetic3A_1451 = arith.shrsi %get3A_1445, %shift_right_arithmetic3A_1450 : vector<16xi32>
    %shift_left3A_1452 = arith.constant 11 : i32
    %shift_left3A_1453 = vector.broadcast %shift_left3A_1452 : i32 to vector<16xi32>
    %shift_left3A_1454 = arith.shli %shift_right_arithmetic3A_1451, %shift_left3A_1453 : vector<16xi32>
    %add3A_1455 = arith.addi %mul3A_1448, %shift_left3A_1454 : vector<16xi32>
    %shift_right_arithmetic3A_1456 = arith.constant 7 : i32
    %shift_right_arithmetic3A_1457 = vector.broadcast %shift_right_arithmetic3A_1456 : i32 to vector<16xi32>
    %shift_right_arithmetic3A_1458 = arith.shrsi %get3A_1445, %shift_right_arithmetic3A_1457 : vector<16xi32>
    %and3A_1459 = arith.constant 1 : i32
    %and3A_1460 = vector.broadcast %and3A_1459 : i32 to vector<16xi32>
    %and3A_1461 = arith.andi %shift_right_arithmetic3A_1458, %and3A_1460 : vector<16xi32>
    %mul3A_1462 = arith.constant 1024 : i32
    %mul3A_1463 = vector.broadcast %mul3A_1462 : i32 to vector<16xi32>
    %mul3A_1464 = arith.muli %and3A_1461, %mul3A_1463 : vector<16xi32>
    %add3A_1465 = arith.addi %add3A_1455, %mul3A_1464 : vector<16xi32>
    %shift_right_arithmetic3A_1466 = arith.constant 8 : i32
    %shift_right_arithmetic3A_1467 = vector.broadcast %shift_right_arithmetic3A_1466 : i32 to vector<16xi32>
    %shift_right_arithmetic3A_1468 = arith.shrsi %get3A_1445, %shift_right_arithmetic3A_1467 : vector<16xi32>
    %and3A_1469 = arith.constant 7 : i32
    %and3A_1470 = vector.broadcast %and3A_1469 : i32 to vector<16xi32>
    %and3A_1471 = arith.andi %shift_right_arithmetic3A_1468, %and3A_1470 : vector<16xi32>
    %shift_left3A_1472 = arith.constant 7 : i32
    %shift_left3A_1473 = vector.broadcast %shift_left3A_1472 : i32 to vector<16xi32>
    %shift_left3A_1474 = arith.shli %and3A_1471, %shift_left3A_1473 : vector<16xi32>
    %add3A_1475 = arith.addi %add3A_1465, %shift_left3A_1474 : vector<16xi32>
    %and3A_1476 = arith.constant 127 : i32
    %and3A_1477 = vector.broadcast %and3A_1476 : i32 to vector<16xi32>
    %and3A_1478 = arith.andi %get3A_1445, %and3A_1477 : vector<16xi32>
    %add3A_1479 = arith.addi %add3A_1475, %and3A_1478 : vector<16xi32>
    %swap3A_1480 = arith.constant 1 : i32
    %swap3A_1481 = arith.index_cast %swap3A_1480 : i32 to index
    %swap3A_1482 = arith.constant 112 : index
    %swap3A_1483 = tpu.vector_load %arg10[%swap3A_1481, %swap3A_1482] {strides = array<i32>} : memref<2x128xi32, #tpu.memory_space<vmem>>, vector<16xi32>,
    tpu.vector_store %arg10[%swap3A_1481, %swap3A_1482], %add3A_1479 {strides = array<i32>} : memref<2x128xi32, #tpu.memory_space<vmem>>, vector<16xi32>,
    %mul3A_1484 = arith.constant 262144 : i32
    %mul3A_1485 = vector.broadcast %mul3A_1484 : i32 to vector<16xi32>
    %mul3A_1486 = arith.muli %get3A_1443, %mul3A_1485 : vector<16xi32>
    %shift_right_arithmetic3A_1487 = arith.constant 7 : i32
    %shift_right_arithmetic3A_1488 = vector.broadcast %shift_right_arithmetic3A_1487 : i32 to vector<16xi32>
    %shift_right_arithmetic3A_1489 = arith.shrsi %get3A_1445, %shift_right_arithmetic3A_1488 : vector<16xi32>
    %shift_left3A_1490 = arith.constant 9 : i32
    %shift_left3A_1491 = vector.broadcast %shift_left3A_1490 : i32 to vector<16xi32>
    %shift_left3A_1492 = arith.shli %shift_right_arithmetic3A_1489, %shift_left3A_1491 : vector<16xi32>
    %add3A_1493 = arith.addi %mul3A_1486, %shift_left3A_1492 : vector<16xi32>
    %and3A_1494 = arith.constant 127 : i32
    %and3A_1495 = vector.broadcast %and3A_1494 : i32 to vector<16xi32>
    %and3A_1496 = arith.andi %get3A_1445, %and3A_1495 : vector<16xi32>
    %add3A_1497 = arith.addi %add3A_1493, %and3A_1496 : vector<16xi32>
    %add3A_1498 = arith.constant 0 : i32
    %add3A_1499 = vector.broadcast %add3A_1498 : i32 to vector<16xi32>
    %add3A_1500 = arith.addi %add3A_1497, %add3A_1499 : vector<16xi32>
    %swap3A_1501 = arith.constant 0 : i32
    %swap3A_1502 = arith.constant 1 : i32
    %swap3A_1503 = arith.index_cast %swap3A_1501 : i32 to index
    %swap3A_1504 = arith.index_cast %swap3A_1502 : i32 to index
    %swap3A_1505 = arith.constant 112 : index
    %swap3A_1506 = tpu.vector_load %arg11[%swap3A_1503, %swap3A_1504, %swap3A_1505] {strides = array<i32>} : memref<4x2x128xi32, #tpu.memory_space<vmem>>, vector<16xi32>,
    tpu.vector_store %arg11[%swap3A_1503, %swap3A_1504, %swap3A_1505], %add3A_1500 {strides = array<i32>} : memref<4x2x128xi32, #tpu.memory_space<vmem>>, vector<16xi32>,
    %add3A_1507 = arith.constant 128 : i32
    %add3A_1508 = vector.broadcast %add3A_1507 : i32 to vector<16xi32>
    %add3A_1509 = arith.addi %add3A_1497, %add3A_1508 : vector<16xi32>
    %swap3A_1510 = arith.constant 1 : i32
    %swap3A_1511 = arith.constant 1 : i32
    %swap3A_1512 = arith.index_cast %swap3A_1510 : i32 to index
    %swap3A_1513 = arith.index_cast %swap3A_1511 : i32 to index
    %swap3A_1514 = arith.constant 112 : index
    %swap3A_1515 = tpu.vector_load %arg11[%swap3A_1512, %swap3A_1513, %swap3A_1514] {strides = array<i32>} : memref<4x2x128xi32, #tpu.memory_space<vmem>>, vector<16xi32>,
    tpu.vector_store %arg11[%swap3A_1512, %swap3A_1513, %swap3A_1514], %add3A_1509 {strides = array<i32>} : memref<4x2x128xi32, #tpu.memory_space<vmem>>, vector<16xi32>,
    %add3A_1516 = arith.constant 256 : i32
    %add3A_1517 = vector.broadcast %add3A_1516 : i32 to vector<16xi32>
    %add3A_1518 = arith.addi %add3A_1497, %add3A_1517 : vector<16xi32>
    %swap3A_1519 = arith.constant 2 : i32
    %swap3A_1520 = arith.constant 1 : i32
    %swap3A_1521 = arith.index_cast %swap3A_1519 : i32 to index
    %swap3A_1522 = arith.index_cast %swap3A_1520 : i32 to index
    %swap3A_1523 = arith.constant 112 : index
    %swap3A_1524 = tpu.vector_load %arg11[%swap3A_1521, %swap3A_1522, %swap3A_1523] {strides = array<i32>} : memref<4x2x128xi32, #tpu.memory_space<vmem>>, vector<16xi32>,
    tpu.vector_store %arg11[%swap3A_1521, %swap3A_1522, %swap3A_1523], %add3A_1518 {strides = array<i32>} : memref<4x2x128xi32, #tpu.memory_space<vmem>>, vector<16xi32>,
    %add3A_1525 = arith.constant 384 : i32
    %add3A_1526 = vector.broadcast %add3A_1525 : i32 to vector<16xi32>
    %add3A_1527 = arith.addi %add3A_1497, %add3A_1526 : vector<16xi32>
    %swap3A_1528 = arith.constant 3 : i32
    %swap3A_1529 = arith.constant 1 : i32
    %swap3A_1530 = arith.index_cast %swap3A_1528 : i32 to index
    %swap3A_1531 = arith.index_cast %swap3A_1529 : i32 to index
    %swap3A_1532 = arith.constant 112 : index
    %swap3A_1533 = tpu.vector_load %arg11[%swap3A_1530, %swap3A_1531, %swap3A_1532] {strides = array<i32>} : memref<4x2x128xi32, #tpu.memory_space<vmem>>, vector<16xi32>,
    tpu.vector_store %arg11[%swap3A_1530, %swap3A_1531, %swap3A_1532], %add3A_1527 {strides = array<i32>} : memref<4x2x128xi32, #tpu.memory_space<vmem>>, vector<16xi32>,
    %dma_start3A_1534 = arith.constant 1 : i32
    %dma_start3A_1535 = arith.constant 1 : i32
    %dma_start3A_1536 = arith.constant 0 : i32
    %dma_start3A_1537 = tpu.memref_slice %arg13[%dma_start3A_1535, %dma_start3A_1536] : memref<2x128xf32, #tpu.memory_space<vmem>> -> memref<1x128xf32, #tpu.memory_space<vmem>>
    %dma_start3A_1538 = tpu.memref_squeeze %dma_start3A_1537 : memref<1x128xf32, #tpu.memory_space<vmem>> -> memref<128xf32, #tpu.memory_space<vmem>>
    %dma_start3A_1539 = arith.constant 0 : i32
    %dma_start3A_1540 = tpu.memref_slice %arg10[%dma_start3A_1534, %dma_start3A_1539] : memref<2x128xi32, #tpu.memory_space<vmem>> -> memref<1x128xi32, #tpu.memory_space<vmem>>
    %dma_start3A_1541 = tpu.memref_squeeze %dma_start3A_1540 : memref<1x128xi32, #tpu.memory_space<vmem>> -> memref<128xi32, #tpu.memory_space<vmem>>
    %dma_start3A_1542 = arith.constant 0 : i32
    %dma_start3A_1543 = tpu.memref_slice %arg6[%dma_start3A_1542] : memref<2097152xf32, #tpu.memory_space<hbm>> -> memref<2097152xf32, #tpu.memory_space<hbm>>
    tpu.enqueue_indirect_dma source(%dma_start3A_1543 : memref<2097152xf32, #tpu.memory_space<hbm>>) target(%dma_start3A_1538 : memref<128xf32, #tpu.memory_space<vmem>>) offsets(%dma_start3A_1541 : memref<128xi32, #tpu.memory_space<vmem>>) semaphore(%arg17 : memref<!tpu.dma_semaphore, #tpu.memory_space<semaphore_mem>>)
    %dma_start3A_1544 = arith.constant 0 : i32
    %dma_start3A_1545 = arith.constant 1 : i32
    %dma_start3A_1546 = arith.constant 0 : i32
    %dma_start3A_1547 = arith.constant 1 : i32
    %dma_start3A_1548 = arith.constant 0 : i32
    %dma_start3A_1549 = tpu.memref_slice %arg12[%dma_start3A_1546, %dma_start3A_1547, %dma_start3A_1548] : memref<4x2x128xf32, #tpu.memory_space<vmem>> -> memref<1x1x128xf32, #tpu.memory_space<vmem>>
    %dma_start3A_1550 = tpu.memref_squeeze %dma_start3A_1549 : memref<1x1x128xf32, #tpu.memory_space<vmem>> -> memref<128xf32, #tpu.memory_space<vmem>>
    %dma_start3A_1551 = arith.constant 0 : i32
    %dma_start3A_1552 = tpu.memref_slice %arg11[%dma_start3A_1544, %dma_start3A_1545, %dma_start3A_1551] : memref<4x2x128xi32, #tpu.memory_space<vmem>> -> memref<1x1x128xi32, #tpu.memory_space<vmem>>
    %dma_start3A_1553 = tpu.memref_squeeze %dma_start3A_1552 : memref<1x1x128xi32, #tpu.memory_space<vmem>> -> memref<128xi32, #tpu.memory_space<vmem>>
    %dma_start3A_1554 = arith.constant 0 : i32
    %dma_start3A_1555 = tpu.memref_slice %arg4[%dma_start3A_1554] : memref<8388608xf32, #tpu.memory_space<hbm>> -> memref<8388608xf32, #tpu.memory_space<hbm>>
    tpu.enqueue_indirect_dma source(%dma_start3A_1555 : memref<8388608xf32, #tpu.memory_space<hbm>>) target(%dma_start3A_1550 : memref<128xf32, #tpu.memory_space<vmem>>) offsets(%dma_start3A_1553 : memref<128xi32, #tpu.memory_space<vmem>>) semaphore(%arg17 : memref<!tpu.dma_semaphore, #tpu.memory_space<semaphore_mem>>)
    %dma_start3A_1556 = arith.constant 1 : i32
    %dma_start3A_1557 = arith.constant 1 : i32
    %dma_start3A_1558 = arith.constant 1 : i32
    %dma_start3A_1559 = arith.constant 1 : i32
    %dma_start3A_1560 = arith.constant 0 : i32
    %dma_start3A_1561 = tpu.memref_slice %arg12[%dma_start3A_1558, %dma_start3A_1559, %dma_start3A_1560] : memref<4x2x128xf32, #tpu.memory_space<vmem>> -> memref<1x1x128xf32, #tpu.memory_space<vmem>>
    %dma_start3A_1562 = tpu.memref_squeeze %dma_start3A_1561 : memref<1x1x128xf32, #tpu.memory_space<vmem>> -> memref<128xf32, #tpu.memory_space<vmem>>
    %dma_start3A_1563 = arith.constant 0 : i32
    %dma_start3A_1564 = tpu.memref_slice %arg11[%dma_start3A_1556, %dma_start3A_1557, %dma_start3A_1563] : memref<4x2x128xi32, #tpu.memory_space<vmem>> -> memref<1x1x128xi32, #tpu.memory_space<vmem>>
    %dma_start3A_1565 = tpu.memref_squeeze %dma_start3A_1564 : memref<1x1x128xi32, #tpu.memory_space<vmem>> -> memref<128xi32, #tpu.memory_space<vmem>>
    %dma_start3A_1566 = arith.constant 0 : i32
    %dma_start3A_1567 = tpu.memref_slice %arg4[%dma_start3A_1566] : memref<8388608xf32, #tpu.memory_space<hbm>> -> memref<8388608xf32, #tpu.memory_space<hbm>>
    tpu.enqueue_indirect_dma source(%dma_start3A_1567 : memref<8388608xf32, #tpu.memory_space<hbm>>) target(%dma_start3A_1562 : memref<128xf32, #tpu.memory_space<vmem>>) offsets(%dma_start3A_1565 : memref<128xi32, #tpu.memory_space<vmem>>) semaphore(%arg17 : memref<!tpu.dma_semaphore, #tpu.memory_space<semaphore_mem>>)
    %dma_start3A_1568 = arith.constant 2 : i32
    %dma_start3A_1569 = arith.constant 1 : i32
    %dma_start3A_1570 = arith.constant 2 : i32
    %dma_start3A_1571 = arith.constant 1 : i32
    %dma_start3A_1572 = arith.constant 0 : i32
    %dma_start3A_1573 = tpu.memref_slice %arg12[%dma_start3A_1570, %dma_start3A_1571, %dma_start3A_1572] : memref<4x2x128xf32, #tpu.memory_space<vmem>> -> memref<1x1x128xf32, #tpu.memory_space<vmem>>
    %dma_start3A_1574 = tpu.memref_squeeze %dma_start3A_1573 : memref<1x1x128xf32, #tpu.memory_space<vmem>> -> memref<128xf32, #tpu.memory_space<vmem>>
    %dma_start3A_1575 = arith.constant 0 : i32
    %dma_start3A_1576 = tpu.memref_slice %arg11[%dma_start3A_1568, %dma_start3A_1569, %dma_start3A_1575] : memref<4x2x128xi32, #tpu.memory_space<vmem>> -> memref<1x1x128xi32, #tpu.memory_space<vmem>>
    %dma_start3A_1577 = tpu.memref_squeeze %dma_start3A_1576 : memref<1x1x128xi32, #tpu.memory_space<vmem>> -> memref<128xi32, #tpu.memory_space<vmem>>
    %dma_start3A_1578 = arith.constant 0 : i32
    %dma_start3A_1579 = tpu.memref_slice %arg4[%dma_start3A_1578] : memref<8388608xf32, #tpu.memory_space<hbm>> -> memref<8388608xf32, #tpu.memory_space<hbm>>
    tpu.enqueue_indirect_dma source(%dma_start3A_1579 : memref<8388608xf32, #tpu.memory_space<hbm>>) target(%dma_start3A_1574 : memref<128xf32, #tpu.memory_space<vmem>>) offsets(%dma_start3A_1577 : memref<128xi32, #tpu.memory_space<vmem>>) semaphore(%arg17 : memref<!tpu.dma_semaphore, #tpu.memory_space<semaphore_mem>>)
    %dma_start3A_1580 = arith.constant 3 : i32
    %dma_start3A_1581 = arith.constant 1 : i32
    %dma_start3A_1582 = arith.constant 3 : i32
    %dma_start3A_1583 = arith.constant 1 : i32
    %dma_start3A_1584 = arith.constant 0 : i32
    %dma_start3A_1585 = tpu.memref_slice %arg12[%dma_start3A_1582, %dma_start3A_1583, %dma_start3A_1584] : memref<4x2x128xf32, #tpu.memory_space<vmem>> -> memref<1x1x128xf32, #tpu.memory_space<vmem>>
    %dma_start3A_1586 = tpu.memref_squeeze %dma_start3A_1585 : memref<1x1x128xf32, #tpu.memory_space<vmem>> -> memref<128xf32, #tpu.memory_space<vmem>>
    %dma_start3A_1587 = arith.constant 0 : i32
    %dma_start3A_1588 = tpu.memref_slice %arg11[%dma_start3A_1580, %dma_start3A_1581, %dma_start3A_1587] : memref<4x2x128xi32, #tpu.memory_space<vmem>> -> memref<1x1x128xi32, #tpu.memory_space<vmem>>
    %dma_start3A_1589 = tpu.memref_squeeze %dma_start3A_1588 : memref<1x1x128xi32, #tpu.memory_space<vmem>> -> memref<128xi32, #tpu.memory_space<vmem>>
    %dma_start3A_1590 = arith.constant 0 : i32
    %dma_start3A_1591 = tpu.memref_slice %arg4[%dma_start3A_1590] : memref<8388608xf32, #tpu.memory_space<hbm>> -> memref<8388608xf32, #tpu.memory_space<hbm>>
    tpu.enqueue_indirect_dma source(%dma_start3A_1591 : memref<8388608xf32, #tpu.memory_space<hbm>>) target(%dma_start3A_1586 : memref<128xf32, #tpu.memory_space<vmem>>) offsets(%dma_start3A_1589 : memref<128xi32, #tpu.memory_space<vmem>>) semaphore(%arg17 : memref<!tpu.dma_semaphore, #tpu.memory_space<semaphore_mem>>)
    %broadcast_in_dim3A = arith.constant 0.000000e+00 : f32
    %broadcast_in_dim3A_1592 = vector.broadcast %broadcast_in_dim3A : f32 to vector<16xf32>
    %broadcast_in_dim3A_1593 = arith.constant 0.000000e+00 : f32
    %broadcast_in_dim3A_1594 = vector.broadcast %broadcast_in_dim3A_1593 : f32 to vector<16xf32>
    %broadcast_in_dim3A_1595 = arith.constant 0 : i32
    %broadcast_in_dim3A_1596 = vector.broadcast %broadcast_in_dim3A_1595 : i32 to vector<16xi32>
    %broadcast_in_dim3A_1597 = arith.constant 1 : i32
    %broadcast_in_dim3A_1598 = vector.broadcast %broadcast_in_dim3A_1597 : i32 to vector<16xi32>
    %broadcast_in_dim3A_1599 = arith.constant 2 : i32
    %broadcast_in_dim3A_1600 = vector.broadcast %broadcast_in_dim3A_1599 : i32 to vector<16xi32>
    %broadcast_in_dim3A_1601 = arith.constant 3 : i32
    %broadcast_in_dim3A_1602 = vector.broadcast %broadcast_in_dim3A_1601 : i32 to vector<16xi32>
    %dma_wait3A_1603 = arith.constant 0 : i32
    %dma_wait3A_1604 = arith.constant 0 : i32
    %dma_wait3A_1605 = arith.constant 0 : i32
    %dma_wait3A_1606 = tpu.memref_slice %arg13[%dma_wait3A_1604, %dma_wait3A_1605] : memref<2x128xf32, #tpu.memory_space<vmem>> -> memref<1x128xf32, #tpu.memory_space<vmem>>
    %dma_wait3A_1607 = tpu.memref_squeeze %dma_wait3A_1606 : memref<1x128xf32, #tpu.memory_space<vmem>> -> memref<128xf32, #tpu.memory_space<vmem>>
    %dma_wait3A_1608 = arith.constant 0 : i32
    %dma_wait3A_1609 = tpu.memref_slice %arg10[%dma_wait3A_1603, %dma_wait3A_1608] : memref<2x128xi32, #tpu.memory_space<vmem>> -> memref<1x128xi32, #tpu.memory_space<vmem>>
    %dma_wait3A_1610 = tpu.memref_squeeze %dma_wait3A_1609 : memref<1x128xi32, #tpu.memory_space<vmem>> -> memref<128xi32, #tpu.memory_space<vmem>>
    %dma_wait3A_1611 = arith.constant 0 : i32
    %dma_wait3A_1612 = tpu.memref_slice %arg6[%dma_wait3A_1611] : memref<2097152xf32, #tpu.memory_space<hbm>> -> memref<2097152xf32, #tpu.memory_space<hbm>>
    tpu.wait_indirect_dma semaphore(%arg16 : memref<!tpu.dma_semaphore, #tpu.memory_space<semaphore_mem>>) src(%dma_wait3A_1612 : memref<2097152xf32, #tpu.memory_space<hbm>>) dst(%dma_wait3A_1607 : memref<128xf32, #tpu.memory_space<vmem>>)
    %dma_wait3A_1613 = arith.constant 0 : i32
    %dma_wait3A_1614 = arith.constant 0 : i32
    %dma_wait3A_1615 = arith.constant 0 : i32
    %dma_wait3A_1616 = arith.constant 0 : i32
    %dma_wait3A_1617 = arith.constant 0 : i32
    %dma_wait3A_1618 = tpu.memref_slice %arg12[%dma_wait3A_1615, %dma_wait3A_1616, %dma_wait3A_1617] : memref<4x2x128xf32, #tpu.memory_space<vmem>> -> memref<1x1x128xf32, #tpu.memory_space<vmem>>
    %dma_wait3A_1619 = tpu.memref_squeeze %dma_wait3A_1618 : memref<1x1x128xf32, #tpu.memory_space<vmem>> -> memref<128xf32, #tpu.memory_space<vmem>>
    %dma_wait3A_1620 = arith.constant 0 : i32
    %dma_wait3A_1621 = tpu.memref_slice %arg11[%dma_wait3A_1613, %dma_wait3A_1614, %dma_wait3A_1620] : memref<4x2x128xi32, #tpu.memory_space<vmem>> -> memref<1x1x128xi32, #tpu.memory_space<vmem>>
    %dma_wait3A_1622 = tpu.memref_squeeze %dma_wait3A_1621 : memref<1x1x128xi32, #tpu.memory_space<vmem>> -> memref<128xi32, #tpu.memory_space<vmem>>
    %dma_wait3A_1623 = arith.constant 0 : i32
    %dma_wait3A_1624 = tpu.memref_slice %arg4[%dma_wait3A_1623] : memref<8388608xf32, #tpu.memory_space<hbm>> -> memref<8388608xf32, #tpu.memory_space<hbm>>
    tpu.wait_indirect_dma semaphore(%arg16 : memref<!tpu.dma_semaphore, #tpu.memory_space<semaphore_mem>>) src(%dma_wait3A_1624 : memref<8388608xf32, #tpu.memory_space<hbm>>) dst(%dma_wait3A_1619 : memref<128xf32, #tpu.memory_space<vmem>>)
    %dma_wait3A_1625 = arith.constant 1 : i32
    %dma_wait3A_1626 = arith.constant 0 : i32
    %dma_wait3A_1627 = arith.constant 1 : i32
    %dma_wait3A_1628 = arith.constant 0 : i32
    %dma_wait3A_1629 = arith.constant 0 : i32
    %dma_wait3A_1630 = tpu.memref_slice %arg12[%dma_wait3A_1627, %dma_wait3A_1628, %dma_wait3A_1629] : memref<4x2x128xf32, #tpu.memory_space<vmem>> -> memref<1x1x128xf32, #tpu.memory_space<vmem>>
    %dma_wait3A_1631 = tpu.memref_squeeze %dma_wait3A_1630 : memref<1x1x128xf32, #tpu.memory_space<vmem>> -> memref<128xf32, #tpu.memory_space<vmem>>
    %dma_wait3A_1632 = arith.constant 0 : i32
    %dma_wait3A_1633 = tpu.memref_slice %arg11[%dma_wait3A_1625, %dma_wait3A_1626, %dma_wait3A_1632] : memref<4x2x128xi32, #tpu.memory_space<vmem>> -> memref<1x1x128xi32, #tpu.memory_space<vmem>>
    %dma_wait3A_1634 = tpu.memref_squeeze %dma_wait3A_1633 : memref<1x1x128xi32, #tpu.memory_space<vmem>> -> memref<128xi32, #tpu.memory_space<vmem>>
    %dma_wait3A_1635 = arith.constant 0 : i32
    %dma_wait3A_1636 = tpu.memref_slice %arg4[%dma_wait3A_1635] : memref<8388608xf32, #tpu.memory_space<hbm>> -> memref<8388608xf32, #tpu.memory_space<hbm>>
    tpu.wait_indirect_dma semaphore(%arg16 : memref<!tpu.dma_semaphore, #tpu.memory_space<semaphore_mem>>) src(%dma_wait3A_1636 : memref<8388608xf32, #tpu.memory_space<hbm>>) dst(%dma_wait3A_1631 : memref<128xf32, #tpu.memory_space<vmem>>)
    %dma_wait3A_1637 = arith.constant 2 : i32
    %dma_wait3A_1638 = arith.constant 0 : i32
    %dma_wait3A_1639 = arith.constant 2 : i32
    %dma_wait3A_1640 = arith.constant 0 : i32
    %dma_wait3A_1641 = arith.constant 0 : i32
    %dma_wait3A_1642 = tpu.memref_slice %arg12[%dma_wait3A_1639, %dma_wait3A_1640, %dma_wait3A_1641] : memref<4x2x128xf32, #tpu.memory_space<vmem>> -> memref<1x1x128xf32, #tpu.memory_space<vmem>>
    %dma_wait3A_1643 = tpu.memref_squeeze %dma_wait3A_1642 : memref<1x1x128xf32, #tpu.memory_space<vmem>> -> memref<128xf32, #tpu.memory_space<vmem>>
    %dma_wait3A_1644 = arith.constant 0 : i32
    %dma_wait3A_1645 = tpu.memref_slice %arg11[%dma_wait3A_1637, %dma_wait3A_1638, %dma_wait3A_1644] : memref<4x2x128xi32, #tpu.memory_space<vmem>> -> memref<1x1x128xi32, #tpu.memory_space<vmem>>
    %dma_wait3A_1646 = tpu.memref_squeeze %dma_wait3A_1645 : memref<1x1x128xi32, #tpu.memory_space<vmem>> -> memref<128xi32, #tpu.memory_space<vmem>>
    %dma_wait3A_1647 = arith.constant 0 : i32
    %dma_wait3A_1648 = tpu.memref_slice %arg4[%dma_wait3A_1647] : memref<8388608xf32, #tpu.memory_space<hbm>> -> memref<8388608xf32, #tpu.memory_space<hbm>>
    tpu.wait_indirect_dma semaphore(%arg16 : memref<!tpu.dma_semaphore, #tpu.memory_space<semaphore_mem>>) src(%dma_wait3A_1648 : memref<8388608xf32, #tpu.memory_space<hbm>>) dst(%dma_wait3A_1643 : memref<128xf32, #tpu.memory_space<vmem>>)
    %dma_wait3A_1649 = arith.constant 3 : i32
    %dma_wait3A_1650 = arith.constant 0 : i32
    %dma_wait3A_1651 = arith.constant 3 : i32
    %dma_wait3A_1652 = arith.constant 0 : i32
    %dma_wait3A_1653 = arith.constant 0 : i32
    %dma_wait3A_1654 = tpu.memref_slice %arg12[%dma_wait3A_1651, %dma_wait3A_1652, %dma_wait3A_1653] : memref<4x2x128xf32, #tpu.memory_space<vmem>> -> memref<1x1x128xf32, #tpu.memory_space<vmem>>
    %dma_wait3A_1655 = tpu.memref_squeeze %dma_wait3A_1654 : memref<1x1x128xf32, #tpu.memory_space<vmem>> -> memref<128xf32, #tpu.memory_space<vmem>>
    %dma_wait3A_1656 = arith.constant 0 : i32
    %dma_wait3A_1657 = tpu.memref_slice %arg11[%dma_wait3A_1649, %dma_wait3A_1650, %dma_wait3A_1656] : memref<4x2x128xi32, #tpu.memory_space<vmem>> -> memref<1x1x128xi32, #tpu.memory_space<vmem>>
    %dma_wait3A_1658 = tpu.memref_squeeze %dma_wait3A_1657 : memref<1x1x128xi32, #tpu.memory_space<vmem>> -> memref<128xi32, #tpu.memory_space<vmem>>
    %dma_wait3A_1659 = arith.constant 0 : i32
    %dma_wait3A_1660 = tpu.memref_slice %arg4[%dma_wait3A_1659] : memref<8388608xf32, #tpu.memory_space<hbm>> -> memref<8388608xf32, #tpu.memory_space<hbm>>
    tpu.wait_indirect_dma semaphore(%arg16 : memref<!tpu.dma_semaphore, #tpu.memory_space<semaphore_mem>>) src(%dma_wait3A_1660 : memref<8388608xf32, #tpu.memory_space<hbm>>) dst(%dma_wait3A_1655 : memref<128xf32, #tpu.memory_space<vmem>>)
    %get3A_1661 = arith.constant 0 : index
    %get3A_1662 = tpu.vector_load %arg8[%get3A_1661] {strides = array<i32>} : memref<256xi32, #tpu.memory_space<vmem>>, vector<16xi32>,
    %get3A_1663 = arith.constant 0 : i32
    %get3A_1664 = arith.constant 0 : i32
    %get3A_1665 = arith.index_cast %get3A_1663 : i32 to index
    %get3A_1666 = arith.index_cast %get3A_1664 : i32 to index
    %get3A_1667 = arith.constant 0 : index
    %get3A_1668 = tpu.vector_load %arg12[%get3A_1665, %get3A_1666, %get3A_1667] {strides = array<i32>} : memref<4x2x128xf32, #tpu.memory_space<vmem>>, vector<16xf32>,
    %get3A_1669 = arith.constant 1 : i32
    %get3A_1670 = arith.constant 0 : i32
    %get3A_1671 = arith.index_cast %get3A_1669 : i32 to index
    %get3A_1672 = arith.index_cast %get3A_1670 : i32 to index
    %get3A_1673 = arith.constant 0 : index
    %get3A_1674 = tpu.vector_load %arg12[%get3A_1671, %get3A_1672, %get3A_1673] {strides = array<i32>} : memref<4x2x128xf32, #tpu.memory_space<vmem>>, vector<16xf32>,
    %get3A_1675 = arith.constant 2 : i32
    %get3A_1676 = arith.constant 0 : i32
    %get3A_1677 = arith.index_cast %get3A_1675 : i32 to index
    %get3A_1678 = arith.index_cast %get3A_1676 : i32 to index
    %get3A_1679 = arith.constant 0 : index
    %get3A_1680 = tpu.vector_load %arg12[%get3A_1677, %get3A_1678, %get3A_1679] {strides = array<i32>} : memref<4x2x128xf32, #tpu.memory_space<vmem>>, vector<16xf32>,
    %get3A_1681 = arith.constant 3 : i32
    %get3A_1682 = arith.constant 0 : i32
    %get3A_1683 = arith.index_cast %get3A_1681 : i32 to index
    %get3A_1684 = arith.index_cast %get3A_1682 : i32 to index
    %get3A_1685 = arith.constant 0 : index
    %get3A_1686 = tpu.vector_load %arg12[%get3A_1683, %get3A_1684, %get3A_1685] {strides = array<i32>} : memref<4x2x128xf32, #tpu.memory_space<vmem>>, vector<16xf32>,
    %gather3A = tpu.vector_load_idx %arg14[%get3A_1662, %broadcast_in_dim3A_1596] : memref<32x4xf32, #tpu.memory_space<vmem>>[vector<16xi32>, vector<16xi32>], vector<16xf32>,
    %gather3A_1687 = tpu.vector_load_idx %arg14[%get3A_1662, %broadcast_in_dim3A_1598] : memref<32x4xf32, #tpu.memory_space<vmem>>[vector<16xi32>, vector<16xi32>], vector<16xf32>,
    %gather3A_1688 = tpu.vector_load_idx %arg14[%get3A_1662, %broadcast_in_dim3A_1600] : memref<32x4xf32, #tpu.memory_space<vmem>>[vector<16xi32>, vector<16xi32>], vector<16xf32>,
    %gather3A_1689 = tpu.vector_load_idx %arg14[%get3A_1662, %broadcast_in_dim3A_1602] : memref<32x4xf32, #tpu.memory_space<vmem>>[vector<16xi32>, vector<16xi32>], vector<16xf32>,
    %min3A = arith.minimumf %gather3A_1688, %get3A_1680 : vector<16xf32>
    %max3A = arith.maximumf %gather3A, %get3A_1668 : vector<16xf32>
    %sub3A = arith.subf %min3A, %max3A : vector<16xf32>
    %max3A_1690 = arith.constant 0.000000e+00 : f32
    %max3A_1691 = vector.broadcast %max3A_1690 : f32 to vector<16xf32>
    %max3A_1692 = arith.maximumf %sub3A, %max3A_1691 : vector<16xf32>
    %min3A_1693 = arith.minimumf %gather3A_1689, %get3A_1686 : vector<16xf32>
    %max3A_1694 = arith.maximumf %gather3A_1687, %get3A_1674 : vector<16xf32>
    %sub3A_1695 = arith.subf %min3A_1693, %max3A_1694 : vector<16xf32>
    %max3A_1696 = arith.constant 0.000000e+00 : f32
    %max3A_1697 = vector.broadcast %max3A_1696 : f32 to vector<16xf32>
    %max3A_1698 = arith.maximumf %sub3A_1695, %max3A_1697 : vector<16xf32>
    %mul3A_1699 = arith.mulf %max3A_1692, %max3A_1698 : vector<16xf32>
    %sub3A_1700 = arith.subf %gather3A_1688, %gather3A : vector<16xf32>
    %sub3A_1701 = arith.subf %gather3A_1689, %gather3A_1687 : vector<16xf32>
    %mul3A_1702 = arith.mulf %sub3A_1700, %sub3A_1701 : vector<16xf32>
    %sub3A_1703 = arith.subf %get3A_1680, %get3A_1668 : vector<16xf32>
    %sub3A_1704 = arith.subf %get3A_1686, %get3A_1674 : vector<16xf32>
    %mul3A_1705 = arith.mulf %sub3A_1703, %sub3A_1704 : vector<16xf32>
    %add3A_1706 = arith.addf %mul3A_1702, %mul3A_1705 : vector<16xf32>
    %sub3A_1707 = arith.subf %add3A_1706, %mul3A_1699 : vector<16xf32>
    %max3A_1708 = arith.constant 9.99999997E-7 : f32
    %max3A_1709 = vector.broadcast %max3A_1708 : f32 to vector<16xf32>
    %max3A_1710 = arith.maximumf %sub3A_1707, %max3A_1709 : vector<16xf32>
    %div3A = arith.divf %mul3A_1699, %max3A_1710 : vector<16xf32>
    %get3A_1711 = arith.constant 0 : i32
    %get3A_1712 = arith.index_cast %get3A_1711 : i32 to index
    %get3A_1713 = arith.constant 0 : index
    %get3A_1714 = tpu.vector_load %arg13[%get3A_1712, %get3A_1713] {strides = array<i32>} : memref<2x128xf32, #tpu.memory_space<vmem>>, vector<16xf32>,
    %mul3A_1715 = arith.mulf %get3A_1714, %div3A : vector<16xf32>
    %add3A_1716 = arith.addf %broadcast_in_dim3A_1592, %mul3A_1715 : vector<16xf32>
    %sub3A_1717 = arith.subf %get3A_1668, %gather3A : vector<16xf32>
    %abs3A = math.absf %sub3A_1717 : vector<16xf32>
    %sub3A_1718 = arith.subf %get3A_1674, %gather3A_1687 : vector<16xf32>
    %abs3A_1719 = math.absf %sub3A_1718 : vector<16xf32>
    %add3A_1720 = arith.addf %abs3A, %abs3A_1719 : vector<16xf32>
    %sub3A_1721 = arith.subf %get3A_1680, %gather3A_1688 : vector<16xf32>
    %abs3A_1722 = math.absf %sub3A_1721 : vector<16xf32>
    %add3A_1723 = arith.addf %add3A_1720, %abs3A_1722 : vector<16xf32>
    %sub3A_1724 = arith.subf %get3A_1686, %gather3A_1689 : vector<16xf32>
    %abs3A_1725 = math.absf %sub3A_1724 : vector<16xf32>
    %add3A_1726 = arith.addf %add3A_1723, %abs3A_1725 : vector<16xf32>
    %add3A_1727 = arith.addf %broadcast_in_dim3A_1594, %add3A_1726 : vector<16xf32>
    %get3A_1728 = arith.constant 16 : index
    %get3A_1729 = tpu.vector_load %arg8[%get3A_1728] {strides = array<i32>} : memref<256xi32, #tpu.memory_space<vmem>>, vector<16xi32>,
    %get3A_1730 = arith.constant 0 : i32
    %get3A_1731 = arith.constant 0 : i32
    %get3A_1732 = arith.index_cast %get3A_1730 : i32 to index
    %get3A_1733 = arith.index_cast %get3A_1731 : i32 to index
    %get3A_1734 = arith.constant 16 : index
    %get3A_1735 = tpu.vector_load %arg12[%get3A_1732, %get3A_1733, %get3A_1734] {strides = array<i32>} : memref<4x2x128xf32, #tpu.memory_space<vmem>>, vector<16xf32>,
    %get3A_1736 = arith.constant 1 : i32
    %get3A_1737 = arith.constant 0 : i32
    %get3A_1738 = arith.index_cast %get3A_1736 : i32 to index
    %get3A_1739 = arith.index_cast %get3A_1737 : i32 to index
    %get3A_1740 = arith.constant 16 : index
    %get3A_1741 = tpu.vector_load %arg12[%get3A_1738, %get3A_1739, %get3A_1740] {strides = array<i32>} : memref<4x2x128xf32, #tpu.memory_space<vmem>>, vector<16xf32>,
    %get3A_1742 = arith.constant 2 : i32
    %get3A_1743 = arith.constant 0 : i32
    %get3A_1744 = arith.index_cast %get3A_1742 : i32 to index
    %get3A_1745 = arith.index_cast %get3A_1743 : i32 to index
    %get3A_1746 = arith.constant 16 : index
    %get3A_1747 = tpu.vector_load %arg12[%get3A_1744, %get3A_1745, %get3A_1746] {strides = array<i32>} : memref<4x2x128xf32, #tpu.memory_space<vmem>>, vector<16xf32>,
    %get3A_1748 = arith.constant 3 : i32
    %get3A_1749 = arith.constant 0 : i32
    %get3A_1750 = arith.index_cast %get3A_1748 : i32 to index
    %get3A_1751 = arith.index_cast %get3A_1749 : i32 to index
    %get3A_1752 = arith.constant 16 : index
    %get3A_1753 = tpu.vector_load %arg12[%get3A_1750, %get3A_1751, %get3A_1752] {strides = array<i32>} : memref<4x2x128xf32, #tpu.memory_space<vmem>>, vector<16xf32>,
    %gather3A_1754 = tpu.vector_load_idx %arg14[%get3A_1729, %broadcast_in_dim3A_1596] : memref<32x4xf32, #tpu.memory_space<vmem>>[vector<16xi32>, vector<16xi32>], vector<16xf32>,
    %gather3A_1755 = tpu.vector_load_idx %arg14[%get3A_1729, %broadcast_in_dim3A_1598] : memref<32x4xf32, #tpu.memory_space<vmem>>[vector<16xi32>, vector<16xi32>], vector<16xf32>,
    %gather3A_1756 = tpu.vector_load_idx %arg14[%get3A_1729, %broadcast_in_dim3A_1600] : memref<32x4xf32, #tpu.memory_space<vmem>>[vector<16xi32>, vector<16xi32>], vector<16xf32>,
    %gather3A_1757 = tpu.vector_load_idx %arg14[%get3A_1729, %broadcast_in_dim3A_1602] : memref<32x4xf32, #tpu.memory_space<vmem>>[vector<16xi32>, vector<16xi32>], vector<16xf32>,
    %min3A_1758 = arith.minimumf %gather3A_1756, %get3A_1747 : vector<16xf32>
    %max3A_1759 = arith.maximumf %gather3A_1754, %get3A_1735 : vector<16xf32>
    %sub3A_1760 = arith.subf %min3A_1758, %max3A_1759 : vector<16xf32>
    %max3A_1761 = arith.constant 0.000000e+00 : f32
    %max3A_1762 = vector.broadcast %max3A_1761 : f32 to vector<16xf32>
    %max3A_1763 = arith.maximumf %sub3A_1760, %max3A_1762 : vector<16xf32>
    %min3A_1764 = arith.minimumf %gather3A_1757, %get3A_1753 : vector<16xf32>
    %max3A_1765 = arith.maximumf %gather3A_1755, %get3A_1741 : vector<16xf32>
    %sub3A_1766 = arith.subf %min3A_1764, %max3A_1765 : vector<16xf32>
    %max3A_1767 = arith.constant 0.000000e+00 : f32
    %max3A_1768 = vector.broadcast %max3A_1767 : f32 to vector<16xf32>
    %max3A_1769 = arith.maximumf %sub3A_1766, %max3A_1768 : vector<16xf32>
    %mul3A_1770 = arith.mulf %max3A_1763, %max3A_1769 : vector<16xf32>
    %sub3A_1771 = arith.subf %gather3A_1756, %gather3A_1754 : vector<16xf32>
    %sub3A_1772 = arith.subf %gather3A_1757, %gather3A_1755 : vector<16xf32>
    %mul3A_1773 = arith.mulf %sub3A_1771, %sub3A_1772 : vector<16xf32>
    %sub3A_1774 = arith.subf %get3A_1747, %get3A_1735 : vector<16xf32>
    %sub3A_1775 = arith.subf %get3A_1753, %get3A_1741 : vector<16xf32>
    %mul3A_1776 = arith.mulf %sub3A_1774, %sub3A_1775 : vector<16xf32>
    %add3A_1777 = arith.addf %mul3A_1773, %mul3A_1776 : vector<16xf32>
    %sub3A_1778 = arith.subf %add3A_1777, %mul3A_1770 : vector<16xf32>
    %max3A_1779 = arith.constant 9.99999997E-7 : f32
    %max3A_1780 = vector.broadcast %max3A_1779 : f32 to vector<16xf32>
    %max3A_1781 = arith.maximumf %sub3A_1778, %max3A_1780 : vector<16xf32>
    %div3A_1782 = arith.divf %mul3A_1770, %max3A_1781 : vector<16xf32>
    %get3A_1783 = arith.constant 0 : i32
    %get3A_1784 = arith.index_cast %get3A_1783 : i32 to index
    %get3A_1785 = arith.constant 16 : index
    %get3A_1786 = tpu.vector_load %arg13[%get3A_1784, %get3A_1785] {strides = array<i32>} : memref<2x128xf32, #tpu.memory_space<vmem>>, vector<16xf32>,
    %mul3A_1787 = arith.mulf %get3A_1786, %div3A_1782 : vector<16xf32>
    %add3A_1788 = arith.addf %add3A_1716, %mul3A_1787 : vector<16xf32>
    %sub3A_1789 = arith.subf %get3A_1735, %gather3A_1754 : vector<16xf32>
    %abs3A_1790 = math.absf %sub3A_1789 : vector<16xf32>
    %sub3A_1791 = arith.subf %get3A_1741, %gather3A_1755 : vector<16xf32>
    %abs3A_1792 = math.absf %sub3A_1791 : vector<16xf32>
    %add3A_1793 = arith.addf %abs3A_1790, %abs3A_1792 : vector<16xf32>
    %sub3A_1794 = arith.subf %get3A_1747, %gather3A_1756 : vector<16xf32>
    %abs3A_1795 = math.absf %sub3A_1794 : vector<16xf32>
    %add3A_1796 = arith.addf %add3A_1793, %abs3A_1795 : vector<16xf32>
    %sub3A_1797 = arith.subf %get3A_1753, %gather3A_1757 : vector<16xf32>
    %abs3A_1798 = math.absf %sub3A_1797 : vector<16xf32>
    %add3A_1799 = arith.addf %add3A_1796, %abs3A_1798 : vector<16xf32>
    %add3A_1800 = arith.addf %add3A_1727, %add3A_1799 : vector<16xf32>
    %get3A_1801 = arith.constant 32 : index
    %get3A_1802 = tpu.vector_load %arg8[%get3A_1801] {strides = array<i32>} : memref<256xi32, #tpu.memory_space<vmem>>, vector<16xi32>,
    %get3A_1803 = arith.constant 0 : i32
    %get3A_1804 = arith.constant 0 : i32
    %get3A_1805 = arith.index_cast %get3A_1803 : i32 to index
    %get3A_1806 = arith.index_cast %get3A_1804 : i32 to index
    %get3A_1807 = arith.constant 32 : index
    %get3A_1808 = tpu.vector_load %arg12[%get3A_1805, %get3A_1806, %get3A_1807] {strides = array<i32>} : memref<4x2x128xf32, #tpu.memory_space<vmem>>, vector<16xf32>,
    %get3A_1809 = arith.constant 1 : i32
    %get3A_1810 = arith.constant 0 : i32
    %get3A_1811 = arith.index_cast %get3A_1809 : i32 to index
    %get3A_1812 = arith.index_cast %get3A_1810 : i32 to index
    %get3A_1813 = arith.constant 32 : index
    %get3A_1814 = tpu.vector_load %arg12[%get3A_1811, %get3A_1812, %get3A_1813] {strides = array<i32>} : memref<4x2x128xf32, #tpu.memory_space<vmem>>, vector<16xf32>,
    %get3A_1815 = arith.constant 2 : i32
    %get3A_1816 = arith.constant 0 : i32
    %get3A_1817 = arith.index_cast %get3A_1815 : i32 to index
    %get3A_1818 = arith.index_cast %get3A_1816 : i32 to index
    %get3A_1819 = arith.constant 32 : index
    %get3A_1820 = tpu.vector_load %arg12[%get3A_1817, %get3A_1818, %get3A_1819] {strides = array<i32>} : memref<4x2x128xf32, #tpu.memory_space<vmem>>, vector<16xf32>,
    %get3A_1821 = arith.constant 3 : i32
    %get3A_1822 = arith.constant 0 : i32
    %get3A_1823 = arith.index_cast %get3A_1821 : i32 to index
    %get3A_1824 = arith.index_cast %get3A_1822 : i32 to index
    %get3A_1825 = arith.constant 32 : index
    %get3A_1826 = tpu.vector_load %arg12[%get3A_1823, %get3A_1824, %get3A_1825] {strides = array<i32>} : memref<4x2x128xf32, #tpu.memory_space<vmem>>, vector<16xf32>,
    %gather3A_1827 = tpu.vector_load_idx %arg14[%get3A_1802, %broadcast_in_dim3A_1596] : memref<32x4xf32, #tpu.memory_space<vmem>>[vector<16xi32>, vector<16xi32>], vector<16xf32>,
    %gather3A_1828 = tpu.vector_load_idx %arg14[%get3A_1802, %broadcast_in_dim3A_1598] : memref<32x4xf32, #tpu.memory_space<vmem>>[vector<16xi32>, vector<16xi32>], vector<16xf32>,
    %gather3A_1829 = tpu.vector_load_idx %arg14[%get3A_1802, %broadcast_in_dim3A_1600] : memref<32x4xf32, #tpu.memory_space<vmem>>[vector<16xi32>, vector<16xi32>], vector<16xf32>,
    %gather3A_1830 = tpu.vector_load_idx %arg14[%get3A_1802, %broadcast_in_dim3A_1602] : memref<32x4xf32, #tpu.memory_space<vmem>>[vector<16xi32>, vector<16xi32>], vector<16xf32>,
    %min3A_1831 = arith.minimumf %gather3A_1829, %get3A_1820 : vector<16xf32>
    %max3A_1832 = arith.maximumf %gather3A_1827, %get3A_1808 : vector<16xf32>
    %sub3A_1833 = arith.subf %min3A_1831, %max3A_1832 : vector<16xf32>
    %max3A_1834 = arith.constant 0.000000e+00 : f32
    %max3A_1835 = vector.broadcast %max3A_1834 : f32 to vector<16xf32>
    %max3A_1836 = arith.maximumf %sub3A_1833, %max3A_1835 : vector<16xf32>
    %min3A_1837 = arith.minimumf %gather3A_1830, %get3A_1826 : vector<16xf32>
    %max3A_1838 = arith.maximumf %gather3A_1828, %get3A_1814 : vector<16xf32>
    %sub3A_1839 = arith.subf %min3A_1837, %max3A_1838 : vector<16xf32>
    %max3A_1840 = arith.constant 0.000000e+00 : f32
    %max3A_1841 = vector.broadcast %max3A_1840 : f32 to vector<16xf32>
    %max3A_1842 = arith.maximumf %sub3A_1839, %max3A_1841 : vector<16xf32>
    %mul3A_1843 = arith.mulf %max3A_1836, %max3A_1842 : vector<16xf32>
    %sub3A_1844 = arith.subf %gather3A_1829, %gather3A_1827 : vector<16xf32>
    %sub3A_1845 = arith.subf %gather3A_1830, %gather3A_1828 : vector<16xf32>
    %mul3A_1846 = arith.mulf %sub3A_1844, %sub3A_1845 : vector<16xf32>
    %sub3A_1847 = arith.subf %get3A_1820, %get3A_1808 : vector<16xf32>
    %sub3A_1848 = arith.subf %get3A_1826, %get3A_1814 : vector<16xf32>
    %mul3A_1849 = arith.mulf %sub3A_1847, %sub3A_1848 : vector<16xf32>
    %add3A_1850 = arith.addf %mul3A_1846, %mul3A_1849 : vector<16xf32>
    %sub3A_1851 = arith.subf %add3A_1850, %mul3A_1843 : vector<16xf32>
    %max3A_1852 = arith.constant 9.99999997E-7 : f32
    %max3A_1853 = vector.broadcast %max3A_1852 : f32 to vector<16xf32>
    %max3A_1854 = arith.maximumf %sub3A_1851, %max3A_1853 : vector<16xf32>
    %div3A_1855 = arith.divf %mul3A_1843, %max3A_1854 : vector<16xf32>
    %get3A_1856 = arith.constant 0 : i32
    %get3A_1857 = arith.index_cast %get3A_1856 : i32 to index
    %get3A_1858 = arith.constant 32 : index
    %get3A_1859 = tpu.vector_load %arg13[%get3A_1857, %get3A_1858] {strides = array<i32>} : memref<2x128xf32, #tpu.memory_space<vmem>>, vector<16xf32>,
    %mul3A_1860 = arith.mulf %get3A_1859, %div3A_1855 : vector<16xf32>
    %add3A_1861 = arith.addf %add3A_1788, %mul3A_1860 : vector<16xf32>
    %sub3A_1862 = arith.subf %get3A_1808, %gather3A_1827 : vector<16xf32>
    %abs3A_1863 = math.absf %sub3A_1862 : vector<16xf32>
    %sub3A_1864 = arith.subf %get3A_1814, %gather3A_1828 : vector<16xf32>
    %abs3A_1865 = math.absf %sub3A_1864 : vector<16xf32>
    %add3A_1866 = arith.addf %abs3A_1863, %abs3A_1865 : vector<16xf32>
    %sub3A_1867 = arith.subf %get3A_1820, %gather3A_1829 : vector<16xf32>
    %abs3A_1868 = math.absf %sub3A_1867 : vector<16xf32>
    %add3A_1869 = arith.addf %add3A_1866, %abs3A_1868 : vector<16xf32>
    %sub3A_1870 = arith.subf %get3A_1826, %gather3A_1830 : vector<16xf32>
    %abs3A_1871 = math.absf %sub3A_1870 : vector<16xf32>
    %add3A_1872 = arith.addf %add3A_1869, %abs3A_1871 : vector<16xf32>
    %add3A_1873 = arith.addf %add3A_1800, %add3A_1872 : vector<16xf32>
    %get3A_1874 = arith.constant 48 : index
    %get3A_1875 = tpu.vector_load %arg8[%get3A_1874] {strides = array<i32>} : memref<256xi32, #tpu.memory_space<vmem>>, vector<16xi32>,
    %get3A_1876 = arith.constant 0 : i32
    %get3A_1877 = arith.constant 0 : i32
    %get3A_1878 = arith.index_cast %get3A_1876 : i32 to index
    %get3A_1879 = arith.index_cast %get3A_1877 : i32 to index
    %get3A_1880 = arith.constant 48 : index
    %get3A_1881 = tpu.vector_load %arg12[%get3A_1878, %get3A_1879, %get3A_1880] {strides = array<i32>} : memref<4x2x128xf32, #tpu.memory_space<vmem>>, vector<16xf32>,
    %get3A_1882 = arith.constant 1 : i32
    %get3A_1883 = arith.constant 0 : i32
    %get3A_1884 = arith.index_cast %get3A_1882 : i32 to index
    %get3A_1885 = arith.index_cast %get3A_1883 : i32 to index
    %get3A_1886 = arith.constant 48 : index
    %get3A_1887 = tpu.vector_load %arg12[%get3A_1884, %get3A_1885, %get3A_1886] {strides = array<i32>} : memref<4x2x128xf32, #tpu.memory_space<vmem>>, vector<16xf32>,
    %get3A_1888 = arith.constant 2 : i32
    %get3A_1889 = arith.constant 0 : i32
    %get3A_1890 = arith.index_cast %get3A_1888 : i32 to index
    %get3A_1891 = arith.index_cast %get3A_1889 : i32 to index
    %get3A_1892 = arith.constant 48 : index
    %get3A_1893 = tpu.vector_load %arg12[%get3A_1890, %get3A_1891, %get3A_1892] {strides = array<i32>} : memref<4x2x128xf32, #tpu.memory_space<vmem>>, vector<16xf32>,
    %get3A_1894 = arith.constant 3 : i32
    %get3A_1895 = arith.constant 0 : i32
    %get3A_1896 = arith.index_cast %get3A_1894 : i32 to index
    %get3A_1897 = arith.index_cast %get3A_1895 : i32 to index
    %get3A_1898 = arith.constant 48 : index
    %get3A_1899 = tpu.vector_load %arg12[%get3A_1896, %get3A_1897, %get3A_1898] {strides = array<i32>} : memref<4x2x128xf32, #tpu.memory_space<vmem>>, vector<16xf32>,
    %gather3A_1900 = tpu.vector_load_idx %arg14[%get3A_1875, %broadcast_in_dim3A_1596] : memref<32x4xf32, #tpu.memory_space<vmem>>[vector<16xi32>, vector<16xi32>], vector<16xf32>,
    %gather3A_1901 = tpu.vector_load_idx %arg14[%get3A_1875, %broadcast_in_dim3A_1598] : memref<32x4xf32, #tpu.memory_space<vmem>>[vector<16xi32>, vector<16xi32>], vector<16xf32>,
    %gather3A_1902 = tpu.vector_load_idx %arg14[%get3A_1875, %broadcast_in_dim3A_1600] : memref<32x4xf32, #tpu.memory_space<vmem>>[vector<16xi32>, vector<16xi32>], vector<16xf32>,
    %gather3A_1903 = tpu.vector_load_idx %arg14[%get3A_1875, %broadcast_in_dim3A_1602] : memref<32x4xf32, #tpu.memory_space<vmem>>[vector<16xi32>, vector<16xi32>], vector<16xf32>,
    %min3A_1904 = arith.minimumf %gather3A_1902, %get3A_1893 : vector<16xf32>
    %max3A_1905 = arith.maximumf %gather3A_1900, %get3A_1881 : vector<16xf32>
    %sub3A_1906 = arith.subf %min3A_1904, %max3A_1905 : vector<16xf32>
    %max3A_1907 = arith.constant 0.000000e+00 : f32
    %max3A_1908 = vector.broadcast %max3A_1907 : f32 to vector<16xf32>
    %max3A_1909 = arith.maximumf %sub3A_1906, %max3A_1908 : vector<16xf32>
    %min3A_1910 = arith.minimumf %gather3A_1903, %get3A_1899 : vector<16xf32>
    %max3A_1911 = arith.maximumf %gather3A_1901, %get3A_1887 : vector<16xf32>
    %sub3A_1912 = arith.subf %min3A_1910, %max3A_1911 : vector<16xf32>
    %max3A_1913 = arith.constant 0.000000e+00 : f32
    %max3A_1914 = vector.broadcast %max3A_1913 : f32 to vector<16xf32>
    %max3A_1915 = arith.maximumf %sub3A_1912, %max3A_1914 : vector<16xf32>
    %mul3A_1916 = arith.mulf %max3A_1909, %max3A_1915 : vector<16xf32>
    %sub3A_1917 = arith.subf %gather3A_1902, %gather3A_1900 : vector<16xf32>
    %sub3A_1918 = arith.subf %gather3A_1903, %gather3A_1901 : vector<16xf32>
    %mul3A_1919 = arith.mulf %sub3A_1917, %sub3A_1918 : vector<16xf32>
    %sub3A_1920 = arith.subf %get3A_1893, %get3A_1881 : vector<16xf32>
    %sub3A_1921 = arith.subf %get3A_1899, %get3A_1887 : vector<16xf32>
    %mul3A_1922 = arith.mulf %sub3A_1920, %sub3A_1921 : vector<16xf32>
    %add3A_1923 = arith.addf %mul3A_1919, %mul3A_1922 : vector<16xf32>
    %sub3A_1924 = arith.subf %add3A_1923, %mul3A_1916 : vector<16xf32>
    %max3A_1925 = arith.constant 9.99999997E-7 : f32
    %max3A_1926 = vector.broadcast %max3A_1925 : f32 to vector<16xf32>
    %max3A_1927 = arith.maximumf %sub3A_1924, %max3A_1926 : vector<16xf32>
    %div3A_1928 = arith.divf %mul3A_1916, %max3A_1927 : vector<16xf32>
    %get3A_1929 = arith.constant 0 : i32
    %get3A_1930 = arith.index_cast %get3A_1929 : i32 to index
    %get3A_1931 = arith.constant 48 : index
    %get3A_1932 = tpu.vector_load %arg13[%get3A_1930, %get3A_1931] {strides = array<i32>} : memref<2x128xf32, #tpu.memory_space<vmem>>, vector<16xf32>,
    %mul3A_1933 = arith.mulf %get3A_1932, %div3A_1928 : vector<16xf32>
    %add3A_1934 = arith.addf %add3A_1861, %mul3A_1933 : vector<16xf32>
    %sub3A_1935 = arith.subf %get3A_1881, %gather3A_1900 : vector<16xf32>
    %abs3A_1936 = math.absf %sub3A_1935 : vector<16xf32>
    %sub3A_1937 = arith.subf %get3A_1887, %gather3A_1901 : vector<16xf32>
    %abs3A_1938 = math.absf %sub3A_1937 : vector<16xf32>
    %add3A_1939 = arith.addf %abs3A_1936, %abs3A_1938 : vector<16xf32>
    %sub3A_1940 = arith.subf %get3A_1893, %gather3A_1902 : vector<16xf32>
    %abs3A_1941 = math.absf %sub3A_1940 : vector<16xf32>
    %add3A_1942 = arith.addf %add3A_1939, %abs3A_1941 : vector<16xf32>
    %sub3A_1943 = arith.subf %get3A_1899, %gather3A_1903 : vector<16xf32>
    %abs3A_1944 = math.absf %sub3A_1943 : vector<16xf32>
    %add3A_1945 = arith.addf %add3A_1942, %abs3A_1944 : vector<16xf32>
    %add3A_1946 = arith.addf %add3A_1873, %add3A_1945 : vector<16xf32>
    %get3A_1947 = arith.constant 64 : index
    %get3A_1948 = tpu.vector_load %arg8[%get3A_1947] {strides = array<i32>} : memref<256xi32, #tpu.memory_space<vmem>>, vector<16xi32>,
    %get3A_1949 = arith.constant 0 : i32
    %get3A_1950 = arith.constant 0 : i32
    %get3A_1951 = arith.index_cast %get3A_1949 : i32 to index
    %get3A_1952 = arith.index_cast %get3A_1950 : i32 to index
    %get3A_1953 = arith.constant 64 : index
    %get3A_1954 = tpu.vector_load %arg12[%get3A_1951, %get3A_1952, %get3A_1953] {strides = array<i32>} : memref<4x2x128xf32, #tpu.memory_space<vmem>>, vector<16xf32>,
    %get3A_1955 = arith.constant 1 : i32
    %get3A_1956 = arith.constant 0 : i32
    %get3A_1957 = arith.index_cast %get3A_1955 : i32 to index
    %get3A_1958 = arith.index_cast %get3A_1956 : i32 to index
    %get3A_1959 = arith.constant 64 : index
    %get3A_1960 = tpu.vector_load %arg12[%get3A_1957, %get3A_1958, %get3A_1959] {strides = array<i32>} : memref<4x2x128xf32, #tpu.memory_space<vmem>>, vector<16xf32>,
    %get3A_1961 = arith.constant 2 : i32
    %get3A_1962 = arith.constant 0 : i32
    %get3A_1963 = arith.index_cast %get3A_1961 : i32 to index
    %get3A_1964 = arith.index_cast %get3A_1962 : i32 to index
    %get3A_1965 = arith.constant 64 : index
    %get3A_1966 = tpu.vector_load %arg12[%get3A_1963, %get3A_1964, %get3A_1965] {strides = array<i32>} : memref<4x2x128xf32, #tpu.memory_space<vmem>>, vector<16xf32>,
    %get3A_1967 = arith.constant 3 : i32
    %get3A_1968 = arith.constant 0 : i32
    %get3A_1969 = arith.index_cast %get3A_1967 : i32 to index
    %get3A_1970 = arith.index_cast %get3A_1968 : i32 to index
    %get3A_1971 = arith.constant 64 : index
    %get3A_1972 = tpu.vector_load %arg12[%get3A_1969, %get3A_1970, %get3A_1971] {strides = array<i32>} : memref<4x2x128xf32, #tpu.memory_space<vmem>>, vector<16xf32>,
    %gather3A_1973 = tpu.vector_load_idx %arg14[%get3A_1948, %broadcast_in_dim3A_1596] : memref<32x4xf32, #tpu.memory_space<vmem>>[vector<16xi32>, vector<16xi32>], vector<16xf32>,
    %gather3A_1974 = tpu.vector_load_idx %arg14[%get3A_1948, %broadcast_in_dim3A_1598] : memref<32x4xf32, #tpu.memory_space<vmem>>[vector<16xi32>, vector<16xi32>], vector<16xf32>,
    %gather3A_1975 = tpu.vector_load_idx %arg14[%get3A_1948, %broadcast_in_dim3A_1600] : memref<32x4xf32, #tpu.memory_space<vmem>>[vector<16xi32>, vector<16xi32>], vector<16xf32>,
    %gather3A_1976 = tpu.vector_load_idx %arg14[%get3A_1948, %broadcast_in_dim3A_1602] : memref<32x4xf32, #tpu.memory_space<vmem>>[vector<16xi32>, vector<16xi32>], vector<16xf32>,
    %min3A_1977 = arith.minimumf %gather3A_1975, %get3A_1966 : vector<16xf32>
    %max3A_1978 = arith.maximumf %gather3A_1973, %get3A_1954 : vector<16xf32>
    %sub3A_1979 = arith.subf %min3A_1977, %max3A_1978 : vector<16xf32>
    %max3A_1980 = arith.constant 0.000000e+00 : f32
    %max3A_1981 = vector.broadcast %max3A_1980 : f32 to vector<16xf32>
    %max3A_1982 = arith.maximumf %sub3A_1979, %max3A_1981 : vector<16xf32>
    %min3A_1983 = arith.minimumf %gather3A_1976, %get3A_1972 : vector<16xf32>
    %max3A_1984 = arith.maximumf %gather3A_1974, %get3A_1960 : vector<16xf32>
    %sub3A_1985 = arith.subf %min3A_1983, %max3A_1984 : vector<16xf32>
    %max3A_1986 = arith.constant 0.000000e+00 : f32
    %max3A_1987 = vector.broadcast %max3A_1986 : f32 to vector<16xf32>
    %max3A_1988 = arith.maximumf %sub3A_1985, %max3A_1987 : vector<16xf32>
    %mul3A_1989 = arith.mulf %max3A_1982, %max3A_1988 : vector<16xf32>
    %sub3A_1990 = arith.subf %gather3A_1975, %gather3A_1973 : vector<16xf32>
    %sub3A_1991 = arith.subf %gather3A_1976, %gather3A_1974 : vector<16xf32>
    %mul3A_1992 = arith.mulf %sub3A_1990, %sub3A_1991 : vector<16xf32>
    %sub3A_1993 = arith.subf %get3A_1966, %get3A_1954 : vector<16xf32>
    %sub3A_1994 = arith.subf %get3A_1972, %get3A_1960 : vector<16xf32>
    %mul3A_1995 = arith.mulf %sub3A_1993, %sub3A_1994 : vector<16xf32>
    %add3A_1996 = arith.addf %mul3A_1992, %mul3A_1995 : vector<16xf32>
    %sub3A_1997 = arith.subf %add3A_1996, %mul3A_1989 : vector<16xf32>
    %max3A_1998 = arith.constant 9.99999997E-7 : f32
    %max3A_1999 = vector.broadcast %max3A_1998 : f32 to vector<16xf32>
    %max3A_2000 = arith.maximumf %sub3A_1997, %max3A_1999 : vector<16xf32>
    %div3A_2001 = arith.divf %mul3A_1989, %max3A_2000 : vector<16xf32>
    %get3A_2002 = arith.constant 0 : i32
    %get3A_2003 = arith.index_cast %get3A_2002 : i32 to index
    %get3A_2004 = arith.constant 64 : index
    %get3A_2005 = tpu.vector_load %arg13[%get3A_2003, %get3A_2004] {strides = array<i32>} : memref<2x128xf32, #tpu.memory_space<vmem>>, vector<16xf32>,
    %mul3A_2006 = arith.mulf %get3A_2005, %div3A_2001 : vector<16xf32>
    %add3A_2007 = arith.addf %add3A_1934, %mul3A_2006 : vector<16xf32>
    %sub3A_2008 = arith.subf %get3A_1954, %gather3A_1973 : vector<16xf32>
    %abs3A_2009 = math.absf %sub3A_2008 : vector<16xf32>
    %sub3A_2010 = arith.subf %get3A_1960, %gather3A_1974 : vector<16xf32>
    %abs3A_2011 = math.absf %sub3A_2010 : vector<16xf32>
    %add3A_2012 = arith.addf %abs3A_2009, %abs3A_2011 : vector<16xf32>
    %sub3A_2013 = arith.subf %get3A_1966, %gather3A_1975 : vector<16xf32>
    %abs3A_2014 = math.absf %sub3A_2013 : vector<16xf32>
    %add3A_2015 = arith.addf %add3A_2012, %abs3A_2014 : vector<16xf32>
    %sub3A_2016 = arith.subf %get3A_1972, %gather3A_1976 : vector<16xf32>
    %abs3A_2017 = math.absf %sub3A_2016 : vector<16xf32>
    %add3A_2018 = arith.addf %add3A_2015, %abs3A_2017 : vector<16xf32>
    %add3A_2019 = arith.addf %add3A_1946, %add3A_2018 : vector<16xf32>
    %get3A_2020 = arith.constant 80 : index
    %get3A_2021 = tpu.vector_load %arg8[%get3A_2020] {strides = array<i32>} : memref<256xi32, #tpu.memory_space<vmem>>, vector<16xi32>,
    %get3A_2022 = arith.constant 0 : i32
    %get3A_2023 = arith.constant 0 : i32
    %get3A_2024 = arith.index_cast %get3A_2022 : i32 to index
    %get3A_2025 = arith.index_cast %get3A_2023 : i32 to index
    %get3A_2026 = arith.constant 80 : index
    %get3A_2027 = tpu.vector_load %arg12[%get3A_2024, %get3A_2025, %get3A_2026] {strides = array<i32>} : memref<4x2x128xf32, #tpu.memory_space<vmem>>, vector<16xf32>,
    %get3A_2028 = arith.constant 1 : i32
    %get3A_2029 = arith.constant 0 : i32
    %get3A_2030 = arith.index_cast %get3A_2028 : i32 to index
    %get3A_2031 = arith.index_cast %get3A_2029 : i32 to index
    %get3A_2032 = arith.constant 80 : index
    %get3A_2033 = tpu.vector_load %arg12[%get3A_2030, %get3A_2031, %get3A_2032] {strides = array<i32>} : memref<4x2x128xf32, #tpu.memory_space<vmem>>, vector<16xf32>,
    %get3A_2034 = arith.constant 2 : i32
    %get3A_2035 = arith.constant 0 : i32
    %get3A_2036 = arith.index_cast %get3A_2034 : i32 to index
    %get3A_2037 = arith.index_cast %get3A_2035 : i32 to index
    %get3A_2038 = arith.constant 80 : index
    %get3A_2039 = tpu.vector_load %arg12[%get3A_2036, %get3A_2037, %get3A_2038] {strides = array<i32>} : memref<4x2x128xf32, #tpu.memory_space<vmem>>, vector<16xf32>,
    %get3A_2040 = arith.constant 3 : i32
    %get3A_2041 = arith.constant 0 : i32
    %get3A_2042 = arith.index_cast %get3A_2040 : i32 to index
    %get3A_2043 = arith.index_cast %get3A_2041 : i32 to index
    %get3A_2044 = arith.constant 80 : index
    %get3A_2045 = tpu.vector_load %arg12[%get3A_2042, %get3A_2043, %get3A_2044] {strides = array<i32>} : memref<4x2x128xf32, #tpu.memory_space<vmem>>, vector<16xf32>,
    %gather3A_2046 = tpu.vector_load_idx %arg14[%get3A_2021, %broadcast_in_dim3A_1596] : memref<32x4xf32, #tpu.memory_space<vmem>>[vector<16xi32>, vector<16xi32>], vector<16xf32>,
    %gather3A_2047 = tpu.vector_load_idx %arg14[%get3A_2021, %broadcast_in_dim3A_1598] : memref<32x4xf32, #tpu.memory_space<vmem>>[vector<16xi32>, vector<16xi32>], vector<16xf32>,
    %gather3A_2048 = tpu.vector_load_idx %arg14[%get3A_2021, %broadcast_in_dim3A_1600] : memref<32x4xf32, #tpu.memory_space<vmem>>[vector<16xi32>, vector<16xi32>], vector<16xf32>,
    %gather3A_2049 = tpu.vector_load_idx %arg14[%get3A_2021, %broadcast_in_dim3A_1602] : memref<32x4xf32, #tpu.memory_space<vmem>>[vector<16xi32>, vector<16xi32>], vector<16xf32>,
    %min3A_2050 = arith.minimumf %gather3A_2048, %get3A_2039 : vector<16xf32>
    %max3A_2051 = arith.maximumf %gather3A_2046, %get3A_2027 : vector<16xf32>
    %sub3A_2052 = arith.subf %min3A_2050, %max3A_2051 : vector<16xf32>
    %max3A_2053 = arith.constant 0.000000e+00 : f32
    %max3A_2054 = vector.broadcast %max3A_2053 : f32 to vector<16xf32>
    %max3A_2055 = arith.maximumf %sub3A_2052, %max3A_2054 : vector<16xf32>
    %min3A_2056 = arith.minimumf %gather3A_2049, %get3A_2045 : vector<16xf32>
    %max3A_2057 = arith.maximumf %gather3A_2047, %get3A_2033 : vector<16xf32>
    %sub3A_2058 = arith.subf %min3A_2056, %max3A_2057 : vector<16xf32>
    %max3A_2059 = arith.constant 0.000000e+00 : f32
    %max3A_2060 = vector.broadcast %max3A_2059 : f32 to vector<16xf32>
    %max3A_2061 = arith.maximumf %sub3A_2058, %max3A_2060 : vector<16xf32>
    %mul3A_2062 = arith.mulf %max3A_2055, %max3A_2061 : vector<16xf32>
    %sub3A_2063 = arith.subf %gather3A_2048, %gather3A_2046 : vector<16xf32>
    %sub3A_2064 = arith.subf %gather3A_2049, %gather3A_2047 : vector<16xf32>
    %mul3A_2065 = arith.mulf %sub3A_2063, %sub3A_2064 : vector<16xf32>
    %sub3A_2066 = arith.subf %get3A_2039, %get3A_2027 : vector<16xf32>
    %sub3A_2067 = arith.subf %get3A_2045, %get3A_2033 : vector<16xf32>
    %mul3A_2068 = arith.mulf %sub3A_2066, %sub3A_2067 : vector<16xf32>
    %add3A_2069 = arith.addf %mul3A_2065, %mul3A_2068 : vector<16xf32>
    %sub3A_2070 = arith.subf %add3A_2069, %mul3A_2062 : vector<16xf32>
    %max3A_2071 = arith.constant 9.99999997E-7 : f32
    %max3A_2072 = vector.broadcast %max3A_2071 : f32 to vector<16xf32>
    %max3A_2073 = arith.maximumf %sub3A_2070, %max3A_2072 : vector<16xf32>
    %div3A_2074 = arith.divf %mul3A_2062, %max3A_2073 : vector<16xf32>
    %get3A_2075 = arith.constant 0 : i32
    %get3A_2076 = arith.index_cast %get3A_2075 : i32 to index
    %get3A_2077 = arith.constant 80 : index
    %get3A_2078 = tpu.vector_load %arg13[%get3A_2076, %get3A_2077] {strides = array<i32>} : memref<2x128xf32, #tpu.memory_space<vmem>>, vector<16xf32>,
    %mul3A_2079 = arith.mulf %get3A_2078, %div3A_2074 : vector<16xf32>
    %add3A_2080 = arith.addf %add3A_2007, %mul3A_2079 : vector<16xf32>
    %sub3A_2081 = arith.subf %get3A_2027, %gather3A_2046 : vector<16xf32>
    %abs3A_2082 = math.absf %sub3A_2081 : vector<16xf32>
    %sub3A_2083 = arith.subf %get3A_2033, %gather3A_2047 : vector<16xf32>
    %abs3A_2084 = math.absf %sub3A_2083 : vector<16xf32>
    %add3A_2085 = arith.addf %abs3A_2082, %abs3A_2084 : vector<16xf32>
    %sub3A_2086 = arith.subf %get3A_2039, %gather3A_2048 : vector<16xf32>
    %abs3A_2087 = math.absf %sub3A_2086 : vector<16xf32>
    %add3A_2088 = arith.addf %add3A_2085, %abs3A_2087 : vector<16xf32>
    %sub3A_2089 = arith.subf %get3A_2045, %gather3A_2049 : vector<16xf32>
    %abs3A_2090 = math.absf %sub3A_2089 : vector<16xf32>
    %add3A_2091 = arith.addf %add3A_2088, %abs3A_2090 : vector<16xf32>
    %add3A_2092 = arith.addf %add3A_2019, %add3A_2091 : vector<16xf32>
    %get3A_2093 = arith.constant 96 : index
    %get3A_2094 = tpu.vector_load %arg8[%get3A_2093] {strides = array<i32>} : memref<256xi32, #tpu.memory_space<vmem>>, vector<16xi32>,
    %get3A_2095 = arith.constant 0 : i32
    %get3A_2096 = arith.constant 0 : i32
    %get3A_2097 = arith.index_cast %get3A_2095 : i32 to index
    %get3A_2098 = arith.index_cast %get3A_2096 : i32 to index
    %get3A_2099 = arith.constant 96 : index
    %get3A_2100 = tpu.vector_load %arg12[%get3A_2097, %get3A_2098, %get3A_2099] {strides = array<i32>} : memref<4x2x128xf32, #tpu.memory_space<vmem>>, vector<16xf32>,
    %get3A_2101 = arith.constant 1 : i32
    %get3A_2102 = arith.constant 0 : i32
    %get3A_2103 = arith.index_cast %get3A_2101 : i32 to index
    %get3A_2104 = arith.index_cast %get3A_2102 : i32 to index
    %get3A_2105 = arith.constant 96 : index
    %get3A_2106 = tpu.vector_load %arg12[%get3A_2103, %get3A_2104, %get3A_2105] {strides = array<i32>} : memref<4x2x128xf32, #tpu.memory_space<vmem>>, vector<16xf32>,
    %get3A_2107 = arith.constant 2 : i32
    %get3A_2108 = arith.constant 0 : i32
    %get3A_2109 = arith.index_cast %get3A_2107 : i32 to index
    %get3A_2110 = arith.index_cast %get3A_2108 : i32 to index
    %get3A_2111 = arith.constant 96 : index
    %get3A_2112 = tpu.vector_load %arg12[%get3A_2109, %get3A_2110, %get3A_2111] {strides = array<i32>} : memref<4x2x128xf32, #tpu.memory_space<vmem>>, vector<16xf32>,
    %get3A_2113 = arith.constant 3 : i32
    %get3A_2114 = arith.constant 0 : i32
    %get3A_2115 = arith.index_cast %get3A_2113 : i32 to index
    %get3A_2116 = arith.index_cast %get3A_2114 : i32 to index
    %get3A_2117 = arith.constant 96 : index
    %get3A_2118 = tpu.vector_load %arg12[%get3A_2115, %get3A_2116, %get3A_2117] {strides = array<i32>} : memref<4x2x128xf32, #tpu.memory_space<vmem>>, vector<16xf32>,
    %gather3A_2119 = tpu.vector_load_idx %arg14[%get3A_2094, %broadcast_in_dim3A_1596] : memref<32x4xf32, #tpu.memory_space<vmem>>[vector<16xi32>, vector<16xi32>], vector<16xf32>,
    %gather3A_2120 = tpu.vector_load_idx %arg14[%get3A_2094, %broadcast_in_dim3A_1598] : memref<32x4xf32, #tpu.memory_space<vmem>>[vector<16xi32>, vector<16xi32>], vector<16xf32>,
    %gather3A_2121 = tpu.vector_load_idx %arg14[%get3A_2094, %broadcast_in_dim3A_1600] : memref<32x4xf32, #tpu.memory_space<vmem>>[vector<16xi32>, vector<16xi32>], vector<16xf32>,
    %gather3A_2122 = tpu.vector_load_idx %arg14[%get3A_2094, %broadcast_in_dim3A_1602] : memref<32x4xf32, #tpu.memory_space<vmem>>[vector<16xi32>, vector<16xi32>], vector<16xf32>,
    %min3A_2123 = arith.minimumf %gather3A_2121, %get3A_2112 : vector<16xf32>
    %max3A_2124 = arith.maximumf %gather3A_2119, %get3A_2100 : vector<16xf32>
    %sub3A_2125 = arith.subf %min3A_2123, %max3A_2124 : vector<16xf32>
    %max3A_2126 = arith.constant 0.000000e+00 : f32
    %max3A_2127 = vector.broadcast %max3A_2126 : f32 to vector<16xf32>
    %max3A_2128 = arith.maximumf %sub3A_2125, %max3A_2127 : vector<16xf32>
    %min3A_2129 = arith.minimumf %gather3A_2122, %get3A_2118 : vector<16xf32>
    %max3A_2130 = arith.maximumf %gather3A_2120, %get3A_2106 : vector<16xf32>
    %sub3A_2131 = arith.subf %min3A_2129, %max3A_2130 : vector<16xf32>
    %max3A_2132 = arith.constant 0.000000e+00 : f32
    %max3A_2133 = vector.broadcast %max3A_2132 : f32 to vector<16xf32>
    %max3A_2134 = arith.maximumf %sub3A_2131, %max3A_2133 : vector<16xf32>
    %mul3A_2135 = arith.mulf %max3A_2128, %max3A_2134 : vector<16xf32>
    %sub3A_2136 = arith.subf %gather3A_2121, %gather3A_2119 : vector<16xf32>
    %sub3A_2137 = arith.subf %gather3A_2122, %gather3A_2120 : vector<16xf32>
    %mul3A_2138 = arith.mulf %sub3A_2136, %sub3A_2137 : vector<16xf32>
    %sub3A_2139 = arith.subf %get3A_2112, %get3A_2100 : vector<16xf32>
    %sub3A_2140 = arith.subf %get3A_2118, %get3A_2106 : vector<16xf32>
    %mul3A_2141 = arith.mulf %sub3A_2139, %sub3A_2140 : vector<16xf32>
    %add3A_2142 = arith.addf %mul3A_2138, %mul3A_2141 : vector<16xf32>
    %sub3A_2143 = arith.subf %add3A_2142, %mul3A_2135 : vector<16xf32>
    %max3A_2144 = arith.constant 9.99999997E-7 : f32
    %max3A_2145 = vector.broadcast %max3A_2144 : f32 to vector<16xf32>
    %max3A_2146 = arith.maximumf %sub3A_2143, %max3A_2145 : vector<16xf32>
    %div3A_2147 = arith.divf %mul3A_2135, %max3A_2146 : vector<16xf32>
    %get3A_2148 = arith.constant 0 : i32
    %get3A_2149 = arith.index_cast %get3A_2148 : i32 to index
    %get3A_2150 = arith.constant 96 : index
    %get3A_2151 = tpu.vector_load %arg13[%get3A_2149, %get3A_2150] {strides = array<i32>} : memref<2x128xf32, #tpu.memory_space<vmem>>, vector<16xf32>,
    %mul3A_2152 = arith.mulf %get3A_2151, %div3A_2147 : vector<16xf32>
    %add3A_2153 = arith.addf %add3A_2080, %mul3A_2152 : vector<16xf32>
    %sub3A_2154 = arith.subf %get3A_2100, %gather3A_2119 : vector<16xf32>
    %abs3A_2155 = math.absf %sub3A_2154 : vector<16xf32>
    %sub3A_2156 = arith.subf %get3A_2106, %gather3A_2120 : vector<16xf32>
    %abs3A_2157 = math.absf %sub3A_2156 : vector<16xf32>
    %add3A_2158 = arith.addf %abs3A_2155, %abs3A_2157 : vector<16xf32>
    %sub3A_2159 = arith.subf %get3A_2112, %gather3A_2121 : vector<16xf32>
    %abs3A_2160 = math.absf %sub3A_2159 : vector<16xf32>
    %add3A_2161 = arith.addf %add3A_2158, %abs3A_2160 : vector<16xf32>
    %sub3A_2162 = arith.subf %get3A_2118, %gather3A_2122 : vector<16xf32>
    %abs3A_2163 = math.absf %sub3A_2162 : vector<16xf32>
    %add3A_2164 = arith.addf %add3A_2161, %abs3A_2163 : vector<16xf32>
    %add3A_2165 = arith.addf %add3A_2092, %add3A_2164 : vector<16xf32>
    %get3A_2166 = arith.constant 112 : index
    %get3A_2167 = tpu.vector_load %arg8[%get3A_2166] {strides = array<i32>} : memref<256xi32, #tpu.memory_space<vmem>>, vector<16xi32>,
    %get3A_2168 = arith.constant 0 : i32
    %get3A_2169 = arith.constant 0 : i32
    %get3A_2170 = arith.index_cast %get3A_2168 : i32 to index
    %get3A_2171 = arith.index_cast %get3A_2169 : i32 to index
    %get3A_2172 = arith.constant 112 : index
    %get3A_2173 = tpu.vector_load %arg12[%get3A_2170, %get3A_2171, %get3A_2172] {strides = array<i32>} : memref<4x2x128xf32, #tpu.memory_space<vmem>>, vector<16xf32>,
    %get3A_2174 = arith.constant 1 : i32
    %get3A_2175 = arith.constant 0 : i32
    %get3A_2176 = arith.index_cast %get3A_2174 : i32 to index
    %get3A_2177 = arith.index_cast %get3A_2175 : i32 to index
    %get3A_2178 = arith.constant 112 : index
    %get3A_2179 = tpu.vector_load %arg12[%get3A_2176, %get3A_2177, %get3A_2178] {strides = array<i32>} : memref<4x2x128xf32, #tpu.memory_space<vmem>>, vector<16xf32>,
    %get3A_2180 = arith.constant 2 : i32
    %get3A_2181 = arith.constant 0 : i32
    %get3A_2182 = arith.index_cast %get3A_2180 : i32 to index
    %get3A_2183 = arith.index_cast %get3A_2181 : i32 to index
    %get3A_2184 = arith.constant 112 : index
    %get3A_2185 = tpu.vector_load %arg12[%get3A_2182, %get3A_2183, %get3A_2184] {strides = array<i32>} : memref<4x2x128xf32, #tpu.memory_space<vmem>>, vector<16xf32>,
    %get3A_2186 = arith.constant 3 : i32
    %get3A_2187 = arith.constant 0 : i32
    %get3A_2188 = arith.index_cast %get3A_2186 : i32 to index
    %get3A_2189 = arith.index_cast %get3A_2187 : i32 to index
    %get3A_2190 = arith.constant 112 : index
    %get3A_2191 = tpu.vector_load %arg12[%get3A_2188, %get3A_2189, %get3A_2190] {strides = array<i32>} : memref<4x2x128xf32, #tpu.memory_space<vmem>>, vector<16xf32>,
    %gather3A_2192 = tpu.vector_load_idx %arg14[%get3A_2167, %broadcast_in_dim3A_1596] : memref<32x4xf32, #tpu.memory_space<vmem>>[vector<16xi32>, vector<16xi32>], vector<16xf32>,
    %gather3A_2193 = tpu.vector_load_idx %arg14[%get3A_2167, %broadcast_in_dim3A_1598] : memref<32x4xf32, #tpu.memory_space<vmem>>[vector<16xi32>, vector<16xi32>], vector<16xf32>,
    %gather3A_2194 = tpu.vector_load_idx %arg14[%get3A_2167, %broadcast_in_dim3A_1600] : memref<32x4xf32, #tpu.memory_space<vmem>>[vector<16xi32>, vector<16xi32>], vector<16xf32>,
    %gather3A_2195 = tpu.vector_load_idx %arg14[%get3A_2167, %broadcast_in_dim3A_1602] : memref<32x4xf32, #tpu.memory_space<vmem>>[vector<16xi32>, vector<16xi32>], vector<16xf32>,
    %min3A_2196 = arith.minimumf %gather3A_2194, %get3A_2185 : vector<16xf32>
    %max3A_2197 = arith.maximumf %gather3A_2192, %get3A_2173 : vector<16xf32>
    %sub3A_2198 = arith.subf %min3A_2196, %max3A_2197 : vector<16xf32>
    %max3A_2199 = arith.constant 0.000000e+00 : f32
    %max3A_2200 = vector.broadcast %max3A_2199 : f32 to vector<16xf32>
    %max3A_2201 = arith.maximumf %sub3A_2198, %max3A_2200 : vector<16xf32>
    %min3A_2202 = arith.minimumf %gather3A_2195, %get3A_2191 : vector<16xf32>
    %max3A_2203 = arith.maximumf %gather3A_2193, %get3A_2179 : vector<16xf32>
    %sub3A_2204 = arith.subf %min3A_2202, %max3A_2203 : vector<16xf32>
    %max3A_2205 = arith.constant 0.000000e+00 : f32
    %max3A_2206 = vector.broadcast %max3A_2205 : f32 to vector<16xf32>
    %max3A_2207 = arith.maximumf %sub3A_2204, %max3A_2206 : vector<16xf32>
    %mul3A_2208 = arith.mulf %max3A_2201, %max3A_2207 : vector<16xf32>
    %sub3A_2209 = arith.subf %gather3A_2194, %gather3A_2192 : vector<16xf32>
    %sub3A_2210 = arith.subf %gather3A_2195, %gather3A_2193 : vector<16xf32>
    %mul3A_2211 = arith.mulf %sub3A_2209, %sub3A_2210 : vector<16xf32>
    %sub3A_2212 = arith.subf %get3A_2185, %get3A_2173 : vector<16xf32>
    %sub3A_2213 = arith.subf %get3A_2191, %get3A_2179 : vector<16xf32>
    %mul3A_2214 = arith.mulf %sub3A_2212, %sub3A_2213 : vector<16xf32>
    %add3A_2215 = arith.addf %mul3A_2211, %mul3A_2214 : vector<16xf32>
    %sub3A_2216 = arith.subf %add3A_2215, %mul3A_2208 : vector<16xf32>
    %max3A_2217 = arith.constant 9.99999997E-7 : f32
    %max3A_2218 = vector.broadcast %max3A_2217 : f32 to vector<16xf32>
    %max3A_2219 = arith.maximumf %sub3A_2216, %max3A_2218 : vector<16xf32>
    %div3A_2220 = arith.divf %mul3A_2208, %max3A_2219 : vector<16xf32>
    %get3A_2221 = arith.constant 0 : i32
    %get3A_2222 = arith.index_cast %get3A_2221 : i32 to index
    %get3A_2223 = arith.constant 112 : index
    %get3A_2224 = tpu.vector_load %arg13[%get3A_2222, %get3A_2223] {strides = array<i32>} : memref<2x128xf32, #tpu.memory_space<vmem>>, vector<16xf32>,
    %mul3A_2225 = arith.mulf %get3A_2224, %div3A_2220 : vector<16xf32>
    %add3A_2226 = arith.addf %add3A_2153, %mul3A_2225 : vector<16xf32>
    %sub3A_2227 = arith.subf %get3A_2173, %gather3A_2192 : vector<16xf32>
    %abs3A_2228 = math.absf %sub3A_2227 : vector<16xf32>
    %sub3A_2229 = arith.subf %get3A_2179, %gather3A_2193 : vector<16xf32>
    %abs3A_2230 = math.absf %sub3A_2229 : vector<16xf32>
    %add3A_2231 = arith.addf %abs3A_2228, %abs3A_2230 : vector<16xf32>
    %sub3A_2232 = arith.subf %get3A_2185, %gather3A_2194 : vector<16xf32>
    %abs3A_2233 = math.absf %sub3A_2232 : vector<16xf32>
    %add3A_2234 = arith.addf %add3A_2231, %abs3A_2233 : vector<16xf32>
    %sub3A_2235 = arith.subf %get3A_2191, %gather3A_2195 : vector<16xf32>
    %abs3A_2236 = math.absf %sub3A_2235 : vector<16xf32>
    %add3A_2237 = arith.addf %add3A_2234, %abs3A_2236 : vector<16xf32>
    %add3A_2238 = arith.addf %add3A_2165, %add3A_2237 : vector<16xf32>
    %dma_wait3A_2239 = arith.constant 1 : i32
    %dma_wait3A_2240 = arith.constant 1 : i32
    %dma_wait3A_2241 = arith.constant 0 : i32
    %dma_wait3A_2242 = tpu.memref_slice %arg13[%dma_wait3A_2240, %dma_wait3A_2241] : memref<2x128xf32, #tpu.memory_space<vmem>> -> memref<1x128xf32, #tpu.memory_space<vmem>>
    %dma_wait3A_2243 = tpu.memref_squeeze %dma_wait3A_2242 : memref<1x128xf32, #tpu.memory_space<vmem>> -> memref<128xf32, #tpu.memory_space<vmem>>
    %dma_wait3A_2244 = arith.constant 0 : i32
    %dma_wait3A_2245 = tpu.memref_slice %arg10[%dma_wait3A_2239, %dma_wait3A_2244] : memref<2x128xi32, #tpu.memory_space<vmem>> -> memref<1x128xi32, #tpu.memory_space<vmem>>
    %dma_wait3A_2246 = tpu.memref_squeeze %dma_wait3A_2245 : memref<1x128xi32, #tpu.memory_space<vmem>> -> memref<128xi32, #tpu.memory_space<vmem>>
    %dma_wait3A_2247 = arith.constant 0 : i32
    %dma_wait3A_2248 = tpu.memref_slice %arg6[%dma_wait3A_2247] : memref<2097152xf32, #tpu.memory_space<hbm>> -> memref<2097152xf32, #tpu.memory_space<hbm>>
    tpu.wait_indirect_dma semaphore(%arg17 : memref<!tpu.dma_semaphore, #tpu.memory_space<semaphore_mem>>) src(%dma_wait3A_2248 : memref<2097152xf32, #tpu.memory_space<hbm>>) dst(%dma_wait3A_2243 : memref<128xf32, #tpu.memory_space<vmem>>)
    %dma_wait3A_2249 = arith.constant 0 : i32
    %dma_wait3A_2250 = arith.constant 1 : i32
    %dma_wait3A_2251 = arith.constant 0 : i32
    %dma_wait3A_2252 = arith.constant 1 : i32
    %dma_wait3A_2253 = arith.constant 0 : i32
    %dma_wait3A_2254 = tpu.memref_slice %arg12[%dma_wait3A_2251, %dma_wait3A_2252, %dma_wait3A_2253] : memref<4x2x128xf32, #tpu.memory_space<vmem>> -> memref<1x1x128xf32, #tpu.memory_space<vmem>>
    %dma_wait3A_2255 = tpu.memref_squeeze %dma_wait3A_2254 : memref<1x1x128xf32, #tpu.memory_space<vmem>> -> memref<128xf32, #tpu.memory_space<vmem>>
    %dma_wait3A_2256 = arith.constant 0 : i32
    %dma_wait3A_2257 = tpu.memref_slice %arg11[%dma_wait3A_2249, %dma_wait3A_2250, %dma_wait3A_2256] : memref<4x2x128xi32, #tpu.memory_space<vmem>> -> memref<1x1x128xi32, #tpu.memory_space<vmem>>
    %dma_wait3A_2258 = tpu.memref_squeeze %dma_wait3A_2257 : memref<1x1x128xi32, #tpu.memory_space<vmem>> -> memref<128xi32, #tpu.memory_space<vmem>>
    %dma_wait3A_2259 = arith.constant 0 : i32
    %dma_wait3A_2260 = tpu.memref_slice %arg4[%dma_wait3A_2259] : memref<8388608xf32, #tpu.memory_space<hbm>> -> memref<8388608xf32, #tpu.memory_space<hbm>>
    tpu.wait_indirect_dma semaphore(%arg17 : memref<!tpu.dma_semaphore, #tpu.memory_space<semaphore_mem>>) src(%dma_wait3A_2260 : memref<8388608xf32, #tpu.memory_space<hbm>>) dst(%dma_wait3A_2255 : memref<128xf32, #tpu.memory_space<vmem>>)
    %dma_wait3A_2261 = arith.constant 1 : i32
    %dma_wait3A_2262 = arith.constant 1 : i32
    %dma_wait3A_2263 = arith.constant 1 : i32
    %dma_wait3A_2264 = arith.constant 1 : i32
    %dma_wait3A_2265 = arith.constant 0 : i32
    %dma_wait3A_2266 = tpu.memref_slice %arg12[%dma_wait3A_2263, %dma_wait3A_2264, %dma_wait3A_2265] : memref<4x2x128xf32, #tpu.memory_space<vmem>> -> memref<1x1x128xf32, #tpu.memory_space<vmem>>
    %dma_wait3A_2267 = tpu.memref_squeeze %dma_wait3A_2266 : memref<1x1x128xf32, #tpu.memory_space<vmem>> -> memref<128xf32, #tpu.memory_space<vmem>>
    %dma_wait3A_2268 = arith.constant 0 : i32
    %dma_wait3A_2269 = tpu.memref_slice %arg11[%dma_wait3A_2261, %dma_wait3A_2262, %dma_wait3A_2268] : memref<4x2x128xi32, #tpu.memory_space<vmem>> -> memref<1x1x128xi32, #tpu.memory_space<vmem>>
    %dma_wait3A_2270 = tpu.memref_squeeze %dma_wait3A_2269 : memref<1x1x128xi32, #tpu.memory_space<vmem>> -> memref<128xi32, #tpu.memory_space<vmem>>
    %dma_wait3A_2271 = arith.constant 0 : i32
    %dma_wait3A_2272 = tpu.memref_slice %arg4[%dma_wait3A_2271] : memref<8388608xf32, #tpu.memory_space<hbm>> -> memref<8388608xf32, #tpu.memory_space<hbm>>
    tpu.wait_indirect_dma semaphore(%arg17 : memref<!tpu.dma_semaphore, #tpu.memory_space<semaphore_mem>>) src(%dma_wait3A_2272 : memref<8388608xf32, #tpu.memory_space<hbm>>) dst(%dma_wait3A_2267 : memref<128xf32, #tpu.memory_space<vmem>>)
    %dma_wait3A_2273 = arith.constant 2 : i32
    %dma_wait3A_2274 = arith.constant 1 : i32
    %dma_wait3A_2275 = arith.constant 2 : i32
    %dma_wait3A_2276 = arith.constant 1 : i32
    %dma_wait3A_2277 = arith.constant 0 : i32
    %dma_wait3A_2278 = tpu.memref_slice %arg12[%dma_wait3A_2275, %dma_wait3A_2276, %dma_wait3A_2277] : memref<4x2x128xf32, #tpu.memory_space<vmem>> -> memref<1x1x128xf32, #tpu.memory_space<vmem>>
    %dma_wait3A_2279 = tpu.memref_squeeze %dma_wait3A_2278 : memref<1x1x128xf32, #tpu.memory_space<vmem>> -> memref<128xf32, #tpu.memory_space<vmem>>
    %dma_wait3A_2280 = arith.constant 0 : i32
    %dma_wait3A_2281 = tpu.memref_slice %arg11[%dma_wait3A_2273, %dma_wait3A_2274, %dma_wait3A_2280] : memref<4x2x128xi32, #tpu.memory_space<vmem>> -> memref<1x1x128xi32, #tpu.memory_space<vmem>>
    %dma_wait3A_2282 = tpu.memref_squeeze %dma_wait3A_2281 : memref<1x1x128xi32, #tpu.memory_space<vmem>> -> memref<128xi32, #tpu.memory_space<vmem>>
    %dma_wait3A_2283 = arith.constant 0 : i32
    %dma_wait3A_2284 = tpu.memref_slice %arg4[%dma_wait3A_2283] : memref<8388608xf32, #tpu.memory_space<hbm>> -> memref<8388608xf32, #tpu.memory_space<hbm>>
    tpu.wait_indirect_dma semaphore(%arg17 : memref<!tpu.dma_semaphore, #tpu.memory_space<semaphore_mem>>) src(%dma_wait3A_2284 : memref<8388608xf32, #tpu.memory_space<hbm>>) dst(%dma_wait3A_2279 : memref<128xf32, #tpu.memory_space<vmem>>)
    %dma_wait3A_2285 = arith.constant 3 : i32
    %dma_wait3A_2286 = arith.constant 1 : i32
    %dma_wait3A_2287 = arith.constant 3 : i32
    %dma_wait3A_2288 = arith.constant 1 : i32
    %dma_wait3A_2289 = arith.constant 0 : i32
    %dma_wait3A_2290 = tpu.memref_slice %arg12[%dma_wait3A_2287, %dma_wait3A_2288, %dma_wait3A_2289] : memref<4x2x128xf32, #tpu.memory_space<vmem>> -> memref<1x1x128xf32, #tpu.memory_space<vmem>>
    %dma_wait3A_2291 = tpu.memref_squeeze %dma_wait3A_2290 : memref<1x1x128xf32, #tpu.memory_space<vmem>> -> memref<128xf32, #tpu.memory_space<vmem>>
    %dma_wait3A_2292 = arith.constant 0 : i32
    %dma_wait3A_2293 = tpu.memref_slice %arg11[%dma_wait3A_2285, %dma_wait3A_2286, %dma_wait3A_2292] : memref<4x2x128xi32, #tpu.memory_space<vmem>> -> memref<1x1x128xi32, #tpu.memory_space<vmem>>
    %dma_wait3A_2294 = tpu.memref_squeeze %dma_wait3A_2293 : memref<1x1x128xi32, #tpu.memory_space<vmem>> -> memref<128xi32, #tpu.memory_space<vmem>>
    %dma_wait3A_2295 = arith.constant 0 : i32
    %dma_wait3A_2296 = tpu.memref_slice %arg4[%dma_wait3A_2295] : memref<8388608xf32, #tpu.memory_space<hbm>> -> memref<8388608xf32, #tpu.memory_space<hbm>>
    tpu.wait_indirect_dma semaphore(%arg17 : memref<!tpu.dma_semaphore, #tpu.memory_space<semaphore_mem>>) src(%dma_wait3A_2296 : memref<8388608xf32, #tpu.memory_space<hbm>>) dst(%dma_wait3A_2291 : memref<128xf32, #tpu.memory_space<vmem>>)
    %get3A_2297 = arith.constant 128 : index
    %get3A_2298 = tpu.vector_load %arg8[%get3A_2297] {strides = array<i32>} : memref<256xi32, #tpu.memory_space<vmem>>, vector<16xi32>,
    %get3A_2299 = arith.constant 0 : i32
    %get3A_2300 = arith.constant 1 : i32
    %get3A_2301 = arith.index_cast %get3A_2299 : i32 to index
    %get3A_2302 = arith.index_cast %get3A_2300 : i32 to index
    %get3A_2303 = arith.constant 0 : index
    %get3A_2304 = tpu.vector_load %arg12[%get3A_2301, %get3A_2302, %get3A_2303] {strides = array<i32>} : memref<4x2x128xf32, #tpu.memory_space<vmem>>, vector<16xf32>,
    %get3A_2305 = arith.constant 1 : i32
    %get3A_2306 = arith.constant 1 : i32
    %get3A_2307 = arith.index_cast %get3A_2305 : i32 to index
    %get3A_2308 = arith.index_cast %get3A_2306 : i32 to index
    %get3A_2309 = arith.constant 0 : index
    %get3A_2310 = tpu.vector_load %arg12[%get3A_2307, %get3A_2308, %get3A_2309] {strides = array<i32>} : memref<4x2x128xf32, #tpu.memory_space<vmem>>, vector<16xf32>,
    %get3A_2311 = arith.constant 2 : i32
    %get3A_2312 = arith.constant 1 : i32
    %get3A_2313 = arith.index_cast %get3A_2311 : i32 to index
    %get3A_2314 = arith.index_cast %get3A_2312 : i32 to index
    %get3A_2315 = arith.constant 0 : index
    %get3A_2316 = tpu.vector_load %arg12[%get3A_2313, %get3A_2314, %get3A_2315] {strides = array<i32>} : memref<4x2x128xf32, #tpu.memory_space<vmem>>, vector<16xf32>,
    %get3A_2317 = arith.constant 3 : i32
    %get3A_2318 = arith.constant 1 : i32
    %get3A_2319 = arith.index_cast %get3A_2317 : i32 to index
    %get3A_2320 = arith.index_cast %get3A_2318 : i32 to index
    %get3A_2321 = arith.constant 0 : index
    %get3A_2322 = tpu.vector_load %arg12[%get3A_2319, %get3A_2320, %get3A_2321] {strides = array<i32>} : memref<4x2x128xf32, #tpu.memory_space<vmem>>, vector<16xf32>,
    %gather3A_2323 = tpu.vector_load_idx %arg14[%get3A_2298, %broadcast_in_dim3A_1596] : memref<32x4xf32, #tpu.memory_space<vmem>>[vector<16xi32>, vector<16xi32>], vector<16xf32>,
    %gather3A_2324 = tpu.vector_load_idx %arg14[%get3A_2298, %broadcast_in_dim3A_1598] : memref<32x4xf32, #tpu.memory_space<vmem>>[vector<16xi32>, vector<16xi32>], vector<16xf32>,
    %gather3A_2325 = tpu.vector_load_idx %arg14[%get3A_2298, %broadcast_in_dim3A_1600] : memref<32x4xf32, #tpu.memory_space<vmem>>[vector<16xi32>, vector<16xi32>], vector<16xf32>,
    %gather3A_2326 = tpu.vector_load_idx %arg14[%get3A_2298, %broadcast_in_dim3A_1602] : memref<32x4xf32, #tpu.memory_space<vmem>>[vector<16xi32>, vector<16xi32>], vector<16xf32>,
    %min3A_2327 = arith.minimumf %gather3A_2325, %get3A_2316 : vector<16xf32>
    %max3A_2328 = arith.maximumf %gather3A_2323, %get3A_2304 : vector<16xf32>
    %sub3A_2329 = arith.subf %min3A_2327, %max3A_2328 : vector<16xf32>
    %max3A_2330 = arith.constant 0.000000e+00 : f32
    %max3A_2331 = vector.broadcast %max3A_2330 : f32 to vector<16xf32>
    %max3A_2332 = arith.maximumf %sub3A_2329, %max3A_2331 : vector<16xf32>
    %min3A_2333 = arith.minimumf %gather3A_2326, %get3A_2322 : vector<16xf32>
    %max3A_2334 = arith.maximumf %gather3A_2324, %get3A_2310 : vector<16xf32>
    %sub3A_2335 = arith.subf %min3A_2333, %max3A_2334 : vector<16xf32>
    %max3A_2336 = arith.constant 0.000000e+00 : f32
    %max3A_2337 = vector.broadcast %max3A_2336 : f32 to vector<16xf32>
    %max3A_2338 = arith.maximumf %sub3A_2335, %max3A_2337 : vector<16xf32>
    %mul3A_2339 = arith.mulf %max3A_2332, %max3A_2338 : vector<16xf32>
    %sub3A_2340 = arith.subf %gather3A_2325, %gather3A_2323 : vector<16xf32>
    %sub3A_2341 = arith.subf %gather3A_2326, %gather3A_2324 : vector<16xf32>
    %mul3A_2342 = arith.mulf %sub3A_2340, %sub3A_2341 : vector<16xf32>
    %sub3A_2343 = arith.subf %get3A_2316, %get3A_2304 : vector<16xf32>
    %sub3A_2344 = arith.subf %get3A_2322, %get3A_2310 : vector<16xf32>
    %mul3A_2345 = arith.mulf %sub3A_2343, %sub3A_2344 : vector<16xf32>
    %add3A_2346 = arith.addf %mul3A_2342, %mul3A_2345 : vector<16xf32>
    %sub3A_2347 = arith.subf %add3A_2346, %mul3A_2339 : vector<16xf32>
    %max3A_2348 = arith.constant 9.99999997E-7 : f32
    %max3A_2349 = vector.broadcast %max3A_2348 : f32 to vector<16xf32>
    %max3A_2350 = arith.maximumf %sub3A_2347, %max3A_2349 : vector<16xf32>
    %div3A_2351 = arith.divf %mul3A_2339, %max3A_2350 : vector<16xf32>
    %get3A_2352 = arith.constant 1 : i32
    %get3A_2353 = arith.index_cast %get3A_2352 : i32 to index
    %get3A_2354 = arith.constant 0 : index
    %get3A_2355 = tpu.vector_load %arg13[%get3A_2353, %get3A_2354] {strides = array<i32>} : memref<2x128xf32, #tpu.memory_space<vmem>>, vector<16xf32>,
    %mul3A_2356 = arith.mulf %get3A_2355, %div3A_2351 : vector<16xf32>
    %add3A_2357 = arith.addf %add3A_2226, %mul3A_2356 : vector<16xf32>
    %sub3A_2358 = arith.subf %get3A_2304, %gather3A_2323 : vector<16xf32>
    %abs3A_2359 = math.absf %sub3A_2358 : vector<16xf32>
    %sub3A_2360 = arith.subf %get3A_2310, %gather3A_2324 : vector<16xf32>
    %abs3A_2361 = math.absf %sub3A_2360 : vector<16xf32>
    %add3A_2362 = arith.addf %abs3A_2359, %abs3A_2361 : vector<16xf32>
    %sub3A_2363 = arith.subf %get3A_2316, %gather3A_2325 : vector<16xf32>
    %abs3A_2364 = math.absf %sub3A_2363 : vector<16xf32>
    %add3A_2365 = arith.addf %add3A_2362, %abs3A_2364 : vector<16xf32>
    %sub3A_2366 = arith.subf %get3A_2322, %gather3A_2326 : vector<16xf32>
    %abs3A_2367 = math.absf %sub3A_2366 : vector<16xf32>
    %add3A_2368 = arith.addf %add3A_2365, %abs3A_2367 : vector<16xf32>
    %add3A_2369 = arith.addf %add3A_2238, %add3A_2368 : vector<16xf32>
    %get3A_2370 = arith.constant 144 : index
    %get3A_2371 = tpu.vector_load %arg8[%get3A_2370] {strides = array<i32>} : memref<256xi32, #tpu.memory_space<vmem>>, vector<16xi32>,
    %get3A_2372 = arith.constant 0 : i32
    %get3A_2373 = arith.constant 1 : i32
    %get3A_2374 = arith.index_cast %get3A_2372 : i32 to index
    %get3A_2375 = arith.index_cast %get3A_2373 : i32 to index
    %get3A_2376 = arith.constant 16 : index
    %get3A_2377 = tpu.vector_load %arg12[%get3A_2374, %get3A_2375, %get3A_2376] {strides = array<i32>} : memref<4x2x128xf32, #tpu.memory_space<vmem>>, vector<16xf32>,
    %get3A_2378 = arith.constant 1 : i32
    %get3A_2379 = arith.constant 1 : i32
    %get3A_2380 = arith.index_cast %get3A_2378 : i32 to index
    %get3A_2381 = arith.index_cast %get3A_2379 : i32 to index
    %get3A_2382 = arith.constant 16 : index
    %get3A_2383 = tpu.vector_load %arg12[%get3A_2380, %get3A_2381, %get3A_2382] {strides = array<i32>} : memref<4x2x128xf32, #tpu.memory_space<vmem>>, vector<16xf32>,
    %get3A_2384 = arith.constant 2 : i32
    %get3A_2385 = arith.constant 1 : i32
    %get3A_2386 = arith.index_cast %get3A_2384 : i32 to index
    %get3A_2387 = arith.index_cast %get3A_2385 : i32 to index
    %get3A_2388 = arith.constant 16 : index
    %get3A_2389 = tpu.vector_load %arg12[%get3A_2386, %get3A_2387, %get3A_2388] {strides = array<i32>} : memref<4x2x128xf32, #tpu.memory_space<vmem>>, vector<16xf32>,
    %get3A_2390 = arith.constant 3 : i32
    %get3A_2391 = arith.constant 1 : i32
    %get3A_2392 = arith.index_cast %get3A_2390 : i32 to index
    %get3A_2393 = arith.index_cast %get3A_2391 : i32 to index
    %get3A_2394 = arith.constant 16 : index
    %get3A_2395 = tpu.vector_load %arg12[%get3A_2392, %get3A_2393, %get3A_2394] {strides = array<i32>} : memref<4x2x128xf32, #tpu.memory_space<vmem>>, vector<16xf32>,
    %gather3A_2396 = tpu.vector_load_idx %arg14[%get3A_2371, %broadcast_in_dim3A_1596] : memref<32x4xf32, #tpu.memory_space<vmem>>[vector<16xi32>, vector<16xi32>], vector<16xf32>,
    %gather3A_2397 = tpu.vector_load_idx %arg14[%get3A_2371, %broadcast_in_dim3A_1598] : memref<32x4xf32, #tpu.memory_space<vmem>>[vector<16xi32>, vector<16xi32>], vector<16xf32>,
    %gather3A_2398 = tpu.vector_load_idx %arg14[%get3A_2371, %broadcast_in_dim3A_1600] : memref<32x4xf32, #tpu.memory_space<vmem>>[vector<16xi32>, vector<16xi32>], vector<16xf32>,
    %gather3A_2399 = tpu.vector_load_idx %arg14[%get3A_2371, %broadcast_in_dim3A_1602] : memref<32x4xf32, #tpu.memory_space<vmem>>[vector<16xi32>, vector<16xi32>], vector<16xf32>,
    %min3A_2400 = arith.minimumf %gather3A_2398, %get3A_2389 : vector<16xf32>
    %max3A_2401 = arith.maximumf %gather3A_2396, %get3A_2377 : vector<16xf32>
    %sub3A_2402 = arith.subf %min3A_2400, %max3A_2401 : vector<16xf32>
    %max3A_2403 = arith.constant 0.000000e+00 : f32
    %max3A_2404 = vector.broadcast %max3A_2403 : f32 to vector<16xf32>
    %max3A_2405 = arith.maximumf %sub3A_2402, %max3A_2404 : vector<16xf32>
    %min3A_2406 = arith.minimumf %gather3A_2399, %get3A_2395 : vector<16xf32>
    %max3A_2407 = arith.maximumf %gather3A_2397, %get3A_2383 : vector<16xf32>
    %sub3A_2408 = arith.subf %min3A_2406, %max3A_2407 : vector<16xf32>
    %max3A_2409 = arith.constant 0.000000e+00 : f32
    %max3A_2410 = vector.broadcast %max3A_2409 : f32 to vector<16xf32>
    %max3A_2411 = arith.maximumf %sub3A_2408, %max3A_2410 : vector<16xf32>
    %mul3A_2412 = arith.mulf %max3A_2405, %max3A_2411 : vector<16xf32>
    %sub3A_2413 = arith.subf %gather3A_2398, %gather3A_2396 : vector<16xf32>
    %sub3A_2414 = arith.subf %gather3A_2399, %gather3A_2397 : vector<16xf32>
    %mul3A_2415 = arith.mulf %sub3A_2413, %sub3A_2414 : vector<16xf32>
    %sub3A_2416 = arith.subf %get3A_2389, %get3A_2377 : vector<16xf32>
    %sub3A_2417 = arith.subf %get3A_2395, %get3A_2383 : vector<16xf32>
    %mul3A_2418 = arith.mulf %sub3A_2416, %sub3A_2417 : vector<16xf32>
    %add3A_2419 = arith.addf %mul3A_2415, %mul3A_2418 : vector<16xf32>
    %sub3A_2420 = arith.subf %add3A_2419, %mul3A_2412 : vector<16xf32>
    %max3A_2421 = arith.constant 9.99999997E-7 : f32
    %max3A_2422 = vector.broadcast %max3A_2421 : f32 to vector<16xf32>
    %max3A_2423 = arith.maximumf %sub3A_2420, %max3A_2422 : vector<16xf32>
    %div3A_2424 = arith.divf %mul3A_2412, %max3A_2423 : vector<16xf32>
    %get3A_2425 = arith.constant 1 : i32
    %get3A_2426 = arith.index_cast %get3A_2425 : i32 to index
    %get3A_2427 = arith.constant 16 : index
    %get3A_2428 = tpu.vector_load %arg13[%get3A_2426, %get3A_2427] {strides = array<i32>} : memref<2x128xf32, #tpu.memory_space<vmem>>, vector<16xf32>,
    %mul3A_2429 = arith.mulf %get3A_2428, %div3A_2424 : vector<16xf32>
    %add3A_2430 = arith.addf %add3A_2357, %mul3A_2429 : vector<16xf32>
    %sub3A_2431 = arith.subf %get3A_2377, %gather3A_2396 : vector<16xf32>
    %abs3A_2432 = math.absf %sub3A_2431 : vector<16xf32>
    %sub3A_2433 = arith.subf %get3A_2383, %gather3A_2397 : vector<16xf32>
    %abs3A_2434 = math.absf %sub3A_2433 : vector<16xf32>
    %add3A_2435 = arith.addf %abs3A_2432, %abs3A_2434 : vector<16xf32>
    %sub3A_2436 = arith.subf %get3A_2389, %gather3A_2398 : vector<16xf32>
    %abs3A_2437 = math.absf %sub3A_2436 : vector<16xf32>
    %add3A_2438 = arith.addf %add3A_2435, %abs3A_2437 : vector<16xf32>
    %sub3A_2439 = arith.subf %get3A_2395, %gather3A_2399 : vector<16xf32>
    %abs3A_2440 = math.absf %sub3A_2439 : vector<16xf32>
    %add3A_2441 = arith.addf %add3A_2438, %abs3A_2440 : vector<16xf32>
    %add3A_2442 = arith.addf %add3A_2369, %add3A_2441 : vector<16xf32>
    %get3A_2443 = arith.constant 160 : index
    %get3A_2444 = tpu.vector_load %arg8[%get3A_2443] {strides = array<i32>} : memref<256xi32, #tpu.memory_space<vmem>>, vector<16xi32>,
    %get3A_2445 = arith.constant 0 : i32
    %get3A_2446 = arith.constant 1 : i32
    %get3A_2447 = arith.index_cast %get3A_2445 : i32 to index
    %get3A_2448 = arith.index_cast %get3A_2446 : i32 to index
    %get3A_2449 = arith.constant 32 : index
    %get3A_2450 = tpu.vector_load %arg12[%get3A_2447, %get3A_2448, %get3A_2449] {strides = array<i32>} : memref<4x2x128xf32, #tpu.memory_space<vmem>>, vector<16xf32>,
    %get3A_2451 = arith.constant 1 : i32
    %get3A_2452 = arith.constant 1 : i32
    %get3A_2453 = arith.index_cast %get3A_2451 : i32 to index
    %get3A_2454 = arith.index_cast %get3A_2452 : i32 to index
    %get3A_2455 = arith.constant 32 : index
    %get3A_2456 = tpu.vector_load %arg12[%get3A_2453, %get3A_2454, %get3A_2455] {strides = array<i32>} : memref<4x2x128xf32, #tpu.memory_space<vmem>>, vector<16xf32>,
    %get3A_2457 = arith.constant 2 : i32
    %get3A_2458 = arith.constant 1 : i32
    %get3A_2459 = arith.index_cast %get3A_2457 : i32 to index
    %get3A_2460 = arith.index_cast %get3A_2458 : i32 to index
    %get3A_2461 = arith.constant 32 : index
    %get3A_2462 = tpu.vector_load %arg12[%get3A_2459, %get3A_2460, %get3A_2461] {strides = array<i32>} : memref<4x2x128xf32, #tpu.memory_space<vmem>>, vector<16xf32>,
    %get3A_2463 = arith.constant 3 : i32
    %get3A_2464 = arith.constant 1 : i32
    %get3A_2465 = arith.index_cast %get3A_2463 : i32 to index
    %get3A_2466 = arith.index_cast %get3A_2464 : i32 to index
    %get3A_2467 = arith.constant 32 : index
    %get3A_2468 = tpu.vector_load %arg12[%get3A_2465, %get3A_2466, %get3A_2467] {strides = array<i32>} : memref<4x2x128xf32, #tpu.memory_space<vmem>>, vector<16xf32>,
    %gather3A_2469 = tpu.vector_load_idx %arg14[%get3A_2444, %broadcast_in_dim3A_1596] : memref<32x4xf32, #tpu.memory_space<vmem>>[vector<16xi32>, vector<16xi32>], vector<16xf32>,
    %gather3A_2470 = tpu.vector_load_idx %arg14[%get3A_2444, %broadcast_in_dim3A_1598] : memref<32x4xf32, #tpu.memory_space<vmem>>[vector<16xi32>, vector<16xi32>], vector<16xf32>,
    %gather3A_2471 = tpu.vector_load_idx %arg14[%get3A_2444, %broadcast_in_dim3A_1600] : memref<32x4xf32, #tpu.memory_space<vmem>>[vector<16xi32>, vector<16xi32>], vector<16xf32>,
    %gather3A_2472 = tpu.vector_load_idx %arg14[%get3A_2444, %broadcast_in_dim3A_1602] : memref<32x4xf32, #tpu.memory_space<vmem>>[vector<16xi32>, vector<16xi32>], vector<16xf32>,
    %min3A_2473 = arith.minimumf %gather3A_2471, %get3A_2462 : vector<16xf32>
    %max3A_2474 = arith.maximumf %gather3A_2469, %get3A_2450 : vector<16xf32>
    %sub3A_2475 = arith.subf %min3A_2473, %max3A_2474 : vector<16xf32>
    %max3A_2476 = arith.constant 0.000000e+00 : f32
    %max3A_2477 = vector.broadcast %max3A_2476 : f32 to vector<16xf32>
    %max3A_2478 = arith.maximumf %sub3A_2475, %max3A_2477 : vector<16xf32>
    %min3A_2479 = arith.minimumf %gather3A_2472, %get3A_2468 : vector<16xf32>
    %max3A_2480 = arith.maximumf %gather3A_2470, %get3A_2456 : vector<16xf32>
    %sub3A_2481 = arith.subf %min3A_2479, %max3A_2480 : vector<16xf32>
    %max3A_2482 = arith.constant 0.000000e+00 : f32
    %max3A_2483 = vector.broadcast %max3A_2482 : f32 to vector<16xf32>
    %max3A_2484 = arith.maximumf %sub3A_2481, %max3A_2483 : vector<16xf32>
    %mul3A_2485 = arith.mulf %max3A_2478, %max3A_2484 : vector<16xf32>
    %sub3A_2486 = arith.subf %gather3A_2471, %gather3A_2469 : vector<16xf32>
    %sub3A_2487 = arith.subf %gather3A_2472, %gather3A_2470 : vector<16xf32>
    %mul3A_2488 = arith.mulf %sub3A_2486, %sub3A_2487 : vector<16xf32>
    %sub3A_2489 = arith.subf %get3A_2462, %get3A_2450 : vector<16xf32>
    %sub3A_2490 = arith.subf %get3A_2468, %get3A_2456 : vector<16xf32>
    %mul3A_2491 = arith.mulf %sub3A_2489, %sub3A_2490 : vector<16xf32>
    %add3A_2492 = arith.addf %mul3A_2488, %mul3A_2491 : vector<16xf32>
    %sub3A_2493 = arith.subf %add3A_2492, %mul3A_2485 : vector<16xf32>
    %max3A_2494 = arith.constant 9.99999997E-7 : f32
    %max3A_2495 = vector.broadcast %max3A_2494 : f32 to vector<16xf32>
    %max3A_2496 = arith.maximumf %sub3A_2493, %max3A_2495 : vector<16xf32>
    %div3A_2497 = arith.divf %mul3A_2485, %max3A_2496 : vector<16xf32>
    %get3A_2498 = arith.constant 1 : i32
    %get3A_2499 = arith.index_cast %get3A_2498 : i32 to index
    %get3A_2500 = arith.constant 32 : index
    %get3A_2501 = tpu.vector_load %arg13[%get3A_2499, %get3A_2500] {strides = array<i32>} : memref<2x128xf32, #tpu.memory_space<vmem>>, vector<16xf32>,
    %mul3A_2502 = arith.mulf %get3A_2501, %div3A_2497 : vector<16xf32>
    %add3A_2503 = arith.addf %add3A_2430, %mul3A_2502 : vector<16xf32>
    %sub3A_2504 = arith.subf %get3A_2450, %gather3A_2469 : vector<16xf32>
    %abs3A_2505 = math.absf %sub3A_2504 : vector<16xf32>
    %sub3A_2506 = arith.subf %get3A_2456, %gather3A_2470 : vector<16xf32>
    %abs3A_2507 = math.absf %sub3A_2506 : vector<16xf32>
    %add3A_2508 = arith.addf %abs3A_2505, %abs3A_2507 : vector<16xf32>
    %sub3A_2509 = arith.subf %get3A_2462, %gather3A_2471 : vector<16xf32>
    %abs3A_2510 = math.absf %sub3A_2509 : vector<16xf32>
    %add3A_2511 = arith.addf %add3A_2508, %abs3A_2510 : vector<16xf32>
    %sub3A_2512 = arith.subf %get3A_2468, %gather3A_2472 : vector<16xf32>
    %abs3A_2513 = math.absf %sub3A_2512 : vector<16xf32>
    %add3A_2514 = arith.addf %add3A_2511, %abs3A_2513 : vector<16xf32>
    %add3A_2515 = arith.addf %add3A_2442, %add3A_2514 : vector<16xf32>
    %get3A_2516 = arith.constant 176 : index
    %get3A_2517 = tpu.vector_load %arg8[%get3A_2516] {strides = array<i32>} : memref<256xi32, #tpu.memory_space<vmem>>, vector<16xi32>,
    %get3A_2518 = arith.constant 0 : i32
    %get3A_2519 = arith.constant 1 : i32
    %get3A_2520 = arith.index_cast %get3A_2518 : i32 to index
    %get3A_2521 = arith.index_cast %get3A_2519 : i32 to index
    %get3A_2522 = arith.constant 48 : index
    %get3A_2523 = tpu.vector_load %arg12[%get3A_2520, %get3A_2521, %get3A_2522] {strides = array<i32>} : memref<4x2x128xf32, #tpu.memory_space<vmem>>, vector<16xf32>,
    %get3A_2524 = arith.constant 1 : i32
    %get3A_2525 = arith.constant 1 : i32
    %get3A_2526 = arith.index_cast %get3A_2524 : i32 to index
    %get3A_2527 = arith.index_cast %get3A_2525 : i32 to index
    %get3A_2528 = arith.constant 48 : index
    %get3A_2529 = tpu.vector_load %arg12[%get3A_2526, %get3A_2527, %get3A_2528] {strides = array<i32>} : memref<4x2x128xf32, #tpu.memory_space<vmem>>, vector<16xf32>,
    %get3A_2530 = arith.constant 2 : i32
    %get3A_2531 = arith.constant 1 : i32
    %get3A_2532 = arith.index_cast %get3A_2530 : i32 to index
    %get3A_2533 = arith.index_cast %get3A_2531 : i32 to index
    %get3A_2534 = arith.constant 48 : index
    %get3A_2535 = tpu.vector_load %arg12[%get3A_2532, %get3A_2533, %get3A_2534] {strides = array<i32>} : memref<4x2x128xf32, #tpu.memory_space<vmem>>, vector<16xf32>,
    %get3A_2536 = arith.constant 3 : i32
    %get3A_2537 = arith.constant 1 : i32
    %get3A_2538 = arith.index_cast %get3A_2536 : i32 to index
    %get3A_2539 = arith.index_cast %get3A_2537 : i32 to index
    %get3A_2540 = arith.constant 48 : index
    %get3A_2541 = tpu.vector_load %arg12[%get3A_2538, %get3A_2539, %get3A_2540] {strides = array<i32>} : memref<4x2x128xf32, #tpu.memory_space<vmem>>, vector<16xf32>,
    %gather3A_2542 = tpu.vector_load_idx %arg14[%get3A_2517, %broadcast_in_dim3A_1596] : memref<32x4xf32, #tpu.memory_space<vmem>>[vector<16xi32>, vector<16xi32>], vector<16xf32>,
    %gather3A_2543 = tpu.vector_load_idx %arg14[%get3A_2517, %broadcast_in_dim3A_1598] : memref<32x4xf32, #tpu.memory_space<vmem>>[vector<16xi32>, vector<16xi32>], vector<16xf32>,
    %gather3A_2544 = tpu.vector_load_idx %arg14[%get3A_2517, %broadcast_in_dim3A_1600] : memref<32x4xf32, #tpu.memory_space<vmem>>[vector<16xi32>, vector<16xi32>], vector<16xf32>,
    %gather3A_2545 = tpu.vector_load_idx %arg14[%get3A_2517, %broadcast_in_dim3A_1602] : memref<32x4xf32, #tpu.memory_space<vmem>>[vector<16xi32>, vector<16xi32>], vector<16xf32>,
    %min3A_2546 = arith.minimumf %gather3A_2544, %get3A_2535 : vector<16xf32>
    %max3A_2547 = arith.maximumf %gather3A_2542, %get3A_2523 : vector<16xf32>
    %sub3A_2548 = arith.subf %min3A_2546, %max3A_2547 : vector<16xf32>
    %max3A_2549 = arith.constant 0.000000e+00 : f32
    %max3A_2550 = vector.broadcast %max3A_2549 : f32 to vector<16xf32>
    %max3A_2551 = arith.maximumf %sub3A_2548, %max3A_2550 : vector<16xf32>
    %min3A_2552 = arith.minimumf %gather3A_2545, %get3A_2541 : vector<16xf32>
    %max3A_2553 = arith.maximumf %gather3A_2543, %get3A_2529 : vector<16xf32>
    %sub3A_2554 = arith.subf %min3A_2552, %max3A_2553 : vector<16xf32>
    %max3A_2555 = arith.constant 0.000000e+00 : f32
    %max3A_2556 = vector.broadcast %max3A_2555 : f32 to vector<16xf32>
    %max3A_2557 = arith.maximumf %sub3A_2554, %max3A_2556 : vector<16xf32>
    %mul3A_2558 = arith.mulf %max3A_2551, %max3A_2557 : vector<16xf32>
    %sub3A_2559 = arith.subf %gather3A_2544, %gather3A_2542 : vector<16xf32>
    %sub3A_2560 = arith.subf %gather3A_2545, %gather3A_2543 : vector<16xf32>
    %mul3A_2561 = arith.mulf %sub3A_2559, %sub3A_2560 : vector<16xf32>
    %sub3A_2562 = arith.subf %get3A_2535, %get3A_2523 : vector<16xf32>
    %sub3A_2563 = arith.subf %get3A_2541, %get3A_2529 : vector<16xf32>
    %mul3A_2564 = arith.mulf %sub3A_2562, %sub3A_2563 : vector<16xf32>
    %add3A_2565 = arith.addf %mul3A_2561, %mul3A_2564 : vector<16xf32>
    %sub3A_2566 = arith.subf %add3A_2565, %mul3A_2558 : vector<16xf32>
    %max3A_2567 = arith.constant 9.99999997E-7 : f32
    %max3A_2568 = vector.broadcast %max3A_2567 : f32 to vector<16xf32>
    %max3A_2569 = arith.maximumf %sub3A_2566, %max3A_2568 : vector<16xf32>
    %div3A_2570 = arith.divf %mul3A_2558, %max3A_2569 : vector<16xf32>
    %get3A_2571 = arith.constant 1 : i32
    %get3A_2572 = arith.index_cast %get3A_2571 : i32 to index
    %get3A_2573 = arith.constant 48 : index
    %get3A_2574 = tpu.vector_load %arg13[%get3A_2572, %get3A_2573] {strides = array<i32>} : memref<2x128xf32, #tpu.memory_space<vmem>>, vector<16xf32>,
    %mul3A_2575 = arith.mulf %get3A_2574, %div3A_2570 : vector<16xf32>
    %add3A_2576 = arith.addf %add3A_2503, %mul3A_2575 : vector<16xf32>
    %sub3A_2577 = arith.subf %get3A_2523, %gather3A_2542 : vector<16xf32>
    %abs3A_2578 = math.absf %sub3A_2577 : vector<16xf32>
    %sub3A_2579 = arith.subf %get3A_2529, %gather3A_2543 : vector<16xf32>
    %abs3A_2580 = math.absf %sub3A_2579 : vector<16xf32>
    %add3A_2581 = arith.addf %abs3A_2578, %abs3A_2580 : vector<16xf32>
    %sub3A_2582 = arith.subf %get3A_2535, %gather3A_2544 : vector<16xf32>
    %abs3A_2583 = math.absf %sub3A_2582 : vector<16xf32>
    %add3A_2584 = arith.addf %add3A_2581, %abs3A_2583 : vector<16xf32>
    %sub3A_2585 = arith.subf %get3A_2541, %gather3A_2545 : vector<16xf32>
    %abs3A_2586 = math.absf %sub3A_2585 : vector<16xf32>
    %add3A_2587 = arith.addf %add3A_2584, %abs3A_2586 : vector<16xf32>
    %add3A_2588 = arith.addf %add3A_2515, %add3A_2587 : vector<16xf32>
    %get3A_2589 = arith.constant 192 : index
    %get3A_2590 = tpu.vector_load %arg8[%get3A_2589] {strides = array<i32>} : memref<256xi32, #tpu.memory_space<vmem>>, vector<16xi32>,
    %get3A_2591 = arith.constant 0 : i32
    %get3A_2592 = arith.constant 1 : i32
    %get3A_2593 = arith.index_cast %get3A_2591 : i32 to index
    %get3A_2594 = arith.index_cast %get3A_2592 : i32 to index
    %get3A_2595 = arith.constant 64 : index
    %get3A_2596 = tpu.vector_load %arg12[%get3A_2593, %get3A_2594, %get3A_2595] {strides = array<i32>} : memref<4x2x128xf32, #tpu.memory_space<vmem>>, vector<16xf32>,
    %get3A_2597 = arith.constant 1 : i32
    %get3A_2598 = arith.constant 1 : i32
    %get3A_2599 = arith.index_cast %get3A_2597 : i32 to index
    %get3A_2600 = arith.index_cast %get3A_2598 : i32 to index
    %get3A_2601 = arith.constant 64 : index
    %get3A_2602 = tpu.vector_load %arg12[%get3A_2599, %get3A_2600, %get3A_2601] {strides = array<i32>} : memref<4x2x128xf32, #tpu.memory_space<vmem>>, vector<16xf32>,
    %get3A_2603 = arith.constant 2 : i32
    %get3A_2604 = arith.constant 1 : i32
    %get3A_2605 = arith.index_cast %get3A_2603 : i32 to index
    %get3A_2606 = arith.index_cast %get3A_2604 : i32 to index
    %get3A_2607 = arith.constant 64 : index
    %get3A_2608 = tpu.vector_load %arg12[%get3A_2605, %get3A_2606, %get3A_2607] {strides = array<i32>} : memref<4x2x128xf32, #tpu.memory_space<vmem>>, vector<16xf32>,
    %get3A_2609 = arith.constant 3 : i32
    %get3A_2610 = arith.constant 1 : i32
    %get3A_2611 = arith.index_cast %get3A_2609 : i32 to index
    %get3A_2612 = arith.index_cast %get3A_2610 : i32 to index
    %get3A_2613 = arith.constant 64 : index
    %get3A_2614 = tpu.vector_load %arg12[%get3A_2611, %get3A_2612, %get3A_2613] {strides = array<i32>} : memref<4x2x128xf32, #tpu.memory_space<vmem>>, vector<16xf32>,
    %gather3A_2615 = tpu.vector_load_idx %arg14[%get3A_2590, %broadcast_in_dim3A_1596] : memref<32x4xf32, #tpu.memory_space<vmem>>[vector<16xi32>, vector<16xi32>], vector<16xf32>,
    %gather3A_2616 = tpu.vector_load_idx %arg14[%get3A_2590, %broadcast_in_dim3A_1598] : memref<32x4xf32, #tpu.memory_space<vmem>>[vector<16xi32>, vector<16xi32>], vector<16xf32>,
    %gather3A_2617 = tpu.vector_load_idx %arg14[%get3A_2590, %broadcast_in_dim3A_1600] : memref<32x4xf32, #tpu.memory_space<vmem>>[vector<16xi32>, vector<16xi32>], vector<16xf32>,
    %gather3A_2618 = tpu.vector_load_idx %arg14[%get3A_2590, %broadcast_in_dim3A_1602] : memref<32x4xf32, #tpu.memory_space<vmem>>[vector<16xi32>, vector<16xi32>], vector<16xf32>,
    %min3A_2619 = arith.minimumf %gather3A_2617, %get3A_2608 : vector<16xf32>
    %max3A_2620 = arith.maximumf %gather3A_2615, %get3A_2596 : vector<16xf32>
    %sub3A_2621 = arith.subf %min3A_2619, %max3A_2620 : vector<16xf32>
    %max3A_2622 = arith.constant 0.000000e+00 : f32
    %max3A_2623 = vector.broadcast %max3A_2622 : f32 to vector<16xf32>
    %max3A_2624 = arith.maximumf %sub3A_2621, %max3A_2623 : vector<16xf32>
    %min3A_2625 = arith.minimumf %gather3A_2618, %get3A_2614 : vector<16xf32>
    %max3A_2626 = arith.maximumf %gather3A_2616, %get3A_2602 : vector<16xf32>
    %sub3A_2627 = arith.subf %min3A_2625, %max3A_2626 : vector<16xf32>
    %max3A_2628 = arith.constant 0.000000e+00 : f32
    %max3A_2629 = vector.broadcast %max3A_2628 : f32 to vector<16xf32>
    %max3A_2630 = arith.maximumf %sub3A_2627, %max3A_2629 : vector<16xf32>
    %mul3A_2631 = arith.mulf %max3A_2624, %max3A_2630 : vector<16xf32>
    %sub3A_2632 = arith.subf %gather3A_2617, %gather3A_2615 : vector<16xf32>
    %sub3A_2633 = arith.subf %gather3A_2618, %gather3A_2616 : vector<16xf32>
    %mul3A_2634 = arith.mulf %sub3A_2632, %sub3A_2633 : vector<16xf32>
    %sub3A_2635 = arith.subf %get3A_2608, %get3A_2596 : vector<16xf32>
    %sub3A_2636 = arith.subf %get3A_2614, %get3A_2602 : vector<16xf32>
    %mul3A_2637 = arith.mulf %sub3A_2635, %sub3A_2636 : vector<16xf32>
    %add3A_2638 = arith.addf %mul3A_2634, %mul3A_2637 : vector<16xf32>
    %sub3A_2639 = arith.subf %add3A_2638, %mul3A_2631 : vector<16xf32>
    %max3A_2640 = arith.constant 9.99999997E-7 : f32
    %max3A_2641 = vector.broadcast %max3A_2640 : f32 to vector<16xf32>
    %max3A_2642 = arith.maximumf %sub3A_2639, %max3A_2641 : vector<16xf32>
    %div3A_2643 = arith.divf %mul3A_2631, %max3A_2642 : vector<16xf32>
    %get3A_2644 = arith.constant 1 : i32
    %get3A_2645 = arith.index_cast %get3A_2644 : i32 to index
    %get3A_2646 = arith.constant 64 : index
    %get3A_2647 = tpu.vector_load %arg13[%get3A_2645, %get3A_2646] {strides = array<i32>} : memref<2x128xf32, #tpu.memory_space<vmem>>, vector<16xf32>,
    %mul3A_2648 = arith.mulf %get3A_2647, %div3A_2643 : vector<16xf32>
    %add3A_2649 = arith.addf %add3A_2576, %mul3A_2648 : vector<16xf32>
    %sub3A_2650 = arith.subf %get3A_2596, %gather3A_2615 : vector<16xf32>
    %abs3A_2651 = math.absf %sub3A_2650 : vector<16xf32>
    %sub3A_2652 = arith.subf %get3A_2602, %gather3A_2616 : vector<16xf32>
    %abs3A_2653 = math.absf %sub3A_2652 : vector<16xf32>
    %add3A_2654 = arith.addf %abs3A_2651, %abs3A_2653 : vector<16xf32>
    %sub3A_2655 = arith.subf %get3A_2608, %gather3A_2617 : vector<16xf32>
    %abs3A_2656 = math.absf %sub3A_2655 : vector<16xf32>
    %add3A_2657 = arith.addf %add3A_2654, %abs3A_2656 : vector<16xf32>
    %sub3A_2658 = arith.subf %get3A_2614, %gather3A_2618 : vector<16xf32>
    %abs3A_2659 = math.absf %sub3A_2658 : vector<16xf32>
    %add3A_2660 = arith.addf %add3A_2657, %abs3A_2659 : vector<16xf32>
    %add3A_2661 = arith.addf %add3A_2588, %add3A_2660 : vector<16xf32>
    %get3A_2662 = arith.constant 208 : index
    %get3A_2663 = tpu.vector_load %arg8[%get3A_2662] {strides = array<i32>} : memref<256xi32, #tpu.memory_space<vmem>>, vector<16xi32>,
    %get3A_2664 = arith.constant 0 : i32
    %get3A_2665 = arith.constant 1 : i32
    %get3A_2666 = arith.index_cast %get3A_2664 : i32 to index
    %get3A_2667 = arith.index_cast %get3A_2665 : i32 to index
    %get3A_2668 = arith.constant 80 : index
    %get3A_2669 = tpu.vector_load %arg12[%get3A_2666, %get3A_2667, %get3A_2668] {strides = array<i32>} : memref<4x2x128xf32, #tpu.memory_space<vmem>>, vector<16xf32>,
    %get3A_2670 = arith.constant 1 : i32
    %get3A_2671 = arith.constant 1 : i32
    %get3A_2672 = arith.index_cast %get3A_2670 : i32 to index
    %get3A_2673 = arith.index_cast %get3A_2671 : i32 to index
    %get3A_2674 = arith.constant 80 : index
    %get3A_2675 = tpu.vector_load %arg12[%get3A_2672, %get3A_2673, %get3A_2674] {strides = array<i32>} : memref<4x2x128xf32, #tpu.memory_space<vmem>>, vector<16xf32>,
    %get3A_2676 = arith.constant 2 : i32
    %get3A_2677 = arith.constant 1 : i32
    %get3A_2678 = arith.index_cast %get3A_2676 : i32 to index
    %get3A_2679 = arith.index_cast %get3A_2677 : i32 to index
    %get3A_2680 = arith.constant 80 : index
    %get3A_2681 = tpu.vector_load %arg12[%get3A_2678, %get3A_2679, %get3A_2680] {strides = array<i32>} : memref<4x2x128xf32, #tpu.memory_space<vmem>>, vector<16xf32>,
    %get3A_2682 = arith.constant 3 : i32
    %get3A_2683 = arith.constant 1 : i32
    %get3A_2684 = arith.index_cast %get3A_2682 : i32 to index
    %get3A_2685 = arith.index_cast %get3A_2683 : i32 to index
    %get3A_2686 = arith.constant 80 : index
    %get3A_2687 = tpu.vector_load %arg12[%get3A_2684, %get3A_2685, %get3A_2686] {strides = array<i32>} : memref<4x2x128xf32, #tpu.memory_space<vmem>>, vector<16xf32>,
    %gather3A_2688 = tpu.vector_load_idx %arg14[%get3A_2663, %broadcast_in_dim3A_1596] : memref<32x4xf32, #tpu.memory_space<vmem>>[vector<16xi32>, vector<16xi32>], vector<16xf32>,
    %gather3A_2689 = tpu.vector_load_idx %arg14[%get3A_2663, %broadcast_in_dim3A_1598] : memref<32x4xf32, #tpu.memory_space<vmem>>[vector<16xi32>, vector<16xi32>], vector<16xf32>,
    %gather3A_2690 = tpu.vector_load_idx %arg14[%get3A_2663, %broadcast_in_dim3A_1600] : memref<32x4xf32, #tpu.memory_space<vmem>>[vector<16xi32>, vector<16xi32>], vector<16xf32>,
    %gather3A_2691 = tpu.vector_load_idx %arg14[%get3A_2663, %broadcast_in_dim3A_1602] : memref<32x4xf32, #tpu.memory_space<vmem>>[vector<16xi32>, vector<16xi32>], vector<16xf32>,
    %min3A_2692 = arith.minimumf %gather3A_2690, %get3A_2681 : vector<16xf32>
    %max3A_2693 = arith.maximumf %gather3A_2688, %get3A_2669 : vector<16xf32>
    %sub3A_2694 = arith.subf %min3A_2692, %max3A_2693 : vector<16xf32>
    %max3A_2695 = arith.constant 0.000000e+00 : f32
    %max3A_2696 = vector.broadcast %max3A_2695 : f32 to vector<16xf32>
    %max3A_2697 = arith.maximumf %sub3A_2694, %max3A_2696 : vector<16xf32>
    %min3A_2698 = arith.minimumf %gather3A_2691, %get3A_2687 : vector<16xf32>
    %max3A_2699 = arith.maximumf %gather3A_2689, %get3A_2675 : vector<16xf32>
    %sub3A_2700 = arith.subf %min3A_2698, %max3A_2699 : vector<16xf32>
    %max3A_2701 = arith.constant 0.000000e+00 : f32
    %max3A_2702 = vector.broadcast %max3A_2701 : f32 to vector<16xf32>
    %max3A_2703 = arith.maximumf %sub3A_2700, %max3A_2702 : vector<16xf32>
    %mul3A_2704 = arith.mulf %max3A_2697, %max3A_2703 : vector<16xf32>
    %sub3A_2705 = arith.subf %gather3A_2690, %gather3A_2688 : vector<16xf32>
    %sub3A_2706 = arith.subf %gather3A_2691, %gather3A_2689 : vector<16xf32>
    %mul3A_2707 = arith.mulf %sub3A_2705, %sub3A_2706 : vector<16xf32>
    %sub3A_2708 = arith.subf %get3A_2681, %get3A_2669 : vector<16xf32>
    %sub3A_2709 = arith.subf %get3A_2687, %get3A_2675 : vector<16xf32>
    %mul3A_2710 = arith.mulf %sub3A_2708, %sub3A_2709 : vector<16xf32>
    %add3A_2711 = arith.addf %mul3A_2707, %mul3A_2710 : vector<16xf32>
    %sub3A_2712 = arith.subf %add3A_2711, %mul3A_2704 : vector<16xf32>
    %max3A_2713 = arith.constant 9.99999997E-7 : f32
    %max3A_2714 = vector.broadcast %max3A_2713 : f32 to vector<16xf32>
    %max3A_2715 = arith.maximumf %sub3A_2712, %max3A_2714 : vector<16xf32>
    %div3A_2716 = arith.divf %mul3A_2704, %max3A_2715 : vector<16xf32>
    %get3A_2717 = arith.constant 1 : i32
    %get3A_2718 = arith.index_cast %get3A_2717 : i32 to index
    %get3A_2719 = arith.constant 80 : index
    %get3A_2720 = tpu.vector_load %arg13[%get3A_2718, %get3A_2719] {strides = array<i32>} : memref<2x128xf32, #tpu.memory_space<vmem>>, vector<16xf32>,
    %mul3A_2721 = arith.mulf %get3A_2720, %div3A_2716 : vector<16xf32>
    %add3A_2722 = arith.addf %add3A_2649, %mul3A_2721 : vector<16xf32>
    %sub3A_2723 = arith.subf %get3A_2669, %gather3A_2688 : vector<16xf32>
    %abs3A_2724 = math.absf %sub3A_2723 : vector<16xf32>
    %sub3A_2725 = arith.subf %get3A_2675, %gather3A_2689 : vector<16xf32>
    %abs3A_2726 = math.absf %sub3A_2725 : vector<16xf32>
    %add3A_2727 = arith.addf %abs3A_2724, %abs3A_2726 : vector<16xf32>
    %sub3A_2728 = arith.subf %get3A_2681, %gather3A_2690 : vector<16xf32>
    %abs3A_2729 = math.absf %sub3A_2728 : vector<16xf32>
    %add3A_2730 = arith.addf %add3A_2727, %abs3A_2729 : vector<16xf32>
    %sub3A_2731 = arith.subf %get3A_2687, %gather3A_2691 : vector<16xf32>
    %abs3A_2732 = math.absf %sub3A_2731 : vector<16xf32>
    %add3A_2733 = arith.addf %add3A_2730, %abs3A_2732 : vector<16xf32>
    %add3A_2734 = arith.addf %add3A_2661, %add3A_2733 : vector<16xf32>
    %get3A_2735 = arith.constant 224 : index
    %get3A_2736 = tpu.vector_load %arg8[%get3A_2735] {strides = array<i32>} : memref<256xi32, #tpu.memory_space<vmem>>, vector<16xi32>,
    %get3A_2737 = arith.constant 0 : i32
    %get3A_2738 = arith.constant 1 : i32
    %get3A_2739 = arith.index_cast %get3A_2737 : i32 to index
    %get3A_2740 = arith.index_cast %get3A_2738 : i32 to index
    %get3A_2741 = arith.constant 96 : index
    %get3A_2742 = tpu.vector_load %arg12[%get3A_2739, %get3A_2740, %get3A_2741] {strides = array<i32>} : memref<4x2x128xf32, #tpu.memory_space<vmem>>, vector<16xf32>,
    %get3A_2743 = arith.constant 1 : i32
    %get3A_2744 = arith.constant 1 : i32
    %get3A_2745 = arith.index_cast %get3A_2743 : i32 to index
    %get3A_2746 = arith.index_cast %get3A_2744 : i32 to index
    %get3A_2747 = arith.constant 96 : index
    %get3A_2748 = tpu.vector_load %arg12[%get3A_2745, %get3A_2746, %get3A_2747] {strides = array<i32>} : memref<4x2x128xf32, #tpu.memory_space<vmem>>, vector<16xf32>,
    %get3A_2749 = arith.constant 2 : i32
    %get3A_2750 = arith.constant 1 : i32
    %get3A_2751 = arith.index_cast %get3A_2749 : i32 to index
    %get3A_2752 = arith.index_cast %get3A_2750 : i32 to index
    %get3A_2753 = arith.constant 96 : index
    %get3A_2754 = tpu.vector_load %arg12[%get3A_2751, %get3A_2752, %get3A_2753] {strides = array<i32>} : memref<4x2x128xf32, #tpu.memory_space<vmem>>, vector<16xf32>,
    %get3A_2755 = arith.constant 3 : i32
    %get3A_2756 = arith.constant 1 : i32
    %get3A_2757 = arith.index_cast %get3A_2755 : i32 to index
    %get3A_2758 = arith.index_cast %get3A_2756 : i32 to index
    %get3A_2759 = arith.constant 96 : index
    %get3A_2760 = tpu.vector_load %arg12[%get3A_2757, %get3A_2758, %get3A_2759] {strides = array<i32>} : memref<4x2x128xf32, #tpu.memory_space<vmem>>, vector<16xf32>,
    %gather3A_2761 = tpu.vector_load_idx %arg14[%get3A_2736, %broadcast_in_dim3A_1596] : memref<32x4xf32, #tpu.memory_space<vmem>>[vector<16xi32>, vector<16xi32>], vector<16xf32>,
    %gather3A_2762 = tpu.vector_load_idx %arg14[%get3A_2736, %broadcast_in_dim3A_1598] : memref<32x4xf32, #tpu.memory_space<vmem>>[vector<16xi32>, vector<16xi32>], vector<16xf32>,
    %gather3A_2763 = tpu.vector_load_idx %arg14[%get3A_2736, %broadcast_in_dim3A_1600] : memref<32x4xf32, #tpu.memory_space<vmem>>[vector<16xi32>, vector<16xi32>], vector<16xf32>,
    %gather3A_2764 = tpu.vector_load_idx %arg14[%get3A_2736, %broadcast_in_dim3A_1602] : memref<32x4xf32, #tpu.memory_space<vmem>>[vector<16xi32>, vector<16xi32>], vector<16xf32>,
    %min3A_2765 = arith.minimumf %gather3A_2763, %get3A_2754 : vector<16xf32>
    %max3A_2766 = arith.maximumf %gather3A_2761, %get3A_2742 : vector<16xf32>
    %sub3A_2767 = arith.subf %min3A_2765, %max3A_2766 : vector<16xf32>
    %max3A_2768 = arith.constant 0.000000e+00 : f32
    %max3A_2769 = vector.broadcast %max3A_2768 : f32 to vector<16xf32>
    %max3A_2770 = arith.maximumf %sub3A_2767, %max3A_2769 : vector<16xf32>
    %min3A_2771 = arith.minimumf %gather3A_2764, %get3A_2760 : vector<16xf32>
    %max3A_2772 = arith.maximumf %gather3A_2762, %get3A_2748 : vector<16xf32>
    %sub3A_2773 = arith.subf %min3A_2771, %max3A_2772 : vector<16xf32>
    %max3A_2774 = arith.constant 0.000000e+00 : f32
    %max3A_2775 = vector.broadcast %max3A_2774 : f32 to vector<16xf32>
    %max3A_2776 = arith.maximumf %sub3A_2773, %max3A_2775 : vector<16xf32>
    %mul3A_2777 = arith.mulf %max3A_2770, %max3A_2776 : vector<16xf32>
    %sub3A_2778 = arith.subf %gather3A_2763, %gather3A_2761 : vector<16xf32>
    %sub3A_2779 = arith.subf %gather3A_2764, %gather3A_2762 : vector<16xf32>
    %mul3A_2780 = arith.mulf %sub3A_2778, %sub3A_2779 : vector<16xf32>
    %sub3A_2781 = arith.subf %get3A_2754, %get3A_2742 : vector<16xf32>
    %sub3A_2782 = arith.subf %get3A_2760, %get3A_2748 : vector<16xf32>
    %mul3A_2783 = arith.mulf %sub3A_2781, %sub3A_2782 : vector<16xf32>
    %add3A_2784 = arith.addf %mul3A_2780, %mul3A_2783 : vector<16xf32>
    %sub3A_2785 = arith.subf %add3A_2784, %mul3A_2777 : vector<16xf32>
    %max3A_2786 = arith.constant 9.99999997E-7 : f32
    %max3A_2787 = vector.broadcast %max3A_2786 : f32 to vector<16xf32>
    %max3A_2788 = arith.maximumf %sub3A_2785, %max3A_2787 : vector<16xf32>
    %div3A_2789 = arith.divf %mul3A_2777, %max3A_2788 : vector<16xf32>
    %get3A_2790 = arith.constant 1 : i32
    %get3A_2791 = arith.index_cast %get3A_2790 : i32 to index
    %get3A_2792 = arith.constant 96 : index
    %get3A_2793 = tpu.vector_load %arg13[%get3A_2791, %get3A_2792] {strides = array<i32>} : memref<2x128xf32, #tpu.memory_space<vmem>>, vector<16xf32>,
    %mul3A_2794 = arith.mulf %get3A_2793, %div3A_2789 : vector<16xf32>
    %add3A_2795 = arith.addf %add3A_2722, %mul3A_2794 : vector<16xf32>
    %sub3A_2796 = arith.subf %get3A_2742, %gather3A_2761 : vector<16xf32>
    %abs3A_2797 = math.absf %sub3A_2796 : vector<16xf32>
    %sub3A_2798 = arith.subf %get3A_2748, %gather3A_2762 : vector<16xf32>
    %abs3A_2799 = math.absf %sub3A_2798 : vector<16xf32>
    %add3A_2800 = arith.addf %abs3A_2797, %abs3A_2799 : vector<16xf32>
    %sub3A_2801 = arith.subf %get3A_2754, %gather3A_2763 : vector<16xf32>
    %abs3A_2802 = math.absf %sub3A_2801 : vector<16xf32>
    %add3A_2803 = arith.addf %add3A_2800, %abs3A_2802 : vector<16xf32>
    %sub3A_2804 = arith.subf %get3A_2760, %gather3A_2764 : vector<16xf32>
    %abs3A_2805 = math.absf %sub3A_2804 : vector<16xf32>
    %add3A_2806 = arith.addf %add3A_2803, %abs3A_2805 : vector<16xf32>
    %add3A_2807 = arith.addf %add3A_2734, %add3A_2806 : vector<16xf32>
    %get3A_2808 = arith.constant 240 : index
    %get3A_2809 = tpu.vector_load %arg8[%get3A_2808] {strides = array<i32>} : memref<256xi32, #tpu.memory_space<vmem>>, vector<16xi32>,
    %get3A_2810 = arith.constant 0 : i32
    %get3A_2811 = arith.constant 1 : i32
    %get3A_2812 = arith.index_cast %get3A_2810 : i32 to index
    %get3A_2813 = arith.index_cast %get3A_2811 : i32 to index
    %get3A_2814 = arith.constant 112 : index
    %get3A_2815 = tpu.vector_load %arg12[%get3A_2812, %get3A_2813, %get3A_2814] {strides = array<i32>} : memref<4x2x128xf32, #tpu.memory_space<vmem>>, vector<16xf32>,
    %get3A_2816 = arith.constant 1 : i32
    %get3A_2817 = arith.constant 1 : i32
    %get3A_2818 = arith.index_cast %get3A_2816 : i32 to index
    %get3A_2819 = arith.index_cast %get3A_2817 : i32 to index
    %get3A_2820 = arith.constant 112 : index
    %get3A_2821 = tpu.vector_load %arg12[%get3A_2818, %get3A_2819, %get3A_2820] {strides = array<i32>} : memref<4x2x128xf32, #tpu.memory_space<vmem>>, vector<16xf32>,
    %get3A_2822 = arith.constant 2 : i32
    %get3A_2823 = arith.constant 1 : i32
    %get3A_2824 = arith.index_cast %get3A_2822 : i32 to index
    %get3A_2825 = arith.index_cast %get3A_2823 : i32 to index
    %get3A_2826 = arith.constant 112 : index
    %get3A_2827 = tpu.vector_load %arg12[%get3A_2824, %get3A_2825, %get3A_2826] {strides = array<i32>} : memref<4x2x128xf32, #tpu.memory_space<vmem>>, vector<16xf32>,
    %get3A_2828 = arith.constant 3 : i32
    %get3A_2829 = arith.constant 1 : i32
    %get3A_2830 = arith.index_cast %get3A_2828 : i32 to index
    %get3A_2831 = arith.index_cast %get3A_2829 : i32 to index
    %get3A_2832 = arith.constant 112 : index
    %get3A_2833 = tpu.vector_load %arg12[%get3A_2830, %get3A_2831, %get3A_2832] {strides = array<i32>} : memref<4x2x128xf32, #tpu.memory_space<vmem>>, vector<16xf32>,
    %gather3A_2834 = tpu.vector_load_idx %arg14[%get3A_2809, %broadcast_in_dim3A_1596] : memref<32x4xf32, #tpu.memory_space<vmem>>[vector<16xi32>, vector<16xi32>], vector<16xf32>,
    %gather3A_2835 = tpu.vector_load_idx %arg14[%get3A_2809, %broadcast_in_dim3A_1598] : memref<32x4xf32, #tpu.memory_space<vmem>>[vector<16xi32>, vector<16xi32>], vector<16xf32>,
    %gather3A_2836 = tpu.vector_load_idx %arg14[%get3A_2809, %broadcast_in_dim3A_1600] : memref<32x4xf32, #tpu.memory_space<vmem>>[vector<16xi32>, vector<16xi32>], vector<16xf32>,
    %gather3A_2837 = tpu.vector_load_idx %arg14[%get3A_2809, %broadcast_in_dim3A_1602] : memref<32x4xf32, #tpu.memory_space<vmem>>[vector<16xi32>, vector<16xi32>], vector<16xf32>,
    %min3A_2838 = arith.minimumf %gather3A_2836, %get3A_2827 : vector<16xf32>
    %max3A_2839 = arith.maximumf %gather3A_2834, %get3A_2815 : vector<16xf32>
    %sub3A_2840 = arith.subf %min3A_2838, %max3A_2839 : vector<16xf32>
    %max3A_2841 = arith.constant 0.000000e+00 : f32
    %max3A_2842 = vector.broadcast %max3A_2841 : f32 to vector<16xf32>
    %max3A_2843 = arith.maximumf %sub3A_2840, %max3A_2842 : vector<16xf32>
    %min3A_2844 = arith.minimumf %gather3A_2837, %get3A_2833 : vector<16xf32>
    %max3A_2845 = arith.maximumf %gather3A_2835, %get3A_2821 : vector<16xf32>
    %sub3A_2846 = arith.subf %min3A_2844, %max3A_2845 : vector<16xf32>
    %max3A_2847 = arith.constant 0.000000e+00 : f32
    %max3A_2848 = vector.broadcast %max3A_2847 : f32 to vector<16xf32>
    %max3A_2849 = arith.maximumf %sub3A_2846, %max3A_2848 : vector<16xf32>
    %mul3A_2850 = arith.mulf %max3A_2843, %max3A_2849 : vector<16xf32>
    %sub3A_2851 = arith.subf %gather3A_2836, %gather3A_2834 : vector<16xf32>
    %sub3A_2852 = arith.subf %gather3A_2837, %gather3A_2835 : vector<16xf32>
    %mul3A_2853 = arith.mulf %sub3A_2851, %sub3A_2852 : vector<16xf32>
    %sub3A_2854 = arith.subf %get3A_2827, %get3A_2815 : vector<16xf32>
    %sub3A_2855 = arith.subf %get3A_2833, %get3A_2821 : vector<16xf32>
    %mul3A_2856 = arith.mulf %sub3A_2854, %sub3A_2855 : vector<16xf32>
    %add3A_2857 = arith.addf %mul3A_2853, %mul3A_2856 : vector<16xf32>
    %sub3A_2858 = arith.subf %add3A_2857, %mul3A_2850 : vector<16xf32>
    %max3A_2859 = arith.constant 9.99999997E-7 : f32
    %max3A_2860 = vector.broadcast %max3A_2859 : f32 to vector<16xf32>
    %max3A_2861 = arith.maximumf %sub3A_2858, %max3A_2860 : vector<16xf32>
    %div3A_2862 = arith.divf %mul3A_2850, %max3A_2861 : vector<16xf32>
    %get3A_2863 = arith.constant 1 : i32
    %get3A_2864 = arith.index_cast %get3A_2863 : i32 to index
    %get3A_2865 = arith.constant 112 : index
    %get3A_2866 = tpu.vector_load %arg13[%get3A_2864, %get3A_2865] {strides = array<i32>} : memref<2x128xf32, #tpu.memory_space<vmem>>, vector<16xf32>,
    %mul3A_2867 = arith.mulf %get3A_2866, %div3A_2862 : vector<16xf32>
    %add3A_2868 = arith.addf %add3A_2795, %mul3A_2867 : vector<16xf32>
    %sub3A_2869 = arith.subf %get3A_2815, %gather3A_2834 : vector<16xf32>
    %abs3A_2870 = math.absf %sub3A_2869 : vector<16xf32>
    %sub3A_2871 = arith.subf %get3A_2821, %gather3A_2835 : vector<16xf32>
    %abs3A_2872 = math.absf %sub3A_2871 : vector<16xf32>
    %add3A_2873 = arith.addf %abs3A_2870, %abs3A_2872 : vector<16xf32>
    %sub3A_2874 = arith.subf %get3A_2827, %gather3A_2836 : vector<16xf32>
    %abs3A_2875 = math.absf %sub3A_2874 : vector<16xf32>
    %add3A_2876 = arith.addf %add3A_2873, %abs3A_2875 : vector<16xf32>
    %sub3A_2877 = arith.subf %get3A_2833, %gather3A_2837 : vector<16xf32>
    %abs3A_2878 = math.absf %sub3A_2877 : vector<16xf32>
    %add3A_2879 = arith.addf %add3A_2876, %abs3A_2878 : vector<16xf32>
    %add3A_2880 = arith.addf %add3A_2807, %add3A_2879 : vector<16xf32>
    %swap3A_2881 = arith.constant 0 : index
    %swap3A_2882 = tpu.vector_load %arg15[%swap3A_2881] {strides = array<i32>} : memref<32xf32, #tpu.memory_space<vmem>>, vector<16xf32>,
    tpu.vector_store %arg15[%swap3A_2881], %add3A_2868 {strides = array<i32>} : memref<32xf32, #tpu.memory_space<vmem>>, vector<16xf32>,
    %swap3A_2883 = arith.constant 16 : index
    %swap3A_2884 = tpu.vector_load %arg15[%swap3A_2883] {strides = array<i32>} : memref<32xf32, #tpu.memory_space<vmem>>, vector<16xf32>,
    tpu.vector_store %arg15[%swap3A_2883], %add3A_2880 {strides = array<i32>} : memref<32xf32, #tpu.memory_space<vmem>>, vector<16xf32>,
    "tpu.region"() ({
      %run_scoped3A = tpu.sem_alloc : memref<!tpu.dma_semaphore, #tpu.memory_space<semaphore_mem>>
      %dma_start3A_2885 = arith.constant 0 : i32
      %dma_start3A_2886 = tpu.memref_slice %arg7[%add3A, %dma_start3A_2885] : memref<32x32xf32, #tpu.memory_space<hbm>> -> memref<1x32xf32, #tpu.memory_space<hbm>>
      %dma_start3A_2887 = tpu.memref_squeeze %dma_start3A_2886 : memref<1x32xf32, #tpu.memory_space<hbm>> -> memref<32xf32, #tpu.memory_space<hbm>>
      %dma_start3A_2888 = arith.constant 0 : i32
      %dma_start3A_2889 = tpu.memref_slice %arg7[%add3A, %dma_start3A_2888] : memref<32x32xf32, #tpu.memory_space<hbm>> -> memref<1x32xf32, #tpu.memory_space<hbm>>
      %dma_start3A_2890 = tpu.memref_squeeze %dma_start3A_2889 : memref<1x32xf32, #tpu.memory_space<hbm>> -> memref<32xf32, #tpu.memory_space<hbm>>
      tpu.enqueue_dma source(%arg15 : memref<32xf32, #tpu.memory_space<vmem>>) target(%dma_start3A_2890 : memref<32xf32, #tpu.memory_space<hbm>>) target_semaphore(%run_scoped3A : memref<!tpu.dma_semaphore, #tpu.memory_space<semaphore_mem>>)
      %dma_wait3A_2891 = arith.constant 0 : i32
      %dma_wait3A_2892 = tpu.memref_slice %arg7[%add3A, %dma_wait3A_2891] : memref<32x32xf32, #tpu.memory_space<hbm>> -> memref<1x32xf32, #tpu.memory_space<hbm>>
      %dma_wait3A_2893 = tpu.memref_squeeze %dma_wait3A_2892 : memref<1x32xf32, #tpu.memory_space<hbm>> -> memref<32xf32, #tpu.memory_space<hbm>>
      %dma_wait3A_2894 = arith.constant 0 : i32
      %dma_wait3A_2895 = tpu.memref_slice %arg7[%add3A, %dma_wait3A_2894] : memref<32x32xf32, #tpu.memory_space<hbm>> -> memref<1x32xf32, #tpu.memory_space<hbm>>
      %dma_wait3A_2896 = tpu.memref_squeeze %dma_wait3A_2895 : memref<1x32xf32, #tpu.memory_space<hbm>> -> memref<32xf32, #tpu.memory_space<hbm>>
      tpu.wait_dma2 semaphore(%run_scoped3A : memref<!tpu.dma_semaphore, #tpu.memory_space<semaphore_mem>>) src(%arg15 : memref<32xf32, #tpu.memory_space<vmem>>) dst(%dma_wait3A_2896 : memref<32xf32, #tpu.memory_space<hbm>>)
      tpu.yield
    }) : () -> ()
    return
  }
}

module attributes {stable_mosaic.version = 14 : i64} {
  func.func @_tc_body(%arg0: i32, %arg1: memref<4096x256xf32, #tpu.memory_space<vmem>>, %arg2: memref<1x1xf32, #tpu.memory_space<smem>>, %arg3: memref<1x1xf32, #tpu.memory_space<smem>>) attributes {dimension_semantics = [#tpu.dimension_semantics<arbitrary>], iteration_bounds = array<i64: 2>, scalar_prefetch = 0 : i64, scratch_operands = 1 : i64, tpu.core_type = #tpu.core_type<tc>, window_params = [{transform_indices = @transform_0, window_bounds = array<i64: 4096, 256>}, {transform_indices = @transform_1, window_bounds = array<i64: 1, 1>}]} {
    %eq3A = arith.constant 0 : i32
    %eq3A_0 = arith.cmpi eq, %arg0, %eq3A : i32
    %convert_element_type3A = arith.extui %eq3A_0 : i1 to i32
    %cond3A = arith.constant 0 : i32
    %cond3A_1 = arith.cmpi ne, %convert_element_type3A, %cond3A : i32
    scf.if %cond3A_1 {
      %swap3A_26 = arith.constant 0.000000e+00 : f32
      %swap3A_27 = arith.constant 0 : index
      %swap3A_28 = arith.constant 0 : index
      %swap3A_29 = memref.load %arg3[%swap3A_27, %swap3A_28] : memref<1x1xf32, #tpu.memory_space<smem>>
      memref.store %swap3A_26, %arg3[%swap3A_27, %swap3A_28] : memref<1x1xf32, #tpu.memory_space<smem>>
    } else {
    }
    %get3A = arith.constant 0 : index
    %get3A_2 = arith.constant 0 : index
    %get3A_3 = vector.load %arg1[%get3A, %get3A_2] : memref<4096x256xf32, #tpu.memory_space<vmem>>, vector<4096x256xf32>
    %max3A = arith.constant 0.000000e+00 : f32
    %max3A_4 = vector.broadcast %max3A : f32 to vector<4096x256xf32>
    %max3A_5 = arith.maximumf %get3A_3, %max3A_4 : vector<4096x256xf32>
    %abs3A = math.absf %get3A_3 : vector<4096x256xf32>
    %neg3A = arith.constant 0.000000e+00 : f32
    %neg3A_6 = vector.broadcast %neg3A : f32 to vector<4096x256xf32>
    %neg3A_7 = arith.subf %neg3A_6, %abs3A : vector<4096x256xf32>
    %exp3A = math.exp %neg3A_7 : vector<4096x256xf32>
    %add3A = arith.constant 1.000000e+00 : f32
    %add3A_8 = vector.broadcast %add3A : f32 to vector<4096x256xf32>
    %add3A_9 = arith.addf %add3A_8, %exp3A : vector<4096x256xf32>
    %log3A = math.log %add3A_9 : vector<4096x256xf32>
    %add3A_10 = arith.addf %max3A_5, %log3A : vector<4096x256xf32>
    %get3A_11 = arith.constant 0 : index
    %get3A_12 = arith.constant 0 : index
    %get3A_13 = memref.load %arg3[%get3A_11, %get3A_12] : memref<1x1xf32, #tpu.memory_space<smem>>
    %reduce_sum3A = vector.shape_cast %add3A_10 : vector<4096x256xf32> to vector<1x4096x256xf32>
    %reduce_sum3A_14 = arith.constant dense<0.000000e+00> : vector<1xf32>
    %reduce_sum3A_15 = vector.multi_reduction <add>, %reduce_sum3A, %reduce_sum3A_14 [1, 2] : vector<1x4096x256xf32> to vector<1xf32>
    %reduce_sum3A_16 = vector.shape_cast %reduce_sum3A_15 : vector<1xf32> to vector<1x1x1xf32>
    %reduce_sum3A_17 = vector.extract %reduce_sum3A_16[0, 0, 0] : f32 from vector<1x1x1xf32>
    %add3A_18 = arith.addf %get3A_13, %reduce_sum3A_17 : f32
    %swap3A = arith.constant 0 : index
    %swap3A_19 = arith.constant 0 : index
    %swap3A_20 = memref.load %arg3[%swap3A, %swap3A_19] : memref<1x1xf32, #tpu.memory_space<smem>>
    memref.store %add3A_18, %arg3[%swap3A, %swap3A_19] : memref<1x1xf32, #tpu.memory_space<smem>>
    %eq3A_21 = arith.constant 1 : i32
    %eq3A_22 = arith.cmpi eq, %arg0, %eq3A_21 : i32
    %convert_element_type3A_23 = arith.extui %eq3A_22 : i1 to i32
    %cond3A_24 = arith.constant 0 : i32
    %cond3A_25 = arith.cmpi ne, %convert_element_type3A_23, %cond3A_24 : i32
    scf.if %cond3A_25 {
      %get3A_26 = arith.constant 0 : index
      %get3A_27 = arith.constant 0 : index
      %get3A_28 = memref.load %arg3[%get3A_26, %get3A_27] : memref<1x1xf32, #tpu.memory_space<smem>>
      %swap3A_29 = arith.constant 0 : index
      %swap3A_30 = arith.constant 0 : index
      %swap3A_31 = memref.load %arg2[%swap3A_29, %swap3A_30] : memref<1x1xf32, #tpu.memory_space<smem>>
      memref.store %get3A_28, %arg2[%swap3A_29, %swap3A_30] : memref<1x1xf32, #tpu.memory_space<smem>>
    } else {
    }
    return
  }
  func.func @transform_0(%arg0: i32) -> (i32, i32) {
    %c0_i32 = arith.constant 0 : i32
    %c0_i32_0 = arith.constant 0 : i32
    return %arg0, %c0_i32 : i32, i32
  }
  func.func @transform_1(%arg0: i32) -> (i32, i32) {
    %c0_i32 = arith.constant 0 : i32
    %c0_i32_0 = arith.constant 0 : i32
    %c0_i32_1 = arith.constant 0 : i32
    return %c0_i32, %c0_i32_0 : i32, i32
  }
}

module attributes {stable_mosaic.version = 14 : i64} {
  func.func @_comb_body(%arg0: memref<1x1xf32, #tpu.memory_space<smem>>, %arg1: memref<1x1xf32, #tpu.memory_space<smem>>, %arg2: memref<32x32xf32, #tpu.memory_space<vmem>>, %arg3: memref<1x1xf32, #tpu.memory_space<smem>>, %arg4: memref<1x1xf32, #tpu.memory_space<smem>>, %arg5: memref<1x1xf32, #tpu.memory_space<smem>>) attributes {dimension_semantics = [], scalar_prefetch = 0 : i64, scratch_operands = 0 : i64, tpu.core_type = #tpu.core_type<tc>} {
    %get3A = arith.constant 0 : index
    %get3A_0 = arith.constant 0 : index
    %get3A_1 = vector.load %arg2[%get3A, %get3A_0] : memref<32x32xf32, #tpu.memory_space<vmem>>, vector<32x32xf32>
    %slice3A = vector.extract_strided_slice %get3A_1 {offsets = [0, 0], sizes = [32, 16], strides = [1, 1]} : vector<32x32xf32> to vector<32x16xf32>
    %reduce_sum3A = vector.shape_cast %slice3A : vector<32x16xf32> to vector<1x32x16xf32>
    %reduce_sum3A_2 = arith.constant dense<0.000000e+00> : vector<1xf32>
    %reduce_sum3A_3 = vector.multi_reduction <add>, %reduce_sum3A, %reduce_sum3A_2 [1, 2] : vector<1x32x16xf32> to vector<1xf32>
    %reduce_sum3A_4 = vector.shape_cast %reduce_sum3A_3 : vector<1xf32> to vector<1x1x1xf32>
    %reduce_sum3A_5 = vector.extract %reduce_sum3A_4[0, 0, 0] : f32 from vector<1x1x1xf32>
    %slice3A_6 = vector.extract_strided_slice %get3A_1 {offsets = [0, 16], sizes = [32, 16], strides = [1, 1]} : vector<32x32xf32> to vector<32x16xf32>
    %reduce_sum3A_7 = vector.shape_cast %slice3A_6 : vector<32x16xf32> to vector<1x32x16xf32>
    %reduce_sum3A_8 = arith.constant dense<0.000000e+00> : vector<1xf32>
    %reduce_sum3A_9 = vector.multi_reduction <add>, %reduce_sum3A_7, %reduce_sum3A_8 [1, 2] : vector<1x32x16xf32> to vector<1xf32>
    %reduce_sum3A_10 = vector.shape_cast %reduce_sum3A_9 : vector<1xf32> to vector<1x1x1xf32>
    %reduce_sum3A_11 = vector.extract %reduce_sum3A_10[0, 0, 0] : f32 from vector<1x1x1xf32>
    %get3A_12 = arith.constant 0 : index
    %get3A_13 = arith.constant 0 : index
    %get3A_14 = memref.load %arg0[%get3A_12, %get3A_13] : memref<1x1xf32, #tpu.memory_space<smem>>
    %max3A = arith.constant 1.000000e+00 : f32
    %max3A_15 = arith.maximumf %get3A_14, %max3A : f32
    %get3A_16 = arith.constant 0 : index
    %get3A_17 = arith.constant 0 : index
    %get3A_18 = memref.load %arg1[%get3A_16, %get3A_17] : memref<1x1xf32, #tpu.memory_space<smem>>
    %sub3A = arith.subf %get3A_18, %reduce_sum3A_5 : f32
    %div3A = arith.divf %sub3A, %max3A_15 : f32
    %mul3A = arith.constant 1.000000e+00 : f32
    %mul3A_19 = arith.mulf %div3A, %mul3A : f32
    %div3A_20 = arith.divf %reduce_sum3A_11, %max3A_15 : f32
    %mul3A_21 = arith.constant 1.200000e+00 : f32
    %mul3A_22 = arith.mulf %div3A_20, %mul3A_21 : f32
    %add3A = arith.addf %mul3A_19, %mul3A_22 : f32
    %swap3A = arith.constant 0 : index
    %swap3A_23 = arith.constant 0 : index
    %swap3A_24 = memref.load %arg3[%swap3A, %swap3A_23] : memref<1x1xf32, #tpu.memory_space<smem>>
    memref.store %add3A, %arg3[%swap3A, %swap3A_23] : memref<1x1xf32, #tpu.memory_space<smem>>
    %swap3A_25 = arith.constant 0 : index
    %swap3A_26 = arith.constant 0 : index
    %swap3A_27 = memref.load %arg4[%swap3A_25, %swap3A_26] : memref<1x1xf32, #tpu.memory_space<smem>>
    memref.store %mul3A_19, %arg4[%swap3A_25, %swap3A_26] : memref<1x1xf32, #tpu.memory_space<smem>>
    %swap3A_28 = arith.constant 0 : index
    %swap3A_29 = arith.constant 0 : index
    %swap3A_30 = memref.load %arg5[%swap3A_28, %swap3A_29] : memref<1x1xf32, #tpu.memory_space<smem>>
    memref.store %mul3A_22, %arg5[%swap3A_28, %swap3A_29] : memref<1x1xf32, #tpu.memory_space<smem>>
    return
  }
}

</mosaic_0001>

<sc_bundles>
// kernel: kernel.5.cloned.1.call-start
scs
__scs_entry_jumppad:
0x0: {  	(pc) =	sbr.rel $0x88, $3  }
0x1: {  	(tag) =	ssettag $0x0;
	lr =	simm.s32 $0x1  }
0x2: {  	[smem:$0x3F9B] =	sst lr;
	_ =	strace $0xD0000000  }
0x3: {  	_ = 	snop  }
0x4: {  	_ = 	snop  }
0x5: {  	_ = 	snop  }
0x6: {  	_ = 	snop  }
0x7: {  	_ = 	snop  }
__scs_overlays_trampoline_lowered:
0x8: {  	[smem:$0x3FAA] =	sst s0  }
0x9: {  	[smem:$0x3FAB] =	sst s1  }
0xa: {  	[smem:$0x3FAC] =	sst s2  }
0xb: {  	[smem:$0x3FAD] =	sst s3  }
0xc: {  	[smem:$0x3FAE] =	sst s4  }
0xd: {  	[smem:$0x3FAF] =	sst s5  }
0xe: {  	[smem:$0x3FB0] =	sst s6  }
0xf: {  	[smem:$0x3FB1] =	sst s7  }
0x10: {  	[smem:$0x3FB2] =	sst s8  }
0x11: {  	[smem:$0x3FB3] =	sst s9;
	s0 =	simm.s32 @!p0 $0x0  }
0x12: {  	s1 =	sld [smem:$0x3F99];
	s0 =	simm.s32 @p0 $0x1  }
0x13: {  	[smem:$0x3FB4] =	sst s0;
	s0 =	simm.s32 @!p1 $0x0  }
0x14: {  	s2 =	sld [smem:$0x3F98];
	s0 =	simm.s32 @p1 $0x1  }
0x15: {  	[smem:$0x3FB5] =	sst s0;
	s0 =	simm.s32 @!p2 $0x0  }
0x16: {  	s3 =	sld [smem:$0x3FDB];
	s0 =	simm.s32 @p2 $0x1  }
0x17: {  	s4 =	simm.s32 $0x1BF5;
	[smem:$0x3FB7] =	sst s0  }
0x18: {  	s0 =	sld [smem:$0x3F9A];
	_ =	swait.ge [sflag:s4], $0x0  }
0x19: {  	s7 =	sld [smem:$0x3F9B]  }
0x1a: {  	s8 =	sadd.s32 $0xFFFFE003, lr  }
0x1b: {  	s9 =	sadd.s32 $0xFFFFFEF7, lr;
	s5 =	simm.s32 $0xFFFFFFFF;
	p2 =	slt.u32 s8, $0xFFFFF086  }
0x1c: {  	p1 =	slt.u32 s9, $0xF7A;
	s5 =	simm.s32 @!p2 $0x0  }
0x1d: {  	s5 =	simm.s32 @p1 $0x1;
	p0 =	seq.s32 s7, s2  }
0x1e: {  	s7 =	smul.u32 @!p0 $0xF7A, s2;
	p2 =	seq.s32 @!p0 s5, $0x0  }
0x1f: {  	s9 =	smul.u32 $0xF7A, s1;
	s8 =	simm.s32 @!p0 $0x1BF5;
	p2 =	por !p2, p0  }
0x20: {  	[sflag:s8] =	ssyncset.s32 @!p0 $0xFFFFF086;
	s6 =	sadd.s32 @!p0 s3, s7;
	s7 =	simm.s32 @!p0 $0x108  }
0x21: {  	s3 =	sadd.s32 s3, s9;
	s6 =	sadd.s32 @!p0 $0x88, s6;
	s7 =	simm.s32 @p2 $0x1082  }
0x22: {  	[simem:s7], [sflag:s8] =	dma.local @!p0 [hbm:s6], $0xF7A  }
0x23: {  	s9 =	sor.u32 $0xD0000000, s2;
	s6 =	simm.s32 $0x108;
	_ =	swait.ge @!p0 [sflag:s8], $0x0  }
0x24: {  	s3 =	sadd.s32 $0x88, s3;
	s6 =	simm.s32 @!p1 $0x1082;
	[sflag:s4] =	ssyncset.s32 $0xFFFFF086  }
0x25: {  	[simem:s6], [sflag:s4] =	dma.local [hbm:s3], $0xF7A  }
0x26: {  	[smem:$0x3F9B] =	sst s1;
	(tag) =	ssettag s2;
	_ =	strace s9  }
0x27: {  	s1 =	sld [smem:$0x3FAB]  }
0x28: {  	s2 =	sld [smem:$0x3FAC]  }
0x29: {  	s4 =	sld [smem:$0x3FAE]  }
0x2a: {  	p0 =	seq.s32 s5, $0x0;
	s5 =	sld [smem:$0x3FAF]  }
0x2b: {  	s6 =	sld [smem:$0x3FB0]  }
0x2c: {  	s7 =	sld [smem:$0x3FB1]  }
0x2d: {  	s3 =	simm.s32 $0x108;
	s8 =	sld [smem:$0x3FB2]  }
0x2e: {  	s3 =	simm.s32 @!p0 $0x1082;
	s9 =	sld [smem:$0x3FB3]  }
0x2f: {  	lr =	sadd.s32 s0, s3;
	s0 =	sld [smem:$0x3FAA]  }
0x30: {  	s3 =	sld [smem:$0x3FAD]  }
0x31: {  	[smem:$0x3FB6] =	sst s10  }
0x32: {  	s10 =	sld [smem:$0x3FB4];
	_ =	sdelay $0x3  }
0x33: {  	p0 =	seq.s32 s10, $0x1;
	s10 =	sld [smem:$0x3FB6];
	_ =	sdelay $0x3  }
0x34: {  	[smem:$0x3FB6] =	sst s10  }
0x35: {  	s10 =	sld [smem:$0x3FB5];
	_ =	sdelay $0x3  }
0x36: {  	p1 =	seq.s32 s10, $0x1;
	s10 =	sld [smem:$0x3FB6];
	_ =	sdelay $0x3  }
0x37: {  	[smem:$0x3FB6] =	sst s10  }
0x38: {  	s10 =	sld [smem:$0x3FB7]  }
0x39: {  	_ = 	snop;
	(pc) =	sbr.ind lr, $3  }
0x3a: {  	_ = 	snop  }
0x3b: {  	_ = 	snop  }
0x3c: {  	p2 =	seq.s32 s10, $0x1;
	s10 =	sld [smem:$0x3FB6]  }
0x3d: {  	_ =	shalt  }
0x3e: {  	_ =	shalt  }
0x3f: {  	_ =	shalt  }
0x40: {  	_ =	shalt  }
0x41: {  	_ =	shalt  }
0x42: {  	_ =	shalt  }
0x43: {  	_ =	shalt  }
0x44: {  	_ =	shalt  }
0x45: {  	_ =	shalt  }
0x46: {  	_ =	shalt  }
0x47: {  	_ =	shalt  }
0x48: {  	_ =	shalt  }
0x49: {  	_ =	shalt  }
0x4a: {  	_ =	shalt  }
0x4b: {  	_ =	shalt  }
0x4c: {  	_ =	shalt  }
0x4d: {  	_ =	shalt  }
0x4e: {  	_ =	shalt  }
0x4f: {  	_ =	shalt  }
0x50: {  	_ =	shalt  }
0x51: {  	_ =	shalt  }
0x52: {  	_ =	shalt  }
0x53: {  	_ =	shalt  }
0x54: {  	_ =	shalt  }
0x55: {  	_ =	shalt  }
0x56: {  	_ =	shalt  }
0x57: {  	_ =	shalt  }
0x58: {  	_ =	shalt  }
0x59: {  	_ =	shalt  }
0x5a: {  	_ =	shalt  }
0x5b: {  	_ =	shalt  }
0x5c: {  	_ =	shalt  }
0x5d: {  	_ =	shalt  }
0x5e: {  	_ =	shalt  }
0x5f: {  	_ =	shalt  }
0x60: {  	_ =	shalt  }
0x61: {  	_ =	shalt  }
0x62: {  	_ =	shalt  }
0x63: {  	_ =	shalt  }
0x64: {  	_ =	shalt  }
0x65: {  	_ =	shalt  }
0x66: {  	_ =	shalt  }
0x67: {  	_ =	shalt  }
0x68: {  	_ =	shalt  }
0x69: {  	_ =	shalt  }
0x6a: {  	_ =	shalt  }
0x6b: {  	_ =	shalt  }
0x6c: {  	_ =	shalt  }
0x6d: {  	_ =	shalt  }
0x6e: {  	_ =	shalt  }
0x6f: {  	_ =	shalt  }
0x70: {  	_ =	shalt  }
0x71: {  	_ =	shalt  }
0x72: {  	_ =	shalt  }
0x73: {  	_ =	shalt  }
0x74: {  	_ =	shalt  }
0x75: {  	_ =	shalt  }
0x76: {  	_ =	shalt  }
0x77: {  	_ =	shalt  }
0x78: {  	_ =	shalt  }
0x79: {  	_ =	shalt  }
0x7a: {  	_ =	shalt  }
0x7b: {  	_ =	shalt  }
0x7c: {  	_ =	shalt  }
0x7d: {  	_ =	shalt  }
0x7e: {  	_ =	shalt  }
0x7f: {  	_ =	shalt  }
0x80: {  	_ =	shalt  }
0x81: {  	_ =	shalt  }
0x82: {  	_ =	shalt  }
0x83: {  	_ =	shalt  }
0x84: {  	_ =	shalt  }
0x85: {  	_ =	shalt  }
0x86: {  	_ =	shalt  }
0x87: {  	_ =	shalt  }
.Lfunc_end0:
.L_simem_size_0:
called_computation_lowered:
.L_overlay_start_0:
0x88: {  	s2 =	sld [smem:$0x3FD9]  }
0x89: {  	s3 =	sld [smem:$0x3FFE];
	_ =	sdelay $0x1  }
0x8a: {  	s1 =	srdreg.scid  }
0x8b: {  	s0 =	sand.u32 $0x1, s1  }
0x8c: {  	s17 =	sshll.u32 s0, $0xA;
	s2 =	sadd.s32 s3, s2  }
0x8d: {  	s2 =	sadd.s32 s2, s17  }
0x8e: {  	[smem:$0x3FC2] =	sst s2  }
0x8f: {  	_ = 	snop  }
0x90: {  	s2 =	sld [smem:$0x3FC9]  }
0x91: {  	s18 =	sld [smem:$0x3FC8]  }
0x92: {  	s4 =	sld [smem:$0x3FC5]  }
0x93: {  	s5 =	sld [smem:$0x3FC4];
	(tm) =	ssettm $0x1  }
0x94: {  	s6 =	sld [smem:$0x3FFB];
	_ =	sdelay $0x3  }
0x95: {  	_ =	strace s6  }
0x96: {  	s6 =	sld [smem:$0x3FFC];
	_ =	sdelay $0x3  }
0x97: {  	_ =	strace s6  }
0x98: {  	s6 =	sld [smem:$0x3FFD];
	_ =	sdelay $0x3  }
0x99: {  	_ =	strace s6  }
0x9a: {  	_ =	strace $0x8FFFFFFF  }
0x9b: {  	s19 =	sld [smem:$0x3FDB];
	_ =	sdelay $0x1  }
0x9c: {  	s7 =	simm.s32 $_scs_section_size  }
0x9d: {  	s8 =	simm.s32 $_size__tile_overlayer_lowered;
	s9 =	simm.s32 $_tile_overlayer_lowered  }
0x9e: {  	s22 =	simm.s32 $0x1BFF;
	s21 =	sshll.u32 s9, $0x1;
	s6 =	sadd.s32 s7, s19  }
0x9f: {  	s10 =	simm.s32 $0x0;
	s20 =	sshll.u32 s8, $0x1;
	s8 =	sadd.s32 s21, s6  }
0xa0: {  	[timem:s10], [sflag:s22] =	dma.local [hbm:s8], s20  }
0xa1: {  	_ =	swait.ge [sflag:s22], s20  }
0xa2: {  	s7 =	ssub.s32 $0x0, s20;
	[sflag:s22] =	ssyncset.done $0x0  }
0xa3: {  	[sflag:s22] =	ssyncadd.s32 s7;
	_ =	sdelay $0x1  }
0xa4: {  	s23 =	simm.s32 $0x1B8B  }
0xa5: {  	_ =	swait.ge [sflag:s23], $0x1  }
0xa6: {  	[sflag:s23] =	ssyncset.done $0x0  }
0xa7: {  	s25 =	simm.s32 $0x1B8E;
	s24 =	sld [smem:$0x3FFE];
	[sflag:s23] =	ssyncadd.s32 $0xFFFFFFFF  }
0xa8: {  	s26 =	simm.s32 $execute0_lowered;
	[smem:$0x3FD2] =	sst s25  }
0xa9: {  	s8 =	sshll.u32 s26, $0x1;
	_ =	strace $0x80000046;
	[dreg:$0x1] =	wrdreg $0xFFFFFFFF  }
0xaa: {  	s28 =	simm.s32 $_size_execute0_lowered;
	s6 =	sadd.s32 s6, s8;
	[dreg:$0x0] =	wrdreg $0x0  }
0xab: {  	s8 =	sshll.u32 s28, $0x1;
	[dreg:$0x2] =	wrdreg s6  }
0xac: {  	[dreg:$0x3] =	wrdreg s8  }
0xad: {  	[dreg:$0x4] =	wrdreg $0xC0  }
0xae: {  	_ =	task [dreg:s10], $0x5FFFF  }
0xaf: {  	[dreg:$0x1] =	wrdreg $0xFFFFFFFF  }
0xb0: {  	[dreg:$0x0] =	wrdreg $0x60  }
0xb1: {  	[dreg:$0x2] =	wrdreg s4  }
0xb2: {  	[dreg:$0x3] =	wrdreg s5  }
0xb3: {  	[dreg:$0x4] =	wrdreg s18  }
0xb4: {  	[dreg:$0x5] =	wrdreg s24  }
0xb5: {  	[dreg:$0x6] =	wrdreg s2  }
0xb6: {  	[dreg:$0x7] =	wrdreg $0x9  }
0xb7: {  	_ =	task.clear_ibuf [dreg:s10], $0x8FFFF;
	_ =	strace $0x90000046  }
0xb8: {  	s29 =	simm.s32 $0x9;
	_ =	strace $0x80000048  }
0xb9: {  	_ =	swait.ge [sflag:s29], $0x1  }
0xba: {  	[sflag:s29] =	ssyncadd.s32 $0xFFFFFFFF  }
0xbb: {  	_ =	strace $0x90000048  }
0xbc: {  	_ =	sfence  }
0xbd: {  	s30 =	sld [smem:$0x0];
	_ =	sdelay $0x2  }
0xbe: {  	s31 =	sshll.u32 s1, $0xD;
	s1 =	sshrl.u32 s1, $0x2  }
0xbf: {  	s3 =	sand.u32 $0x4000, s31;
	s1 =	sadd.s32 s1, s30  }
0xc0: {  	s0 =	sor.u32 s3, s0;
	s1 =	sshll.u32 s1, $0x11  }
0xc1: {  	s0 =	sor.u32 s1, s0  }
0xc2: {  	s0 =	sadd.s32 $0x8F2B, s0  }
0xc3: {  	[sflag:s0] =	ssyncadd.remote.s32 $0x1  }
0xc4: {  	_ =	sfence.sel $0xFFFF  }
0xc5: {  	[dreg:$0x0] =	wrdreg $0xFFFFFFFF;
	(pc) =	sbr.abs _section_cstart, $3  }
0xc6: {  	[dreg:$0x1] =	wrdreg $0xFFFFFFFF  }
0xc7: {  	_ =	task.clear_ibuf [dreg:s10], $0x2FFFF;
	_ =	strace $0x9FFFFFFF  }
0xc8: {  	(tm) =	ssettm $0x7FFFFFFF  }
0xc9: {  	_ =	shalt  }
tec
execute0_lowered:
.L_overlay_start_1:
0x0: {  	(tag) =	ssettag $0x1  }
0x1: {  	s0 =	rddreg [dreg:$0x0]  }
0x2: {  	s5 =	rddreg [dreg:$0x1]  }
0x3: {  	s1 =	rddreg [dreg:$0x2]  }
0x4: {  	s6 =	rddreg [dreg:$0x3]  }
0x5: {  	s3 =	rddreg [dreg:$0x4];
	s4 =	simm.s32 $0x0  }
0x6: {  	s7 =	srdreg.scid;
	s2 =	stileid.u32;
	s26 =	simm.s32 $0x100  }
0x7: {  	s11 =	simm.s32 $0x300;
	s12 =	simm.s32 $0x700;
	s13 =	simm.s32 $0x400  }
0x8: {  	s14 =	simm.s32 $0x800;
	s15 =	simm.s32 $0x500;
	s16 =	simm.s32 $0x900  }
0x9: {  	s17 =	simm.s32 $0x600;
	s18 =	simm.s32 $0xA00;
	s19 =	simm.s32 $0x280  }
0xa: {  	s20 =	simm.s32 $0xB80;
	s28 =	simm.s32 $0x680;
	s29 =	simm.s32 $0xA80  }
0xb: {  	s30 =	simm.s32 $0x2;
	s31 =	simm.s32 $0x1C00;
	[smem:$0x7FF] =	sst s4  }
0xc: {  	s7 =	sand.u32 $0x1, s7;
	s8 =	sshll.u32 s2, $0x1;
	s9 =	sadd.s32 $0xA00, s6  }
0xd: {  	_ =	strace $0x80000047;
	s8 =	sor.u32 s7, s8;
	[dreg:$0x6] =	wrdreg s9  }
0xe: {  	s7 =	ssub.s32 $0x2, s7;
	[dreg:$0xa] =	wrdreg s26;
	s26 =	simm.s32 $0x980  }
0xf: {  	s21 =	sshll.u32 s8, $0x4;
	s8 =	sshll.u32 s8, $0x5;
	s22 =	sshrl.u32 s7, $0x1  }
0x10: {  	s6 =	sadd.s32 s21, s6;
	s0 =	sadd.s32 s0, s8;
	s23 =	sadd.s32 s5, s8  }
0x11: {  	s24 =	ssub.s32 s7, s22;
	s7 =	simm.s32 $0x1;
	s8 =	simm.s32 $0x80  }
0x12: {  	s21 =	simm.s32 $0x380;
	s22 =	simm.s32 $0x780;
	[dreg:$0x7] =	wrdreg s0  }
0x13: {  	[dreg:$0x8] =	wrdreg s23;
	s25 =	sadd.s32 $0xC00, s6;
	s5 =	smax.u32 s24, $0x1  }
0x14: {  	s6 =	simm.s32 $0xC00;
	s23 =	simm.s32 $0x480;
	s24 =	simm.s32 $0x880  }
0x15: {  	s0 =	simm.s32 $0x3;
	[dreg:$0x9] =	wrdreg s25;
	s25 =	simm.s32 $0x580  }
.LBB2_1:
0x16: {  	s2 =	rddreg [dreg:$0x7]  }
0x17: {  	s9 =	rddreg [dreg:$0x8]  }
0x18: {  	[tilespmem:s4], [sflag:$0x1] =	stream.linear.gather [hbm4b:s2+s4], $0x100, $0x38;
	[tilespmem:$0x1C80] =	vst v63  }
0x19: {  	s10 =	rddreg [dreg:$0xa]  }
0x1a: {  	[tilespmem:s10], [sflag:$0x1] =	stream.linear.gather [hbm4b:s9+s4], $0x100, $0x38;
	[tilespmem:$0x1C80] =	vst v63  }
0x1b: {  	s2 =	rddreg [dreg:$0x6]  }
0x1c: {  	[tilespmem:s6], [sflag:$0x1] =	stream.linear.gather [hbm4b:s2+s4], $0x1000, $0x38;
	[tilespmem:$0x1C80] =	vst v63  }
0x1d: {  	_ =	swait.ge [sflag:s7], $0x100  }
0x1e: {  	[sflag:s7] =	ssyncset.done $0x0  }
0x1f: {  	[sflag:s7] =	ssyncadd.s32 $0xFFFFFF00  }
0x20: {  	_ =	swait.ge [sflag:s7], $0x100  }
0x21: {  	[sflag:s7] =	ssyncset.done $0x0  }
0x22: {  	[sflag:s7] =	ssyncadd.s32 $0xFFFFFF00  }
0x23: {  	_ =	swait.ge [sflag:s7], $0x1000  }
0x24: {  	[sflag:s7] =	ssyncset.done $0x0  }
0x25: {  	[sflag:s7] =	ssyncadd.s32 $0xFFFFF000  }
0x26: {  	v0 =	vld [tilespmem:$0x100]  }
0x27: {  	v1 =	vld [tilespmem:$0x0]  }
0x28: {  	v6 =	vld [tilespmem:$0x110]  }
0x29: {  	v50 =	vld [tilespmem:$0x10]  }
0x2a: {  	v8 =	vld [tilespmem:$0x120]  }
0x2b: {  	v9 =	vld [tilespmem:$0x20]  }
0x2c: {  	v17 =	vld [tilespmem:$0x130];
	v2 =	vshra.s32 v0, $0x7  }
0x2d: {  	v19 =	vld [tilespmem:$0x30];
	v3 =	vshll.u32 v1, $0x10;
	v4 =	vand.u32 $0xFFFFF800, v0;
	v51 =	vshrl.u32 v0, $0x1  }
0x2e: {  	v30 =	vld [tilespmem:$0x140];
	v1 =	vshll.u32 v1, $0x12;
	v0 =	vand.u32 $0x7F, v0;
	v53 =	vshra.s32 v6, $0x7  }
0x2f: {  	v33 =	vld [tilespmem:$0x40];
	v54 =	vshll.u32 v50, $0x10;
	v55 =	vand.u32 $0xFFFFF800, v6;
	v57 =	vshrl.u32 v6, $0x1  }
0x30: {  	v60 =	vand.u32 $0x7F, v6;
	v61 =	vshra.s32 v8, $0x7;
	v62 =	vshll.u32 v9, $0x10  }
0x31: {  	v12 =	vand.u32 $0xFFFFF800, v8;
	v20 =	vshrl.u32 v8, $0x1;
	v9 =	vshll.u32 v9, $0x12  }
0x32: {  	v22 =	vand.u32 $0x7F, v8;
	v26 =	vshra.s32 v17, $0x7;
	v27 =	vshll.u32 v19, $0x10  }
0x33: {  	v28 =	vand.u32 $0xFFFFF800, v17;
	v35 =	vshrl.u32 v17, $0x1;
	v6 =	vshll.u32 v19, $0x12  }
0x34: {  	v36 =	vand.u32 $0x7F, v17;
	v38 =	vshra.s32 v30, $0x7;
	v39 =	vshll.u32 v33, $0x10  }
0x35: {  	v40 =	vand.u32 $0xFFFFF800, v30;
	v44 =	vshrl.u32 v30, $0x1;
	v5 =	vshll.u32 v2, $0xA  }
0x36: {  	v3 =	vadd.s32 v3, v4;
	v4 =	vand.u32 $0x380, v51;
	v49 =	vand.u32 $0x400, v5  }
0x37: {  	v2 =	vshll.u32 v2, $0x9;
	v7 =	vshll.u32 v53, $0xA;
	v3 =	vor.u32 v3, v49  }
0x38: {  	v58 =	vand.u32 $0x380, v57;
	v13 =	vshll.u32 v61, $0xA;
	v3 =	vor.u32 v4, v3  }
0x39: {  	v63 =	vadd.s32 v62, v12;
	v1 =	vadd.s32 v1, v2;
	v52 =	vor.u32 v0, v3  }
0x3a: {  	v21 =	vand.u32 $0x380, v20;
	v56 =	vand.u32 $0x400, v7;
	v0 =	vor.u32 v0, v1;
	[tilespmem:$0x200] =	vst v52  }
0x3b: {  	v5 =	vshll.u32 v50, $0x12;
	v16 =	vand.u32 $0x400, v13;
	v10 =	vor.u32 $0x80, v0;
	[tilespmem:$0x300] =	vst v0  }
0x3c: {  	v42 =	vld [tilespmem:$0x150];
	v4 =	vor.u32 v63, v16;
	v1 =	vshll.u32 v53, $0x9;
	v59 =	vor.u32 $0x100, v0;
	[tilespmem:$0x400] =	vst v10  }
0x3d: {  	v3 =	vadd.s32 v54, v55;
	v11 =	vor.u32 $0x180, v0;
	v1 =	vadd.s32 v5, v1;
	[tilespmem:$0x500] =	vst v59  }
0x3e: {  	v3 =	vor.u32 v3, v56;
	v0 =	vor.u32 v21, v4;
	v1 =	vor.u32 v60, v1;
	[tilespmem:$0x600] =	vst v11  }
0x3f: {  	v29 =	vshll.u32 v26, $0xA;
	v3 =	vor.u32 v58, v3;
	v0 =	vor.u32 v22, v0;
	[tilespmem:$0x310] =	vst v1  }
0x40: {  	v41 =	vshll.u32 v38, $0xA;
	v47 =	vand.u32 $0x380, v44;
	v3 =	vor.u32 v60, v3;
	[tilespmem:$0x220] =	vst v0  }
0x41: {  	v51 =	vshll.u32 v33, $0x12;
	v62 =	vshrl.u32 v42, $0x1;
	v18 =	vor.u32 $0x80, v1;
	[tilespmem:$0x210] =	vst v3  }
0x42: {  	v7 =	vadd.s32 v27, v28;
	v5 =	vshll.u32 v61, $0x9;
	v14 =	vor.u32 $0x100, v1;
	[tilespmem:$0x410] =	vst v18  }
0x43: {  	v45 =	vld [tilespmem:$0x50];
	v32 =	vand.u32 $0x400, v29;
	v5 =	vadd.s32 v9, v5;
	v23 =	vor.u32 $0x180, v1;
	[tilespmem:$0x510] =	vst v14  }
0x44: {  	v43 =	vand.u32 $0x400, v41;
	v50 =	vand.u32 $0x7F, v30;
	v24 =	vor.u32 v22, v5;
	[tilespmem:$0x610] =	vst v23  }
0x45: {  	v13 =	vand.u32 $0x7F, v42;
	v7 =	vor.u32 v7, v32;
	v25 =	vor.u32 $0x80, v24;
	[tilespmem:$0x320] =	vst v24  }
0x46: {  	v63 =	vand.u32 $0x380, v62;
	v9 =	vand.u32 $0x380, v35;
	v31 =	vor.u32 $0x100, v24;
	[tilespmem:$0x420] =	vst v25  }
0x47: {  	v5 =	vshll.u32 v26, $0x9;
	v7 =	vor.u32 v9, v7;
	v34 =	vor.u32 $0x180, v24;
	[tilespmem:$0x520] =	vst v31  }
0x48: {  	v53 =	vshll.u32 v45, $0x10;
	v5 =	vadd.s32 v6, v5;
	v37 =	vor.u32 v36, v7;
	[tilespmem:$0x620] =	vst v34  }
0x49: {  	v20 =	vld [tilespmem:$0x170];
	v54 =	vand.u32 $0xFFFFF800, v42;
	v52 =	vshra.s32 v42, $0x7;
	v5 =	vor.u32 v36, v5;
	[tilespmem:$0x230] =	vst v37  }
0x4a: {  	v56 =	vadd.s32 v53, v54;
	v0 =	vadd.s32 v39, v40;
	v46 =	vor.u32 $0x80, v5;
	[tilespmem:$0x330] =	vst v5  }
0x4b: {  	v9 =	vshll.u32 v45, $0x12;
	v0 =	vor.u32 v0, v43;
	v48 =	vor.u32 $0x100, v5;
	[tilespmem:$0x430] =	vst v46  }
0x4c: {  	v7 =	vshll.u32 v38, $0x9;
	v0 =	vor.u32 v47, v0;
	v49 =	vor.u32 $0x180, v5;
	[tilespmem:$0x530] =	vst v48  }
0x4d: {  	v61 =	vld [tilespmem:$0x60];
	v6 =	vshll.u32 v52, $0x9;
	v4 =	vadd.s32 v51, v7;
	v0 =	vor.u32 v50, v0;
	[tilespmem:$0x630] =	vst v49  }
0x4e: {  	v30 =	vshra.s32 v20, $0x7;
	v58 =	vld [tilespmem:$0x160];
	v6 =	vadd.s32 v9, v6;
	v1 =	vor.u32 v50, v4;
	[tilespmem:$0x240] =	vst v0  }
0x4f: {  	v32 =	vand.u32 $0xFFFFF800, v20;
	v55 =	vshll.u32 v52, $0xA;
	v14 =	vor.u32 v13, v6;
	[tilespmem:$0x340] =	vst v1  }
0x50: {  	v57 =	vand.u32 $0x400, v55;
	v39 =	vand.u32 $0x7F, v20;
	v59 =	vor.u32 $0x80, v1;
	[tilespmem:$0x350] =	vst v14  }
0x51: {  	v2 =	vor.u32 v56, v57;
	v3 =	vshll.u32 v30, $0x9;
	v60 =	vor.u32 $0x100, v1;
	[tilespmem:$0x440] =	vst v59  }
0x52: {  	v17 =	vshll.u32 v61, $0x10;
	v4 =	vshll.u32 v61, $0x12;
	v1 =	vor.u32 $0x180, v1;
	[tilespmem:$0x540] =	vst v60  }
0x53: {  	v23 =	vld [tilespmem:$0x70];
	v0 =	vor.u32 v63, v2;
	v15 =	vor.u32 $0x80, v14;
	v16 =	vshra.s32 v58, $0x7;
	[tilespmem:$0x640] =	vst v1  }
0x54: {  	v18 =	vand.u32 $0xFFFFF800, v58;
	v21 =	vor.u32 $0x100, v14;
	v24 =	vor.u32 $0x180, v14;
	[tilespmem:$0x450] =	vst v15  }
0x55: {  	v25 =	vshrl.u32 v58, $0x1;
	v27 =	vand.u32 $0x7F, v58;
	v6 =	vshll.u32 v16, $0x9;
	[tilespmem:$0x550] =	vst v21  }
0x56: {  	v0 =	vor.u32 v13, v0;
	v19 =	vshll.u32 v16, $0xA;
	[tilespmem:$0x650] =	vst v24;
	v4 =	vadd.s32 v4, v6  }
0x57: {  	v7 =	vadd.s32 v17, v18;
	v26 =	vand.u32 $0x380, v25;
	[tilespmem:$0x250] =	vst v0;
	v29 =	vor.u32 v27, v4  }
0x58: {  	v22 =	vand.u32 $0x400, v19;
	v40 =	vshll.u32 v23, $0x12;
	[tilespmem:$0x360] =	vst v29;
	v36 =	vor.u32 $0x80, v29  }
0x59: {  	v7 =	vor.u32 v7, v22;
	v41 =	vadd.s32 v40, v3;
	v38 =	vor.u32 $0x100, v29;
	[tilespmem:$0x460] =	vst v36  }
0x5a: {  	v33 =	vshll.u32 v30, $0xA;
	v2 =	vor.u32 v26, v7;
	v42 =	vor.u32 v39, v41;
	[tilespmem:$0x560] =	vst v38  }
0x5b: {  	v35 =	vshrl.u32 v20, $0x1;
	v31 =	vshll.u32 v23, $0x10;
	v28 =	vor.u32 v27, v2;
	[tilespmem:$0x370] =	vst v42  }
0x5c: {  	v34 =	vand.u32 $0x400, v33;
	v0 =	vadd.s32 v31, v32;
	v2 =	vor.u32 $0x180, v29;
	[tilespmem:$0x260] =	vst v28  }
0x5d: {  	v37 =	vand.u32 $0x380, v35;
	v0 =	vor.u32 v0, v34;
	v1 =	vor.u32 $0x80, v42;
	[tilespmem:$0x660] =	vst v2  }
0x5e: {  	v0 =	vor.u32 v37, v0;
	v43 =	vor.u32 $0x100, v42;
	[tilespmem:$0x470] =	vst v1  }
0x5f: {  	v0 =	vor.u32 v39, v0;
	[tilespmem:$0x570] =	vst v43  }
0x60: {  	[tilespmem:$0x270] =	vst v0;
	v0 =	vor.u32 $0x180, v42  }
0x61: {  	s9 =	simm.s32 $0x200;
	s10 =	simm.s32 $0xB00;
	[tilespmem:$0x670] =	vst v0  }
0x62: {  	[tilespmem:s10], [sflag:$0x1] =	stream.indirect.gather [hbm4b:s3+s8], $0x1, s9, s8, $0xb8;
	[tilespmem:$0x1C80] =	vst v63  }
0x63: {  	_ = 	snop  }
0x64: {  	[tilespmem:s12], [sflag:$0x1] =	stream.indirect.gather [hbm4b:s1+s8], $0x1, s11, s8, $0xb8;
	[tilespmem:$0x1C80] =	vst v63  }
0x65: {  	_ = 	snop  }
0x66: {  	[tilespmem:s14], [sflag:$0x1] =	stream.indirect.gather [hbm4b:s1+s8], $0x1, s13, s8, $0xb8;
	[tilespmem:$0x1C80] =	vst v63  }
0x67: {  	_ = 	snop  }
0x68: {  	[tilespmem:s16], [sflag:$0x1] =	stream.indirect.gather [hbm4b:s1+s8], $0x1, s15, s8, $0xb8;
	[tilespmem:$0x1C80] =	vst v63  }
0x69: {  	_ = 	snop  }
0x6a: {  	[tilespmem:s18], [sflag:$0x1] =	stream.indirect.gather [hbm4b:s1+s8], $0x1, s17, s8, $0xb8;
	[tilespmem:$0x1C80] =	vst v63  }
0x6b: {  	v44 =	vld [tilespmem:$0x180]  }
0x6c: {  	v45 =	vld [tilespmem:$0x80]  }
0x6d: {  	v50 =	vld [tilespmem:$0x190]  }
0x6e: {  	v52 =	vld [tilespmem:$0x90]  }
0x6f: {  	v59 =	vld [tilespmem:$0x1A0]  }
0x70: {  	v62 =	vld [tilespmem:$0xA0];
	v46 =	vshra.s32 v44, $0x7  }
0x71: {  	v25 =	vld [tilespmem:$0x1B0];
	v47 =	vshll.u32 v45, $0x10;
	v48 =	vand.u32 $0xFFFFF800, v44;
	v53 =	vshrl.u32 v44, $0x1  }
0x72: {  	v28 =	vld [tilespmem:$0xB0];
	v1 =	vshll.u32 v45, $0x12;
	v0 =	vand.u32 $0x7F, v44;
	v55 =	vshra.s32 v50, $0x7  }
0x73: {  	v39 =	vld [tilespmem:$0x1C0];
	v56 =	vshll.u32 v52, $0x10;
	v57 =	vand.u32 $0xFFFFF800, v50;
	v61 =	vshrl.u32 v50, $0x1  }
0x74: {  	v18 =	vand.u32 $0x7F, v50;
	v5 =	vshll.u32 v52, $0x12;
	v19 =	vshra.s32 v59, $0x7  }
0x75: {  	v20 =	vshll.u32 v62, $0x10;
	v21 =	vand.u32 $0xFFFFF800, v59;
	v29 =	vshrl.u32 v59, $0x1  }
0x76: {  	v9 =	vshll.u32 v62, $0x12;
	v31 =	vand.u32 $0x7F, v59;
	v35 =	vshra.s32 v25, $0x7  }
0x77: {  	v36 =	vshll.u32 v28, $0x10;
	v37 =	vand.u32 $0xFFFFF800, v25;
	v44 =	vshrl.u32 v25, $0x1  }
0x78: {  	v6 =	vshll.u32 v28, $0x12;
	v45 =	vand.u32 $0x7F, v25;
	v59 =	vand.u32 $0x7F, v39  }
0x79: {  	v49 =	vshll.u32 v46, $0xA;
	v3 =	vadd.s32 v47, v48;
	v4 =	vand.u32 $0x380, v53  }
0x7a: {  	v2 =	vshll.u32 v46, $0x9;
	v58 =	vshll.u32 v55, $0xA;
	v51 =	vand.u32 $0x400, v49  }
0x7b: {  	v15 =	vand.u32 $0x380, v61;
	v22 =	vshll.u32 v19, $0xA;
	v3 =	vor.u32 v3, v51  }
0x7c: {  	v23 =	vadd.s32 v20, v21;
	v30 =	vand.u32 $0x380, v29;
	v3 =	vor.u32 v4, v3  }
0x7d: {  	v38 =	vshll.u32 v35, $0xA;
	v1 =	vadd.s32 v1, v2;
	v54 =	vor.u32 v0, v3  }
0x7e: {  	v42 =	vld [tilespmem:$0xC0];
	v7 =	vadd.s32 v36, v37;
	v47 =	vshra.s32 v39, $0x7;
	v0 =	vor.u32 v0, v1;
	[tilespmem:$0x280] =	vst v54  }
0x7f: {  	v60 =	vand.u32 $0x400, v58;
	v24 =	vand.u32 $0x400, v22;
	v63 =	vor.u32 $0x80, v0;
	[tilespmem:$0x380] =	vst v0  }
0x80: {  	v4 =	vor.u32 v23, v24;
	v1 =	vshll.u32 v55, $0x9;
	v16 =	vor.u32 $0x100, v0;
	[tilespmem:$0x480] =	vst v63  }
0x81: {  	v3 =	vadd.s32 v56, v57;
	v17 =	vor.u32 $0x180, v0;
	v1 =	vadd.s32 v5, v1;
	[tilespmem:$0x580] =	vst v16  }
0x82: {  	v3 =	vor.u32 v3, v60;
	v0 =	vor.u32 v30, v4;
	v1 =	vor.u32 v18, v1;
	[tilespmem:$0x680] =	vst v17  }
0x83: {  	v48 =	vshll.u32 v42, $0x10;
	v3 =	vor.u32 v15, v3;
	v0 =	vor.u32 v31, v0;
	[tilespmem:$0x390] =	vst v1  }
0x84: {  	v53 =	vshrl.u32 v39, $0x1;
	v29 =	vld [tilespmem:$0x1F0];
	v41 =	vand.u32 $0x400, v38;
	v3 =	vor.u32 v18, v3;
	[tilespmem:$0x2A0] =	vst v0  }
0x85: {  	v49 =	vand.u32 $0xFFFFF800, v39;
	v50 =	vshll.u32 v47, $0xA;
	v26 =	vor.u32 $0x80, v1;
	[tilespmem:$0x290] =	vst v3  }
0x86: {  	v7 =	vor.u32 v7, v41;
	v5 =	vshll.u32 v19, $0x9;
	v27 =	vor.u32 $0x100, v1;
	[tilespmem:$0x490] =	vst v26  }
0x87: {  	v51 =	vld [tilespmem:$0x1D0];
	v52 =	vand.u32 $0x400, v50;
	v5 =	vadd.s32 v9, v5;
	v32 =	vor.u32 $0x180, v1;
	[tilespmem:$0x590] =	vst v27  }
0x88: {  	v56 =	vand.u32 $0x380, v53;
	v60 =	vshll.u32 v42, $0x12;
	v33 =	vor.u32 v31, v5;
	[tilespmem:$0x690] =	vst v32  }
0x89: {  	v39 =	vshra.s32 v29, $0x7;
	v41 =	vand.u32 $0xFFFFF800, v29;
	v34 =	vor.u32 $0x80, v33;
	[tilespmem:$0x3A0] =	vst v33  }
0x8a: {  	v9 =	vand.u32 $0x380, v44;
	v5 =	vshll.u32 v35, $0x9;
	v40 =	vor.u32 $0x100, v33;
	[tilespmem:$0x4A0] =	vst v34  }
0x8b: {  	v7 =	vor.u32 v9, v7;
	v0 =	vadd.s32 v48, v49;
	v43 =	vor.u32 $0x180, v33;
	[tilespmem:$0x5A0] =	vst v40  }
0x8c: {  	v61 =	vshra.s32 v51, $0x7;
	v5 =	vadd.s32 v6, v5;
	v46 =	vor.u32 v45, v7;
	[tilespmem:$0x6A0] =	vst v43  }
0x8d: {  	v63 =	vand.u32 $0xFFFFF800, v51;
	v20 =	vshrl.u32 v51, $0x1;
	v5 =	vor.u32 v45, v5;
	[tilespmem:$0x2B0] =	vst v46  }
0x8e: {  	v54 =	vld [tilespmem:$0xD0];
	v22 =	vand.u32 $0x7F, v51;
	v48 =	vand.u32 $0x7F, v29;
	v55 =	vor.u32 $0x80, v5;
	[tilespmem:$0x3B0] =	vst v5  }
0x8f: {  	v19 =	vld [tilespmem:$0xE0];
	v0 =	vor.u32 v0, v52;
	v7 =	vshll.u32 v47, $0x9;
	v57 =	vor.u32 $0x100, v5;
	[tilespmem:$0x4B0] =	vst v55  }
0x90: {  	v13 =	vshll.u32 v61, $0xA;
	v0 =	vor.u32 v56, v0;
	v58 =	vor.u32 $0x180, v5;
	[tilespmem:$0x5B0] =	vst v57  }
0x91: {  	v16 =	vld [tilespmem:$0x1E0];
	v6 =	vshll.u32 v61, $0x9;
	v4 =	vadd.s32 v60, v7;
	v0 =	vor.u32 v59, v0;
	[tilespmem:$0x6B0] =	vst v58  }
0x92: {  	v21 =	vand.u32 $0x380, v20;
	v3 =	vshll.u32 v39, $0x9;
	v1 =	vor.u32 v59, v4;
	[tilespmem:$0x2C0] =	vst v0  }
0x93: {  	v15 =	vand.u32 $0x400, v13;
	v62 =	vshll.u32 v54, $0x10;
	v17 =	vor.u32 $0x80, v1;
	[tilespmem:$0x3C0] =	vst v1  }
0x94: {  	v9 =	vshll.u32 v54, $0x12;
	v26 =	vshll.u32 v19, $0x10;
	v18 =	vor.u32 $0x100, v1;
	[tilespmem:$0x4C0] =	vst v17  }
0x95: {  	v4 =	vshll.u32 v19, $0x12;
	v6 =	vadd.s32 v9, v6;
	v1 =	vor.u32 $0x180, v1;
	[tilespmem:$0x5C0] =	vst v18  }
0x96: {  	v14 =	vadd.s32 v62, v63;
	v25 =	vshra.s32 v16, $0x7;
	v23 =	vor.u32 v22, v6;
	[tilespmem:$0x6C0] =	vst v1  }
0x97: {  	v32 =	vld [tilespmem:$0xF0];
	v27 =	vand.u32 $0xFFFFF800, v16;
	v34 =	vshrl.u32 v16, $0x1;
	v24 =	vor.u32 $0x80, v23;
	[tilespmem:$0x3D0] =	vst v23  }
0x98: {  	v36 =	vand.u32 $0x7F, v16;
	v2 =	vor.u32 v14, v15;
	v30 =	vor.u32 $0x100, v23;
	[tilespmem:$0x4D0] =	vst v24  }
0x99: {  	v6 =	vshll.u32 v25, $0x9;
	v0 =	vor.u32 v21, v2;
	v33 =	vor.u32 $0x180, v23;
	[tilespmem:$0x5D0] =	vst v30  }
0x9a: {  	v28 =	vshll.u32 v25, $0xA;
	v4 =	vadd.s32 v4, v6;
	v0 =	vor.u32 v22, v0;
	[tilespmem:$0x6D0] =	vst v33  }
0x9b: {  	v7 =	vadd.s32 v26, v27;
	v35 =	vand.u32 $0x380, v34;
	v38 =	vor.u32 v36, v4;
	[tilespmem:$0x2D0] =	vst v0  }
0x9c: {  	v31 =	vand.u32 $0x400, v28;
	v49 =	vshll.u32 v32, $0x12;
	[tilespmem:$0x3E0] =	vst v38;
	v45 =	vor.u32 $0x80, v38  }
0x9d: {  	v7 =	vor.u32 v7, v31;
	v50 =	vadd.s32 v49, v3;
	v47 =	vor.u32 $0x100, v38;
	[tilespmem:$0x4E0] =	vst v45  }
0x9e: {  	v42 =	vshll.u32 v39, $0xA;
	v2 =	vor.u32 v35, v7;
	v51 =	vor.u32 v48, v50;
	[tilespmem:$0x5E0] =	vst v47  }
0x9f: {  	v44 =	vshrl.u32 v29, $0x1;
	v40 =	vshll.u32 v32, $0x10;
	v37 =	vor.u32 v36, v2;
	[tilespmem:$0x3F0] =	vst v51  }
0xa0: {  	v43 =	vand.u32 $0x400, v42;
	v0 =	vadd.s32 v40, v41;
	v2 =	vor.u32 $0x180, v38;
	[tilespmem:$0x2E0] =	vst v37  }
0xa1: {  	v46 =	vand.u32 $0x380, v44;
	v0 =	vor.u32 v0, v43;
	v1 =	vor.u32 $0x80, v51;
	[tilespmem:$0x6E0] =	vst v2  }
0xa2: {  	v52 =	vor.u32 $0x100, v51;
	v0 =	vor.u32 v46, v0;
	[tilespmem:$0x4F0] =	vst v1  }
0xa3: {  	[tilespmem:$0x5F0] =	vst v52;
	v0 =	vor.u32 v48, v0  }
0xa4: {  	[tilespmem:$0x2F0] =	vst v0;
	v0 =	vor.u32 $0x180, v51  }
0xa5: {  	[tilespmem:$0x6F0] =	vst v0  }
0xa6: {  	[tilespmem:s20], [sflag:$0x2] =	stream.indirect.gather [hbm4b:s3+s8], $0x1, s19, s8, $0xb8;
	[tilespmem:$0x1C80] =	vst v63  }
0xa7: {  	_ = 	snop  }
0xa8: {  	[tilespmem:s22], [sflag:$0x2] =	stream.indirect.gather [hbm4b:s1+s8], $0x1, s21, s8, $0xb8;
	[tilespmem:$0x1C80] =	vst v63  }
0xa9: {  	_ = 	snop  }
0xaa: {  	[tilespmem:s24], [sflag:$0x2] =	stream.indirect.gather [hbm4b:s1+s8], $0x1, s23, s8, $0xb8;
	[tilespmem:$0x1C80] =	vst v63  }
0xab: {  	_ = 	snop  }
0xac: {  	[tilespmem:s26], [sflag:$0x2] =	stream.indirect.gather [hbm4b:s1+s8], $0x1, s25, s8, $0xb8;
	[tilespmem:$0x1C80] =	vst v63  }
0xad: {  	_ = 	snop  }
0xae: {  	[tilespmem:s29], [sflag:$0x2] =	stream.indirect.gather [hbm4b:s1+s8], $0x1, s28, s8, $0xb8;
	[tilespmem:$0x1C80] =	vst v63  }
0xaf: {  	_ =	swait.ge [sflag:s7], $0x80  }
0xb0: {  	[sflag:s7] =	ssyncset.done $0x0  }
0xb1: {  	[sflag:s7] =	ssyncadd.s32 $0xFFFFFF80  }
0xb2: {  	_ =	swait.ge [sflag:s7], $0x80  }
0xb3: {  	[sflag:s7] =	ssyncset.done $0x0  }
0xb4: {  	[sflag:s7] =	ssyncadd.s32 $0xFFFFFF80  }
0xb5: {  	_ =	swait.ge [sflag:s7], $0x80  }
0xb6: {  	[sflag:s7] =	ssyncset.done $0x0  }
0xb7: {  	[sflag:s7] =	ssyncadd.s32 $0xFFFFFF80  }
0xb8: {  	_ =	swait.ge [sflag:s7], $0x80  }
0xb9: {  	[sflag:s7] =	ssyncset.done $0x0  }
0xba: {  	[sflag:s7] =	ssyncadd.s32 $0xFFFFFF80  }
0xbb: {  	_ =	swait.ge [sflag:s7], $0x80  }
0xbc: {  	[sflag:s7] =	ssyncset.done $0x0  }
0xbd: {  	[sflag:s7] =	ssyncadd.s32 $0xFFFFFF80  }
0xbe: {  	v53 =	vld [tilespmem:$0x0]  }
0xbf: {  	v24 =	vld [tilespmem:$0x700]  }
0xc0: {  	v26 =	vld [tilespmem:$0x800]  }
0xc1: {  	v21 =	vld [tilespmem:$0x900]  }
0xc2: {  	v56 =	vld [tilespmem:$0xA00]  }
0xc3: {  	v58 =	vld [tilespmem:$0x10]  }
0xc4: {  	v22 =	vld [tilespmem:$0x710]  }
0xc5: {  	v23 =	vld [tilespmem:$0x810]  }
0xc6: {  	v35 =	vld [tilespmem:$0x910]  }
0xc7: {  	v63 =	vld [tilespmem:$0xA10]  }
0xc8: {  	v20 =	vld [tilespmem:$0x20]  }
0xc9: {  	v13 =	vld [tilespmem:$0x720]  }
0xca: {  	v14 =	vld [tilespmem:$0x820]  }
0xcb: {  	v9 =	vld [tilespmem:$0x920]  }
0xcc: {  	v7 =	vld [tilespmem:$0xA20]  }
0xcd: {  	v38 =	vld [tilespmem:$0x30];
	v0 =	vshll.u32 v53, $0x7  }
0xce: {  	v15 =	vld [tilespmem:$0x730];
	v60 =	vshll.u32 v58, $0x7  }
0xcf: {  	v49 =	vld [tilespmem:$0x830];
	v31 =	vshll.u32 v20, $0x7  }
0xd0: {  	v17 =	vld [tilespmem:$0x930];
	v54 =	vor.u32 $0x1, v0  }
0xd1: {  	v10 =	vld [tilespmem:$0xA30];
	v55 =	vor.u32 $0x2, v0  }
0xd2: {  	v57 =	vor.u32 $0x3, v0;
	v32 =	vld.idx.msk [tilespmem:v0+s6+$0x0], $0xffff  }
0xd3: {  	v61 =	vor.u32 $0x1, v60;
	v29 =	vld.idx.msk [tilespmem:v60+s6+$0x0], $0xffff  }
0xd4: {  	v62 =	vor.u32 $0x2, v60;
	v40 =	vld.idx.msk [tilespmem:v31+s6+$0x0], $0xffff  }
0xd5: {  	v37 =	vor.u32 $0x3, v31;
	v33 =	vld.idx.msk [tilespmem:v54+s6+$0x0], $0xffff  }
0xd6: {  	v19 =	vor.u32 $0x3, v60;
	v27 =	vld.idx.msk [tilespmem:v55+s6+$0x0], $0xffff  }
0xd7: {  	v36 =	vor.u32 $0x2, v31;
	v59 =	vld.idx.msk [tilespmem:v57+s6+$0x0], $0xffff  }
0xd8: {  	v4 =	vshll.u32 v38, $0x7;
	v30 =	vld.idx.msk [tilespmem:v61+s6+$0x0], $0xffff  }
0xd9: {  	v16 =	vsub.f32 v56, v26;
	v38 =	vsub.f32 v63, v23;
	v34 =	vor.u32 $0x1, v31;
	v25 =	vld.idx.msk [tilespmem:v62+s6+$0x0], $0xffff  }
0xda: {  	v8 =	vld.idx.msk [tilespmem:v37+s6+$0x0], $0xffff;
	v54 =	vsub.f32 v21, v24;
	v37 =	vsub.f32 v35, v22  }
0xdb: {  	v58 =	vor.u32 $0x3, v4;
	v28 =	vld.idx.msk [tilespmem:v19+s6+$0x0], $0xffff;
	v19 =	vor.u32 $0x1, v4  }
0xdc: {  	v18 =	vld.idx.msk [tilespmem:v36+s6+$0x0], $0xffff;
	v57 =	vmul.f32 v16, v54;
	v37 =	vmul.f32 v38, v37;
	v45 =	vmax.f32 v32, v24  }
0xdd: {  	v48 =	vld [tilespmem:$0x50];
	[tilespmem:$0x1FEC0] =	vst v56;
	v20 =	vmax.f32 v29, v22;
	v54 =	vmax.f32 v40, v13;
	v44 =	vmin.f32 v27, v21  }
0xde: {  	v41 =	vld.idx.msk [tilespmem:v34+s6+$0x0], $0xffff;
	v46 =	vmin.f32 v59, v56;
	v47 =	vmax.f32 v33, v26;
	v52 =	vsub.f32 v27, v32  }
0xdf: {  	v34 =	vld.idx.msk [tilespmem:v4+s6+$0x0], $0xffff;
	[tilespmem:$0x1FEB0] =	vst v59;
	v53 =	vsub.f32 v59, v33;
	v56 =	vor.u32 $0x2, v4;
	v60 =	vmin.f32 v25, v35  }
0xe0: {  	v59 =	vld [tilespmem:$0x40];
	[tilespmem:$0x1FEF0] =	vst v28;
	v61 =	vmin.f32 v28, v63;
	v31 =	vsub.f32 v25, v29;
	v36 =	vsub.f32 v28, v30  }
0xe1: {  	v39 =	vld.idx.msk [tilespmem:v19+s6+$0x0], $0xffff;
	v62 =	vmax.f32 v30, v23;
	v50 =	vmin.f32 v18, v9;
	v0 =	vsub.f32 v44, v45  }
0xe2: {  	v28 =	vld.idx.msk [tilespmem:v58+s6+$0x0], $0xffff;
	v55 =	vsub.f32 v46, v47;
	v16 =	vsub.f32 v60, v20;
	v3 =	vmul.f32 v53, v52  }
0xe3: {  	v58 =	vld [tilespmem:$0x940];
	v20 =	vsub.f32 v61, v62;
	v36 =	vmul.f32 v36, v31;
	v0 =	vmax.f32 v0, $0.0e+00  }
0xe4: {  	[tilespmem:$0x1FED0] =	vst v35;
	v53 =	vld [tilespmem:$0x740];
	v1 =	vmax.f32 v55, $0.0e+00;
	v55 =	vmin.f32 v8, v7;
	v3 =	vadd.f32 v3, v57  }
0xe5: {  	[tilespmem:$0x1FF00] =	vst v63;
	v63 =	vmul.f32 v1, v0;
	v1 =	vmax.f32 v20, $0.0e+00;
	v20 =	vld [tilespmem:$0x840];
	v38 =	vshll.u32 v59, $0x7  }
0xe6: {  	[tilespmem:$0x1FF60] =	vst v9;
	v51 =	vmovc v13;
	v0 =	vmax.f32 v16, $0.0e+00;
	v44 =	vadd.f32 v36, v37;
	v16 =	vld [tilespmem:$0xA40];
	v42 =	vor.u32 $0x1, v38  }
0xe7: {  	[tilespmem:$0x1FF30] =	vst v41;
	v57 =	vmax.f32 v41, v14;
	v35 =	vld.idx.msk [tilespmem:v56+s6+$0x0], $0xffff;
	v43 =	vmul.f32 v1, v0;
	v47 =	vor.u32 $0x3, v38  }
0xe8: {  	v11 =	vmax.f32 v34, v15;
	v60 =	vsub.f32 v9, v51;
	v56 =	vmovc v41;
	v1 =	vsub.f32 v55, v57;
	v41 =	vld [tilespmem:$0xA50]  }
0xe9: {  	v52 =	vmovc v40;
	v45 =	vor.u32 $0x2, v38;
	v46 =	vsub.f32 v3, v63;
	[tilespmem:$0x1FEE0] =	vst v43;
	v0 =	vsub.f32 v44, v43;
	v43 =	vld [tilespmem:$0x750]  }
0xea: {  	v59 =	vsub.f32 v18, v52;
	v51 =	vmax.f32 v39, v49;
	v44 =	vsub.f32 v7, v14;
	v36 =	vld.idx.msk [tilespmem:v38+s6+$0x0], $0xffff  }
0xeb: {  	[tilespmem:$0x1FF40] =	vst v14;
	v1 =	vmax.f32 v1, $0.0e+00;
	v14 =	vmin.f32 v28, v10;
	v2 =	vmax.f32 v46, $9.999999970e-07;
	v38 =	vld.idx.msk [tilespmem:v42+s6+$0x0], $0xffff  }
0xec: {  	[tilespmem:$0x1FF20] =	vst v13;
	v46 =	vshll.u32 v48, $0x7;
	(erf) = vrcp.f32 v2;
	v2 =	vsub.f32 v50, v54;
	v31 =	vld.idx.msk [tilespmem:v47+s6+$0x0], $0xffff  }
0xed: {  	[tilespmem:$0x1FFB0] =	vst v17;
	v0 =	vmax.f32 v0, $9.999999970e-07;
	v61 =	vor.u32 $0x1, v46;
	v3 =	vmul.f32 v44, v60;
	v47 =	vld [tilespmem:$0x60]  }
0xee: {  	[tilespmem:$0x1FEA0] =	vst v63;
	v63 =	vor.u32 $0x2, v46;
	v37 =	vld.idx.msk [tilespmem:v45+s6+$0x0], $0xffff;
	v42 =	vsub.f32 v8, v56;
	v2 =	vmax.f32 v2, $0.0e+00  }
0xef: {  	[tilespmem:$0x1FF50] =	vst v18;
	v48 =	vor.u32 $0x3, v46;
	v9 =	vmin.f32 v35, v17;
	v45 =	vld [tilespmem:$0x850];
	v19 =	vmul.f32 v1, v2  }
0xf0: {  	v18 =	vmovc v49;
	v1 =	vsub.f32 v9, v11;
	v2 =	vsub.f32 v14, v51;
	v62 =	vmul.f32 v42, v59;
	v42 =	vld [tilespmem:$0x950]  }
0xf1: {  	[tilespmem:$0x1FF70] =	vst v15;
	(erf) = vrcp.f32 v0;
	v11 =	vsub.f32 v17, v15;
	v51 =	vsub.f32 v10, v18;
	v56 =	vld.idx.msk [tilespmem:v46+s6+$0x0], $0xffff  }
0xf2: {  	[tilespmem:$0x1FFC0] =	vst v10;
	v15 =	vsub.f32 v16, v20;
	v57 =	vld.idx.msk [tilespmem:v61+s6+$0x0], $0xffff;
	v1 =	vmax.f32 v1, $0.0e+00;
	v12 =	vshll.u32 v47, $0x7  }
0xf3: {  	[tilespmem:$0x1FF90] =	vst v8;
	v54 =	vld.idx.msk [tilespmem:v63+s6+$0x0], $0xffff;
	v61 =	vsub.f32 v35, v34;
	v2 =	vmax.f32 v2, $0.0e+00;
	v8 =	vadd.f32 v62, v3  }
0xf4: {  	v50 =	vld.idx.msk [tilespmem:v48+s6+$0x0], $0xffff;
	v62 =	vsub.f32 v28, v39;
	v17 =	vmul.f32 v2, v1;
	v2 =	vmax.f32 v36, v53  }
0xf5: {  	[tilespmem:$0x1FFD0] =	vst v53;
	v63 =	vld [tilespmem:$0x70];
	v53 =	vsub.f32 v58, v53;
	v18 =	vmin.f32 v37, v58;
	v13 =	vor.u32 $0x1, v12  }
0xf6: {  	[tilespmem:$0x1FFE0] =	vst v58;
	v9 =	vmax.f32 v38, v20;
	v10 =	vsub.f32 v37, v36;
	v58 =	vld [tilespmem:$0xA60];
	v59 =	vor.u32 $0x2, v12  }
0xf7: {  	v14 =	vsub.f32 v31, v38;
	v0 =	vsub.f32 v8, v19;
	v60 =	vor.u32 $0x3, v12;
	v52 =	vld.idx.msk [tilespmem:v12+s6+$0x0], $0xffff  }
0xf8: {  	[tilespmem:$0x1FF10] =	vst v40;
	v8 =	vmin.f32 v31, v16;
	v3 =	vsub.f32 v18, v2;
	v12 =	vmul.f32 v62, v61;
	v61 =	vld [tilespmem:$0x760]  }
0xf9: {  	[tilespmem:$0x1FFF0] =	vst v16;
	v18 =	vmul.f32 v15, v53;
	v16 =	vsub.f32 v8, v9;
	v40 =	vmul.f32 v14, v10;
	v62 =	vld [tilespmem:$0x860]  }
0xfa: {  	v0 =	vmax.f32 v0, $9.999999970e-07;
	v55 =	vld.idx.msk [tilespmem:v13+s6+$0x0], $0xffff;
	v13 =	vmul.f32 v51, v11;
	v11 =	vshll.u32 v63, $0x7  }
0xfb: {  	v8 =	vmax.f32 v3, $0.0e+00;
	v10 =	vmin.f32 v54, v42;
	v51 =	vld.idx.msk [tilespmem:v59+s6+$0x0], $0xffff;
	v59 =	vor.u32 $0x1, v11  }
0xfc: {  	v9 =	vmax.f32 v16, $0.0e+00;
	v14 =	vadd.f32 v40, v18;
	v48 =	vld.idx.msk [tilespmem:v60+s6+$0x0], $0xffff;
	v63 =	vor.u32 $0x2, v11  }
0xfd: {  	v16 =	vmax.f32 v57, v45;
	v15 =	vmul.f32 v9, v8;
	v60 =	vld [tilespmem:$0x960];
	v53 =	vor.u32 $0x3, v11  }
0xfe: {  	v8 =	vsub.f32 v50, v57;
	v13 =	vadd.f32 v12, v13;
	v12 =	vmin.f32 v50, v41  }
0xff: {  	[tilespmem:$0x1FFA0] =	vst v7;
	(erf) = vrcp.f32 v0;
	v9 =	vsub.f32 v42, v43;
	v18 =	vsub.f32 v12, v16;
	v47 =	vld.idx.msk [tilespmem:v11+s6+$0x0], $0xffff  }
0x100: {  	v0 =	vmax.f32 v52, v61;
	v7 =	vsub.f32 v58, v62;
	v11 =	vmax.f32 v56, v43;
	v46 =	vld.idx.msk [tilespmem:v59+s6+$0x0], $0xffff  }
0x101: {  	v1 =	vmin.f32 v48, v58;
	v2 =	vmax.f32 v55, v62;
	v3 =	vsub.f32 v10, v11;
	v44 =	vld.idx.msk [tilespmem:v63+s6+$0x0], $0xffff  }
0x102: {  	v63 =	vmin.f32 v51, v60;
	v40 =	vld.idx.msk [tilespmem:v53+s6+$0x0], $0xffff;
	v4 =	vsub.f32 v1, v2;
	v10 =	vsub.f32 v41, v45  }
0x103: {  	v59 =	vld [tilespmem:$0x770];
	v2 =	vsub.f32 v51, v52;
	v6 =	vsub.f32 v63, v0  }
0x104: {  	v5 =	vmax.f32 v18, $0.0e+00;
	v53 =	vld [tilespmem:$0x970];
	v63 =	vsub.f32 v54, v56;
	v0 =	vsub.f32 v48, v55  }
0x105: {  	[tilespmem:$0x1FF80] =	vst v49;
	v49 =	vld [tilespmem:$0xA70];
	v3 =	vmax.f32 v3, $0.0e+00;
	v10 =	vmul.f32 v10, v9;
	v4 =	vmax.f32 v4, $0.0e+00  }
0x106: {  	v9 =	vsub.f32 v60, v61;
	v12 =	vmul.f32 v8, v63;
	v63 =	vld [tilespmem:$0x870];
	v11 =	vmax.f32 v6, $0.0e+00  }
0x107: {  	v13 =	vsub.f32 v13, v17;
	v16 =	vmul.f32 v5, v3;
	v18 =	vmul.f32 v4, v11  }
0x108: {  	v11 =	vmul.f32 v0, v2;
	v7 =	vmul.f32 v7, v9;
	v9 =	vsub.f32 v14, v15  }
0x109: {  	v6 =	vmin.f32 v44, v53;
	v3 =	vmax.f32 v47, v59;
	v8 =	vsub.f32 v44, v47  }
0x10a: {  	v4 =	vmin.f32 v40, v49;
	v5 =	vsub.f32 v40, v46;
	v2 =	vsub.f32 v53, v59  }
0x10b: {  	v12 =	vadd.f32 v12, v10;
	v0 =	vmax.f32 v46, v63;
	v1 =	vsub.f32 v49, v63  }
0x10c: {  	v3 =	vsub.f32 v6, v3;
	v0 =	vsub.f32 v4, v0  }
0x10d: {  	v7 =	vadd.f32 v11, v7;
	v5 =	vmul.f32 v5, v8;
	v1 =	vmul.f32 v1, v2  }
0x10e: {  	v10 =	vsub.f32 v12, v16;
	v3 =	vmax.f32 v3, $0.0e+00;
	v0 =	vmax.f32 v0, $0.0e+00  }
0x10f: {  	v2 =	vmax.f32 v13, $9.999999970e-07;
	v6 =	vmul.f32 v0, v3;
	v1 =	vadd.f32 v5, v1  }
0x110: {  	v11 =	vsub.f32 v7, v18;
	(erf) = vrcp.f32 v2;
	v0 =	vmax.f32 v9, $9.999999970e-07  }
0x111: {  	v12 =	vmax.f32 v10, $9.999999970e-07;
	(erf) = vrcp.f32 v0;
	v1 =	vsub.f32 v1, v6  }
0x112: {  	v13 =	vmax.f32 v11, $9.999999970e-07;
	(erf) = vrcp.f32 v12  }
0x113: {  	(erf) = vrcp.f32 v13;
	v14 =	vmax.f32 v1, $9.999999970e-07  }
0x114: {  	v26 =	vsub.f32 v26, v33;
	v33 =	vsub.f32 v22, v29;
	v22 =	vld [tilespmem:$0xB70];
	(erf) = vrcp.f32 v14  }
0x115: {  	v23 =	vsub.f32 v23, v30;
	v30 =	vld [tilespmem:$0x1FEC0]  }
0x116: {  	v29 =	vld [tilespmem:$0x1FEB0];
	v0 =	vpop (erf)  }
0x117: {  	v24 =	vsub.f32 v24, v32;
	v32 =	vld [tilespmem:$0x1FEA0];
	v2 =	vpop (erf)  }
0x118: {  	v8 =	vand.u32 $0x7FFFFFFF, v26;
	v26 =	vld [tilespmem:$0xB50];
	v4 =	vpop (erf)  }
0x119: {  	v7 =	vand.u32 $0x7FFFFFFF, v24;
	v24 =	vld [tilespmem:$0xB60];
	v9 =	vpop (erf)  }
0x11a: {  	v10 =	vld [tilespmem:$0xB30];
	v11 =	vpop (erf)  }
0x11b: {  	v3 =	vld [tilespmem:$0xB10];
	v14 =	vpop (erf)  }
0x11c: {  	v7 =	vadd.f32 v8, v7;
	v1 =	vld [tilespmem:$0xB00];
	v8 =	vpop (erf)  }
0x11d: {  	v5 =	vld [tilespmem:$0xB20];
	v13 =	vsub.f32 v21, v27;
	v21 =	vpop (erf)  }
0x11e: {  	v12 =	vld [tilespmem:$0xB40];
	_ =	swait.ge [sflag:s30], $0x80  }
0x11f: {  	v0 =	vmul.f32 v0, v32;
	v32 =	vld [tilespmem:$0x1FED0]  }
0x120: {  	v13 =	vand.u32 $0x7FFFFFFF, v13  }
0x121: {  	v0 =	vmul.f32 v0, v1;
	v1 =	vadd.f32 v13, v7;
	v7 =	vsub.f32 v30, v29;
	v30 =	vld [tilespmem:$0x1FEE0]  }
0x122: {  	v33 =	vand.u32 $0x7FFFFFFF, v33;
	v23 =	vand.u32 $0x7FFFFFFF, v23;
	[sflag:s30] =	ssyncset.done $0x0  }
0x123: {  	v23 =	vadd.f32 v23, v33;
	v33 =	vld [tilespmem:$0x1FF00];
	[sflag:s30] =	ssyncadd.s32 $0xFFFFFF80  }
0x124: {  	v13 =	vsub.f32 v32, v25;
	v32 =	vld [tilespmem:$0x1FEF0];
	_ =	swait.ge [sflag:s30], $0x80  }
0x125: {  	v29 =	vld [tilespmem:$0x1FF10]  }
0x126: {  	v2 =	vmul.f32 v2, v30;
	v30 =	vld [tilespmem:$0x1FF20];
	_ =	sdelay $0x1  }
0x127: {  	v7 =	vand.u32 $0x7FFFFFFF, v7;
	[sflag:s30] =	ssyncset.done $0x0  }
0x128: {  	v1 =	vadd.f32 v7, v1;
	[sflag:s30] =	ssyncadd.s32 $0xFFFFFF80;
	v7 =	vsub.f32 v33, v32;
	v32 =	vld [tilespmem:$0x1FF30]  }
0x129: {  	v13 =	vand.u32 $0x7FFFFFFF, v13;
	v33 =	vld [tilespmem:$0x1FF40];
	_ =	swait.ge [sflag:s30], $0x80  }
0x12a: {  	v2 =	vmul.f32 v2, v3;
	v3 =	vadd.f32 v13, v23;
	v13 =	vsub.f32 v30, v29;
	v29 =	vld [tilespmem:$0x1FF50]  }
0x12b: {  	v30 =	vld [tilespmem:$0x1FF60]  }
0x12c: {  	v7 =	vand.u32 $0x7FFFFFFF, v7  }
0x12d: {  	v27 =	vadd.f32 v7, v3  }
0x12e: {  	[sflag:s30] =	ssyncset.done $0x0  }
0x12f: {  	[sflag:s30] =	ssyncadd.s32 $0xFFFFFF80;
	v23 =	vsub.f32 v33, v32;
	v1 =	vadd.f32 v27, v1;
	v27 =	vld [tilespmem:$0x1FF70]  }
0x130: {  	v9 =	vmul.f32 v9, v17;
	v3 =	vsub.f32 v30, v29;
	v29 =	vld [tilespmem:$0x1FF80];
	_ =	swait.ge [sflag:s30], $0x80  }
0x131: {  	v17 =	vsub.f32 v20, v38;
	v32 =	vand.u32 $0x7FFFFFFF, v13;
	v33 =	vand.u32 $0x7FFFFFFF, v23;
	v30 =	vld [tilespmem:$0x1FF90]  }
0x132: {  	v0 =	vadd.f32 $0.0e+00, v0;
	v25 =	vadd.f32 v33, v32;
	v32 =	vld [tilespmem:$0x1FFA0]  }
0x133: {  	v38 =	vsub.f32 v62, v55;
	v20 =	vand.u32 $0x7FFFFFFF, v17;
	v23 =	vmul.f32 v4, v19;
	v33 =	vld [tilespmem:$0x1FFB0]  }
0x134: {  	v6 =	vmul.f32 v21, v6;
	v0 =	vadd.f32 v2, v0;
	[sflag:s30] =	ssyncset.done $0x0;
	v3 =	vand.u32 $0x7FFFFFFF, v3  }
0x135: {  	[sflag:s30] =	ssyncadd.s32 $0xFFFFFF80;
	v2 =	vmul.f32 v23, v5;
	v7 =	vsub.f32 v27, v34;
	v3 =	vadd.f32 v3, v25  }
0x136: {  	v6 =	vmul.f32 v6, v22;
	_ =	swait.ge [sflag:s30], $0x80;
	v27 =	vsub.f32 v43, v56;
	v13 =	vsub.f32 v29, v39  }
0x137: {  	v34 =	vld [tilespmem:$0x1FFC0];
	v43 =	vand.u32 $0x7FFFFFFF, v38;
	v0 =	vadd.f32 v2, v0;
	v7 =	vand.u32 $0x7FFFFFFF, v7  }
0x138: {  	v4 =	vsub.f32 v32, v30;
	v5 =	vsub.f32 v33, v35;
	v13 =	vand.u32 $0x7FFFFFFF, v13  }
0x139: {  	[sflag:s30] =	ssyncset.done $0x0;
	v23 =	vld [tilespmem:$0x1FFE0];
	v35 =	vmul.f32 v9, v10;
	v9 =	vmul.f32 v11, v15;
	v32 =	vsub.f32 v42, v54  }
0x13a: {  	[sflag:s30] =	ssyncadd.s32 $0xFFFFFF80;
	v15 =	vld [tilespmem:$0x1FFD0];
	v54 =	vsub.f32 v58, v48;
	v7 =	vadd.f32 v13, v7;
	v4 =	vand.u32 $0x7FFFFFFF, v4  }
0x13b: {  	v10 =	vld [tilespmem:$0x80];
	v5 =	vand.u32 $0x7FFFFFFF, v5;
	v0 =	vadd.f32 v35, v0;
	v3 =	vadd.f32 v4, v3  }
0x13c: {  	v13 =	vmul.f32 v9, v12;
	v4 =	vsub.f32 v34, v28;
	v5 =	vadd.f32 v5, v7  }
0x13d: {  	v35 =	vmul.f32 v14, v16;
	v28 =	vsub.f32 v45, v57;
	v34 =	vsub.f32 v41, v50  }
0x13e: {  	v17 =	vld [tilespmem:$0x980];
	v45 =	vsub.f32 v60, v51;
	v51 =	vmul.f32 v8, v18;
	v0 =	vadd.f32 v13, v0  }
0x13f: {  	v9 =	vld [tilespmem:$0x780];
	v1 =	vadd.f32 v3, v1;
	v39 =	vand.u32 $0x7FFFFFFF, v4;
	v4 =	vsub.f32 v15, v36  }
0x140: {  	v30 =	vld [tilespmem:$0x1FFF0];
	v3 =	vsub.f32 v23, v37;
	v25 =	vshll.u32 v10, $0x7;
	v7 =	vand.u32 $0x7FFFFFFF, v28  }
0x141: {  	v15 =	vand.u32 $0x7FFFFFFF, v32;
	v36 =	vand.u32 $0x7FFFFFFF, v34;
	v37 =	vsub.f32 v61, v52  }
0x142: {  	v50 =	vand.u32 $0x7FFFFFFF, v45;
	v11 =	vadd.f32 v39, v5;
	v5 =	vand.u32 $0x7FFFFFFF, v27  }
0x143: {  	v29 =	vor.u32 $0x1, v25;
	v33 =	vor.u32 $0x3, v25;
	v5 =	vadd.f32 v7, v5  }
0x144: {  	v41 =	vld [tilespmem:$0x90];
	v19 =	vand.u32 $0x7FFFFFFF, v4;
	v34 =	vsub.f32 v17, v9;
	v1 =	vadd.f32 v11, v1  }
0x145: {  	v48 =	vld [tilespmem:$0xA0];
	v42 =	vand.u32 $0x7FFFFFFF, v37;
	v2 =	vadd.f32 v20, v19;
	v11 =	vsub.f32 v30, v31  }
0x146: {  	v12 =	vld [tilespmem:$0x880];
	v3 =	vand.u32 $0x7FFFFFFF, v3;
	v14 =	vadd.f32 v43, v42;
	v5 =	vadd.f32 v15, v5  }
0x147: {  	v31 =	vor.u32 $0x2, v25;
	v3 =	vadd.f32 v3, v2;
	v2 =	vld [tilespmem:$0xA80];
	v11 =	vand.u32 $0x7FFFFFFF, v11  }
0x148: {  	v4 =	vld.idx.msk [tilespmem:v25+s6+$0x0], $0xffff;
	v52 =	vadd.f32 v50, v14;
	v14 =	vand.u32 $0x7FFFFFFF, v54;
	v5 =	vadd.f32 v36, v5  }
0x149: {  	v10 =	vld.idx.msk [tilespmem:v29+s6+$0x0], $0xffff;
	v3 =	vadd.f32 v11, v3;
	v11 =	vshll.u32 v41, $0x7;
	v41 =	vsub.f32 v63, v46  }
0x14a: {  	v39 =	vmul.f32 v35, v26;
	v7 =	vld.idx.msk [tilespmem:v33+s6+$0x0], $0xffff;
	v8 =	vadd.f32 v14, v52;
	v46 =	vsub.f32 v53, v44  }
0x14b: {  	v14 =	vshll.u32 v48, $0x7;
	v60 =	vor.u32 $0x1, v11;
	v33 =	vor.u32 $0x2, v11  }
0x14c: {  	v25 =	vld [tilespmem:$0x790];
	v36 =	vor.u32 $0x3, v11;
	v1 =	vadd.f32 v3, v1;
	v3 =	vadd.f32 v39, v0  }
0x14d: {  	v29 =	vld [tilespmem:$0x990];
	v39 =	vsub.f32 v59, v47;
	v45 =	vand.u32 $0x7FFFFFFF, v41;
	v50 =	vand.u32 $0x7FFFFFFF, v46  }
0x14e: {  	v13 =	vld.idx.msk [tilespmem:v31+s6+$0x0], $0xffff;
	v56 =	vmax.f32 v4, v9;
	v35 =	vsub.f32 v2, v12;
	v5 =	vadd.f32 v5, v1  }
0x14f: {  	v57 =	vmin.f32 v7, v2;
	v58 =	vmax.f32 v10, v12;
	v62 =	vsub.f32 v7, v10  }
0x150: {  	v1 =	vmul.f32 v51, v24;
	v43 =	vand.u32 $0x7FFFFFFF, v39;
	v51 =	vsub.f32 v49, v40  }
0x151: {  	v39 =	vor.u32 $0x3, v14;
	v10 =	vsub.f32 v12, v10;
	v2 =	vsub.f32 v2, v7  }
0x152: {  	v0 =	vld [tilespmem:$0xA90];
	v16 =	vsub.f32 v57, v58;
	v38 =	vmul.f32 v35, v34;
	v47 =	vadd.f32 v45, v43  }
0x153: {  	v24 =	vld [tilespmem:$0x890];
	v58 =	vsub.f32 v29, v25;
	v55 =	vmin.f32 v13, v17;
	v61 =	vsub.f32 v13, v4  }
0x154: {  	v3 =	vadd.f32 v1, v3;
	v1 =	vld.idx.msk [tilespmem:v36+s6+$0x0], $0xffff;
	v5 =	vadd.f32 v8, v5;
	v36 =	vor.u32 $0x1, v14  }
0x155: {  	v40 =	vld [tilespmem:$0xB0];
	v4 =	vsub.f32 v9, v4;
	v41 =	vand.u32 $0x7FFFFFFF, v51;
	v10 =	vand.u32 $0x7FFFFFFF, v10  }
0x156: {  	v11 =	vld.idx.msk [tilespmem:v11+s6+$0x0], $0xffff;
	v13 =	vsub.f32 v17, v13;
	v2 =	vand.u32 $0x7FFFFFFF, v2;
	v15 =	vsub.f32 v55, v56  }
0x157: {  	v19 =	vld.idx.msk [tilespmem:v60+s6+$0x0], $0xffff;
	v16 =	vmax.f32 v16, $0.0e+00;
	v8 =	vadd.f32 v50, v47;
	v37 =	vmul.f32 v62, v61  }
0x158: {  	v18 =	vld.idx.msk [tilespmem:v33+s6+$0x0], $0xffff;
	v3 =	vadd.f32 v6, v3;
	v4 =	vand.u32 $0x7FFFFFFF, v4;
	v47 =	vand.u32 $0x7FFFFFFF, v13  }
0x159: {  	v28 =	vld [tilespmem:$0x7A0];
	v15 =	vmax.f32 v15, $0.0e+00;
	v59 =	vsub.f32 v0, v24;
	v43 =	vadd.f32 v41, v8  }
0x15a: {  	v27 =	vld [tilespmem:$0xAB0];
	v45 =	vshll.u32 v40, $0x7;
	v4 =	vadd.f32 v10, v4;
	v15 =	vmul.f32 v16, v15  }
0x15b: {  	v26 =	vld [tilespmem:$0x8B0];
	v42 =	vadd.f32 v37, v38;
	v53 =	vmax.f32 v11, v25;
	v37 =	vor.u32 $0x2, v14  }
0x15c: {  	v31 =	vld [tilespmem:$0x9A0];
	v46 =	vor.u32 $0x1, v45;
	v48 =	vor.u32 $0x2, v45;
	v49 =	vor.u32 $0x3, v45  }
0x15d: {  	v9 =	vld [tilespmem:$0xAA0];
	v52 =	vmin.f32 v18, v29;
	v55 =	vsub.f32 v18, v11;
	v56 =	vsub.f32 v1, v19  }
0x15e: {  	v13 =	vld [tilespmem:$0x7B0];
	v54 =	vmin.f32 v1, v0;
	v5 =	vadd.f32 v43, v5;
	v4 =	vadd.f32 v47, v4  }
0x15f: {  	v10 =	vld [tilespmem:$0x8A0];
	v57 =	vmax.f32 v19, v24;
	v11 =	vsub.f32 v25, v11;
	v19 =	vsub.f32 v24, v19  }
0x160: {  	v6 =	vld [tilespmem:$0x9B0];
	v63 =	vmul.f32 v59, v58;
	v18 =	vsub.f32 v29, v18;
	v1 =	vsub.f32 v0, v1  }
0x161: {  	v14 =	vld.idx.msk [tilespmem:v14+s6+$0x0], $0xffff;
	v16 =	vsub.f32 v42, v15;
	v61 =	vsub.f32 v54, v57;
	v62 =	vmul.f32 v56, v55  }
0x162: {  	v8 =	vld.idx.msk [tilespmem:v36+s6+$0x0], $0xffff;
	v55 =	vsub.f32 v31, v28;
	v2 =	vadd.f32 v2, v4;
	v11 =	vand.u32 $0x7FFFFFFF, v11  }
0x163: {  	v19 =	vand.u32 $0x7FFFFFFF, v19;
	v1 =	vand.u32 $0x7FFFFFFF, v1;
	v16 =	vmax.f32 v16, $9.999999970e-07;
	v17 =	vld.idx.msk [tilespmem:v45+s6+$0x0], $0xffff  }
0x164: {  	v56 =	vsub.f32 v9, v10;
	v45 =	vsub.f32 v27, v26;
	(erf) = vrcp.f32 v16;
	v20 =	vld.idx.msk [tilespmem:v37+s6+$0x0], $0xffff  }
0x165: {  	v23 =	vmax.f32 v61, $0.0e+00;
	v11 =	vadd.f32 v19, v11;
	v16 =	vsub.f32 v52, v53;
	v21 =	vld.idx.msk [tilespmem:v46+s6+$0x0], $0xffff  }
0x166: {  	v38 =	vadd.f32 v62, v63;
	v22 =	vld.idx.msk [tilespmem:v48+s6+$0x0], $0xffff;
	v59 =	vmul.f32 v56, v55;
	v55 =	vand.u32 $0x7FFFFFFF, v18  }
0x167: {  	v2 =	vadd.f32 v2, v5;
	v16 =	vmax.f32 v16, $0.0e+00;
	v5 =	vadd.f32 v55, v11  }
0x168: {  	v51 =	vmax.f32 v14, v28;
	v54 =	vmax.f32 v8, v10;
	v16 =	vmul.f32 v23, v16  }
0x169: {  	v63 =	vmax.f32 v17, v13;
	v1 =	vadd.f32 v1, v5;
	v33 =	vsub.f32 v13, v17  }
0x16a: {  	v23 =	vld.idx.msk [tilespmem:v49+s6+$0x0], $0xffff;
	v42 =	vsub.f32 v38, v16;
	v50 =	vmin.f32 v20, v31;
	v32 =	vsub.f32 v20, v14  }
0x16b: {  	v62 =	vmin.f32 v22, v6;
	v41 =	vsub.f32 v22, v17;
	v43 =	vmax.f32 v21, v26  }
0x16c: {  	v30 =	vld [tilespmem:$0xD0];
	v20 =	vsub.f32 v31, v20;
	v7 =	vsub.f32 v50, v51;
	v12 =	vmax.f32 v42, $9.999999970e-07  }
0x16d: {  	v36 =	vsub.f32 v26, v21;
	v24 =	vsub.f32 v62, v63;
	v44 =	vpop (erf);
	(erf) = vrcp.f32 v12;
	v12 =	vld.idx.msk [tilespmem:v39+s6+$0x0], $0xffff  }
0x16e: {  	v34 =	vadd.f32 v1, v2;
	v20 =	vand.u32 $0x7FFFFFFF, v20;
	v7 =	vmax.f32 v7, $0.0e+00  }
0x16f: {  	v60 =	vld [tilespmem:$0xB80];
	v40 =	vmin.f32 v23, v27;
	v42 =	vsub.f32 v23, v21;
	v51 =	vmax.f32 v24, $0.0e+00  }
0x170: {  	v47 =	vsub.f32 v40, v43;
	v39 =	vand.u32 $0x7FFFFFFF, v33;
	v40 =	vand.u32 $0x7FFFFFFF, v36  }
0x171: {  	v50 =	vld [tilespmem:$0xC0];
	v15 =	vmul.f32 v44, v15;
	v44 =	vsub.f32 v6, v13;
	v48 =	vmul.f32 v42, v41  }
0x172: {  	v41 =	vshll.u32 v30, $0x7;
	v52 =	vmin.f32 v12, v9;
	v53 =	vsub.f32 v12, v8  }
0x173: {  	v0 =	vld [tilespmem:$0xAC0];
	v49 =	vmul.f32 v45, v44;
	v45 =	vor.u32 $0x2, v41;
	v57 =	vsub.f32 v52, v54  }
0x174: {  	v46 =	vld [tilespmem:$0xB90];
	v6 =	vsub.f32 v6, v22;
	v15 =	vmul.f32 v15, v60;
	v58 =	vmul.f32 v53, v32  }
0x175: {  	v8 =	vsub.f32 v10, v8;
	v10 =	vld [tilespmem:$0x8C0];
	v52 =	vmax.f32 v47, $0.0e+00;
	v61 =	vmax.f32 v57, $0.0e+00  }
0x176: {  	v47 =	vld [tilespmem:$0xE0];
	v60 =	vpop (erf);
	v7 =	vmul.f32 v61, v7;
	v4 =	vadd.f32 v58, v59;
	v59 =	vshll.u32 v50, $0x7  }
0x177: {  	v3 =	vadd.f32 v15, v3;
	v15 =	vld.idx.msk [tilespmem:v41+s6+$0x0], $0xffff;
	v16 =	vmul.f32 v60, v16;
	v60 =	vor.u32 $0x1, v59  }
0x178: {  	v9 =	vsub.f32 v9, v12;
	v18 =	vld.idx.msk [tilespmem:v45+s6+$0x0], $0xffff;
	v63 =	vor.u32 $0x3, v59;
	v4 =	vsub.f32 v4, v7  }
0x179: {  	v54 =	vadd.f32 v48, v49;
	v58 =	vsub.f32 v28, v14;
	v14 =	vld [tilespmem:$0x7C0];
	v62 =	vor.u32 $0x2, v59  }
0x17a: {  	v48 =	vsub.f32 v27, v23;
	v53 =	vmul.f32 v52, v51;
	v28 =	vld [tilespmem:$0x9C0];
	v4 =	vmax.f32 v4, $9.999999970e-07  }
0x17b: {  	v8 =	vand.u32 $0x7FFFFFFF, v8;
	v61 =	vand.u32 $0x7FFFFFFF, v58;
	(erf) = vrcp.f32 v4;
	v12 =	vld.idx.msk [tilespmem:v59+s6+$0x0], $0xffff  }
0x17c: {  	v43 =	vor.u32 $0x1, v41;
	v8 =	vadd.f32 v8, v61;
	v4 =	vsub.f32 v54, v53;
	v13 =	vld.idx.msk [tilespmem:v60+s6+$0x0], $0xffff  }
0x17d: {  	v6 =	vand.u32 $0x7FFFFFFF, v6;
	v35 =	vand.u32 $0x7FFFFFFF, v9;
	v16 =	vmul.f32 v16, v46;
	v1 =	vld.idx.msk [tilespmem:v63+s6+$0x0], $0xffff  }
0x17e: {  	v21 =	vand.u32 $0x7FFFFFFF, v48;
	v32 =	vadd.f32 v20, v8;
	v9 =	vld.idx.msk [tilespmem:v62+s6+$0x0], $0xffff;
	v4 =	vmax.f32 v4, $9.999999970e-07  }
0x17f: {  	v46 =	vor.u32 $0x3, v41;
	v3 =	vadd.f32 v16, v3;
	(erf) = vrcp.f32 v4  }
0x180: {  	v2 =	vld [tilespmem:$0x7D0];
	v55 =	vsub.f32 v28, v14;
	v20 =	vshll.u32 v47, $0x7;
	v38 =	vadd.f32 v35, v32  }
0x181: {  	v8 =	vld.idx.msk [tilespmem:v43+s6+$0x0], $0xffff;
	v43 =	vsub.f32 v18, v15;
	v62 =	vor.u32 $0x2, v20;
	v63 =	vor.u32 $0x3, v20  }
0x182: {  	v56 =	vld [tilespmem:$0xBA0];
	v17 =	vadd.f32 v38, v34;
	v50 =	vmax.f32 v12, v14;
	v51 =	vmin.f32 v1, v0  }
0x183: {  	v4 =	vld [tilespmem:$0x8D0];
	v52 =	vsub.f32 v9, v12;
	v54 =	vmax.f32 v13, v10;
	v12 =	vsub.f32 v14, v12  }
0x184: {  	v49 =	vmin.f32 v9, v28;
	v9 =	vsub.f32 v28, v9;
	v58 =	vsub.f32 v51, v54;
	v31 =	vpop (erf)  }
0x185: {  	v26 =	vld [tilespmem:$0xAE0];
	v38 =	vmax.f32 v15, v2;
	v5 =	vmul.f32 v31, v7;
	v7 =	vadd.f32 v40, v39  }
0x186: {  	v57 =	vld [tilespmem:$0xBB0];
	v12 =	vand.u32 $0x7FFFFFFF, v12;
	v9 =	vand.u32 $0x7FFFFFFF, v9;
	v22 =	vmax.f32 v58, $0.0e+00  }
0x187: {  	v31 =	vld [tilespmem:$0x8E0];
	v37 =	vmul.f32 v5, v56;
	v6 =	vadd.f32 v6, v7;
	v56 =	vsub.f32 v0, v10  }
0x188: {  	v16 =	vld [tilespmem:$0x9E0];
	v40 =	vmax.f32 v8, v4;
	v44 =	vpop (erf);
	v10 =	vsub.f32 v10, v13;
	v0 =	vsub.f32 v0, v1  }
0x189: {  	v7 =	vld.idx.msk [tilespmem:v46+s6+$0x0], $0xffff;
	v19 =	vmul.f32 v44, v53;
	v53 =	vsub.f32 v1, v13;
	v42 =	vadd.f32 v37, v3  }
0x18a: {  	v5 =	vld [tilespmem:$0xAD0];
	v60 =	vmul.f32 v56, v55;
	v6 =	vadd.f32 v21, v6;
	v37 =	vor.u32 $0x1, v20  }
0x18b: {  	v24 =	vld.idx.msk [tilespmem:v62+s6+$0x0], $0xffff;
	v10 =	vand.u32 $0x7FFFFFFF, v10;
	v11 =	vmul.f32 v19, v57;
	v57 =	vsub.f32 v49, v50  }
0x18c: {  	v3 =	vld [tilespmem:$0x9D0];
	v59 =	vmul.f32 v53, v52;
	v62 =	vsub.f32 v26, v31;
	v10 =	vadd.f32 v10, v12  }
0x18d: {  	v0 =	vand.u32 $0x7FFFFFFF, v0;
	v6 =	vadd.f32 v6, v17;
	v11 =	vadd.f32 v11, v42;
	v42 =	vld [tilespmem:$0xF0]  }
0x18e: {  	v19 =	vmax.f32 v57, $0.0e+00;
	v61 =	vadd.f32 v59, v60;
	v44 =	vsub.f32 v7, v8  }
0x18f: {  	v23 =	vld [tilespmem:$0x7E0];
	v46 =	vsub.f32 v5, v4;
	v9 =	vadd.f32 v9, v10;
	v19 =	vmul.f32 v22, v19  }
0x190: {  	v20 =	vld.idx.msk [tilespmem:v20+s6+$0x0], $0xffff;
	v39 =	vmin.f32 v7, v5;
	v4 =	vsub.f32 v4, v8;
	v5 =	vsub.f32 v5, v7  }
0x191: {  	v34 =	vld [tilespmem:$0x7F0];
	v53 =	vmin.f32 v24, v16;
	v41 =	vsub.f32 v39, v40;
	v22 =	vsub.f32 v61, v19  }
0x192: {  	v21 =	vld.idx.msk [tilespmem:v63+s6+$0x0], $0xffff;
	v36 =	vmin.f32 v18, v3;
	v45 =	vsub.f32 v3, v2;
	v51 =	vshll.u32 v42, $0x7  }
0x193: {  	v12 =	vld [tilespmem:$0x8F0];
	v49 =	vmul.f32 v44, v43;
	v22 =	vmax.f32 v22, $9.999999970e-07;
	v30 =	vor.u32 $0x1, v51  }
0x194: {  	v43 =	vld [tilespmem:$0xAF0];
	v25 =	vsub.f32 v36, v38;
	(erf) = vrcp.f32 v22;
	v56 =	vor.u32 $0x2, v51  }
0x195: {  	v54 =	vmax.f32 v20, v23;
	v38 =	vld [tilespmem:$0x9F0];
	v50 =	vmul.f32 v46, v45;
	v59 =	vor.u32 $0x3, v51  }
0x196: {  	v57 =	vsub.f32 v24, v20;
	v48 =	vmax.f32 v41, $0.0e+00;
	v47 =	vmax.f32 v25, $0.0e+00;
	v22 =	vld.idx.msk [tilespmem:v37+s6+$0x0], $0xffff  }
0x197: {  	v2 =	vsub.f32 v2, v15;
	v13 =	vmul.f32 v48, v47;
	v27 =	vadd.f32 v49, v50;
	v14 =	vld.idx.msk [tilespmem:v51+s6+$0x0], $0xffff  }
0x198: {  	v55 =	vmin.f32 v21, v26;
	v3 =	vsub.f32 v3, v18;
	v61 =	vsub.f32 v16, v23;
	v30 =	vld.idx.msk [tilespmem:v30+s6+$0x0], $0xffff  }
0x199: {  	v4 =	vand.u32 $0x7FFFFFFF, v4;
	v29 =	vsub.f32 v53, v54;
	v27 =	vsub.f32 v27, v13;
	v32 =	vld.idx.msk [tilespmem:v56+s6+$0x0], $0xffff  }
0x19a: {  	v2 =	vand.u32 $0x7FFFFFFF, v2;
	v3 =	vand.u32 $0x7FFFFFFF, v3;
	v42 =	vmul.f32 v62, v61;
	v33 =	vld.idx.msk [tilespmem:v59+s6+$0x0], $0xffff  }
0x19b: {  	v52 =	vld [tilespmem:$0xBC0];
	v49 =	vmax.f32 v27, $9.999999970e-07;
	v58 =	vsub.f32 v21, v22;
	v60 =	vmax.f32 v22, v31  }
0x19c: {  	v44 =	vmax.f32 v29, $0.0e+00;
	(erf) = vrcp.f32 v49;
	v63 =	vsub.f32 v55, v60  }
0x19d: {  	v59 =	vsub.f32 v43, v12;
	v40 =	vmul.f32 v58, v57;
	v58 =	vsub.f32 v38, v34;
	v46 =	vpop (erf)  }
0x19e: {  	v45 =	vmax.f32 v63, $0.0e+00;
	v53 =	vmax.f32 v14, v34;
	v48 =	vmul.f32 v46, v19  }
0x19f: {  	v54 =	vmin.f32 v33, v43;
	v55 =	vsub.f32 v32, v14;
	v56 =	vsub.f32 v33, v30  }
0x1a0: {  	v57 =	vmax.f32 v30, v12;
	v17 =	vmul.f32 v48, v52;
	v52 =	vmin.f32 v32, v38  }
0x1a1: {  	v28 =	vmul.f32 v45, v44;
	v61 =	vsub.f32 v54, v57;
	v60 =	vsub.f32 v52, v53  }
0x1a2: {  	v47 =	vadd.f32 v40, v42;
	v63 =	vmul.f32 v59, v58;
	v62 =	vmul.f32 v56, v55  }
0x1a3: {  	v2 =	vadd.f32 v4, v2;
	v35 =	vmax.f32 v61, $0.0e+00;
	v29 =	vmax.f32 v60, $0.0e+00  }
0x1a4: {  	v50 =	vsub.f32 v47, v28;
	v37 =	vadd.f32 v62, v63;
	v36 =	vmul.f32 v35, v29  }
0x1a5: {  	v0 =	vadd.f32 v0, v9;
	v2 =	vadd.f32 v3, v2  }
0x1a6: {  	v5 =	vand.u32 $0x7FFFFFFF, v5;
	v51 =	vmax.f32 v50, $9.999999970e-07;
	v40 =	vsub.f32 v37, v36  }
0x1a7: {  	v0 =	vadd.f32 v0, v6;
	v2 =	vadd.f32 v5, v2;
	(erf) = vrcp.f32 v51  }
0x1a8: {  	v42 =	vmax.f32 v40, $9.999999970e-07  }
0x1a9: {  	v0 =	vadd.f32 v2, v0;
	v41 =	vpop (erf);
	(erf) = vrcp.f32 v42  }
0x1aa: {  	v39 =	vld [tilespmem:$0xBD0];
	v49 =	vsub.f32 v23, v20;
	v54 =	vsub.f32 v26, v21  }
0x1ab: {  	v56 =	vsub.f32 v38, v32;
	v50 =	vsub.f32 v31, v22  }
0x1ac: {  	v5 =	vand.u32 $0x7FFFFFFF, v49;
	v52 =	vsub.f32 v34, v14;
	v53 =	vsub.f32 v12, v30  }
0x1ad: {  	v51 =	vsub.f32 v16, v24;
	v7 =	vmul.f32 v41, v13;
	v6 =	vand.u32 $0x7FFFFFFF, v50  }
0x1ae: {  	v45 =	vld [tilespmem:$0xBE0];
	v8 =	vand.u32 $0x7FFFFFFF, v53;
	v60 =	vsub.f32 v43, v33;
	v5 =	vadd.f32 v6, v5  }
0x1af: {  	v3 =	vand.u32 $0x7FFFFFFF, v51;
	v46 =	vmul.f32 v7, v39;
	v7 =	vand.u32 $0x7FFFFFFF, v52  }
0x1b0: {  	v55 =	vld [tilespmem:$0xBF0];
	v57 =	vand.u32 $0x7FFFFFFF, v54;
	v3 =	vadd.f32 v3, v5;
	v7 =	vadd.f32 v8, v7;
	v47 =	vpop (erf)  }
0x1b1: {  	v44 =	vadd.f32 v17, v11;
	v59 =	vand.u32 $0x7FFFFFFF, v56;
	v48 =	vmul.f32 v47, v28  }
0x1b2: {  	v62 =	vand.u32 $0x7FFFFFFF, v60;
	v3 =	vadd.f32 v57, v3;
	v61 =	vadd.f32 v59, v7;
	v58 =	vpop (erf)  }
0x1b3: {  	v4 =	vadd.f32 v46, v44;
	v2 =	vmul.f32 v48, v45;
	v1 =	vmul.f32 v58, v36  }
0x1b4: {  	v0 =	vadd.f32 v3, v0;
	v63 =	vadd.f32 v62, v61  }
0x1b5: {  	v2 =	vadd.f32 v2, v4;
	v1 =	vmul.f32 v1, v55  }
0x1b6: {  	v0 =	vadd.f32 v63, v0  }
0x1b7: {  	v1 =	vadd.f32 v1, v2  }
0x1b8: {  	p0 =	sne.s32 s5, $0x1;
	[tilespmem:$0x1C10] =	vst v0  }
.Ltmp0:
0x1b9: {  	s10 =	rddreg [dreg:$0x9];
	[tilespmem:$0x1C00] =	vst v1;
	(pc) =	sbr.rel @p0 .LBB2_1-.Ltmp0, $4  }
0x1ba: {  	[hbm4b:s10+s4] =	stream.linear.scatter [tilespmem:s31], [sflag:$0x3], $0x80, $0x38;
	[tilespmem:$0x1C80] =	vst v63  }
0x1bb: {  	_ =	swait.ge [sflag:s0], $0x80  }
0x1bc: {  	[sflag:s0] =	ssyncset.done $0x0  }
0x1bd: {  	s5 =	sadd.s32 $0xFFFFFFFF, s5;
	[sflag:s0] =	ssyncadd.s32 $0xFFFFFF80  }
0x1be: {  	_ =	sfence.sel $0x180000  }
0x1bf: {  	[bflag:$0x0] =	sbarrier.arrive $0xFFFF  }
0x1c0: {  	_ =	strace $0x90000047  }
0x1c1: {  	s0 =	stileid.u32;
	[bflag:$0x2] =	sbarrier.arrive $0xFFFF  }
0x1c2: {  	p0 =	sne.s32 s0, $0x0;
	s0 =	rddreg [dreg:$0x5]  }
0x1c3: {  	s0 =	sadd.s32 @!p0 $0x100000, s0  }
0x1c4: {  	[sflag:s0] =	ssyncadd.tile.s32 @!p0 $0x1;
	_ =	shalt  }
.Lfunc_end2:
_tile_overlayer_lowered:
.L_overlay_start_2:
0x1c5: {  	(tag) =	ssettag $0x2  }
0x1c6: {  	s0 =	rddreg [dreg:$0x0];
	s2 =	stileid.u32  }
0x1c7: {  	s1 =	rddreg [dreg:$0x1];
	p0 =	sne.s32 s2, $0x0  }
0x1c8: {  	s3 =	rddreg [dreg:$0x2];
	[bflag:$0x3] =	sbarrier.arrive $0xFFFF;
	s2 =	simm.s32 @!p0 $0x1C03  }
0x1c9: {  	[timem:s3], [sflag:s2] =	dma.local @!p0 [hbm:s0], s1  }
0x1ca: {  	s0 =	simm.s32 @!p0 $0x3  }
0x1cb: {  	_ =	swait.ge @!p0 [sflag:s0], s1  }
0x1cc: {  	s1 =	ssub.s32 @!p0 $0x0, s1;
	[sflag:s0] =	ssyncset.done @!p0 $0x0  }
0x1cd: {  	[sflag:s0] =	ssyncadd.s32 @!p0 s1  }
0x1ce: {  	[bflag:$0x3] =	sbarrier.arrive $0xFFFF  }
0x1cf: {  	_ =	shalt  }

</sc_bundles>
